<compile_context>
chip_gen: v7x
topology: tpu7x:2x2x1
jax: 0.10.2.dev20260603
libtpu: 0.0.44.dev20260713+nightly
codegen_flags: <defaults>
</compile_context>

<pallas_src>
import functools

import numpy as np

import jax
import jax.numpy as jnp
from jax import lax
from jax.experimental import pallas as pl
from jax.experimental.pallas import tpu as pltpu
from jax.experimental.pallas import tpu_sc as plsc

N = 10000
E = 320000
IN_CH = 128
HID = 64
TIME_DIM = 16
OUT_CH = 128

NW = 32
CH = 128
CPW = 80
EP = NW * CPW * CH
NR = 10240
RPT = NR // 16




_BR = 512


def _tp_body(t_ref, w_ref, b_ref, w0_ref, b0_ref, w1_ref, b1_ref,
             tp0_ref, tp1_ref):
    te = jnp.cos(t_ref[...] * w_ref[...] + b_ref[...])
    tp0_ref[...] = (jnp.dot(te, w0_ref[...], preferred_element_type=jnp.float32)
                    + b0_ref[...]).astype(jnp.bfloat16)
    tp1_ref[...] = (jnp.dot(te, w1_ref[...], preferred_element_type=jnp.float32)
                    + b1_ref[...]).astype(jnp.bfloat16)


def _tp_call(t_rep, w_tile, b_tile, w0_blk, b0_blk, w1_blk, b1_blk):
    rows = EP // 8
    g = rows // _BR
    return pl.pallas_call(
        _tp_body,
        grid=(g,),
        in_specs=[
            pl.BlockSpec((_BR, 128), lambda i: (i, 0)),
            pl.BlockSpec((1, 128), lambda i: (0, 0)),
            pl.BlockSpec((1, 128), lambda i: (0, 0)),
            pl.BlockSpec((128, 512), lambda i: (0, 0)),
            pl.BlockSpec((1, 512), lambda i: (0, 0)),
            pl.BlockSpec((128, 512), lambda i: (0, 0)),
            pl.BlockSpec((1, 512), lambda i: (0, 0)),
        ],
        out_specs=[
            pl.BlockSpec((_BR, 512), lambda i: (i, 0)),
            pl.BlockSpec((_BR, 512), lambda i: (i, 0)),
        ],
        out_shape=[
            jax.ShapeDtypeStruct((rows, 512), jnp.bfloat16),
            jax.ShapeDtypeStruct((rows, 512), jnp.bfloat16),
        ],
    )(t_rep, w_tile, b_tile, w0_blk, b0_blk, w1_blk, b1_blk)


def _mm_body(x_ref, w_ref, o_ref):
    o_ref[...] = jnp.dot(x_ref[...], w_ref[...],
                         preferred_element_type=jnp.float32
                         ).astype(jnp.bfloat16)


def _mm_call(x, w):
    m, k = x.shape
    _, n = w.shape
    return pl.pallas_call(
        _mm_body,
        out_shape=jax.ShapeDtypeStruct((m, n), jnp.bfloat16),
    )(x, w)


def _mid_body(a_ref, w1x_ref, y1_ref, deg_ref):
    p = a_ref[0] + a_ref[1]
    deg = jnp.maximum(p[:, HID:HID + 1], 1.0)
    h = p[:, :HID] / deg
    y1_ref[...] = jnp.dot(h, w1x_ref[...],
                          preferred_element_type=jnp.float32
                          ).astype(jnp.bfloat16)
    deg_ref[...] = deg


def _mid_call(agg0, w1x):
    return pl.pallas_call(
        _mid_body,
        out_shape=[
            jax.ShapeDtypeStruct((NR, HID), jnp.bfloat16),
            jax.ShapeDtypeStruct((NR, 1), jnp.float32),
        ],
    )(agg0, w1x)


def _fin_body(a_ref, deg_ref, wc_ref, bc_ref, o_ref):
    p = a_ref[0] + a_ref[1]
    h = p / deg_ref[...]
    o_ref[...] = jnp.dot(h, wc_ref[...],
                         preferred_element_type=jnp.float32) + bc_ref[...]


def _fin_call(agg1, deg, wc, bc):
    return pl.pallas_call(
        _fin_body,
        out_shape=jax.ShapeDtypeStruct((NR, OUT_CH), jnp.float32),
    )(agg1, deg, wc, bc)



def _make_sc_layer(dw):
    mesh = plsc.VectorSubcoreMesh(core_axis_name="c", subcore_axis_name="s")

    @functools.partial(
        pl.kernel,
        out_type=jax.ShapeDtypeStruct((2, NR, dw), jnp.float32),
        mesh=mesh,
        compiler_params=pltpu.CompilerParams(use_tc_tiling_on_sc=False,
                                             needs_layout_passes=False),
        scratch_types=[
            pltpu.VMEM((CPW, CH), jnp.int32),
            pltpu.VMEM((CPW, CH), jnp.int32),
            pltpu.VMEM((2, CH, HID), jnp.bfloat16),
            pltpu.VMEM((2, CH, HID), jnp.bfloat16),
            pltpu.VMEM((2, CH, dw), jnp.float32),
            pltpu.VMEM_SHARED((NR, dw), jnp.float32),
            pltpu.VMEM_SHARED((NR, HID), jnp.bfloat16),
            pltpu.SemaphoreType.DMA,
            pltpu.SemaphoreType.DMA,
            pltpu.SemaphoreType.DMA,
            pltpu.SemaphoreType.DMA,
            pltpu.SemaphoreType.DMA,
            pltpu.SemaphoreType.DMA,
        ],
    )
    def sc_layer(y_hbm, tp_hbm, src_hbm, dst_hbm, out_hbm,
                 srcv, dstv, tpv, gv, msgv, aggsh, ysh,
                 sem_t0, sem_t1, sem_g0, sem_g1, sem_s0, sem_s1):
        ci = lax.axis_index("c")
        si = lax.axis_index("s")
        w = ci * 16 + si
        nk = dw // 16

        @pl.loop(0, CH)
        def _(i):
            for k in range(nk):
                msgv[0, i, pl.ds(16 * k, 16)] = jnp.zeros((16,), jnp.float32)

        @pl.loop(0, RPT // CH)
        def _(i):
            base = (si * (RPT // CH) + i) * CH
            pltpu.sync_copy(msgv.at[0], aggsh.at[pl.ds(base, CH)])

        pltpu.sync_copy(src_hbm.at[w], srcv)
        pltpu.sync_copy(dst_hbm.at[w], dstv)

        @pl.loop(0, RPT // CH)
        def _(i):
            rows = pl.ds((si * (RPT // CH) + i) * CH, CH)
            pltpu.sync_copy(y_hbm.at[rows], gv.at[0])
            pltpu.sync_copy(gv.at[0], ysh.at[rows])

        if dw > HID:
            one0 = jnp.where(lax.iota(jnp.int32, 16) == 0,
                             1.0, 0.0).astype(jnp.float32)
            zer = jnp.zeros((16,), jnp.float32)

            @pl.loop(0, CH)
            def _(i):
                for b in range(2):
                    msgv[b, i, pl.ds(HID, 16)] = one0
                    for k in range(HID // 16 + 1, nk):
                        msgv[b, i, pl.ds(16 * k, 16)] = zer

        plsc.subcore_barrier()

        sems_t = (sem_t0, sem_t1)
        sems_g = (sem_g0, sem_g1)
        sems_s = (sem_s0, sem_s1)

        def start(j, b):
            pltpu.async_copy(tp_hbm.at[pl.ds((w * CPW + j) * CH, CH)],
                             tpv.at[b], sems_t[b])
            pltpu.async_copy(ysh.at[srcv.at[j]], gv.at[b], sems_g[b])

        def drain_scatter(b):
            pltpu.make_async_copy(out_hbm.at[0, pl.ds(0, CH)],
                                  msgv.at[b], sems_s[b]).wait()

        start(0, 0)

        @pl.loop(0, CPW, step=2)
        def _(g):
            for b in range(2):
                j = g + b
                nj = j + 1

                @pl.when(nj < CPW)
                def _():
                    start(nj, 1 - b)

                pltpu.make_async_copy(tp_hbm.at[pl.ds(0, CH)],
                                      tpv.at[b], sems_t[b]).wait()
                pltpu.make_async_copy(y_hbm.at[pl.ds(0, CH)],
                                      gv.at[b], sems_g[b]).wait()

                @plsc.parallel_loop(0, CH, unroll=4)
                def _(i):
                    for k in range(HID // 32):
                        s32 = pl.ds(32 * k, 32)
                        t_lo, t_hi = plsc.unpack(
                            tpv[b, i, s32], format=plsc.PackFormat.INTERLEAVED)
                        g_lo, g_hi = plsc.unpack(
                            gv[b, i, s32], format=plsc.PackFormat.INTERLEAVED)
                        msgv[b, i, pl.ds(32 * k, 16)] = jnp.maximum(
                            g_lo + t_lo, 0.0)
                        msgv[b, i, pl.ds(32 * k + 16, 16)] = jnp.maximum(
                            g_hi + t_hi, 0.0)

                @pl.when(j >= 1)
                def _():
                    drain_scatter(1 - b)

                pltpu.async_copy(msgv.at[b], aggsh.at[dstv.at[j]],
                                 sems_s[b], add=True)

        drain_scatter(1)
        plsc.subcore_barrier()

        @pl.loop(0, RPT // CH)
        def _(i):
            base = (si * (RPT // CH) + i) * CH
            pltpu.sync_copy(aggsh.at[pl.ds(base, CH)], msgv.at[0])
            pltpu.sync_copy(msgv.at[0], out_hbm.at[ci, pl.ds(base, CH)])

    return sc_layer


_sc_layer0 = _make_sc_layer(80)
_sc_layer1 = _make_sc_layer(64)



_BF16_PERM32 = np.empty(32, np.int32)
_BF16_PERM32[0::2] = np.arange(16)
_BF16_PERM32[1::2] = np.arange(16) + 16
_BF16_PERM64 = np.concatenate([_BF16_PERM32, _BF16_PERM32 + 32])


def kernel(x, edge_index, timestamps, time_w, time_b, W0, b0, W1, b1, Wc, bc):
    pad = EP - E
    src = edge_index[0].astype(jnp.int32)
    dst = edge_index[1].astype(jnp.int32)
    src_p = jnp.concatenate(
        [src, jnp.zeros((pad,), jnp.int32)]).reshape(NW, CPW, CH)
    dst_p = jnp.concatenate(
        [dst, N + (jnp.arange(pad, dtype=jnp.int32) % (NR - N))]
    ).reshape(NW, CPW, CH)
    ts_p = jnp.concatenate(
        [timestamps.astype(jnp.float32), jnp.zeros((pad,), jnp.float32)])
    t_rep = jnp.broadcast_to(ts_p[:, None], (EP, TIME_DIM)).reshape(EP // 8, 128)

    w0x, w0t = W0[:IN_CH], W0[IN_CH:]
    w1x, w1t = W1[:HID], W1[HID:]
    p64 = _BF16_PERM64
    w0xp = w0x[:, p64]
    w1xp = w1x[:, p64]
    w0tp = w0t[:, p64]
    w1tp = w1t[:, p64]
    b0p = b0[p64]
    b1p = b1[p64]
    eye8 = jnp.eye(8, dtype=jnp.float32)
    w0_blk = jnp.kron(eye8, w0tp)
    w1_blk = jnp.kron(eye8, w1tp)
    w_tile = jnp.tile(time_w.astype(jnp.float32), 8).reshape(1, 128)
    b_tile = jnp.tile(time_b.astype(jnp.float32), 8).reshape(1, 128)
    b0_blk = jnp.tile(b0p.astype(jnp.float32), 8).reshape(1, 512)
    b1_blk = jnp.tile(b1p.astype(jnp.float32), 8).reshape(1, 512)

    tp0m, tp1m = _tp_call(t_rep, w_tile, b_tile, w0_blk, b0_blk, w1_blk, b1_blk)
    tp0 = tp0m.reshape(EP, HID)
    tp1 = tp1m.reshape(EP, HID)
    x_pad = jnp.concatenate(
        [x, jnp.zeros((NR - N, IN_CH), jnp.float32)])
    y0 = _mm_call(x_pad, w0xp)

    agg0 = _sc_layer0(y0, tp0, src_p, dst_p)
    y1, deg = _mid_call(agg0, w1xp)
    agg1 = _sc_layer1(y1, tp1, src_p, dst_p)
    out = _fin_call(agg1, deg, Wc, bc.reshape(1, OUT_CH))
    return out[:N]

# --- scband reference (transcript-rebuilt; emitter-appended) ---
"""Pipeline reference for scband-tgn-62405874811495 (READ-ONLY COPY).

The authoritative reference and input builder live on the scoring server;
editing this copy changes nothing except your own understanding.
"""

import jax, jax.numpy as jnp
import numpy as np

N = 10000
E = 320000
IN_CH = 128
HID = 64
TIME_DIM = 16
OUT_CH = 128


def setup_inputs(seed: int = 0) -> dict:
    key = jax.random.key(seed)
    ks = jax.random.split(key, 12)
    x = jax.random.normal(ks[0], (N, IN_CH), dtype=jnp.float32)
    edge_index = jax.random.randint(ks[1], (2, E), 0, N)
    timestamps = jax.random.uniform(ks[2], (E,), dtype=jnp.float32)
    # TimeEncoding params: t -> cos(t * w + b)
    time_w = jax.random.normal(ks[3], (TIME_DIM,), dtype=jnp.float32)
    time_b = jax.random.normal(ks[4], (TIME_DIM,), dtype=jnp.float32)
    # TemporalGCNLayer 0: in = IN_CH + TIME_DIM -> HID
    s0 = 1.0 / np.sqrt(IN_CH + TIME_DIM)
    W0 = jax.random.uniform(ks[5], (IN_CH + TIME_DIM, HID), dtype=jnp.float32, minval=-s0, maxval=s0)
    b0 = jnp.zeros((HID,), dtype=jnp.float32)
    # TemporalGCNLayer 1: in = HID + TIME_DIM -> HID
    s1 = 1.0 / np.sqrt(HID + TIME_DIM)
    W1 = jax.random.uniform(ks[6], (HID + TIME_DIM, HID), dtype=jnp.float32, minval=-s1, maxval=s1)
    b1 = jnp.zeros((HID,), dtype=jnp.float32)
    # Classifier: HID -> OUT_CH
    sc = 1.0 / np.sqrt(HID)
    Wc = jax.random.uniform(ks[7], (HID, OUT_CH), dtype=jnp.float32, minval=-sc, maxval=sc)
    bc = jnp.zeros((OUT_CH,), dtype=jnp.float32)
    return {"x": x, "edge_index": edge_index, "timestamps": timestamps,
            "time_w": time_w, "time_b": time_b,
            "W0": W0, "b0": b0, "W1": W1, "b1": b1, "Wc": Wc, "bc": bc}


def time_encoding(t, w, b):
    # TGN-style learnable harmonic time encoding: cos(t * w + b)
    return jnp.cos(t[:, None] * w[None, :] + b[None, :])


def temporal_gcn_layer(x, edge_index, time_enc, W, b):
    src = edge_index[0]
    dst = edge_index[1]
    # gather source node features (SparseCore gather)
    x_src = jnp.take(x, src, axis=0)
    msg = jnp.concatenate([x_src, time_enc], axis=-1) @ W + b
    msg = jax.nn.relu(msg)
    # mean aggregation over destination nodes (SparseCore scatter-add)
    agg = jax.ops.segment_sum(msg, dst, num_segments=N)
    deg = jax.ops.segment_sum(jnp.ones((msg.shape[0],), msg.dtype), dst, num_segments=N)
    return agg / jnp.clip(deg, 1.0)[:, None]


def reference(x, edge_index, timestamps, time_w, time_b, W0, b0, W1, b1, Wc, bc):
    te = time_encoding(timestamps, time_w, time_b)
    h = temporal_gcn_layer(x, edge_index, te, W0, b0)
    # dropout is identity in eval mode
    h = temporal_gcn_layer(h, edge_index, te, W1, b1)
    out = h @ Wc + bc
    return out

if __name__ == "__main__":
    import jax
    _d = setup_inputs()
    print(jax.jit(kernel)(*tuple(_d.values())))

</pallas_src>

<mosaic_0001>
#map = affine_map<(d0, d1) -> (0, 0)>
#map1 = affine_map<(d0, d1) -> (0, 0, 0)>
module attributes {stable_mosaic.version = 14 : i64} {
  func.func @sc_layer(%arg0: i32, %arg1: i32, %arg2: memref<10240x64xbf16, #tpu.memory_space<hbm>>, %arg3: memref<327680x64xbf16, #tpu.memory_space<hbm>>, %arg4: memref<32x80x128xi32, #tpu.memory_space<hbm>>, %arg5: memref<32x80x128xi32, #tpu.memory_space<hbm>>, %arg6: memref<2x10240x64xf32, #tpu.memory_space<hbm>>, %arg7: memref<80x128xi32, #tpu.memory_space<vmem>>, %arg8: memref<80x128xi32, #tpu.memory_space<vmem>>, %arg9: memref<2x128x64xbf16, #tpu.memory_space<vmem>>, %arg10: memref<2x128x64xbf16, #tpu.memory_space<vmem>>, %arg11: memref<2x128x64xf32, #tpu.memory_space<vmem>>, %arg12: memref<10240x64xf32, #tpu.memory_space<vmem_shared>>, %arg13: memref<10240x64xbf16, #tpu.memory_space<vmem_shared>>, %arg14: memref<!tpu.dma_semaphore, #tpu.memory_space<semaphore_mem>>, %arg15: memref<!tpu.dma_semaphore, #tpu.memory_space<semaphore_mem>>, %arg16: memref<!tpu.dma_semaphore, #tpu.memory_space<semaphore_mem>>, %arg17: memref<!tpu.dma_semaphore, #tpu.memory_space<semaphore_mem>>, %arg18: memref<!tpu.dma_semaphore, #tpu.memory_space<semaphore_mem>>, %arg19: memref<!tpu.dma_semaphore, #tpu.memory_space<semaphore_mem>>) attributes {dimension_semantics = [#tpu.dimension_semantics<core_parallel>, #tpu.dimension_semantics<subcore_parallel>], iteration_bounds = array<i64: 2, 16>, scalar_prefetch = 0 : i64, scratch_operands = 13 : i64, tpu.core_type = #tpu.core_type<sc_vector_subcore>, window_params = [{transform_indices = #map}, {transform_indices = #map}, {transform_indices = #map1}, {transform_indices = #map1}, {transform_indices = #map1}]} {
    %mul3A = arith.constant 16 : i32
    %mul3A_0 = arith.muli %arg0, %mul3A : i32
    %add3A = arith.addi %mul3A_0, %arg1 : i32
    %scan3A = arith.constant 0 : i32
    %scan3A_1 = arith.constant 128 : i32
    %scan3A_2 = arith.addi %scan3A, %scan3A_1 : i32
    %scan3A_3 = arith.constant 1 : i32
    scf.for %scan3A_73 = %scan3A to %scan3A_2 step %scan3A_3  : i32 {
      %mul3A_74 = arith.constant 1 : i32
      %mul3A_75 = arith.muli %scan3A_73, %mul3A_74 : i32
      %add3A_76 = arith.constant 0 : i32
      %add3A_77 = arith.addi %add3A_76, %mul3A_75 : i32
      %broadcast_in_dim3A = arith.constant 0.000000e+00 : f32
      %broadcast_in_dim3A_78 = vector.broadcast %broadcast_in_dim3A : f32 to vector<16xf32>
      %swap3A = arith.constant 0 : i32
      %swap3A_79 = arith.index_cast %swap3A : i32 to index
      %swap3A_80 = arith.index_cast %add3A_77 : i32 to index
      %swap3A_81 = arith.constant 0 : index
      %swap3A_82 = tpu.vector_load %arg11[%swap3A_79, %swap3A_80, %swap3A_81] {strides = array<i32>} : memref<2x128x64xf32, #tpu.memory_space<vmem>>, vector<16xf32>,
      tpu.vector_store %arg11[%swap3A_79, %swap3A_80, %swap3A_81], %broadcast_in_dim3A_78 {strides = array<i32>} : memref<2x128x64xf32, #tpu.memory_space<vmem>>, vector<16xf32>,
      %broadcast_in_dim3A_83 = arith.constant 0.000000e+00 : f32
      %broadcast_in_dim3A_84 = vector.broadcast %broadcast_in_dim3A_83 : f32 to vector<16xf32>
      %swap3A_85 = arith.constant 0 : i32
      %swap3A_86 = arith.index_cast %swap3A_85 : i32 to index
      %swap3A_87 = arith.index_cast %add3A_77 : i32 to index
      %swap3A_88 = arith.constant 16 : index
      %swap3A_89 = tpu.vector_load %arg11[%swap3A_86, %swap3A_87, %swap3A_88] {strides = array<i32>} : memref<2x128x64xf32, #tpu.memory_space<vmem>>, vector<16xf32>,
      tpu.vector_store %arg11[%swap3A_86, %swap3A_87, %swap3A_88], %broadcast_in_dim3A_84 {strides = array<i32>} : memref<2x128x64xf32, #tpu.memory_space<vmem>>, vector<16xf32>,
      %broadcast_in_dim3A_90 = arith.constant 0.000000e+00 : f32
      %broadcast_in_dim3A_91 = vector.broadcast %broadcast_in_dim3A_90 : f32 to vector<16xf32>
      %swap3A_92 = arith.constant 0 : i32
      %swap3A_93 = arith.index_cast %swap3A_92 : i32 to index
      %swap3A_94 = arith.index_cast %add3A_77 : i32 to index
      %swap3A_95 = arith.constant 32 : index
      %swap3A_96 = tpu.vector_load %arg11[%swap3A_93, %swap3A_94, %swap3A_95] {strides = array<i32>} : memref<2x128x64xf32, #tpu.memory_space<vmem>>, vector<16xf32>,
      tpu.vector_store %arg11[%swap3A_93, %swap3A_94, %swap3A_95], %broadcast_in_dim3A_91 {strides = array<i32>} : memref<2x128x64xf32, #tpu.memory_space<vmem>>, vector<16xf32>,
      %broadcast_in_dim3A_97 = arith.constant 0.000000e+00 : f32
      %broadcast_in_dim3A_98 = vector.broadcast %broadcast_in_dim3A_97 : f32 to vector<16xf32>
      %swap3A_99 = arith.constant 0 : i32
      %swap3A_100 = arith.index_cast %swap3A_99 : i32 to index
      %swap3A_101 = arith.index_cast %add3A_77 : i32 to index
      %swap3A_102 = arith.constant 48 : index
      %swap3A_103 = tpu.vector_load %arg11[%swap3A_100, %swap3A_101, %swap3A_102] {strides = array<i32>} : memref<2x128x64xf32, #tpu.memory_space<vmem>>, vector<16xf32>,
      tpu.vector_store %arg11[%swap3A_100, %swap3A_101, %swap3A_102], %broadcast_in_dim3A_98 {strides = array<i32>} : memref<2x128x64xf32, #tpu.memory_space<vmem>>, vector<16xf32>,
    }
    %scan3A_4 = arith.constant 128 : i32
    %scan3A_5 = arith.constant 0 : i32
    %scan3A_6 = arith.constant 5 : i32
    %scan3A_7 = arith.addi %scan3A_5, %scan3A_6 : i32
    %scan3A_8 = arith.constant 1 : i32
    scf.for %scan3A_73 = %scan3A_5 to %scan3A_7 step %scan3A_8  : i32 {
      %mul3A_74 = arith.constant 1 : i32
      %mul3A_75 = arith.muli %scan3A_73, %mul3A_74 : i32
      %add3A_76 = arith.constant 0 : i32
      %add3A_77 = arith.addi %add3A_76, %mul3A_75 : i32
      %mul3A_78 = arith.constant 5 : i32
      %mul3A_79 = arith.muli %arg1, %mul3A_78 : i32
      %add3A_80 = arith.addi %mul3A_79, %add3A_77 : i32
      %mul3A_81 = arith.constant 128 : i32
      %mul3A_82 = arith.muli %add3A_80, %mul3A_81 : i32
      %run_scoped3A = arith.constant 0 : i32
      "tpu.region"() ({
        %run_scoped3A_83 = tpu.sem_alloc : memref<!tpu.dma_semaphore, #tpu.memory_space<semaphore_mem>>
        %dma_start3A_84 = arith.constant 0 : i32
        %dma_start3A_85 = arith.constant 0 : i32
        %dma_start3A_86 = tpu.memref_slice %arg11[%run_scoped3A, %dma_start3A_84, %dma_start3A_85] : memref<2x128x64xf32, #tpu.memory_space<vmem>> -> memref<1x128x64xf32, #tpu.memory_space<vmem>>
        %dma_start3A_87 = tpu.memref_squeeze %dma_start3A_86 : memref<1x128x64xf32, #tpu.memory_space<vmem>> -> memref<128x64xf32, #tpu.memory_space<vmem>>
        %dma_start3A_88 = arith.constant 0 : i32
        %dma_start3A_89 = tpu.memref_slice %arg12[%mul3A_82, %dma_start3A_88] : memref<10240x64xf32, #tpu.memory_space<vmem_shared>> -> memref<128x64xf32, #tpu.memory_space<vmem_shared>>
        %dma_start3A_90 = arith.constant 0 : i32
        %dma_start3A_91 = tpu.memref_slice %arg12[%mul3A_82, %dma_start3A_90] : memref<10240x64xf32, #tpu.memory_space<vmem_shared>> -> memref<128x64xf32, #tpu.memory_space<vmem_shared>>
        %dma_start3A_92 = arith.constant 0 : i32
        %dma_start3A_93 = arith.constant 0 : i32
        %dma_start3A_94 = tpu.memref_slice %arg11[%run_scoped3A, %dma_start3A_92, %dma_start3A_93] : memref<2x128x64xf32, #tpu.memory_space<vmem>> -> memref<1x128x64xf32, #tpu.memory_space<vmem>>
        %dma_start3A_95 = tpu.memref_squeeze %dma_start3A_94 : memref<1x128x64xf32, #tpu.memory_space<vmem>> -> memref<128x64xf32, #tpu.memory_space<vmem>>
        tpu.enqueue_dma source(%dma_start3A_95 : memref<128x64xf32, #tpu.memory_space<vmem>>) target(%dma_start3A_91 : memref<128x64xf32, #tpu.memory_space<vmem_shared>>) target_semaphore(%run_scoped3A_83 : memref<!tpu.dma_semaphore, #tpu.memory_space<semaphore_mem>>)
        %dma_wait3A_96 = arith.constant 0 : i32
        %dma_wait3A_97 = arith.constant 0 : i32
        %dma_wait3A_98 = tpu.memref_slice %arg11[%run_scoped3A, %dma_wait3A_96, %dma_wait3A_97] : memref<2x128x64xf32, #tpu.memory_space<vmem>> -> memref<1x128x64xf32, #tpu.memory_space<vmem>>
        %dma_wait3A_99 = tpu.memref_squeeze %dma_wait3A_98 : memref<1x128x64xf32, #tpu.memory_space<vmem>> -> memref<128x64xf32, #tpu.memory_space<vmem>>
        %dma_wait3A_100 = arith.constant 0 : i32
        %dma_wait3A_101 = tpu.memref_slice %arg12[%mul3A_82, %dma_wait3A_100] : memref<10240x64xf32, #tpu.memory_space<vmem_shared>> -> memref<128x64xf32, #tpu.memory_space<vmem_shared>>
        %dma_wait3A_102 = arith.constant 0 : i32
        %dma_wait3A_103 = tpu.memref_slice %arg12[%mul3A_82, %dma_wait3A_102] : memref<10240x64xf32, #tpu.memory_space<vmem_shared>> -> memref<128x64xf32, #tpu.memory_space<vmem_shared>>
        %dma_wait3A_104 = arith.constant 0 : i32
        %dma_wait3A_105 = arith.constant 0 : i32
        %dma_wait3A_106 = tpu.memref_slice %arg11[%run_scoped3A, %dma_wait3A_104, %dma_wait3A_105] : memref<2x128x64xf32, #tpu.memory_space<vmem>> -> memref<1x128x64xf32, #tpu.memory_space<vmem>>
        %dma_wait3A_107 = tpu.memref_squeeze %dma_wait3A_106 : memref<1x128x64xf32, #tpu.memory_space<vmem>> -> memref<128x64xf32, #tpu.memory_space<vmem>>
        tpu.wait_dma2 semaphore(%run_scoped3A_83 : memref<!tpu.dma_semaphore, #tpu.memory_space<semaphore_mem>>) src(%dma_wait3A_107 : memref<128x64xf32, #tpu.memory_space<vmem>>) dst(%dma_wait3A_103 : memref<128x64xf32, #tpu.memory_space<vmem_shared>>)
        tpu.yield
      }) : () -> ()
    }
    %scan3A_9 = arith.constant 5 : i32
    "tpu.region"() ({
      %run_scoped3A = tpu.sem_alloc : memref<!tpu.dma_semaphore, #tpu.memory_space<semaphore_mem>>
      %dma_start3A_73 = arith.constant 0 : i32
      %dma_start3A_74 = arith.constant 0 : i32
      %dma_start3A_75 = tpu.memref_slice %arg4[%add3A, %dma_start3A_73, %dma_start3A_74] : memref<32x80x128xi32, #tpu.memory_space<hbm>> -> memref<1x80x128xi32, #tpu.memory_space<hbm>>
      %dma_start3A_76 = tpu.memref_squeeze %dma_start3A_75 : memref<1x80x128xi32, #tpu.memory_space<hbm>> -> memref<80x128xi32, #tpu.memory_space<hbm>>
      %dma_start3A_77 = arith.constant 0 : i32
      %dma_start3A_78 = arith.constant 0 : i32
      %dma_start3A_79 = tpu.memref_slice %arg4[%add3A, %dma_start3A_77, %dma_start3A_78] : memref<32x80x128xi32, #tpu.memory_space<hbm>> -> memref<1x80x128xi32, #tpu.memory_space<hbm>>
      %dma_start3A_80 = tpu.memref_squeeze %dma_start3A_79 : memref<1x80x128xi32, #tpu.memory_space<hbm>> -> memref<80x128xi32, #tpu.memory_space<hbm>>
      tpu.enqueue_dma source(%dma_start3A_80 : memref<80x128xi32, #tpu.memory_space<hbm>>) target(%arg7 : memref<80x128xi32, #tpu.memory_space<vmem>>) target_semaphore(%run_scoped3A : memref<!tpu.dma_semaphore, #tpu.memory_space<semaphore_mem>>)
      %dma_wait3A_81 = arith.constant 0 : i32
      %dma_wait3A_82 = arith.constant 0 : i32
      %dma_wait3A_83 = tpu.memref_slice %arg4[%add3A, %dma_wait3A_81, %dma_wait3A_82] : memref<32x80x128xi32, #tpu.memory_space<hbm>> -> memref<1x80x128xi32, #tpu.memory_space<hbm>>
      %dma_wait3A_84 = tpu.memref_squeeze %dma_wait3A_83 : memref<1x80x128xi32, #tpu.memory_space<hbm>> -> memref<80x128xi32, #tpu.memory_space<hbm>>
      %dma_wait3A_85 = arith.constant 0 : i32
      %dma_wait3A_86 = arith.constant 0 : i32
      %dma_wait3A_87 = tpu.memref_slice %arg4[%add3A, %dma_wait3A_85, %dma_wait3A_86] : memref<32x80x128xi32, #tpu.memory_space<hbm>> -> memref<1x80x128xi32, #tpu.memory_space<hbm>>
      %dma_wait3A_88 = tpu.memref_squeeze %dma_wait3A_87 : memref<1x80x128xi32, #tpu.memory_space<hbm>> -> memref<80x128xi32, #tpu.memory_space<hbm>>
      tpu.wait_dma2 semaphore(%run_scoped3A : memref<!tpu.dma_semaphore, #tpu.memory_space<semaphore_mem>>) src(%dma_wait3A_88 : memref<80x128xi32, #tpu.memory_space<hbm>>) dst(%arg7 : memref<80x128xi32, #tpu.memory_space<vmem>>)
      tpu.yield
    }) : () -> ()
    "tpu.region"() ({
      %run_scoped3A = tpu.sem_alloc : memref<!tpu.dma_semaphore, #tpu.memory_space<semaphore_mem>>
      %dma_start3A_73 = arith.constant 0 : i32
      %dma_start3A_74 = arith.constant 0 : i32
      %dma_start3A_75 = tpu.memref_slice %arg5[%add3A, %dma_start3A_73, %dma_start3A_74] : memref<32x80x128xi32, #tpu.memory_space<hbm>> -> memref<1x80x128xi32, #tpu.memory_space<hbm>>
      %dma_start3A_76 = tpu.memref_squeeze %dma_start3A_75 : memref<1x80x128xi32, #tpu.memory_space<hbm>> -> memref<80x128xi32, #tpu.memory_space<hbm>>
      %dma_start3A_77 = arith.constant 0 : i32
      %dma_start3A_78 = arith.constant 0 : i32
      %dma_start3A_79 = tpu.memref_slice %arg5[%add3A, %dma_start3A_77, %dma_start3A_78] : memref<32x80x128xi32, #tpu.memory_space<hbm>> -> memref<1x80x128xi32, #tpu.memory_space<hbm>>
      %dma_start3A_80 = tpu.memref_squeeze %dma_start3A_79 : memref<1x80x128xi32, #tpu.memory_space<hbm>> -> memref<80x128xi32, #tpu.memory_space<hbm>>
      tpu.enqueue_dma source(%dma_start3A_80 : memref<80x128xi32, #tpu.memory_space<hbm>>) target(%arg8 : memref<80x128xi32, #tpu.memory_space<vmem>>) target_semaphore(%run_scoped3A : memref<!tpu.dma_semaphore, #tpu.memory_space<semaphore_mem>>)
      %dma_wait3A_81 = arith.constant 0 : i32
      %dma_wait3A_82 = arith.constant 0 : i32
      %dma_wait3A_83 = tpu.memref_slice %arg5[%add3A, %dma_wait3A_81, %dma_wait3A_82] : memref<32x80x128xi32, #tpu.memory_space<hbm>> -> memref<1x80x128xi32, #tpu.memory_space<hbm>>
      %dma_wait3A_84 = tpu.memref_squeeze %dma_wait3A_83 : memref<1x80x128xi32, #tpu.memory_space<hbm>> -> memref<80x128xi32, #tpu.memory_space<hbm>>
      %dma_wait3A_85 = arith.constant 0 : i32
      %dma_wait3A_86 = arith.constant 0 : i32
      %dma_wait3A_87 = tpu.memref_slice %arg5[%add3A, %dma_wait3A_85, %dma_wait3A_86] : memref<32x80x128xi32, #tpu.memory_space<hbm>> -> memref<1x80x128xi32, #tpu.memory_space<hbm>>
      %dma_wait3A_88 = tpu.memref_squeeze %dma_wait3A_87 : memref<1x80x128xi32, #tpu.memory_space<hbm>> -> memref<80x128xi32, #tpu.memory_space<hbm>>
      tpu.wait_dma2 semaphore(%run_scoped3A : memref<!tpu.dma_semaphore, #tpu.memory_space<semaphore_mem>>) src(%dma_wait3A_88 : memref<80x128xi32, #tpu.memory_space<hbm>>) dst(%arg8 : memref<80x128xi32, #tpu.memory_space<vmem>>)
      tpu.yield
    }) : () -> ()
    %scan3A_10 = arith.constant 0 : i32
    %scan3A_11 = arith.constant 5 : i32
    %scan3A_12 = arith.addi %scan3A_10, %scan3A_11 : i32
    %scan3A_13 = arith.constant 1 : i32
    scf.for %scan3A_73 = %scan3A_10 to %scan3A_12 step %scan3A_13  : i32 {
      %mul3A_74 = arith.constant 1 : i32
      %mul3A_75 = arith.muli %scan3A_73, %mul3A_74 : i32
      %add3A_76 = arith.constant 0 : i32
      %add3A_77 = arith.addi %add3A_76, %mul3A_75 : i32
      %mul3A_78 = arith.constant 5 : i32
      %mul3A_79 = arith.muli %arg1, %mul3A_78 : i32
      %add3A_80 = arith.addi %mul3A_79, %add3A_77 : i32
      %mul3A_81 = arith.constant 128 : i32
      %mul3A_82 = arith.muli %add3A_80, %mul3A_81 : i32
      %run_scoped3A = arith.constant 0 : i32
      "tpu.region"() ({
        %run_scoped3A_84 = tpu.sem_alloc : memref<!tpu.dma_semaphore, #tpu.memory_space<semaphore_mem>>
        %dma_start3A_85 = arith.constant 0 : i32
        %dma_start3A_86 = arith.constant 0 : i32
        %dma_start3A_87 = tpu.memref_slice %arg10[%run_scoped3A, %dma_start3A_85, %dma_start3A_86] : memref<2x128x64xbf16, #tpu.memory_space<vmem>> -> memref<1x128x64xbf16, #tpu.memory_space<vmem>>
        %dma_start3A_88 = tpu.memref_squeeze %dma_start3A_87 : memref<1x128x64xbf16, #tpu.memory_space<vmem>> -> memref<128x64xbf16, #tpu.memory_space<vmem>>
        %dma_start3A_89 = arith.constant 0 : i32
        %dma_start3A_90 = tpu.memref_slice %arg2[%mul3A_82, %dma_start3A_89] : memref<10240x64xbf16, #tpu.memory_space<hbm>> -> memref<128x64xbf16, #tpu.memory_space<hbm>>
        %dma_start3A_91 = arith.constant 0 : i32
        %dma_start3A_92 = arith.constant 0 : i32
        %dma_start3A_93 = tpu.memref_slice %arg10[%run_scoped3A, %dma_start3A_91, %dma_start3A_92] : memref<2x128x64xbf16, #tpu.memory_space<vmem>> -> memref<1x128x64xbf16, #tpu.memory_space<vmem>>
        %dma_start3A_94 = tpu.memref_squeeze %dma_start3A_93 : memref<1x128x64xbf16, #tpu.memory_space<vmem>> -> memref<128x64xbf16, #tpu.memory_space<vmem>>
        %dma_start3A_95 = arith.constant 0 : i32
        %dma_start3A_96 = tpu.memref_slice %arg2[%mul3A_82, %dma_start3A_95] : memref<10240x64xbf16, #tpu.memory_space<hbm>> -> memref<128x64xbf16, #tpu.memory_space<hbm>>
        tpu.enqueue_dma source(%dma_start3A_96 : memref<128x64xbf16, #tpu.memory_space<hbm>>) target(%dma_start3A_94 : memref<128x64xbf16, #tpu.memory_space<vmem>>) target_semaphore(%run_scoped3A_84 : memref<!tpu.dma_semaphore, #tpu.memory_space<semaphore_mem>>)
        %dma_wait3A_97 = arith.constant 0 : i32
        %dma_wait3A_98 = arith.constant 0 : i32
        %dma_wait3A_99 = tpu.memref_slice %arg10[%run_scoped3A, %dma_wait3A_97, %dma_wait3A_98] : memref<2x128x64xbf16, #tpu.memory_space<vmem>> -> memref<1x128x64xbf16, #tpu.memory_space<vmem>>
        %dma_wait3A_100 = tpu.memref_squeeze %dma_wait3A_99 : memref<1x128x64xbf16, #tpu.memory_space<vmem>> -> memref<128x64xbf16, #tpu.memory_space<vmem>>
        %dma_wait3A_101 = arith.constant 0 : i32
        %dma_wait3A_102 = tpu.memref_slice %arg2[%mul3A_82, %dma_wait3A_101] : memref<10240x64xbf16, #tpu.memory_space<hbm>> -> memref<128x64xbf16, #tpu.memory_space<hbm>>
        %dma_wait3A_103 = arith.constant 0 : i32
        %dma_wait3A_104 = arith.constant 0 : i32
        %dma_wait3A_105 = tpu.memref_slice %arg10[%run_scoped3A, %dma_wait3A_103, %dma_wait3A_104] : memref<2x128x64xbf16, #tpu.memory_space<vmem>> -> memref<1x128x64xbf16, #tpu.memory_space<vmem>>
        %dma_wait3A_106 = tpu.memref_squeeze %dma_wait3A_105 : memref<1x128x64xbf16, #tpu.memory_space<vmem>> -> memref<128x64xbf16, #tpu.memory_space<vmem>>
        %dma_wait3A_107 = arith.constant 0 : i32
        %dma_wait3A_108 = tpu.memref_slice %arg2[%mul3A_82, %dma_wait3A_107] : memref<10240x64xbf16, #tpu.memory_space<hbm>> -> memref<128x64xbf16, #tpu.memory_space<hbm>>
        tpu.wait_dma2 semaphore(%run_scoped3A_84 : memref<!tpu.dma_semaphore, #tpu.memory_space<semaphore_mem>>) src(%dma_wait3A_108 : memref<128x64xbf16, #tpu.memory_space<hbm>>) dst(%dma_wait3A_106 : memref<128x64xbf16, #tpu.memory_space<vmem>>)
        tpu.yield
      }) : () -> ()
      %run_scoped3A_83 = arith.constant 0 : i32
      "tpu.region"() ({
        %run_scoped3A_84 = tpu.sem_alloc : memref<!tpu.dma_semaphore, #tpu.memory_space<semaphore_mem>>
        %dma_start3A_85 = arith.constant 0 : i32
        %dma_start3A_86 = arith.constant 0 : i32
        %dma_start3A_87 = tpu.memref_slice %arg10[%run_scoped3A_83, %dma_start3A_85, %dma_start3A_86] : memref<2x128x64xbf16, #tpu.memory_space<vmem>> -> memref<1x128x64xbf16, #tpu.memory_space<vmem>>
        %dma_start3A_88 = tpu.memref_squeeze %dma_start3A_87 : memref<1x128x64xbf16, #tpu.memory_space<vmem>> -> memref<128x64xbf16, #tpu.memory_space<vmem>>
        %dma_start3A_89 = arith.constant 0 : i32
        %dma_start3A_90 = tpu.memref_slice %arg13[%mul3A_82, %dma_start3A_89] : memref<10240x64xbf16, #tpu.memory_space<vmem_shared>> -> memref<128x64xbf16, #tpu.memory_space<vmem_shared>>
        %dma_start3A_91 = arith.constant 0 : i32
        %dma_start3A_92 = tpu.memref_slice %arg13[%mul3A_82, %dma_start3A_91] : memref<10240x64xbf16, #tpu.memory_space<vmem_shared>> -> memref<128x64xbf16, #tpu.memory_space<vmem_shared>>
        %dma_start3A_93 = arith.constant 0 : i32
        %dma_start3A_94 = arith.constant 0 : i32
        %dma_start3A_95 = tpu.memref_slice %arg10[%run_scoped3A_83, %dma_start3A_93, %dma_start3A_94] : memref<2x128x64xbf16, #tpu.memory_space<vmem>> -> memref<1x128x64xbf16, #tpu.memory_space<vmem>>
        %dma_start3A_96 = tpu.memref_squeeze %dma_start3A_95 : memref<1x128x64xbf16, #tpu.memory_space<vmem>> -> memref<128x64xbf16, #tpu.memory_space<vmem>>
        tpu.enqueue_dma source(%dma_start3A_96 : memref<128x64xbf16, #tpu.memory_space<vmem>>) target(%dma_start3A_92 : memref<128x64xbf16, #tpu.memory_space<vmem_shared>>) target_semaphore(%run_scoped3A_84 : memref<!tpu.dma_semaphore, #tpu.memory_space<semaphore_mem>>)
        %dma_wait3A_97 = arith.constant 0 : i32
        %dma_wait3A_98 = arith.constant 0 : i32
        %dma_wait3A_99 = tpu.memref_slice %arg10[%run_scoped3A_83, %dma_wait3A_97, %dma_wait3A_98] : memref<2x128x64xbf16, #tpu.memory_space<vmem>> -> memref<1x128x64xbf16, #tpu.memory_space<vmem>>
        %dma_wait3A_100 = tpu.memref_squeeze %dma_wait3A_99 : memref<1x128x64xbf16, #tpu.memory_space<vmem>> -> memref<128x64xbf16, #tpu.memory_space<vmem>>
        %dma_wait3A_101 = arith.constant 0 : i32
        %dma_wait3A_102 = tpu.memref_slice %arg13[%mul3A_82, %dma_wait3A_101] : memref<10240x64xbf16, #tpu.memory_space<vmem_shared>> -> memref<128x64xbf16, #tpu.memory_space<vmem_shared>>
        %dma_wait3A_103 = arith.constant 0 : i32
        %dma_wait3A_104 = tpu.memref_slice %arg13[%mul3A_82, %dma_wait3A_103] : memref<10240x64xbf16, #tpu.memory_space<vmem_shared>> -> memref<128x64xbf16, #tpu.memory_space<vmem_shared>>
        %dma_wait3A_105 = arith.constant 0 : i32
        %dma_wait3A_106 = arith.constant 0 : i32
        %dma_wait3A_107 = tpu.memref_slice %arg10[%run_scoped3A_83, %dma_wait3A_105, %dma_wait3A_106] : memref<2x128x64xbf16, #tpu.memory_space<vmem>> -> memref<1x128x64xbf16, #tpu.memory_space<vmem>>
        %dma_wait3A_108 = tpu.memref_squeeze %dma_wait3A_107 : memref<1x128x64xbf16, #tpu.memory_space<vmem>> -> memref<128x64xbf16, #tpu.memory_space<vmem>>
        tpu.wait_dma2 semaphore(%run_scoped3A_84 : memref<!tpu.dma_semaphore, #tpu.memory_space<semaphore_mem>>) src(%dma_wait3A_108 : memref<128x64xbf16, #tpu.memory_space<vmem>>) dst(%dma_wait3A_104 : memref<128x64xbf16, #tpu.memory_space<vmem_shared>>)
        tpu.yield
      }) : () -> ()
    }
    %scan3A_14 = arith.constant 5 : i32
    %barrier3A = arith.constant 0 : index
    tpu.barrier barrier_id(%barrier3A)
    %mul3A_15 = arith.constant 80 : i32
    %mul3A_16 = arith.muli %add3A, %mul3A_15 : i32
    %add3A_17 = arith.constant 0 : i32
    %add3A_18 = arith.addi %mul3A_16, %add3A_17 : i32
    %mul3A_19 = arith.constant 128 : i32
    %mul3A_20 = arith.muli %add3A_18, %mul3A_19 : i32
    %dma_start3A = arith.constant 0 : i32
    %dma_start3A_21 = arith.constant 0 : i32
    %dma_start3A_22 = arith.constant 0 : i32
    %dma_start3A_23 = tpu.memref_slice %arg9[%dma_start3A, %dma_start3A_21, %dma_start3A_22] : memref<2x128x64xbf16, #tpu.memory_space<vmem>> -> memref<1x128x64xbf16, #tpu.memory_space<vmem>>
    %dma_start3A_24 = tpu.memref_squeeze %dma_start3A_23 : memref<1x128x64xbf16, #tpu.memory_space<vmem>> -> memref<128x64xbf16, #tpu.memory_space<vmem>>
    %dma_start3A_25 = arith.constant 0 : i32
    %dma_start3A_26 = tpu.memref_slice %arg3[%mul3A_20, %dma_start3A_25] : memref<327680x64xbf16, #tpu.memory_space<hbm>> -> memref<128x64xbf16, #tpu.memory_space<hbm>>
    %dma_start3A_27 = arith.constant 0 : i32
    %dma_start3A_28 = arith.constant 0 : i32
    %dma_start3A_29 = tpu.memref_slice %arg9[%dma_start3A, %dma_start3A_27, %dma_start3A_28] : memref<2x128x64xbf16, #tpu.memory_space<vmem>> -> memref<1x128x64xbf16, #tpu.memory_space<vmem>>
    %dma_start3A_30 = tpu.memref_squeeze %dma_start3A_29 : memref<1x128x64xbf16, #tpu.memory_space<vmem>> -> memref<128x64xbf16, #tpu.memory_space<vmem>>
    %dma_start3A_31 = arith.constant 0 : i32
    %dma_start3A_32 = tpu.memref_slice %arg3[%mul3A_20, %dma_start3A_31] : memref<327680x64xbf16, #tpu.memory_space<hbm>> -> memref<128x64xbf16, #tpu.memory_space<hbm>>
    tpu.enqueue_dma source(%dma_start3A_32 : memref<128x64xbf16, #tpu.memory_space<hbm>>) target(%dma_start3A_30 : memref<128x64xbf16, #tpu.memory_space<vmem>>) target_semaphore(%arg14 : memref<!tpu.dma_semaphore, #tpu.memory_space<semaphore_mem>>)
    %dma_start3A_33 = arith.constant 0 : i32
    %dma_start3A_34 = arith.constant 0 : i32
    %dma_start3A_35 = arith.constant 0 : i32
    %dma_start3A_36 = arith.constant 0 : i32
    %dma_start3A_37 = tpu.memref_slice %arg10[%dma_start3A_34, %dma_start3A_35, %dma_start3A_36] : memref<2x128x64xbf16, #tpu.memory_space<vmem>> -> memref<1x128x64xbf16, #tpu.memory_space<vmem>>
    %dma_start3A_38 = tpu.memref_squeeze %dma_start3A_37 : memref<1x128x64xbf16, #tpu.memory_space<vmem>> -> memref<128x64xbf16, #tpu.memory_space<vmem>>
    %dma_start3A_39 = arith.constant 0 : i32
    %dma_start3A_40 = tpu.memref_slice %arg7[%dma_start3A_33, %dma_start3A_39] : memref<80x128xi32, #tpu.memory_space<vmem>> -> memref<1x128xi32, #tpu.memory_space<vmem>>
    %dma_start3A_41 = tpu.memref_squeeze %dma_start3A_40 : memref<1x128xi32, #tpu.memory_space<vmem>> -> memref<128xi32, #tpu.memory_space<vmem>>
    %dma_start3A_42 = arith.constant 0 : i32
    %dma_start3A_43 = arith.constant 0 : i32
    %dma_start3A_44 = tpu.memref_slice %arg13[%dma_start3A_42, %dma_start3A_43] : memref<10240x64xbf16, #tpu.memory_space<vmem_shared>> -> memref<10240x64xbf16, #tpu.memory_space<vmem_shared>>
    tpu.enqueue_indirect_dma source(%dma_start3A_44 : memref<10240x64xbf16, #tpu.memory_space<vmem_shared>>) target(%dma_start3A_38 : memref<128x64xbf16, #tpu.memory_space<vmem>>) offsets(%dma_start3A_41 : memref<128xi32, #tpu.memory_space<vmem>>) semaphore(%arg16 : memref<!tpu.dma_semaphore, #tpu.memory_space<semaphore_mem>>)
    %scan3A_45 = arith.constant 0 : i32
    %scan3A_46 = arith.constant 40 : i32
    %scan3A_47 = arith.addi %scan3A_45, %scan3A_46 : i32
    %scan3A_48 = arith.constant 1 : i32
    scf.for %scan3A_73 = %scan3A_45 to %scan3A_47 step %scan3A_48  : i32 {
      %mul3A_74 = arith.constant 2 : i32
      %mul3A_75 = arith.muli %scan3A_73, %mul3A_74 : i32
      %add3A_76 = arith.constant 0 : i32
      %add3A_77 = arith.addi %add3A_76, %mul3A_75 : i32
      %add3A_78 = arith.constant 0 : i32
      %add3A_79 = arith.addi %add3A_77, %add3A_78 : i32
      %add3A_80 = arith.constant 1 : i32
      %add3A_81 = arith.addi %add3A_79, %add3A_80 : i32
      %lt3A = arith.constant 80 : i32
      %lt3A_82 = arith.cmpi slt, %add3A_81, %lt3A : i32
      %convert_element_type3A = arith.extui %lt3A_82 : i1 to i32
      %cond3A = arith.constant 0 : i32
      %cond3A_83 = arith.cmpi ne, %convert_element_type3A, %cond3A : i32
      scf.if %cond3A_83 {
        %mul3A_189 = arith.constant 80 : i32
        %mul3A_190 = arith.muli %add3A, %mul3A_189 : i32
        %add3A_191 = arith.addi %mul3A_190, %add3A_81 : i32
        %mul3A_192 = arith.constant 128 : i32
        %mul3A_193 = arith.muli %add3A_191, %mul3A_192 : i32
        %dma_start3A_194 = arith.constant 1 : i32
        %dma_start3A_195 = arith.constant 0 : i32
        %dma_start3A_196 = arith.constant 0 : i32
        %dma_start3A_197 = tpu.memref_slice %arg9[%dma_start3A_194, %dma_start3A_195, %dma_start3A_196] : memref<2x128x64xbf16, #tpu.memory_space<vmem>> -> memref<1x128x64xbf16, #tpu.memory_space<vmem>>
        %dma_start3A_198 = tpu.memref_squeeze %dma_start3A_197 : memref<1x128x64xbf16, #tpu.memory_space<vmem>> -> memref<128x64xbf16, #tpu.memory_space<vmem>>
        %dma_start3A_199 = arith.constant 0 : i32
        %dma_start3A_200 = tpu.memref_slice %arg3[%mul3A_193, %dma_start3A_199] : memref<327680x64xbf16, #tpu.memory_space<hbm>> -> memref<128x64xbf16, #tpu.memory_space<hbm>>
        %dma_start3A_201 = arith.constant 0 : i32
        %dma_start3A_202 = arith.constant 0 : i32
        %dma_start3A_203 = tpu.memref_slice %arg9[%dma_start3A_194, %dma_start3A_201, %dma_start3A_202] : memref<2x128x64xbf16, #tpu.memory_space<vmem>> -> memref<1x128x64xbf16, #tpu.memory_space<vmem>>
        %dma_start3A_204 = tpu.memref_squeeze %dma_start3A_203 : memref<1x128x64xbf16, #tpu.memory_space<vmem>> -> memref<128x64xbf16, #tpu.memory_space<vmem>>
        %dma_start3A_205 = arith.constant 0 : i32
        %dma_start3A_206 = tpu.memref_slice %arg3[%mul3A_193, %dma_start3A_205] : memref<327680x64xbf16, #tpu.memory_space<hbm>> -> memref<128x64xbf16, #tpu.memory_space<hbm>>
        tpu.enqueue_dma source(%dma_start3A_206 : memref<128x64xbf16, #tpu.memory_space<hbm>>) target(%dma_start3A_204 : memref<128x64xbf16, #tpu.memory_space<vmem>>) target_semaphore(%arg15 : memref<!tpu.dma_semaphore, #tpu.memory_space<semaphore_mem>>)
        %dma_start3A_207 = arith.constant 1 : i32
        %dma_start3A_208 = arith.constant 0 : i32
        %dma_start3A_209 = arith.constant 0 : i32
        %dma_start3A_210 = tpu.memref_slice %arg10[%dma_start3A_207, %dma_start3A_208, %dma_start3A_209] : memref<2x128x64xbf16, #tpu.memory_space<vmem>> -> memref<1x128x64xbf16, #tpu.memory_space<vmem>>
        %dma_start3A_211 = tpu.memref_squeeze %dma_start3A_210 : memref<1x128x64xbf16, #tpu.memory_space<vmem>> -> memref<128x64xbf16, #tpu.memory_space<vmem>>
        %dma_start3A_212 = arith.constant 0 : i32
        %dma_start3A_213 = tpu.memref_slice %arg7[%add3A_81, %dma_start3A_212] : memref<80x128xi32, #tpu.memory_space<vmem>> -> memref<1x128xi32, #tpu.memory_space<vmem>>
        %dma_start3A_214 = tpu.memref_squeeze %dma_start3A_213 : memref<1x128xi32, #tpu.memory_space<vmem>> -> memref<128xi32, #tpu.memory_space<vmem>>
        %dma_start3A_215 = arith.constant 0 : i32
        %dma_start3A_216 = arith.constant 0 : i32
        %dma_start3A_217 = tpu.memref_slice %arg13[%dma_start3A_215, %dma_start3A_216] : memref<10240x64xbf16, #tpu.memory_space<vmem_shared>> -> memref<10240x64xbf16, #tpu.memory_space<vmem_shared>>
        tpu.enqueue_indirect_dma source(%dma_start3A_217 : memref<10240x64xbf16, #tpu.memory_space<vmem_shared>>) target(%dma_start3A_211 : memref<128x64xbf16, #tpu.memory_space<vmem>>) offsets(%dma_start3A_214 : memref<128xi32, #tpu.memory_space<vmem>>) semaphore(%arg17 : memref<!tpu.dma_semaphore, #tpu.memory_space<semaphore_mem>>)
      } else {
      }
      %dma_wait3A_84 = arith.constant 0 : i32
      %dma_wait3A_85 = arith.constant 0 : i32
      %dma_wait3A_86 = arith.constant 0 : i32
      %dma_wait3A_87 = tpu.memref_slice %arg9[%dma_wait3A_84, %dma_wait3A_85, %dma_wait3A_86] : memref<2x128x64xbf16, #tpu.memory_space<vmem>> -> memref<1x128x64xbf16, #tpu.memory_space<vmem>>
      %dma_wait3A_88 = tpu.memref_squeeze %dma_wait3A_87 : memref<1x128x64xbf16, #tpu.memory_space<vmem>> -> memref<128x64xbf16, #tpu.memory_space<vmem>>
      %dma_wait3A_89 = arith.constant 0 : i32
      %dma_wait3A_90 = arith.constant 0 : i32
      %dma_wait3A_91 = tpu.memref_slice %arg3[%dma_wait3A_89, %dma_wait3A_90] : memref<327680x64xbf16, #tpu.memory_space<hbm>> -> memref<128x64xbf16, #tpu.memory_space<hbm>>
      %dma_wait3A_92 = arith.constant 0 : i32
      %dma_wait3A_93 = arith.constant 0 : i32
      %dma_wait3A_94 = tpu.memref_slice %arg9[%dma_wait3A_84, %dma_wait3A_92, %dma_wait3A_93] : memref<2x128x64xbf16, #tpu.memory_space<vmem>> -> memref<1x128x64xbf16, #tpu.memory_space<vmem>>
      %dma_wait3A_95 = tpu.memref_squeeze %dma_wait3A_94 : memref<1x128x64xbf16, #tpu.memory_space<vmem>> -> memref<128x64xbf16, #tpu.memory_space<vmem>>
      %dma_wait3A_96 = arith.constant 0 : i32
      %dma_wait3A_97 = arith.constant 0 : i32
      %dma_wait3A_98 = tpu.memref_slice %arg3[%dma_wait3A_96, %dma_wait3A_97] : memref<327680x64xbf16, #tpu.memory_space<hbm>> -> memref<128x64xbf16, #tpu.memory_space<hbm>>
      tpu.wait_dma2 semaphore(%arg14 : memref<!tpu.dma_semaphore, #tpu.memory_space<semaphore_mem>>) src(%dma_wait3A_98 : memref<128x64xbf16, #tpu.memory_space<hbm>>) dst(%dma_wait3A_95 : memref<128x64xbf16, #tpu.memory_space<vmem>>)
      %dma_wait3A_99 = arith.constant 0 : i32
      %dma_wait3A_100 = arith.constant 0 : i32
      %dma_wait3A_101 = arith.constant 0 : i32
      %dma_wait3A_102 = tpu.memref_slice %arg10[%dma_wait3A_99, %dma_wait3A_100, %dma_wait3A_101] : memref<2x128x64xbf16, #tpu.memory_space<vmem>> -> memref<1x128x64xbf16, #tpu.memory_space<vmem>>
      %dma_wait3A_103 = tpu.memref_squeeze %dma_wait3A_102 : memref<1x128x64xbf16, #tpu.memory_space<vmem>> -> memref<128x64xbf16, #tpu.memory_space<vmem>>
      %dma_wait3A_104 = arith.constant 0 : i32
      %dma_wait3A_105 = arith.constant 0 : i32
      %dma_wait3A_106 = tpu.memref_slice %arg2[%dma_wait3A_104, %dma_wait3A_105] : memref<10240x64xbf16, #tpu.memory_space<hbm>> -> memref<128x64xbf16, #tpu.memory_space<hbm>>
      %dma_wait3A_107 = arith.constant 0 : i32
      %dma_wait3A_108 = arith.constant 0 : i32
      %dma_wait3A_109 = tpu.memref_slice %arg10[%dma_wait3A_99, %dma_wait3A_107, %dma_wait3A_108] : memref<2x128x64xbf16, #tpu.memory_space<vmem>> -> memref<1x128x64xbf16, #tpu.memory_space<vmem>>
      %dma_wait3A_110 = tpu.memref_squeeze %dma_wait3A_109 : memref<1x128x64xbf16, #tpu.memory_space<vmem>> -> memref<128x64xbf16, #tpu.memory_space<vmem>>
      %dma_wait3A_111 = arith.constant 0 : i32
      %dma_wait3A_112 = arith.constant 0 : i32
      %dma_wait3A_113 = tpu.memref_slice %arg2[%dma_wait3A_111, %dma_wait3A_112] : memref<10240x64xbf16, #tpu.memory_space<hbm>> -> memref<128x64xbf16, #tpu.memory_space<hbm>>
      tpu.wait_dma2 semaphore(%arg16 : memref<!tpu.dma_semaphore, #tpu.memory_space<semaphore_mem>>) src(%dma_wait3A_113 : memref<128x64xbf16, #tpu.memory_space<hbm>>) dst(%dma_wait3A_110 : memref<128x64xbf16, #tpu.memory_space<vmem>>)
      %parallel_loop3A = arith.constant 0 : i32
      %parallel_loop3A_114 = arith.constant 128 : i32
      %parallel_loop3A_115 = arith.constant 1 : i32
      scf.for %parallel_loop3A_189 = %parallel_loop3A to %parallel_loop3A_114 step %parallel_loop3A_115  : i32 {
        %parallel_loop3A_190 = arith.constant 0 : i32
        %parallel_loop3A_191 = arith.index_cast %parallel_loop3A_190 : i32 to index
        %parallel_loop3A_192 = arith.index_cast %parallel_loop3A_189 : i32 to index
        %parallel_loop3A_193 = arith.constant 0 : index
        %parallel_loop3A_194 = tpu.vector_load %arg9[%parallel_loop3A_191, %parallel_loop3A_192, %parallel_loop3A_193] {strides = array<i32>} : memref<2x128x64xbf16, #tpu.memory_space<vmem>>, vector<32xbf16>,
        %parallel_loop3A_195 = tpu.unpack_subelements %parallel_loop3A_194, 0 {pack_format = #tpu.pack_format<interleaved>} : vector<32xbf16> -> vector<16xf32>
        %parallel_loop3A_196 = tpu.unpack_subelements %parallel_loop3A_194, 1 {pack_format = #tpu.pack_format<interleaved>} : vector<32xbf16> -> vector<16xf32>
        %parallel_loop3A_197 = arith.constant 0 : i32
        %parallel_loop3A_198 = arith.index_cast %parallel_loop3A_197 : i32 to index
        %parallel_loop3A_199 = arith.index_cast %parallel_loop3A_189 : i32 to index
        %parallel_loop3A_200 = arith.constant 0 : index
        %parallel_loop3A_201 = tpu.vector_load %arg10[%parallel_loop3A_198, %parallel_loop3A_199, %parallel_loop3A_200] {strides = array<i32>} : memref<2x128x64xbf16, #tpu.memory_space<vmem>>, vector<32xbf16>,
        %parallel_loop3A_202 = tpu.unpack_subelements %parallel_loop3A_201, 0 {pack_format = #tpu.pack_format<interleaved>} : vector<32xbf16> -> vector<16xf32>
        %parallel_loop3A_203 = tpu.unpack_subelements %parallel_loop3A_201, 1 {pack_format = #tpu.pack_format<interleaved>} : vector<32xbf16> -> vector<16xf32>
        %parallel_loop3A_204 = arith.addf %parallel_loop3A_202, %parallel_loop3A_195 : vector<16xf32>
        %parallel_loop3A_205 = arith.constant 0.000000e+00 : f32
        %parallel_loop3A_206 = vector.broadcast %parallel_loop3A_205 : f32 to vector<16xf32>
        %parallel_loop3A_207 = arith.maximumf %parallel_loop3A_204, %parallel_loop3A_206 : vector<16xf32>
        %parallel_loop3A_208 = arith.constant 0 : i32
        %parallel_loop3A_209 = arith.index_cast %parallel_loop3A_208 : i32 to index
        %parallel_loop3A_210 = arith.index_cast %parallel_loop3A_189 : i32 to index
        %parallel_loop3A_211 = arith.constant 0 : index
        %parallel_loop3A_212 = tpu.vector_load %arg11[%parallel_loop3A_209, %parallel_loop3A_210, %parallel_loop3A_211] {strides = array<i32>} : memref<2x128x64xf32, #tpu.memory_space<vmem>>, vector<16xf32>,
        tpu.vector_store %arg11[%parallel_loop3A_209, %parallel_loop3A_210, %parallel_loop3A_211], %parallel_loop3A_207 {strides = array<i32>} : memref<2x128x64xf32, #tpu.memory_space<vmem>>, vector<16xf32>,
        %parallel_loop3A_213 = arith.addf %parallel_loop3A_203, %parallel_loop3A_196 : vector<16xf32>
        %parallel_loop3A_214 = arith.constant 0.000000e+00 : f32
        %parallel_loop3A_215 = vector.broadcast %parallel_loop3A_214 : f32 to vector<16xf32>
        %parallel_loop3A_216 = arith.maximumf %parallel_loop3A_213, %parallel_loop3A_215 : vector<16xf32>
        %parallel_loop3A_217 = arith.constant 0 : i32
        %parallel_loop3A_218 = arith.index_cast %parallel_loop3A_217 : i32 to index
        %parallel_loop3A_219 = arith.index_cast %parallel_loop3A_189 : i32 to index
        %parallel_loop3A_220 = arith.constant 16 : index
        %parallel_loop3A_221 = tpu.vector_load %arg11[%parallel_loop3A_218, %parallel_loop3A_219, %parallel_loop3A_220] {strides = array<i32>} : memref<2x128x64xf32, #tpu.memory_space<vmem>>, vector<16xf32>,
        tpu.vector_store %arg11[%parallel_loop3A_218, %parallel_loop3A_219, %parallel_loop3A_220], %parallel_loop3A_216 {strides = array<i32>} : memref<2x128x64xf32, #tpu.memory_space<vmem>>, vector<16xf32>,
        %parallel_loop3A_222 = arith.constant 0 : i32
        %parallel_loop3A_223 = arith.index_cast %parallel_loop3A_222 : i32 to index
        %parallel_loop3A_224 = arith.index_cast %parallel_loop3A_189 : i32 to index
        %parallel_loop3A_225 = arith.constant 32 : index
        %parallel_loop3A_226 = tpu.vector_load %arg9[%parallel_loop3A_223, %parallel_loop3A_224, %parallel_loop3A_225] {strides = array<i32>} : memref<2x128x64xbf16, #tpu.memory_space<vmem>>, vector<32xbf16>,
        %parallel_loop3A_227 = tpu.unpack_subelements %parallel_loop3A_226, 0 {pack_format = #tpu.pack_format<interleaved>} : vector<32xbf16> -> vector<16xf32>
        %parallel_loop3A_228 = tpu.unpack_subelements %parallel_loop3A_226, 1 {pack_format = #tpu.pack_format<interleaved>} : vector<32xbf16> -> vector<16xf32>
        %parallel_loop3A_229 = arith.constant 0 : i32
        %parallel_loop3A_230 = arith.index_cast %parallel_loop3A_229 : i32 to index
        %parallel_loop3A_231 = arith.index_cast %parallel_loop3A_189 : i32 to index
        %parallel_loop3A_232 = arith.constant 32 : index
        %parallel_loop3A_233 = tpu.vector_load %arg10[%parallel_loop3A_230, %parallel_loop3A_231, %parallel_loop3A_232] {strides = array<i32>} : memref<2x128x64xbf16, #tpu.memory_space<vmem>>, vector<32xbf16>,
        %parallel_loop3A_234 = tpu.unpack_subelements %parallel_loop3A_233, 0 {pack_format = #tpu.pack_format<interleaved>} : vector<32xbf16> -> vector<16xf32>
        %parallel_loop3A_235 = tpu.unpack_subelements %parallel_loop3A_233, 1 {pack_format = #tpu.pack_format<interleaved>} : vector<32xbf16> -> vector<16xf32>
        %parallel_loop3A_236 = arith.addf %parallel_loop3A_234, %parallel_loop3A_227 : vector<16xf32>
        %parallel_loop3A_237 = arith.constant 0.000000e+00 : f32
        %parallel_loop3A_238 = vector.broadcast %parallel_loop3A_237 : f32 to vector<16xf32>
        %parallel_loop3A_239 = arith.maximumf %parallel_loop3A_236, %parallel_loop3A_238 : vector<16xf32>
        %parallel_loop3A_240 = arith.constant 0 : i32
        %parallel_loop3A_241 = arith.index_cast %parallel_loop3A_240 : i32 to index
        %parallel_loop3A_242 = arith.index_cast %parallel_loop3A_189 : i32 to index
        %parallel_loop3A_243 = arith.constant 32 : index
        %parallel_loop3A_244 = tpu.vector_load %arg11[%parallel_loop3A_241, %parallel_loop3A_242, %parallel_loop3A_243] {strides = array<i32>} : memref<2x128x64xf32, #tpu.memory_space<vmem>>, vector<16xf32>,
        tpu.vector_store %arg11[%parallel_loop3A_241, %parallel_loop3A_242, %parallel_loop3A_243], %parallel_loop3A_239 {strides = array<i32>} : memref<2x128x64xf32, #tpu.memory_space<vmem>>, vector<16xf32>,
        %parallel_loop3A_245 = arith.addf %parallel_loop3A_235, %parallel_loop3A_228 : vector<16xf32>
        %parallel_loop3A_246 = arith.constant 0.000000e+00 : f32
        %parallel_loop3A_247 = vector.broadcast %parallel_loop3A_246 : f32 to vector<16xf32>
        %parallel_loop3A_248 = arith.maximumf %parallel_loop3A_245, %parallel_loop3A_247 : vector<16xf32>
        %parallel_loop3A_249 = arith.constant 0 : i32
        %parallel_loop3A_250 = arith.index_cast %parallel_loop3A_249 : i32 to index
        %parallel_loop3A_251 = arith.index_cast %parallel_loop3A_189 : i32 to index
        %parallel_loop3A_252 = arith.constant 48 : index
        %parallel_loop3A_253 = tpu.vector_load %arg11[%parallel_loop3A_250, %parallel_loop3A_251, %parallel_loop3A_252] {strides = array<i32>} : memref<2x128x64xf32, #tpu.memory_space<vmem>>, vector<16xf32>,
        tpu.vector_store %arg11[%parallel_loop3A_250, %parallel_loop3A_251, %parallel_loop3A_252], %parallel_loop3A_248 {strides = array<i32>} : memref<2x128x64xf32, #tpu.memory_space<vmem>>, vector<16xf32>,
      } {sc.loop_unroll_factor = 4 : i64, sc.parallel_access}
      %ge3A = arith.constant 1 : i32
      %ge3A_116 = arith.cmpi sge, %add3A_79, %ge3A : i32
      %convert_element_type3A_117 = arith.extui %ge3A_116 : i1 to i32
      %cond3A_118 = arith.constant 0 : i32
      %cond3A_119 = arith.cmpi ne, %convert_element_type3A_117, %cond3A_118 : i32
      scf.if %cond3A_119 {
        %dma_wait3A_189 = arith.constant 0 : i32
        %dma_wait3A_190 = arith.constant 1 : i32
        %dma_wait3A_191 = arith.constant 0 : i32
        %dma_wait3A_192 = arith.constant 0 : i32
        %dma_wait3A_193 = tpu.memref_slice %arg11[%dma_wait3A_190, %dma_wait3A_191, %dma_wait3A_192] : memref<2x128x64xf32, #tpu.memory_space<vmem>> -> memref<1x128x64xf32, #tpu.memory_space<vmem>>
        %dma_wait3A_194 = tpu.memref_squeeze %dma_wait3A_193 : memref<1x128x64xf32, #tpu.memory_space<vmem>> -> memref<128x64xf32, #tpu.memory_space<vmem>>
        %dma_wait3A_195 = arith.constant 0 : i32
        %dma_wait3A_196 = arith.constant 0 : i32
        %dma_wait3A_197 = tpu.memref_slice %arg6[%dma_wait3A_189, %dma_wait3A_195, %dma_wait3A_196] : memref<2x10240x64xf32, #tpu.memory_space<hbm>> -> memref<1x128x64xf32, #tpu.memory_space<hbm>>
        %dma_wait3A_198 = tpu.memref_squeeze %dma_wait3A_197 : memref<1x128x64xf32, #tpu.memory_space<hbm>> -> memref<128x64xf32, #tpu.memory_space<hbm>>
        %dma_wait3A_199 = arith.constant 0 : i32
        %dma_wait3A_200 = arith.constant 0 : i32
        %dma_wait3A_201 = tpu.memref_slice %arg11[%dma_wait3A_190, %dma_wait3A_199, %dma_wait3A_200] : memref<2x128x64xf32, #tpu.memory_space<vmem>> -> memref<1x128x64xf32, #tpu.memory_space<vmem>>
        %dma_wait3A_202 = tpu.memref_squeeze %dma_wait3A_201 : memref<1x128x64xf32, #tpu.memory_space<vmem>> -> memref<128x64xf32, #tpu.memory_space<vmem>>
        %dma_wait3A_203 = arith.constant 0 : i32
        %dma_wait3A_204 = arith.constant 0 : i32
        %dma_wait3A_205 = tpu.memref_slice %arg6[%dma_wait3A_189, %dma_wait3A_203, %dma_wait3A_204] : memref<2x10240x64xf32, #tpu.memory_space<hbm>> -> memref<1x128x64xf32, #tpu.memory_space<hbm>>
        %dma_wait3A_206 = tpu.memref_squeeze %dma_wait3A_205 : memref<1x128x64xf32, #tpu.memory_space<hbm>> -> memref<128x64xf32, #tpu.memory_space<hbm>>
        tpu.wait_dma2 semaphore(%arg19 : memref<!tpu.dma_semaphore, #tpu.memory_space<semaphore_mem>>) src(%dma_wait3A_206 : memref<128x64xf32, #tpu.memory_space<hbm>>) dst(%dma_wait3A_202 : memref<128x64xf32, #tpu.memory_space<vmem>>)
      } else {
      }
      %dma_start3A_120 = arith.constant 0 : i32
      %dma_start3A_121 = arith.constant 0 : i32
      %dma_start3A_122 = arith.constant 0 : i32
      %dma_start3A_123 = tpu.memref_slice %arg11[%dma_start3A_120, %dma_start3A_121, %dma_start3A_122] : memref<2x128x64xf32, #tpu.memory_space<vmem>> -> memref<1x128x64xf32, #tpu.memory_space<vmem>>
      %dma_start3A_124 = tpu.memref_squeeze %dma_start3A_123 : memref<1x128x64xf32, #tpu.memory_space<vmem>> -> memref<128x64xf32, #tpu.memory_space<vmem>>
      %dma_start3A_125 = arith.constant 0 : i32
      %dma_start3A_126 = tpu.memref_slice %arg8[%add3A_79, %dma_start3A_125] : memref<80x128xi32, #tpu.memory_space<vmem>> -> memref<1x128xi32, #tpu.memory_space<vmem>>
      %dma_start3A_127 = tpu.memref_squeeze %dma_start3A_126 : memref<1x128xi32, #tpu.memory_space<vmem>> -> memref<128xi32, #tpu.memory_space<vmem>>
      %dma_start3A_128 = arith.constant 0 : i32
      %dma_start3A_129 = arith.constant 0 : i32
      %dma_start3A_130 = tpu.memref_slice %arg12[%dma_start3A_128, %dma_start3A_129] : memref<10240x64xf32, #tpu.memory_space<vmem_shared>> -> memref<10240x64xf32, #tpu.memory_space<vmem_shared>>
      tpu.enqueue_indirect_dma source(%dma_start3A_124 : memref<128x64xf32, #tpu.memory_space<vmem>>) target(%dma_start3A_130 : memref<10240x64xf32, #tpu.memory_space<vmem_shared>>) offsets(%dma_start3A_127 : memref<128xi32, #tpu.memory_space<vmem>>) semaphore(%arg18 : memref<!tpu.dma_semaphore, #tpu.memory_space<semaphore_mem>>) {add = true}
      %add3A_131 = arith.constant 1 : i32
      %add3A_132 = arith.addi %add3A_77, %add3A_131 : i32
      %add3A_133 = arith.constant 1 : i32
      %add3A_134 = arith.addi %add3A_132, %add3A_133 : i32
      %lt3A_135 = arith.constant 80 : i32
      %lt3A_136 = arith.cmpi slt, %add3A_134, %lt3A_135 : i32
      %convert_element_type3A_137 = arith.extui %lt3A_136 : i1 to i32
      %cond3A_138 = arith.constant 0 : i32
      %cond3A_139 = arith.cmpi ne, %convert_element_type3A_137, %cond3A_138 : i32
      scf.if %cond3A_139 {
        %mul3A_189 = arith.constant 80 : i32
        %mul3A_190 = arith.muli %add3A, %mul3A_189 : i32
        %add3A_191 = arith.addi %mul3A_190, %add3A_134 : i32
        %mul3A_192 = arith.constant 128 : i32
        %mul3A_193 = arith.muli %add3A_191, %mul3A_192 : i32
        %dma_start3A_194 = arith.constant 0 : i32
        %dma_start3A_195 = arith.constant 0 : i32
        %dma_start3A_196 = arith.constant 0 : i32
        %dma_start3A_197 = tpu.memref_slice %arg9[%dma_start3A_194, %dma_start3A_195, %dma_start3A_196] : memref<2x128x64xbf16, #tpu.memory_space<vmem>> -> memref<1x128x64xbf16, #tpu.memory_space<vmem>>
        %dma_start3A_198 = tpu.memref_squeeze %dma_start3A_197 : memref<1x128x64xbf16, #tpu.memory_space<vmem>> -> memref<128x64xbf16, #tpu.memory_space<vmem>>
        %dma_start3A_199 = arith.constant 0 : i32
        %dma_start3A_200 = tpu.memref_slice %arg3[%mul3A_193, %dma_start3A_199] : memref<327680x64xbf16, #tpu.memory_space<hbm>> -> memref<128x64xbf16, #tpu.memory_space<hbm>>
        %dma_start3A_201 = arith.constant 0 : i32
        %dma_start3A_202 = arith.constant 0 : i32
        %dma_start3A_203 = tpu.memref_slice %arg9[%dma_start3A_194, %dma_start3A_201, %dma_start3A_202] : memref<2x128x64xbf16, #tpu.memory_space<vmem>> -> memref<1x128x64xbf16, #tpu.memory_space<vmem>>
        %dma_start3A_204 = tpu.memref_squeeze %dma_start3A_203 : memref<1x128x64xbf16, #tpu.memory_space<vmem>> -> memref<128x64xbf16, #tpu.memory_space<vmem>>
        %dma_start3A_205 = arith.constant 0 : i32
        %dma_start3A_206 = tpu.memref_slice %arg3[%mul3A_193, %dma_start3A_205] : memref<327680x64xbf16, #tpu.memory_space<hbm>> -> memref<128x64xbf16, #tpu.memory_space<hbm>>
        tpu.enqueue_dma source(%dma_start3A_206 : memref<128x64xbf16, #tpu.memory_space<hbm>>) target(%dma_start3A_204 : memref<128x64xbf16, #tpu.memory_space<vmem>>) target_semaphore(%arg14 : memref<!tpu.dma_semaphore, #tpu.memory_space<semaphore_mem>>)
        %dma_start3A_207 = arith.constant 0 : i32
        %dma_start3A_208 = arith.constant 0 : i32
        %dma_start3A_209 = arith.constant 0 : i32
        %dma_start3A_210 = tpu.memref_slice %arg10[%dma_start3A_207, %dma_start3A_208, %dma_start3A_209] : memref<2x128x64xbf16, #tpu.memory_space<vmem>> -> memref<1x128x64xbf16, #tpu.memory_space<vmem>>
        %dma_start3A_211 = tpu.memref_squeeze %dma_start3A_210 : memref<1x128x64xbf16, #tpu.memory_space<vmem>> -> memref<128x64xbf16, #tpu.memory_space<vmem>>
        %dma_start3A_212 = arith.constant 0 : i32
        %dma_start3A_213 = tpu.memref_slice %arg7[%add3A_134, %dma_start3A_212] : memref<80x128xi32, #tpu.memory_space<vmem>> -> memref<1x128xi32, #tpu.memory_space<vmem>>
        %dma_start3A_214 = tpu.memref_squeeze %dma_start3A_213 : memref<1x128xi32, #tpu.memory_space<vmem>> -> memref<128xi32, #tpu.memory_space<vmem>>
        %dma_start3A_215 = arith.constant 0 : i32
        %dma_start3A_216 = arith.constant 0 : i32
        %dma_start3A_217 = tpu.memref_slice %arg13[%dma_start3A_215, %dma_start3A_216] : memref<10240x64xbf16, #tpu.memory_space<vmem_shared>> -> memref<10240x64xbf16, #tpu.memory_space<vmem_shared>>
        tpu.enqueue_indirect_dma source(%dma_start3A_217 : memref<10240x64xbf16, #tpu.memory_space<vmem_shared>>) target(%dma_start3A_211 : memref<128x64xbf16, #tpu.memory_space<vmem>>) offsets(%dma_start3A_214 : memref<128xi32, #tpu.memory_space<vmem>>) semaphore(%arg16 : memref<!tpu.dma_semaphore, #tpu.memory_space<semaphore_mem>>)
      } else {
      }
      %dma_wait3A_140 = arith.constant 1 : i32
      %dma_wait3A_141 = arith.constant 0 : i32
      %dma_wait3A_142 = arith.constant 0 : i32
      %dma_wait3A_143 = tpu.memref_slice %arg9[%dma_wait3A_140, %dma_wait3A_141, %dma_wait3A_142] : memref<2x128x64xbf16, #tpu.memory_space<vmem>> -> memref<1x128x64xbf16, #tpu.memory_space<vmem>>
      %dma_wait3A_144 = tpu.memref_squeeze %dma_wait3A_143 : memref<1x128x64xbf16, #tpu.memory_space<vmem>> -> memref<128x64xbf16, #tpu.memory_space<vmem>>
      %dma_wait3A_145 = arith.constant 0 : i32
      %dma_wait3A_146 = arith.constant 0 : i32
      %dma_wait3A_147 = tpu.memref_slice %arg3[%dma_wait3A_145, %dma_wait3A_146] : memref<327680x64xbf16, #tpu.memory_space<hbm>> -> memref<128x64xbf16, #tpu.memory_space<hbm>>
      %dma_wait3A_148 = arith.constant 0 : i32
      %dma_wait3A_149 = arith.constant 0 : i32
      %dma_wait3A_150 = tpu.memref_slice %arg9[%dma_wait3A_140, %dma_wait3A_148, %dma_wait3A_149] : memref<2x128x64xbf16, #tpu.memory_space<vmem>> -> memref<1x128x64xbf16, #tpu.memory_space<vmem>>
      %dma_wait3A_151 = tpu.memref_squeeze %dma_wait3A_150 : memref<1x128x64xbf16, #tpu.memory_space<vmem>> -> memref<128x64xbf16, #tpu.memory_space<vmem>>
      %dma_wait3A_152 = arith.constant 0 : i32
      %dma_wait3A_153 = arith.constant 0 : i32
      %dma_wait3A_154 = tpu.memref_slice %arg3[%dma_wait3A_152, %dma_wait3A_153] : memref<327680x64xbf16, #tpu.memory_space<hbm>> -> memref<128x64xbf16, #tpu.memory_space<hbm>>
      tpu.wait_dma2 semaphore(%arg15 : memref<!tpu.dma_semaphore, #tpu.memory_space<semaphore_mem>>) src(%dma_wait3A_154 : memref<128x64xbf16, #tpu.memory_space<hbm>>) dst(%dma_wait3A_151 : memref<128x64xbf16, #tpu.memory_space<vmem>>)
      %dma_wait3A_155 = arith.constant 1 : i32
      %dma_wait3A_156 = arith.constant 0 : i32
      %dma_wait3A_157 = arith.constant 0 : i32
      %dma_wait3A_158 = tpu.memref_slice %arg10[%dma_wait3A_155, %dma_wait3A_156, %dma_wait3A_157] : memref<2x128x64xbf16, #tpu.memory_space<vmem>> -> memref<1x128x64xbf16, #tpu.memory_space<vmem>>
      %dma_wait3A_159 = tpu.memref_squeeze %dma_wait3A_158 : memref<1x128x64xbf16, #tpu.memory_space<vmem>> -> memref<128x64xbf16, #tpu.memory_space<vmem>>
      %dma_wait3A_160 = arith.constant 0 : i32
      %dma_wait3A_161 = arith.constant 0 : i32
      %dma_wait3A_162 = tpu.memref_slice %arg2[%dma_wait3A_160, %dma_wait3A_161] : memref<10240x64xbf16, #tpu.memory_space<hbm>> -> memref<128x64xbf16, #tpu.memory_space<hbm>>
      %dma_wait3A_163 = arith.constant 0 : i32
      %dma_wait3A_164 = arith.constant 0 : i32
      %dma_wait3A_165 = tpu.memref_slice %arg10[%dma_wait3A_155, %dma_wait3A_163, %dma_wait3A_164] : memref<2x128x64xbf16, #tpu.memory_space<vmem>> -> memref<1x128x64xbf16, #tpu.memory_space<vmem>>
      %dma_wait3A_166 = tpu.memref_squeeze %dma_wait3A_165 : memref<1x128x64xbf16, #tpu.memory_space<vmem>> -> memref<128x64xbf16, #tpu.memory_space<vmem>>
      %dma_wait3A_167 = arith.constant 0 : i32
      %dma_wait3A_168 = arith.constant 0 : i32
      %dma_wait3A_169 = tpu.memref_slice %arg2[%dma_wait3A_167, %dma_wait3A_168] : memref<10240x64xbf16, #tpu.memory_space<hbm>> -> memref<128x64xbf16, #tpu.memory_space<hbm>>
      tpu.wait_dma2 semaphore(%arg17 : memref<!tpu.dma_semaphore, #tpu.memory_space<semaphore_mem>>) src(%dma_wait3A_169 : memref<128x64xbf16, #tpu.memory_space<hbm>>) dst(%dma_wait3A_166 : memref<128x64xbf16, #tpu.memory_space<vmem>>)
      %parallel_loop3A_170 = arith.constant 0 : i32
      %parallel_loop3A_171 = arith.constant 128 : i32
      %parallel_loop3A_172 = arith.constant 1 : i32
      scf.for %parallel_loop3A_189 = %parallel_loop3A_170 to %parallel_loop3A_171 step %parallel_loop3A_172  : i32 {
        %parallel_loop3A_190 = arith.constant 1 : i32
        %parallel_loop3A_191 = arith.index_cast %parallel_loop3A_190 : i32 to index
        %parallel_loop3A_192 = arith.index_cast %parallel_loop3A_189 : i32 to index
        %parallel_loop3A_193 = arith.constant 0 : index
        %parallel_loop3A_194 = tpu.vector_load %arg9[%parallel_loop3A_191, %parallel_loop3A_192, %parallel_loop3A_193] {strides = array<i32>} : memref<2x128x64xbf16, #tpu.memory_space<vmem>>, vector<32xbf16>,
        %parallel_loop3A_195 = tpu.unpack_subelements %parallel_loop3A_194, 0 {pack_format = #tpu.pack_format<interleaved>} : vector<32xbf16> -> vector<16xf32>
        %parallel_loop3A_196 = tpu.unpack_subelements %parallel_loop3A_194, 1 {pack_format = #tpu.pack_format<interleaved>} : vector<32xbf16> -> vector<16xf32>
        %parallel_loop3A_197 = arith.constant 1 : i32
        %parallel_loop3A_198 = arith.index_cast %parallel_loop3A_197 : i32 to index
        %parallel_loop3A_199 = arith.index_cast %parallel_loop3A_189 : i32 to index
        %parallel_loop3A_200 = arith.constant 0 : index
        %parallel_loop3A_201 = tpu.vector_load %arg10[%parallel_loop3A_198, %parallel_loop3A_199, %parallel_loop3A_200] {strides = array<i32>} : memref<2x128x64xbf16, #tpu.memory_space<vmem>>, vector<32xbf16>,
        %parallel_loop3A_202 = tpu.unpack_subelements %parallel_loop3A_201, 0 {pack_format = #tpu.pack_format<interleaved>} : vector<32xbf16> -> vector<16xf32>
        %parallel_loop3A_203 = tpu.unpack_subelements %parallel_loop3A_201, 1 {pack_format = #tpu.pack_format<interleaved>} : vector<32xbf16> -> vector<16xf32>
        %parallel_loop3A_204 = arith.addf %parallel_loop3A_202, %parallel_loop3A_195 : vector<16xf32>
        %parallel_loop3A_205 = arith.constant 0.000000e+00 : f32
        %parallel_loop3A_206 = vector.broadcast %parallel_loop3A_205 : f32 to vector<16xf32>
        %parallel_loop3A_207 = arith.maximumf %parallel_loop3A_204, %parallel_loop3A_206 : vector<16xf32>
        %parallel_loop3A_208 = arith.constant 1 : i32
        %parallel_loop3A_209 = arith.index_cast %parallel_loop3A_208 : i32 to index
        %parallel_loop3A_210 = arith.index_cast %parallel_loop3A_189 : i32 to index
        %parallel_loop3A_211 = arith.constant 0 : index
        %parallel_loop3A_212 = tpu.vector_load %arg11[%parallel_loop3A_209, %parallel_loop3A_210, %parallel_loop3A_211] {strides = array<i32>} : memref<2x128x64xf32, #tpu.memory_space<vmem>>, vector<16xf32>,
        tpu.vector_store %arg11[%parallel_loop3A_209, %parallel_loop3A_210, %parallel_loop3A_211], %parallel_loop3A_207 {strides = array<i32>} : memref<2x128x64xf32, #tpu.memory_space<vmem>>, vector<16xf32>,
        %parallel_loop3A_213 = arith.addf %parallel_loop3A_203, %parallel_loop3A_196 : vector<16xf32>
        %parallel_loop3A_214 = arith.constant 0.000000e+00 : f32
        %parallel_loop3A_215 = vector.broadcast %parallel_loop3A_214 : f32 to vector<16xf32>
        %parallel_loop3A_216 = arith.maximumf %parallel_loop3A_213, %parallel_loop3A_215 : vector<16xf32>
        %parallel_loop3A_217 = arith.constant 1 : i32
        %parallel_loop3A_218 = arith.index_cast %parallel_loop3A_217 : i32 to index
        %parallel_loop3A_219 = arith.index_cast %parallel_loop3A_189 : i32 to index
        %parallel_loop3A_220 = arith.constant 16 : index
        %parallel_loop3A_221 = tpu.vector_load %arg11[%parallel_loop3A_218, %parallel_loop3A_219, %parallel_loop3A_220] {strides = array<i32>} : memref<2x128x64xf32, #tpu.memory_space<vmem>>, vector<16xf32>,
        tpu.vector_store %arg11[%parallel_loop3A_218, %parallel_loop3A_219, %parallel_loop3A_220], %parallel_loop3A_216 {strides = array<i32>} : memref<2x128x64xf32, #tpu.memory_space<vmem>>, vector<16xf32>,
        %parallel_loop3A_222 = arith.constant 1 : i32
        %parallel_loop3A_223 = arith.index_cast %parallel_loop3A_222 : i32 to index
        %parallel_loop3A_224 = arith.index_cast %parallel_loop3A_189 : i32 to index
        %parallel_loop3A_225 = arith.constant 32 : index
        %parallel_loop3A_226 = tpu.vector_load %arg9[%parallel_loop3A_223, %parallel_loop3A_224, %parallel_loop3A_225] {strides = array<i32>} : memref<2x128x64xbf16, #tpu.memory_space<vmem>>, vector<32xbf16>,
        %parallel_loop3A_227 = tpu.unpack_subelements %parallel_loop3A_226, 0 {pack_format = #tpu.pack_format<interleaved>} : vector<32xbf16> -> vector<16xf32>
        %parallel_loop3A_228 = tpu.unpack_subelements %parallel_loop3A_226, 1 {pack_format = #tpu.pack_format<interleaved>} : vector<32xbf16> -> vector<16xf32>
        %parallel_loop3A_229 = arith.constant 1 : i32
        %parallel_loop3A_230 = arith.index_cast %parallel_loop3A_229 : i32 to index
        %parallel_loop3A_231 = arith.index_cast %parallel_loop3A_189 : i32 to index
        %parallel_loop3A_232 = arith.constant 32 : index
        %parallel_loop3A_233 = tpu.vector_load %arg10[%parallel_loop3A_230, %parallel_loop3A_231, %parallel_loop3A_232] {strides = array<i32>} : memref<2x128x64xbf16, #tpu.memory_space<vmem>>, vector<32xbf16>,
        %parallel_loop3A_234 = tpu.unpack_subelements %parallel_loop3A_233, 0 {pack_format = #tpu.pack_format<interleaved>} : vector<32xbf16> -> vector<16xf32>
        %parallel_loop3A_235 = tpu.unpack_subelements %parallel_loop3A_233, 1 {pack_format = #tpu.pack_format<interleaved>} : vector<32xbf16> -> vector<16xf32>
        %parallel_loop3A_236 = arith.addf %parallel_loop3A_234, %parallel_loop3A_227 : vector<16xf32>
        %parallel_loop3A_237 = arith.constant 0.000000e+00 : f32
        %parallel_loop3A_238 = vector.broadcast %parallel_loop3A_237 : f32 to vector<16xf32>
        %parallel_loop3A_239 = arith.maximumf %parallel_loop3A_236, %parallel_loop3A_238 : vector<16xf32>
        %parallel_loop3A_240 = arith.constant 1 : i32
        %parallel_loop3A_241 = arith.index_cast %parallel_loop3A_240 : i32 to index
        %parallel_loop3A_242 = arith.index_cast %parallel_loop3A_189 : i32 to index
        %parallel_loop3A_243 = arith.constant 32 : index
        %parallel_loop3A_244 = tpu.vector_load %arg11[%parallel_loop3A_241, %parallel_loop3A_242, %parallel_loop3A_243] {strides = array<i32>} : memref<2x128x64xf32, #tpu.memory_space<vmem>>, vector<16xf32>,
        tpu.vector_store %arg11[%parallel_loop3A_241, %parallel_loop3A_242, %parallel_loop3A_243], %parallel_loop3A_239 {strides = array<i32>} : memref<2x128x64xf32, #tpu.memory_space<vmem>>, vector<16xf32>,
        %parallel_loop3A_245 = arith.addf %parallel_loop3A_235, %parallel_loop3A_228 : vector<16xf32>
        %parallel_loop3A_246 = arith.constant 0.000000e+00 : f32
        %parallel_loop3A_247 = vector.broadcast %parallel_loop3A_246 : f32 to vector<16xf32>
        %parallel_loop3A_248 = arith.maximumf %parallel_loop3A_245, %parallel_loop3A_247 : vector<16xf32>
        %parallel_loop3A_249 = arith.constant 1 : i32
        %parallel_loop3A_250 = arith.index_cast %parallel_loop3A_249 : i32 to index
        %parallel_loop3A_251 = arith.index_cast %parallel_loop3A_189 : i32 to index
        %parallel_loop3A_252 = arith.constant 48 : index
        %parallel_loop3A_253 = tpu.vector_load %arg11[%parallel_loop3A_250, %parallel_loop3A_251, %parallel_loop3A_252] {strides = array<i32>} : memref<2x128x64xf32, #tpu.memory_space<vmem>>, vector<16xf32>,
        tpu.vector_store %arg11[%parallel_loop3A_250, %parallel_loop3A_251, %parallel_loop3A_252], %parallel_loop3A_248 {strides = array<i32>} : memref<2x128x64xf32, #tpu.memory_space<vmem>>, vector<16xf32>,
      } {sc.loop_unroll_factor = 4 : i64, sc.parallel_access}
      %ge3A_173 = arith.constant 1 : i32
      %ge3A_174 = arith.cmpi sge, %add3A_132, %ge3A_173 : i32
      %convert_element_type3A_175 = arith.extui %ge3A_174 : i1 to i32
      %cond3A_176 = arith.constant 0 : i32
      %cond3A_177 = arith.cmpi ne, %convert_element_type3A_175, %cond3A_176 : i32
      scf.if %cond3A_177 {
        %dma_wait3A_189 = arith.constant 0 : i32
        %dma_wait3A_190 = arith.constant 0 : i32
        %dma_wait3A_191 = arith.constant 0 : i32
        %dma_wait3A_192 = arith.constant 0 : i32
        %dma_wait3A_193 = tpu.memref_slice %arg11[%dma_wait3A_190, %dma_wait3A_191, %dma_wait3A_192] : memref<2x128x64xf32, #tpu.memory_space<vmem>> -> memref<1x128x64xf32, #tpu.memory_space<vmem>>
        %dma_wait3A_194 = tpu.memref_squeeze %dma_wait3A_193 : memref<1x128x64xf32, #tpu.memory_space<vmem>> -> memref<128x64xf32, #tpu.memory_space<vmem>>
        %dma_wait3A_195 = arith.constant 0 : i32
        %dma_wait3A_196 = arith.constant 0 : i32
        %dma_wait3A_197 = tpu.memref_slice %arg6[%dma_wait3A_189, %dma_wait3A_195, %dma_wait3A_196] : memref<2x10240x64xf32, #tpu.memory_space<hbm>> -> memref<1x128x64xf32, #tpu.memory_space<hbm>>
        %dma_wait3A_198 = tpu.memref_squeeze %dma_wait3A_197 : memref<1x128x64xf32, #tpu.memory_space<hbm>> -> memref<128x64xf32, #tpu.memory_space<hbm>>
        %dma_wait3A_199 = arith.constant 0 : i32
        %dma_wait3A_200 = arith.constant 0 : i32
        %dma_wait3A_201 = tpu.memref_slice %arg11[%dma_wait3A_190, %dma_wait3A_199, %dma_wait3A_200] : memref<2x128x64xf32, #tpu.memory_space<vmem>> -> memref<1x128x64xf32, #tpu.memory_space<vmem>>
        %dma_wait3A_202 = tpu.memref_squeeze %dma_wait3A_201 : memref<1x128x64xf32, #tpu.memory_space<vmem>> -> memref<128x64xf32, #tpu.memory_space<vmem>>
        %dma_wait3A_203 = arith.constant 0 : i32
        %dma_wait3A_204 = arith.constant 0 : i32
        %dma_wait3A_205 = tpu.memref_slice %arg6[%dma_wait3A_189, %dma_wait3A_203, %dma_wait3A_204] : memref<2x10240x64xf32, #tpu.memory_space<hbm>> -> memref<1x128x64xf32, #tpu.memory_space<hbm>>
        %dma_wait3A_206 = tpu.memref_squeeze %dma_wait3A_205 : memref<1x128x64xf32, #tpu.memory_space<hbm>> -> memref<128x64xf32, #tpu.memory_space<hbm>>
        tpu.wait_dma2 semaphore(%arg18 : memref<!tpu.dma_semaphore, #tpu.memory_space<semaphore_mem>>) src(%dma_wait3A_206 : memref<128x64xf32, #tpu.memory_space<hbm>>) dst(%dma_wait3A_202 : memref<128x64xf32, #tpu.memory_space<vmem>>)
      } else {
      }
      %dma_start3A_178 = arith.constant 1 : i32
      %dma_start3A_179 = arith.constant 0 : i32
      %dma_start3A_180 = arith.constant 0 : i32
      %dma_start3A_181 = tpu.memref_slice %arg11[%dma_start3A_178, %dma_start3A_179, %dma_start3A_180] : memref<2x128x64xf32, #tpu.memory_space<vmem>> -> memref<1x128x64xf32, #tpu.memory_space<vmem>>
      %dma_start3A_182 = tpu.memref_squeeze %dma_start3A_181 : memref<1x128x64xf32, #tpu.memory_space<vmem>> -> memref<128x64xf32, #tpu.memory_space<vmem>>
      %dma_start3A_183 = arith.constant 0 : i32
      %dma_start3A_184 = tpu.memref_slice %arg8[%add3A_132, %dma_start3A_183] : memref<80x128xi32, #tpu.memory_space<vmem>> -> memref<1x128xi32, #tpu.memory_space<vmem>>
      %dma_start3A_185 = tpu.memref_squeeze %dma_start3A_184 : memref<1x128xi32, #tpu.memory_space<vmem>> -> memref<128xi32, #tpu.memory_space<vmem>>
      %dma_start3A_186 = arith.constant 0 : i32
      %dma_start3A_187 = arith.constant 0 : i32
      %dma_start3A_188 = tpu.memref_slice %arg12[%dma_start3A_186, %dma_start3A_187] : memref<10240x64xf32, #tpu.memory_space<vmem_shared>> -> memref<10240x64xf32, #tpu.memory_space<vmem_shared>>
      tpu.enqueue_indirect_dma source(%dma_start3A_182 : memref<128x64xf32, #tpu.memory_space<vmem>>) target(%dma_start3A_188 : memref<10240x64xf32, #tpu.memory_space<vmem_shared>>) offsets(%dma_start3A_185 : memref<128xi32, #tpu.memory_space<vmem>>) semaphore(%arg19 : memref<!tpu.dma_semaphore, #tpu.memory_space<semaphore_mem>>) {add = true}
    }
    %scan3A_49 = arith.constant 40 : i32
    %dma_wait3A = arith.constant 0 : i32
    %dma_wait3A_50 = arith.constant 1 : i32
    %dma_wait3A_51 = arith.constant 0 : i32
    %dma_wait3A_52 = arith.constant 0 : i32
    %dma_wait3A_53 = tpu.memref_slice %arg11[%dma_wait3A_50, %dma_wait3A_51, %dma_wait3A_52] : memref<2x128x64xf32, #tpu.memory_space<vmem>> -> memref<1x128x64xf32, #tpu.memory_space<vmem>>
    %dma_wait3A_54 = tpu.memref_squeeze %dma_wait3A_53 : memref<1x128x64xf32, #tpu.memory_space<vmem>> -> memref<128x64xf32, #tpu.memory_space<vmem>>
    %dma_wait3A_55 = arith.constant 0 : i32
    %dma_wait3A_56 = arith.constant 0 : i32
    %dma_wait3A_57 = tpu.memref_slice %arg6[%dma_wait3A, %dma_wait3A_55, %dma_wait3A_56] : memref<2x10240x64xf32, #tpu.memory_space<hbm>> -> memref<1x128x64xf32, #tpu.memory_space<hbm>>
    %dma_wait3A_58 = tpu.memref_squeeze %dma_wait3A_57 : memref<1x128x64xf32, #tpu.memory_space<hbm>> -> memref<128x64xf32, #tpu.memory_space<hbm>>
    %dma_wait3A_59 = arith.constant 0 : i32
    %dma_wait3A_60 = arith.constant 0 : i32
    %dma_wait3A_61 = tpu.memref_slice %arg11[%dma_wait3A_50, %dma_wait3A_59, %dma_wait3A_60] : memref<2x128x64xf32, #tpu.memory_space<vmem>> -> memref<1x128x64xf32, #tpu.memory_space<vmem>>
    %dma_wait3A_62 = tpu.memref_squeeze %dma_wait3A_61 : memref<1x128x64xf32, #tpu.memory_space<vmem>> -> memref<128x64xf32, #tpu.memory_space<vmem>>
    %dma_wait3A_63 = arith.constant 0 : i32
    %dma_wait3A_64 = arith.constant 0 : i32
    %dma_wait3A_65 = tpu.memref_slice %arg6[%dma_wait3A, %dma_wait3A_63, %dma_wait3A_64] : memref<2x10240x64xf32, #tpu.memory_space<hbm>> -> memref<1x128x64xf32, #tpu.memory_space<hbm>>
    %dma_wait3A_66 = tpu.memref_squeeze %dma_wait3A_65 : memref<1x128x64xf32, #tpu.memory_space<hbm>> -> memref<128x64xf32, #tpu.memory_space<hbm>>
    tpu.wait_dma2 semaphore(%arg19 : memref<!tpu.dma_semaphore, #tpu.memory_space<semaphore_mem>>) src(%dma_wait3A_66 : memref<128x64xf32, #tpu.memory_space<hbm>>) dst(%dma_wait3A_62 : memref<128x64xf32, #tpu.memory_space<vmem>>)
    %barrier3A_67 = arith.constant 0 : index
    tpu.barrier barrier_id(%barrier3A_67)
    %scan3A_68 = arith.constant 0 : i32
    %scan3A_69 = arith.constant 5 : i32
    %scan3A_70 = arith.addi %scan3A_68, %scan3A_69 : i32
    %scan3A_71 = arith.constant 1 : i32
    scf.for %scan3A_73 = %scan3A_68 to %scan3A_70 step %scan3A_71  : i32 {
      %mul3A_74 = arith.constant 1 : i32
      %mul3A_75 = arith.muli %scan3A_73, %mul3A_74 : i32
      %add3A_76 = arith.constant 0 : i32
      %add3A_77 = arith.addi %add3A_76, %mul3A_75 : i32
      %mul3A_78 = arith.constant 5 : i32
      %mul3A_79 = arith.muli %arg1, %mul3A_78 : i32
      %add3A_80 = arith.addi %mul3A_79, %add3A_77 : i32
      %mul3A_81 = arith.constant 128 : i32
      %mul3A_82 = arith.muli %add3A_80, %mul3A_81 : i32
      %run_scoped3A = arith.constant 0 : i32
      "tpu.region"() ({
        %run_scoped3A_84 = tpu.sem_alloc : memref<!tpu.dma_semaphore, #tpu.memory_space<semaphore_mem>>
        %dma_start3A_85 = arith.constant 0 : i32
        %dma_start3A_86 = arith.constant 0 : i32
        %dma_start3A_87 = tpu.memref_slice %arg11[%run_scoped3A, %dma_start3A_85, %dma_start3A_86] : memref<2x128x64xf32, #tpu.memory_space<vmem>> -> memref<1x128x64xf32, #tpu.memory_space<vmem>>
        %dma_start3A_88 = tpu.memref_squeeze %dma_start3A_87 : memref<1x128x64xf32, #tpu.memory_space<vmem>> -> memref<128x64xf32, #tpu.memory_space<vmem>>
        %dma_start3A_89 = arith.constant 0 : i32
        %dma_start3A_90 = tpu.memref_slice %arg12[%mul3A_82, %dma_start3A_89] : memref<10240x64xf32, #tpu.memory_space<vmem_shared>> -> memref<128x64xf32, #tpu.memory_space<vmem_shared>>
        %dma_start3A_91 = arith.constant 0 : i32
        %dma_start3A_92 = arith.constant 0 : i32
        %dma_start3A_93 = tpu.memref_slice %arg11[%run_scoped3A, %dma_start3A_91, %dma_start3A_92] : memref<2x128x64xf32, #tpu.memory_space<vmem>> -> memref<1x128x64xf32, #tpu.memory_space<vmem>>
        %dma_start3A_94 = tpu.memref_squeeze %dma_start3A_93 : memref<1x128x64xf32, #tpu.memory_space<vmem>> -> memref<128x64xf32, #tpu.memory_space<vmem>>
        %dma_start3A_95 = arith.constant 0 : i32
        %dma_start3A_96 = tpu.memref_slice %arg12[%mul3A_82, %dma_start3A_95] : memref<10240x64xf32, #tpu.memory_space<vmem_shared>> -> memref<128x64xf32, #tpu.memory_space<vmem_shared>>
        tpu.enqueue_dma source(%dma_start3A_96 : memref<128x64xf32, #tpu.memory_space<vmem_shared>>) target(%dma_start3A_94 : memref<128x64xf32, #tpu.memory_space<vmem>>) target_semaphore(%run_scoped3A_84 : memref<!tpu.dma_semaphore, #tpu.memory_space<semaphore_mem>>)
        %dma_wait3A_97 = arith.constant 0 : i32
        %dma_wait3A_98 = arith.constant 0 : i32
        %dma_wait3A_99 = tpu.memref_slice %arg11[%run_scoped3A, %dma_wait3A_97, %dma_wait3A_98] : memref<2x128x64xf32, #tpu.memory_space<vmem>> -> memref<1x128x64xf32, #tpu.memory_space<vmem>>
        %dma_wait3A_100 = tpu.memref_squeeze %dma_wait3A_99 : memref<1x128x64xf32, #tpu.memory_space<vmem>> -> memref<128x64xf32, #tpu.memory_space<vmem>>
        %dma_wait3A_101 = arith.constant 0 : i32
        %dma_wait3A_102 = tpu.memref_slice %arg12[%mul3A_82, %dma_wait3A_101] : memref<10240x64xf32, #tpu.memory_space<vmem_shared>> -> memref<128x64xf32, #tpu.memory_space<vmem_shared>>
        %dma_wait3A_103 = arith.constant 0 : i32
        %dma_wait3A_104 = arith.constant 0 : i32
        %dma_wait3A_105 = tpu.memref_slice %arg11[%run_scoped3A, %dma_wait3A_103, %dma_wait3A_104] : memref<2x128x64xf32, #tpu.memory_space<vmem>> -> memref<1x128x64xf32, #tpu.memory_space<vmem>>
        %dma_wait3A_106 = tpu.memref_squeeze %dma_wait3A_105 : memref<1x128x64xf32, #tpu.memory_space<vmem>> -> memref<128x64xf32, #tpu.memory_space<vmem>>
        %dma_wait3A_107 = arith.constant 0 : i32
        %dma_wait3A_108 = tpu.memref_slice %arg12[%mul3A_82, %dma_wait3A_107] : memref<10240x64xf32, #tpu.memory_space<vmem_shared>> -> memref<128x64xf32, #tpu.memory_space<vmem_shared>>
        tpu.wait_dma2 semaphore(%run_scoped3A_84 : memref<!tpu.dma_semaphore, #tpu.memory_space<semaphore_mem>>) src(%dma_wait3A_108 : memref<128x64xf32, #tpu.memory_space<vmem_shared>>) dst(%dma_wait3A_106 : memref<128x64xf32, #tpu.memory_space<vmem>>)
        tpu.yield
      }) : () -> ()
      %run_scoped3A_83 = arith.constant 0 : i32
      "tpu.region"() ({
        %run_scoped3A_84 = tpu.sem_alloc : memref<!tpu.dma_semaphore, #tpu.memory_space<semaphore_mem>>
        %dma_start3A_85 = arith.constant 0 : i32
        %dma_start3A_86 = arith.constant 0 : i32
        %dma_start3A_87 = tpu.memref_slice %arg11[%run_scoped3A_83, %dma_start3A_85, %dma_start3A_86] : memref<2x128x64xf32, #tpu.memory_space<vmem>> -> memref<1x128x64xf32, #tpu.memory_space<vmem>>
        %dma_start3A_88 = tpu.memref_squeeze %dma_start3A_87 : memref<1x128x64xf32, #tpu.memory_space<vmem>> -> memref<128x64xf32, #tpu.memory_space<vmem>>
        %dma_start3A_89 = arith.constant 0 : i32
        %dma_start3A_90 = tpu.memref_slice %arg6[%arg0, %mul3A_82, %dma_start3A_89] : memref<2x10240x64xf32, #tpu.memory_space<hbm>> -> memref<1x128x64xf32, #tpu.memory_space<hbm>>
        %dma_start3A_91 = tpu.memref_squeeze %dma_start3A_90 : memref<1x128x64xf32, #tpu.memory_space<hbm>> -> memref<128x64xf32, #tpu.memory_space<hbm>>
        %dma_start3A_92 = arith.constant 0 : i32
        %dma_start3A_93 = tpu.memref_slice %arg6[%arg0, %mul3A_82, %dma_start3A_92] : memref<2x10240x64xf32, #tpu.memory_space<hbm>> -> memref<1x128x64xf32, #tpu.memory_space<hbm>>
        %dma_start3A_94 = tpu.memref_squeeze %dma_start3A_93 : memref<1x128x64xf32, #tpu.memory_space<hbm>> -> memref<128x64xf32, #tpu.memory_space<hbm>>
        %dma_start3A_95 = arith.constant 0 : i32
        %dma_start3A_96 = arith.constant 0 : i32
        %dma_start3A_97 = tpu.memref_slice %arg11[%run_scoped3A_83, %dma_start3A_95, %dma_start3A_96] : memref<2x128x64xf32, #tpu.memory_space<vmem>> -> memref<1x128x64xf32, #tpu.memory_space<vmem>>
        %dma_start3A_98 = tpu.memref_squeeze %dma_start3A_97 : memref<1x128x64xf32, #tpu.memory_space<vmem>> -> memref<128x64xf32, #tpu.memory_space<vmem>>
        tpu.enqueue_dma source(%dma_start3A_98 : memref<128x64xf32, #tpu.memory_space<vmem>>) target(%dma_start3A_94 : memref<128x64xf32, #tpu.memory_space<hbm>>) target_semaphore(%run_scoped3A_84 : memref<!tpu.dma_semaphore, #tpu.memory_space<semaphore_mem>>)
        %dma_wait3A_99 = arith.constant 0 : i32
        %dma_wait3A_100 = arith.constant 0 : i32
        %dma_wait3A_101 = tpu.memref_slice %arg11[%run_scoped3A_83, %dma_wait3A_99, %dma_wait3A_100] : memref<2x128x64xf32, #tpu.memory_space<vmem>> -> memref<1x128x64xf32, #tpu.memory_space<vmem>>
        %dma_wait3A_102 = tpu.memref_squeeze %dma_wait3A_101 : memref<1x128x64xf32, #tpu.memory_space<vmem>> -> memref<128x64xf32, #tpu.memory_space<vmem>>
        %dma_wait3A_103 = arith.constant 0 : i32
        %dma_wait3A_104 = tpu.memref_slice %arg6[%arg0, %mul3A_82, %dma_wait3A_103] : memref<2x10240x64xf32, #tpu.memory_space<hbm>> -> memref<1x128x64xf32, #tpu.memory_space<hbm>>
        %dma_wait3A_105 = tpu.memref_squeeze %dma_wait3A_104 : memref<1x128x64xf32, #tpu.memory_space<hbm>> -> memref<128x64xf32, #tpu.memory_space<hbm>>
        %dma_wait3A_106 = arith.constant 0 : i32
        %dma_wait3A_107 = tpu.memref_slice %arg6[%arg0, %mul3A_82, %dma_wait3A_106] : memref<2x10240x64xf32, #tpu.memory_space<hbm>> -> memref<1x128x64xf32, #tpu.memory_space<hbm>>
        %dma_wait3A_108 = tpu.memref_squeeze %dma_wait3A_107 : memref<1x128x64xf32, #tpu.memory_space<hbm>> -> memref<128x64xf32, #tpu.memory_space<hbm>>
        %dma_wait3A_109 = arith.constant 0 : i32
        %dma_wait3A_110 = arith.constant 0 : i32
        %dma_wait3A_111 = tpu.memref_slice %arg11[%run_scoped3A_83, %dma_wait3A_109, %dma_wait3A_110] : memref<2x128x64xf32, #tpu.memory_space<vmem>> -> memref<1x128x64xf32, #tpu.memory_space<vmem>>
        %dma_wait3A_112 = tpu.memref_squeeze %dma_wait3A_111 : memref<1x128x64xf32, #tpu.memory_space<vmem>> -> memref<128x64xf32, #tpu.memory_space<vmem>>
        tpu.wait_dma2 semaphore(%run_scoped3A_84 : memref<!tpu.dma_semaphore, #tpu.memory_space<semaphore_mem>>) src(%dma_wait3A_112 : memref<128x64xf32, #tpu.memory_space<vmem>>) dst(%dma_wait3A_108 : memref<128x64xf32, #tpu.memory_space<hbm>>)
        tpu.yield
      }) : () -> ()
    }
    %scan3A_72 = arith.constant 5 : i32
    return
  }
}

#map = affine_map<(d0, d1) -> (0, 0)>
#map1 = affine_map<(d0, d1) -> (0, 0, 0)>
module attributes {stable_mosaic.version = 14 : i64} {
  func.func @sc_layer(%arg0: i32, %arg1: i32, %arg2: memref<10240x64xbf16, #tpu.memory_space<hbm>>, %arg3: memref<327680x64xbf16, #tpu.memory_space<hbm>>, %arg4: memref<32x80x128xi32, #tpu.memory_space<hbm>>, %arg5: memref<32x80x128xi32, #tpu.memory_space<hbm>>, %arg6: memref<2x10240x80xf32, #tpu.memory_space<hbm>>, %arg7: memref<80x128xi32, #tpu.memory_space<vmem>>, %arg8: memref<80x128xi32, #tpu.memory_space<vmem>>, %arg9: memref<2x128x64xbf16, #tpu.memory_space<vmem>>, %arg10: memref<2x128x64xbf16, #tpu.memory_space<vmem>>, %arg11: memref<2x128x80xf32, #tpu.memory_space<vmem>>, %arg12: memref<10240x80xf32, #tpu.memory_space<vmem_shared>>, %arg13: memref<10240x64xbf16, #tpu.memory_space<vmem_shared>>, %arg14: memref<!tpu.dma_semaphore, #tpu.memory_space<semaphore_mem>>, %arg15: memref<!tpu.dma_semaphore, #tpu.memory_space<semaphore_mem>>, %arg16: memref<!tpu.dma_semaphore, #tpu.memory_space<semaphore_mem>>, %arg17: memref<!tpu.dma_semaphore, #tpu.memory_space<semaphore_mem>>, %arg18: memref<!tpu.dma_semaphore, #tpu.memory_space<semaphore_mem>>, %arg19: memref<!tpu.dma_semaphore, #tpu.memory_space<semaphore_mem>>) attributes {dimension_semantics = [#tpu.dimension_semantics<core_parallel>, #tpu.dimension_semantics<subcore_parallel>], iteration_bounds = array<i64: 2, 16>, scalar_prefetch = 0 : i64, scratch_operands = 13 : i64, tpu.core_type = #tpu.core_type<sc_vector_subcore>, window_params = [{transform_indices = #map}, {transform_indices = #map}, {transform_indices = #map1}, {transform_indices = #map1}, {transform_indices = #map1}]} {
    %mul3A = arith.constant 16 : i32
    %mul3A_0 = arith.muli %arg0, %mul3A : i32
    %add3A = arith.addi %mul3A_0, %arg1 : i32
    %scan3A = arith.constant 0 : i32
    %scan3A_1 = arith.constant 128 : i32
    %scan3A_2 = arith.addi %scan3A, %scan3A_1 : i32
    %scan3A_3 = arith.constant 1 : i32
    scf.for %scan3A_84 = %scan3A to %scan3A_2 step %scan3A_3  : i32 {
      %mul3A_85 = arith.constant 1 : i32
      %mul3A_86 = arith.muli %scan3A_84, %mul3A_85 : i32
      %add3A_87 = arith.constant 0 : i32
      %add3A_88 = arith.addi %add3A_87, %mul3A_86 : i32
      %broadcast_in_dim3A_89 = arith.constant 0.000000e+00 : f32
      %broadcast_in_dim3A_90 = vector.broadcast %broadcast_in_dim3A_89 : f32 to vector<16xf32>
      %swap3A = arith.constant 0 : i32
      %swap3A_91 = arith.index_cast %swap3A : i32 to index
      %swap3A_92 = arith.index_cast %add3A_88 : i32 to index
      %swap3A_93 = arith.constant 0 : index
      %swap3A_94 = tpu.vector_load %arg11[%swap3A_91, %swap3A_92, %swap3A_93] {strides = array<i32>} : memref<2x128x80xf32, #tpu.memory_space<vmem>>, vector<16xf32>,
      tpu.vector_store %arg11[%swap3A_91, %swap3A_92, %swap3A_93], %broadcast_in_dim3A_90 {strides = array<i32>} : memref<2x128x80xf32, #tpu.memory_space<vmem>>, vector<16xf32>,
      %broadcast_in_dim3A_95 = arith.constant 0.000000e+00 : f32
      %broadcast_in_dim3A_96 = vector.broadcast %broadcast_in_dim3A_95 : f32 to vector<16xf32>
      %swap3A_97 = arith.constant 0 : i32
      %swap3A_98 = arith.index_cast %swap3A_97 : i32 to index
      %swap3A_99 = arith.index_cast %add3A_88 : i32 to index
      %swap3A_100 = arith.constant 16 : index
      %swap3A_101 = tpu.vector_load %arg11[%swap3A_98, %swap3A_99, %swap3A_100] {strides = array<i32>} : memref<2x128x80xf32, #tpu.memory_space<vmem>>, vector<16xf32>,
      tpu.vector_store %arg11[%swap3A_98, %swap3A_99, %swap3A_100], %broadcast_in_dim3A_96 {strides = array<i32>} : memref<2x128x80xf32, #tpu.memory_space<vmem>>, vector<16xf32>,
      %broadcast_in_dim3A_102 = arith.constant 0.000000e+00 : f32
      %broadcast_in_dim3A_103 = vector.broadcast %broadcast_in_dim3A_102 : f32 to vector<16xf32>
      %swap3A_104 = arith.constant 0 : i32
      %swap3A_105 = arith.index_cast %swap3A_104 : i32 to index
      %swap3A_106 = arith.index_cast %add3A_88 : i32 to index
      %swap3A_107 = arith.constant 32 : index
      %swap3A_108 = tpu.vector_load %arg11[%swap3A_105, %swap3A_106, %swap3A_107] {strides = array<i32>} : memref<2x128x80xf32, #tpu.memory_space<vmem>>, vector<16xf32>,
      tpu.vector_store %arg11[%swap3A_105, %swap3A_106, %swap3A_107], %broadcast_in_dim3A_103 {strides = array<i32>} : memref<2x128x80xf32, #tpu.memory_space<vmem>>, vector<16xf32>,
      %broadcast_in_dim3A_109 = arith.constant 0.000000e+00 : f32
      %broadcast_in_dim3A_110 = vector.broadcast %broadcast_in_dim3A_109 : f32 to vector<16xf32>
      %swap3A_111 = arith.constant 0 : i32
      %swap3A_112 = arith.index_cast %swap3A_111 : i32 to index
      %swap3A_113 = arith.index_cast %add3A_88 : i32 to index
      %swap3A_114 = arith.constant 48 : index
      %swap3A_115 = tpu.vector_load %arg11[%swap3A_112, %swap3A_113, %swap3A_114] {strides = array<i32>} : memref<2x128x80xf32, #tpu.memory_space<vmem>>, vector<16xf32>,
      tpu.vector_store %arg11[%swap3A_112, %swap3A_113, %swap3A_114], %broadcast_in_dim3A_110 {strides = array<i32>} : memref<2x128x80xf32, #tpu.memory_space<vmem>>, vector<16xf32>,
      %broadcast_in_dim3A_116 = arith.constant 0.000000e+00 : f32
      %broadcast_in_dim3A_117 = vector.broadcast %broadcast_in_dim3A_116 : f32 to vector<16xf32>
      %swap3A_118 = arith.constant 0 : i32
      %swap3A_119 = arith.index_cast %swap3A_118 : i32 to index
      %swap3A_120 = arith.index_cast %add3A_88 : i32 to index
      %swap3A_121 = arith.constant 64 : index
      %swap3A_122 = tpu.vector_load %arg11[%swap3A_119, %swap3A_120, %swap3A_121] {strides = array<i32>} : memref<2x128x80xf32, #tpu.memory_space<vmem>>, vector<16xf32>,
      tpu.vector_store %arg11[%swap3A_119, %swap3A_120, %swap3A_121], %broadcast_in_dim3A_117 {strides = array<i32>} : memref<2x128x80xf32, #tpu.memory_space<vmem>>, vector<16xf32>,
    }
    %scan3A_4 = arith.constant 128 : i32
    %scan3A_5 = arith.constant 0 : i32
    %scan3A_6 = arith.constant 5 : i32
    %scan3A_7 = arith.addi %scan3A_5, %scan3A_6 : i32
    %scan3A_8 = arith.constant 1 : i32
    scf.for %scan3A_84 = %scan3A_5 to %scan3A_7 step %scan3A_8  : i32 {
      %mul3A_85 = arith.constant 1 : i32
      %mul3A_86 = arith.muli %scan3A_84, %mul3A_85 : i32
      %add3A_87 = arith.constant 0 : i32
      %add3A_88 = arith.addi %add3A_87, %mul3A_86 : i32
      %mul3A_89 = arith.constant 5 : i32
      %mul3A_90 = arith.muli %arg1, %mul3A_89 : i32
      %add3A_91 = arith.addi %mul3A_90, %add3A_88 : i32
      %mul3A_92 = arith.constant 128 : i32
      %mul3A_93 = arith.muli %add3A_91, %mul3A_92 : i32
      %run_scoped3A = arith.constant 0 : i32
      "tpu.region"() ({
        %run_scoped3A_94 = tpu.sem_alloc : memref<!tpu.dma_semaphore, #tpu.memory_space<semaphore_mem>>
        %dma_start3A_95 = arith.constant 0 : i32
        %dma_start3A_96 = arith.constant 0 : i32
        %dma_start3A_97 = tpu.memref_slice %arg11[%run_scoped3A, %dma_start3A_95, %dma_start3A_96] : memref<2x128x80xf32, #tpu.memory_space<vmem>> -> memref<1x128x80xf32, #tpu.memory_space<vmem>>
        %dma_start3A_98 = tpu.memref_squeeze %dma_start3A_97 : memref<1x128x80xf32, #tpu.memory_space<vmem>> -> memref<128x80xf32, #tpu.memory_space<vmem>>
        %dma_start3A_99 = arith.constant 0 : i32
        %dma_start3A_100 = tpu.memref_slice %arg12[%mul3A_93, %dma_start3A_99] : memref<10240x80xf32, #tpu.memory_space<vmem_shared>> -> memref<128x80xf32, #tpu.memory_space<vmem_shared>>
        %dma_start3A_101 = arith.constant 0 : i32
        %dma_start3A_102 = tpu.memref_slice %arg12[%mul3A_93, %dma_start3A_101] : memref<10240x80xf32, #tpu.memory_space<vmem_shared>> -> memref<128x80xf32, #tpu.memory_space<vmem_shared>>
        %dma_start3A_103 = arith.constant 0 : i32
        %dma_start3A_104 = arith.constant 0 : i32
        %dma_start3A_105 = tpu.memref_slice %arg11[%run_scoped3A, %dma_start3A_103, %dma_start3A_104] : memref<2x128x80xf32, #tpu.memory_space<vmem>> -> memref<1x128x80xf32, #tpu.memory_space<vmem>>
        %dma_start3A_106 = tpu.memref_squeeze %dma_start3A_105 : memref<1x128x80xf32, #tpu.memory_space<vmem>> -> memref<128x80xf32, #tpu.memory_space<vmem>>
        tpu.enqueue_dma source(%dma_start3A_106 : memref<128x80xf32, #tpu.memory_space<vmem>>) target(%dma_start3A_102 : memref<128x80xf32, #tpu.memory_space<vmem_shared>>) target_semaphore(%run_scoped3A_94 : memref<!tpu.dma_semaphore, #tpu.memory_space<semaphore_mem>>)
        %dma_wait3A_107 = arith.constant 0 : i32
        %dma_wait3A_108 = arith.constant 0 : i32
        %dma_wait3A_109 = tpu.memref_slice %arg11[%run_scoped3A, %dma_wait3A_107, %dma_wait3A_108] : memref<2x128x80xf32, #tpu.memory_space<vmem>> -> memref<1x128x80xf32, #tpu.memory_space<vmem>>
        %dma_wait3A_110 = tpu.memref_squeeze %dma_wait3A_109 : memref<1x128x80xf32, #tpu.memory_space<vmem>> -> memref<128x80xf32, #tpu.memory_space<vmem>>
        %dma_wait3A_111 = arith.constant 0 : i32
        %dma_wait3A_112 = tpu.memref_slice %arg12[%mul3A_93, %dma_wait3A_111] : memref<10240x80xf32, #tpu.memory_space<vmem_shared>> -> memref<128x80xf32, #tpu.memory_space<vmem_shared>>
        %dma_wait3A_113 = arith.constant 0 : i32
        %dma_wait3A_114 = tpu.memref_slice %arg12[%mul3A_93, %dma_wait3A_113] : memref<10240x80xf32, #tpu.memory_space<vmem_shared>> -> memref<128x80xf32, #tpu.memory_space<vmem_shared>>
        %dma_wait3A_115 = arith.constant 0 : i32
        %dma_wait3A_116 = arith.constant 0 : i32
        %dma_wait3A_117 = tpu.memref_slice %arg11[%run_scoped3A, %dma_wait3A_115, %dma_wait3A_116] : memref<2x128x80xf32, #tpu.memory_space<vmem>> -> memref<1x128x80xf32, #tpu.memory_space<vmem>>
        %dma_wait3A_118 = tpu.memref_squeeze %dma_wait3A_117 : memref<1x128x80xf32, #tpu.memory_space<vmem>> -> memref<128x80xf32, #tpu.memory_space<vmem>>
        tpu.wait_dma2 semaphore(%run_scoped3A_94 : memref<!tpu.dma_semaphore, #tpu.memory_space<semaphore_mem>>) src(%dma_wait3A_118 : memref<128x80xf32, #tpu.memory_space<vmem>>) dst(%dma_wait3A_114 : memref<128x80xf32, #tpu.memory_space<vmem_shared>>)
        tpu.yield
      }) : () -> ()
    }
    %scan3A_9 = arith.constant 5 : i32
    "tpu.region"() ({
      %run_scoped3A = tpu.sem_alloc : memref<!tpu.dma_semaphore, #tpu.memory_space<semaphore_mem>>
      %dma_start3A_84 = arith.constant 0 : i32
      %dma_start3A_85 = arith.constant 0 : i32
      %dma_start3A_86 = tpu.memref_slice %arg4[%add3A, %dma_start3A_84, %dma_start3A_85] : memref<32x80x128xi32, #tpu.memory_space<hbm>> -> memref<1x80x128xi32, #tpu.memory_space<hbm>>
      %dma_start3A_87 = tpu.memref_squeeze %dma_start3A_86 : memref<1x80x128xi32, #tpu.memory_space<hbm>> -> memref<80x128xi32, #tpu.memory_space<hbm>>
      %dma_start3A_88 = arith.constant 0 : i32
      %dma_start3A_89 = arith.constant 0 : i32
      %dma_start3A_90 = tpu.memref_slice %arg4[%add3A, %dma_start3A_88, %dma_start3A_89] : memref<32x80x128xi32, #tpu.memory_space<hbm>> -> memref<1x80x128xi32, #tpu.memory_space<hbm>>
      %dma_start3A_91 = tpu.memref_squeeze %dma_start3A_90 : memref<1x80x128xi32, #tpu.memory_space<hbm>> -> memref<80x128xi32, #tpu.memory_space<hbm>>
      tpu.enqueue_dma source(%dma_start3A_91 : memref<80x128xi32, #tpu.memory_space<hbm>>) target(%arg7 : memref<80x128xi32, #tpu.memory_space<vmem>>) target_semaphore(%run_scoped3A : memref<!tpu.dma_semaphore, #tpu.memory_space<semaphore_mem>>)
      %dma_wait3A_92 = arith.constant 0 : i32
      %dma_wait3A_93 = arith.constant 0 : i32
      %dma_wait3A_94 = tpu.memref_slice %arg4[%add3A, %dma_wait3A_92, %dma_wait3A_93] : memref<32x80x128xi32, #tpu.memory_space<hbm>> -> memref<1x80x128xi32, #tpu.memory_space<hbm>>
      %dma_wait3A_95 = tpu.memref_squeeze %dma_wait3A_94 : memref<1x80x128xi32, #tpu.memory_space<hbm>> -> memref<80x128xi32, #tpu.memory_space<hbm>>
      %dma_wait3A_96 = arith.constant 0 : i32
      %dma_wait3A_97 = arith.constant 0 : i32
      %dma_wait3A_98 = tpu.memref_slice %arg4[%add3A, %dma_wait3A_96, %dma_wait3A_97] : memref<32x80x128xi32, #tpu.memory_space<hbm>> -> memref<1x80x128xi32, #tpu.memory_space<hbm>>
      %dma_wait3A_99 = tpu.memref_squeeze %dma_wait3A_98 : memref<1x80x128xi32, #tpu.memory_space<hbm>> -> memref<80x128xi32, #tpu.memory_space<hbm>>
      tpu.wait_dma2 semaphore(%run_scoped3A : memref<!tpu.dma_semaphore, #tpu.memory_space<semaphore_mem>>) src(%dma_wait3A_99 : memref<80x128xi32, #tpu.memory_space<hbm>>) dst(%arg7 : memref<80x128xi32, #tpu.memory_space<vmem>>)
      tpu.yield
    }) : () -> ()
    "tpu.region"() ({
      %run_scoped3A = tpu.sem_alloc : memref<!tpu.dma_semaphore, #tpu.memory_space<semaphore_mem>>
      %dma_start3A_84 = arith.constant 0 : i32
      %dma_start3A_85 = arith.constant 0 : i32
      %dma_start3A_86 = tpu.memref_slice %arg5[%add3A, %dma_start3A_84, %dma_start3A_85] : memref<32x80x128xi32, #tpu.memory_space<hbm>> -> memref<1x80x128xi32, #tpu.memory_space<hbm>>
      %dma_start3A_87 = tpu.memref_squeeze %dma_start3A_86 : memref<1x80x128xi32, #tpu.memory_space<hbm>> -> memref<80x128xi32, #tpu.memory_space<hbm>>
      %dma_start3A_88 = arith.constant 0 : i32
      %dma_start3A_89 = arith.constant 0 : i32
      %dma_start3A_90 = tpu.memref_slice %arg5[%add3A, %dma_start3A_88, %dma_start3A_89] : memref<32x80x128xi32, #tpu.memory_space<hbm>> -> memref<1x80x128xi32, #tpu.memory_space<hbm>>
      %dma_start3A_91 = tpu.memref_squeeze %dma_start3A_90 : memref<1x80x128xi32, #tpu.memory_space<hbm>> -> memref<80x128xi32, #tpu.memory_space<hbm>>
      tpu.enqueue_dma source(%dma_start3A_91 : memref<80x128xi32, #tpu.memory_space<hbm>>) target(%arg8 : memref<80x128xi32, #tpu.memory_space<vmem>>) target_semaphore(%run_scoped3A : memref<!tpu.dma_semaphore, #tpu.memory_space<semaphore_mem>>)
      %dma_wait3A_92 = arith.constant 0 : i32
      %dma_wait3A_93 = arith.constant 0 : i32
      %dma_wait3A_94 = tpu.memref_slice %arg5[%add3A, %dma_wait3A_92, %dma_wait3A_93] : memref<32x80x128xi32, #tpu.memory_space<hbm>> -> memref<1x80x128xi32, #tpu.memory_space<hbm>>
      %dma_wait3A_95 = tpu.memref_squeeze %dma_wait3A_94 : memref<1x80x128xi32, #tpu.memory_space<hbm>> -> memref<80x128xi32, #tpu.memory_space<hbm>>
      %dma_wait3A_96 = arith.constant 0 : i32
      %dma_wait3A_97 = arith.constant 0 : i32
      %dma_wait3A_98 = tpu.memref_slice %arg5[%add3A, %dma_wait3A_96, %dma_wait3A_97] : memref<32x80x128xi32, #tpu.memory_space<hbm>> -> memref<1x80x128xi32, #tpu.memory_space<hbm>>
      %dma_wait3A_99 = tpu.memref_squeeze %dma_wait3A_98 : memref<1x80x128xi32, #tpu.memory_space<hbm>> -> memref<80x128xi32, #tpu.memory_space<hbm>>
      tpu.wait_dma2 semaphore(%run_scoped3A : memref<!tpu.dma_semaphore, #tpu.memory_space<semaphore_mem>>) src(%dma_wait3A_99 : memref<80x128xi32, #tpu.memory_space<hbm>>) dst(%arg8 : memref<80x128xi32, #tpu.memory_space<vmem>>)
      tpu.yield
    }) : () -> ()
    %scan3A_10 = arith.constant 0 : i32
    %scan3A_11 = arith.constant 5 : i32
    %scan3A_12 = arith.addi %scan3A_10, %scan3A_11 : i32
    %scan3A_13 = arith.constant 1 : i32
    scf.for %scan3A_84 = %scan3A_10 to %scan3A_12 step %scan3A_13  : i32 {
      %mul3A_85 = arith.constant 1 : i32
      %mul3A_86 = arith.muli %scan3A_84, %mul3A_85 : i32
      %add3A_87 = arith.constant 0 : i32
      %add3A_88 = arith.addi %add3A_87, %mul3A_86 : i32
      %mul3A_89 = arith.constant 5 : i32
      %mul3A_90 = arith.muli %arg1, %mul3A_89 : i32
      %add3A_91 = arith.addi %mul3A_90, %add3A_88 : i32
      %mul3A_92 = arith.constant 128 : i32
      %mul3A_93 = arith.muli %add3A_91, %mul3A_92 : i32
      %run_scoped3A = arith.constant 0 : i32
      "tpu.region"() ({
        %run_scoped3A_95 = tpu.sem_alloc : memref<!tpu.dma_semaphore, #tpu.memory_space<semaphore_mem>>
        %dma_start3A_96 = arith.constant 0 : i32
        %dma_start3A_97 = arith.constant 0 : i32
        %dma_start3A_98 = tpu.memref_slice %arg10[%run_scoped3A, %dma_start3A_96, %dma_start3A_97] : memref<2x128x64xbf16, #tpu.memory_space<vmem>> -> memref<1x128x64xbf16, #tpu.memory_space<vmem>>
        %dma_start3A_99 = tpu.memref_squeeze %dma_start3A_98 : memref<1x128x64xbf16, #tpu.memory_space<vmem>> -> memref<128x64xbf16, #tpu.memory_space<vmem>>
        %dma_start3A_100 = arith.constant 0 : i32
        %dma_start3A_101 = tpu.memref_slice %arg2[%mul3A_93, %dma_start3A_100] : memref<10240x64xbf16, #tpu.memory_space<hbm>> -> memref<128x64xbf16, #tpu.memory_space<hbm>>
        %dma_start3A_102 = arith.constant 0 : i32
        %dma_start3A_103 = arith.constant 0 : i32
        %dma_start3A_104 = tpu.memref_slice %arg10[%run_scoped3A, %dma_start3A_102, %dma_start3A_103] : memref<2x128x64xbf16, #tpu.memory_space<vmem>> -> memref<1x128x64xbf16, #tpu.memory_space<vmem>>
        %dma_start3A_105 = tpu.memref_squeeze %dma_start3A_104 : memref<1x128x64xbf16, #tpu.memory_space<vmem>> -> memref<128x64xbf16, #tpu.memory_space<vmem>>
        %dma_start3A_106 = arith.constant 0 : i32
        %dma_start3A_107 = tpu.memref_slice %arg2[%mul3A_93, %dma_start3A_106] : memref<10240x64xbf16, #tpu.memory_space<hbm>> -> memref<128x64xbf16, #tpu.memory_space<hbm>>
        tpu.enqueue_dma source(%dma_start3A_107 : memref<128x64xbf16, #tpu.memory_space<hbm>>) target(%dma_start3A_105 : memref<128x64xbf16, #tpu.memory_space<vmem>>) target_semaphore(%run_scoped3A_95 : memref<!tpu.dma_semaphore, #tpu.memory_space<semaphore_mem>>)
        %dma_wait3A_108 = arith.constant 0 : i32
        %dma_wait3A_109 = arith.constant 0 : i32
        %dma_wait3A_110 = tpu.memref_slice %arg10[%run_scoped3A, %dma_wait3A_108, %dma_wait3A_109] : memref<2x128x64xbf16, #tpu.memory_space<vmem>> -> memref<1x128x64xbf16, #tpu.memory_space<vmem>>
        %dma_wait3A_111 = tpu.memref_squeeze %dma_wait3A_110 : memref<1x128x64xbf16, #tpu.memory_space<vmem>> -> memref<128x64xbf16, #tpu.memory_space<vmem>>
        %dma_wait3A_112 = arith.constant 0 : i32
        %dma_wait3A_113 = tpu.memref_slice %arg2[%mul3A_93, %dma_wait3A_112] : memref<10240x64xbf16, #tpu.memory_space<hbm>> -> memref<128x64xbf16, #tpu.memory_space<hbm>>
        %dma_wait3A_114 = arith.constant 0 : i32
        %dma_wait3A_115 = arith.constant 0 : i32
        %dma_wait3A_116 = tpu.memref_slice %arg10[%run_scoped3A, %dma_wait3A_114, %dma_wait3A_115] : memref<2x128x64xbf16, #tpu.memory_space<vmem>> -> memref<1x128x64xbf16, #tpu.memory_space<vmem>>
        %dma_wait3A_117 = tpu.memref_squeeze %dma_wait3A_116 : memref<1x128x64xbf16, #tpu.memory_space<vmem>> -> memref<128x64xbf16, #tpu.memory_space<vmem>>
        %dma_wait3A_118 = arith.constant 0 : i32
        %dma_wait3A_119 = tpu.memref_slice %arg2[%mul3A_93, %dma_wait3A_118] : memref<10240x64xbf16, #tpu.memory_space<hbm>> -> memref<128x64xbf16, #tpu.memory_space<hbm>>
        tpu.wait_dma2 semaphore(%run_scoped3A_95 : memref<!tpu.dma_semaphore, #tpu.memory_space<semaphore_mem>>) src(%dma_wait3A_119 : memref<128x64xbf16, #tpu.memory_space<hbm>>) dst(%dma_wait3A_117 : memref<128x64xbf16, #tpu.memory_space<vmem>>)
        tpu.yield
      }) : () -> ()
      %run_scoped3A_94 = arith.constant 0 : i32
      "tpu.region"() ({
        %run_scoped3A_95 = tpu.sem_alloc : memref<!tpu.dma_semaphore, #tpu.memory_space<semaphore_mem>>
        %dma_start3A_96 = arith.constant 0 : i32
        %dma_start3A_97 = arith.constant 0 : i32
        %dma_start3A_98 = tpu.memref_slice %arg10[%run_scoped3A_94, %dma_start3A_96, %dma_start3A_97] : memref<2x128x64xbf16, #tpu.memory_space<vmem>> -> memref<1x128x64xbf16, #tpu.memory_space<vmem>>
        %dma_start3A_99 = tpu.memref_squeeze %dma_start3A_98 : memref<1x128x64xbf16, #tpu.memory_space<vmem>> -> memref<128x64xbf16, #tpu.memory_space<vmem>>
        %dma_start3A_100 = arith.constant 0 : i32
        %dma_start3A_101 = tpu.memref_slice %arg13[%mul3A_93, %dma_start3A_100] : memref<10240x64xbf16, #tpu.memory_space<vmem_shared>> -> memref<128x64xbf16, #tpu.memory_space<vmem_shared>>
        %dma_start3A_102 = arith.constant 0 : i32
        %dma_start3A_103 = tpu.memref_slice %arg13[%mul3A_93, %dma_start3A_102] : memref<10240x64xbf16, #tpu.memory_space<vmem_shared>> -> memref<128x64xbf16, #tpu.memory_space<vmem_shared>>
        %dma_start3A_104 = arith.constant 0 : i32
        %dma_start3A_105 = arith.constant 0 : i32
        %dma_start3A_106 = tpu.memref_slice %arg10[%run_scoped3A_94, %dma_start3A_104, %dma_start3A_105] : memref<2x128x64xbf16, #tpu.memory_space<vmem>> -> memref<1x128x64xbf16, #tpu.memory_space<vmem>>
        %dma_start3A_107 = tpu.memref_squeeze %dma_start3A_106 : memref<1x128x64xbf16, #tpu.memory_space<vmem>> -> memref<128x64xbf16, #tpu.memory_space<vmem>>
        tpu.enqueue_dma source(%dma_start3A_107 : memref<128x64xbf16, #tpu.memory_space<vmem>>) target(%dma_start3A_103 : memref<128x64xbf16, #tpu.memory_space<vmem_shared>>) target_semaphore(%run_scoped3A_95 : memref<!tpu.dma_semaphore, #tpu.memory_space<semaphore_mem>>)
        %dma_wait3A_108 = arith.constant 0 : i32
        %dma_wait3A_109 = arith.constant 0 : i32
        %dma_wait3A_110 = tpu.memref_slice %arg10[%run_scoped3A_94, %dma_wait3A_108, %dma_wait3A_109] : memref<2x128x64xbf16, #tpu.memory_space<vmem>> -> memref<1x128x64xbf16, #tpu.memory_space<vmem>>
        %dma_wait3A_111 = tpu.memref_squeeze %dma_wait3A_110 : memref<1x128x64xbf16, #tpu.memory_space<vmem>> -> memref<128x64xbf16, #tpu.memory_space<vmem>>
        %dma_wait3A_112 = arith.constant 0 : i32
        %dma_wait3A_113 = tpu.memref_slice %arg13[%mul3A_93, %dma_wait3A_112] : memref<10240x64xbf16, #tpu.memory_space<vmem_shared>> -> memref<128x64xbf16, #tpu.memory_space<vmem_shared>>
        %dma_wait3A_114 = arith.constant 0 : i32
        %dma_wait3A_115 = tpu.memref_slice %arg13[%mul3A_93, %dma_wait3A_114] : memref<10240x64xbf16, #tpu.memory_space<vmem_shared>> -> memref<128x64xbf16, #tpu.memory_space<vmem_shared>>
        %dma_wait3A_116 = arith.constant 0 : i32
        %dma_wait3A_117 = arith.constant 0 : i32
        %dma_wait3A_118 = tpu.memref_slice %arg10[%run_scoped3A_94, %dma_wait3A_116, %dma_wait3A_117] : memref<2x128x64xbf16, #tpu.memory_space<vmem>> -> memref<1x128x64xbf16, #tpu.memory_space<vmem>>
        %dma_wait3A_119 = tpu.memref_squeeze %dma_wait3A_118 : memref<1x128x64xbf16, #tpu.memory_space<vmem>> -> memref<128x64xbf16, #tpu.memory_space<vmem>>
        tpu.wait_dma2 semaphore(%run_scoped3A_95 : memref<!tpu.dma_semaphore, #tpu.memory_space<semaphore_mem>>) src(%dma_wait3A_119 : memref<128x64xbf16, #tpu.memory_space<vmem>>) dst(%dma_wait3A_115 : memref<128x64xbf16, #tpu.memory_space<vmem_shared>>)
        tpu.yield
      }) : () -> ()
    }
    %scan3A_14 = arith.constant 5 : i32
    %iota3A = tpu.iota {dimensions = array<i32: 0>} : vector<16xi32>
    %eq3A = arith.constant 0 : i32
    %eq3A_15 = vector.broadcast %eq3A : i32 to vector<16xi32>
    %eq3A_16 = arith.cmpi eq, %iota3A, %eq3A_15 : vector<16xi32>
    %jit3A = arith.constant 1.000000e+00 : f32
    %jit3A_17 = arith.constant 0.000000e+00 : f32
    %broadcast_in_dim3A = vector.broadcast %jit3A : f32 to vector<16xf32>
    %broadcast_in_dim3A_18 = vector.broadcast %jit3A_17 : f32 to vector<16xf32>
    %select_n3A = arith.select %eq3A_16, %broadcast_in_dim3A, %broadcast_in_dim3A_18 : vector<16xi1>, vector<16xf32>
    %broadcast_in_dim3A_19 = arith.constant 0.000000e+00 : f32
    %broadcast_in_dim3A_20 = vector.broadcast %broadcast_in_dim3A_19 : f32 to vector<16xf32>
    %scan3A_21 = arith.constant 0 : i32
    %scan3A_22 = arith.constant 128 : i32
    %scan3A_23 = arith.addi %scan3A_21, %scan3A_22 : i32
    %scan3A_24 = arith.constant 1 : i32
    scf.for %scan3A_84 = %scan3A_21 to %scan3A_23 step %scan3A_24  : i32 {
      %mul3A_85 = arith.constant 1 : i32
      %mul3A_86 = arith.muli %scan3A_84, %mul3A_85 : i32
      %add3A_87 = arith.constant 0 : i32
      %add3A_88 = arith.addi %add3A_87, %mul3A_86 : i32
      %swap3A = arith.constant 0 : i32
      %swap3A_89 = arith.index_cast %swap3A : i32 to index
      %swap3A_90 = arith.index_cast %add3A_88 : i32 to index
      %swap3A_91 = arith.constant 64 : index
      %swap3A_92 = tpu.vector_load %arg11[%swap3A_89, %swap3A_90, %swap3A_91] {strides = array<i32>} : memref<2x128x80xf32, #tpu.memory_space<vmem>>, vector<16xf32>,
      tpu.vector_store %arg11[%swap3A_89, %swap3A_90, %swap3A_91], %select_n3A {strides = array<i32>} : memref<2x128x80xf32, #tpu.memory_space<vmem>>, vector<16xf32>,
      %swap3A_93 = arith.constant 1 : i32
      %swap3A_94 = arith.index_cast %swap3A_93 : i32 to index
      %swap3A_95 = arith.index_cast %add3A_88 : i32 to index
      %swap3A_96 = arith.constant 64 : index
      %swap3A_97 = tpu.vector_load %arg11[%swap3A_94, %swap3A_95, %swap3A_96] {strides = array<i32>} : memref<2x128x80xf32, #tpu.memory_space<vmem>>, vector<16xf32>,
      tpu.vector_store %arg11[%swap3A_94, %swap3A_95, %swap3A_96], %select_n3A {strides = array<i32>} : memref<2x128x80xf32, #tpu.memory_space<vmem>>, vector<16xf32>,
    }
    %scan3A_25 = arith.constant 128 : i32
    %barrier3A = arith.constant 0 : index
    tpu.barrier barrier_id(%barrier3A)
    %mul3A_26 = arith.constant 80 : i32
    %mul3A_27 = arith.muli %add3A, %mul3A_26 : i32
    %add3A_28 = arith.constant 0 : i32
    %add3A_29 = arith.addi %mul3A_27, %add3A_28 : i32
    %mul3A_30 = arith.constant 128 : i32
    %mul3A_31 = arith.muli %add3A_29, %mul3A_30 : i32
    %dma_start3A = arith.constant 0 : i32
    %dma_start3A_32 = arith.constant 0 : i32
    %dma_start3A_33 = arith.constant 0 : i32
    %dma_start3A_34 = tpu.memref_slice %arg9[%dma_start3A, %dma_start3A_32, %dma_start3A_33] : memref<2x128x64xbf16, #tpu.memory_space<vmem>> -> memref<1x128x64xbf16, #tpu.memory_space<vmem>>
    %dma_start3A_35 = tpu.memref_squeeze %dma_start3A_34 : memref<1x128x64xbf16, #tpu.memory_space<vmem>> -> memref<128x64xbf16, #tpu.memory_space<vmem>>
    %dma_start3A_36 = arith.constant 0 : i32
    %dma_start3A_37 = tpu.memref_slice %arg3[%mul3A_31, %dma_start3A_36] : memref<327680x64xbf16, #tpu.memory_space<hbm>> -> memref<128x64xbf16, #tpu.memory_space<hbm>>
    %dma_start3A_38 = arith.constant 0 : i32
    %dma_start3A_39 = arith.constant 0 : i32
    %dma_start3A_40 = tpu.memref_slice %arg9[%dma_start3A, %dma_start3A_38, %dma_start3A_39] : memref<2x128x64xbf16, #tpu.memory_space<vmem>> -> memref<1x128x64xbf16, #tpu.memory_space<vmem>>
    %dma_start3A_41 = tpu.memref_squeeze %dma_start3A_40 : memref<1x128x64xbf16, #tpu.memory_space<vmem>> -> memref<128x64xbf16, #tpu.memory_space<vmem>>
    %dma_start3A_42 = arith.constant 0 : i32
    %dma_start3A_43 = tpu.memref_slice %arg3[%mul3A_31, %dma_start3A_42] : memref<327680x64xbf16, #tpu.memory_space<hbm>> -> memref<128x64xbf16, #tpu.memory_space<hbm>>
    tpu.enqueue_dma source(%dma_start3A_43 : memref<128x64xbf16, #tpu.memory_space<hbm>>) target(%dma_start3A_41 : memref<128x64xbf16, #tpu.memory_space<vmem>>) target_semaphore(%arg14 : memref<!tpu.dma_semaphore, #tpu.memory_space<semaphore_mem>>)
    %dma_start3A_44 = arith.constant 0 : i32
    %dma_start3A_45 = arith.constant 0 : i32
    %dma_start3A_46 = arith.constant 0 : i32
    %dma_start3A_47 = arith.constant 0 : i32
    %dma_start3A_48 = tpu.memref_slice %arg10[%dma_start3A_45, %dma_start3A_46, %dma_start3A_47] : memref<2x128x64xbf16, #tpu.memory_space<vmem>> -> memref<1x128x64xbf16, #tpu.memory_space<vmem>>
    %dma_start3A_49 = tpu.memref_squeeze %dma_start3A_48 : memref<1x128x64xbf16, #tpu.memory_space<vmem>> -> memref<128x64xbf16, #tpu.memory_space<vmem>>
    %dma_start3A_50 = arith.constant 0 : i32
    %dma_start3A_51 = tpu.memref_slice %arg7[%dma_start3A_44, %dma_start3A_50] : memref<80x128xi32, #tpu.memory_space<vmem>> -> memref<1x128xi32, #tpu.memory_space<vmem>>
    %dma_start3A_52 = tpu.memref_squeeze %dma_start3A_51 : memref<1x128xi32, #tpu.memory_space<vmem>> -> memref<128xi32, #tpu.memory_space<vmem>>
    %dma_start3A_53 = arith.constant 0 : i32
    %dma_start3A_54 = arith.constant 0 : i32
    %dma_start3A_55 = tpu.memref_slice %arg13[%dma_start3A_53, %dma_start3A_54] : memref<10240x64xbf16, #tpu.memory_space<vmem_shared>> -> memref<10240x64xbf16, #tpu.memory_space<vmem_shared>>
    tpu.enqueue_indirect_dma source(%dma_start3A_55 : memref<10240x64xbf16, #tpu.memory_space<vmem_shared>>) target(%dma_start3A_49 : memref<128x64xbf16, #tpu.memory_space<vmem>>) offsets(%dma_start3A_52 : memref<128xi32, #tpu.memory_space<vmem>>) semaphore(%arg16 : memref<!tpu.dma_semaphore, #tpu.memory_space<semaphore_mem>>)
    %scan3A_56 = arith.constant 0 : i32
    %scan3A_57 = arith.constant 40 : i32
    %scan3A_58 = arith.addi %scan3A_56, %scan3A_57 : i32
    %scan3A_59 = arith.constant 1 : i32
    scf.for %scan3A_84 = %scan3A_56 to %scan3A_58 step %scan3A_59  : i32 {
      %mul3A_85 = arith.constant 2 : i32
      %mul3A_86 = arith.muli %scan3A_84, %mul3A_85 : i32
      %add3A_87 = arith.constant 0 : i32
      %add3A_88 = arith.addi %add3A_87, %mul3A_86 : i32
      %add3A_89 = arith.constant 0 : i32
      %add3A_90 = arith.addi %add3A_88, %add3A_89 : i32
      %add3A_91 = arith.constant 1 : i32
      %add3A_92 = arith.addi %add3A_90, %add3A_91 : i32
      %lt3A = arith.constant 80 : i32
      %lt3A_93 = arith.cmpi slt, %add3A_92, %lt3A : i32
      %convert_element_type3A = arith.extui %lt3A_93 : i1 to i32
      %cond3A = arith.constant 0 : i32
      %cond3A_94 = arith.cmpi ne, %convert_element_type3A, %cond3A : i32
      scf.if %cond3A_94 {
        %mul3A_200 = arith.constant 80 : i32
        %mul3A_201 = arith.muli %add3A, %mul3A_200 : i32
        %add3A_202 = arith.addi %mul3A_201, %add3A_92 : i32
        %mul3A_203 = arith.constant 128 : i32
        %mul3A_204 = arith.muli %add3A_202, %mul3A_203 : i32
        %dma_start3A_205 = arith.constant 1 : i32
        %dma_start3A_206 = arith.constant 0 : i32
        %dma_start3A_207 = arith.constant 0 : i32
        %dma_start3A_208 = tpu.memref_slice %arg9[%dma_start3A_205, %dma_start3A_206, %dma_start3A_207] : memref<2x128x64xbf16, #tpu.memory_space<vmem>> -> memref<1x128x64xbf16, #tpu.memory_space<vmem>>
        %dma_start3A_209 = tpu.memref_squeeze %dma_start3A_208 : memref<1x128x64xbf16, #tpu.memory_space<vmem>> -> memref<128x64xbf16, #tpu.memory_space<vmem>>
        %dma_start3A_210 = arith.constant 0 : i32
        %dma_start3A_211 = tpu.memref_slice %arg3[%mul3A_204, %dma_start3A_210] : memref<327680x64xbf16, #tpu.memory_space<hbm>> -> memref<128x64xbf16, #tpu.memory_space<hbm>>
        %dma_start3A_212 = arith.constant 0 : i32
        %dma_start3A_213 = arith.constant 0 : i32
        %dma_start3A_214 = tpu.memref_slice %arg9[%dma_start3A_205, %dma_start3A_212, %dma_start3A_213] : memref<2x128x64xbf16, #tpu.memory_space<vmem>> -> memref<1x128x64xbf16, #tpu.memory_space<vmem>>
        %dma_start3A_215 = tpu.memref_squeeze %dma_start3A_214 : memref<1x128x64xbf16, #tpu.memory_space<vmem>> -> memref<128x64xbf16, #tpu.memory_space<vmem>>
        %dma_start3A_216 = arith.constant 0 : i32
        %dma_start3A_217 = tpu.memref_slice %arg3[%mul3A_204, %dma_start3A_216] : memref<327680x64xbf16, #tpu.memory_space<hbm>> -> memref<128x64xbf16, #tpu.memory_space<hbm>>
        tpu.enqueue_dma source(%dma_start3A_217 : memref<128x64xbf16, #tpu.memory_space<hbm>>) target(%dma_start3A_215 : memref<128x64xbf16, #tpu.memory_space<vmem>>) target_semaphore(%arg15 : memref<!tpu.dma_semaphore, #tpu.memory_space<semaphore_mem>>)
        %dma_start3A_218 = arith.constant 1 : i32
        %dma_start3A_219 = arith.constant 0 : i32
        %dma_start3A_220 = arith.constant 0 : i32
        %dma_start3A_221 = tpu.memref_slice %arg10[%dma_start3A_218, %dma_start3A_219, %dma_start3A_220] : memref<2x128x64xbf16, #tpu.memory_space<vmem>> -> memref<1x128x64xbf16, #tpu.memory_space<vmem>>
        %dma_start3A_222 = tpu.memref_squeeze %dma_start3A_221 : memref<1x128x64xbf16, #tpu.memory_space<vmem>> -> memref<128x64xbf16, #tpu.memory_space<vmem>>
        %dma_start3A_223 = arith.constant 0 : i32
        %dma_start3A_224 = tpu.memref_slice %arg7[%add3A_92, %dma_start3A_223] : memref<80x128xi32, #tpu.memory_space<vmem>> -> memref<1x128xi32, #tpu.memory_space<vmem>>
        %dma_start3A_225 = tpu.memref_squeeze %dma_start3A_224 : memref<1x128xi32, #tpu.memory_space<vmem>> -> memref<128xi32, #tpu.memory_space<vmem>>
        %dma_start3A_226 = arith.constant 0 : i32
        %dma_start3A_227 = arith.constant 0 : i32
        %dma_start3A_228 = tpu.memref_slice %arg13[%dma_start3A_226, %dma_start3A_227] : memref<10240x64xbf16, #tpu.memory_space<vmem_shared>> -> memref<10240x64xbf16, #tpu.memory_space<vmem_shared>>
        tpu.enqueue_indirect_dma source(%dma_start3A_228 : memref<10240x64xbf16, #tpu.memory_space<vmem_shared>>) target(%dma_start3A_222 : memref<128x64xbf16, #tpu.memory_space<vmem>>) offsets(%dma_start3A_225 : memref<128xi32, #tpu.memory_space<vmem>>) semaphore(%arg17 : memref<!tpu.dma_semaphore, #tpu.memory_space<semaphore_mem>>)
      } else {
      }
      %dma_wait3A_95 = arith.constant 0 : i32
      %dma_wait3A_96 = arith.constant 0 : i32
      %dma_wait3A_97 = arith.constant 0 : i32
      %dma_wait3A_98 = tpu.memref_slice %arg9[%dma_wait3A_95, %dma_wait3A_96, %dma_wait3A_97] : memref<2x128x64xbf16, #tpu.memory_space<vmem>> -> memref<1x128x64xbf16, #tpu.memory_space<vmem>>
      %dma_wait3A_99 = tpu.memref_squeeze %dma_wait3A_98 : memref<1x128x64xbf16, #tpu.memory_space<vmem>> -> memref<128x64xbf16, #tpu.memory_space<vmem>>
      %dma_wait3A_100 = arith.constant 0 : i32
      %dma_wait3A_101 = arith.constant 0 : i32
      %dma_wait3A_102 = tpu.memref_slice %arg3[%dma_wait3A_100, %dma_wait3A_101] : memref<327680x64xbf16, #tpu.memory_space<hbm>> -> memref<128x64xbf16, #tpu.memory_space<hbm>>
      %dma_wait3A_103 = arith.constant 0 : i32
      %dma_wait3A_104 = arith.constant 0 : i32
      %dma_wait3A_105 = tpu.memref_slice %arg9[%dma_wait3A_95, %dma_wait3A_103, %dma_wait3A_104] : memref<2x128x64xbf16, #tpu.memory_space<vmem>> -> memref<1x128x64xbf16, #tpu.memory_space<vmem>>
      %dma_wait3A_106 = tpu.memref_squeeze %dma_wait3A_105 : memref<1x128x64xbf16, #tpu.memory_space<vmem>> -> memref<128x64xbf16, #tpu.memory_space<vmem>>
      %dma_wait3A_107 = arith.constant 0 : i32
      %dma_wait3A_108 = arith.constant 0 : i32
      %dma_wait3A_109 = tpu.memref_slice %arg3[%dma_wait3A_107, %dma_wait3A_108] : memref<327680x64xbf16, #tpu.memory_space<hbm>> -> memref<128x64xbf16, #tpu.memory_space<hbm>>
      tpu.wait_dma2 semaphore(%arg14 : memref<!tpu.dma_semaphore, #tpu.memory_space<semaphore_mem>>) src(%dma_wait3A_109 : memref<128x64xbf16, #tpu.memory_space<hbm>>) dst(%dma_wait3A_106 : memref<128x64xbf16, #tpu.memory_space<vmem>>)
      %dma_wait3A_110 = arith.constant 0 : i32
      %dma_wait3A_111 = arith.constant 0 : i32
      %dma_wait3A_112 = arith.constant 0 : i32
      %dma_wait3A_113 = tpu.memref_slice %arg10[%dma_wait3A_110, %dma_wait3A_111, %dma_wait3A_112] : memref<2x128x64xbf16, #tpu.memory_space<vmem>> -> memref<1x128x64xbf16, #tpu.memory_space<vmem>>
      %dma_wait3A_114 = tpu.memref_squeeze %dma_wait3A_113 : memref<1x128x64xbf16, #tpu.memory_space<vmem>> -> memref<128x64xbf16, #tpu.memory_space<vmem>>
      %dma_wait3A_115 = arith.constant 0 : i32
      %dma_wait3A_116 = arith.constant 0 : i32
      %dma_wait3A_117 = tpu.memref_slice %arg2[%dma_wait3A_115, %dma_wait3A_116] : memref<10240x64xbf16, #tpu.memory_space<hbm>> -> memref<128x64xbf16, #tpu.memory_space<hbm>>
      %dma_wait3A_118 = arith.constant 0 : i32
      %dma_wait3A_119 = arith.constant 0 : i32
      %dma_wait3A_120 = tpu.memref_slice %arg10[%dma_wait3A_110, %dma_wait3A_118, %dma_wait3A_119] : memref<2x128x64xbf16, #tpu.memory_space<vmem>> -> memref<1x128x64xbf16, #tpu.memory_space<vmem>>
      %dma_wait3A_121 = tpu.memref_squeeze %dma_wait3A_120 : memref<1x128x64xbf16, #tpu.memory_space<vmem>> -> memref<128x64xbf16, #tpu.memory_space<vmem>>
      %dma_wait3A_122 = arith.constant 0 : i32
      %dma_wait3A_123 = arith.constant 0 : i32
      %dma_wait3A_124 = tpu.memref_slice %arg2[%dma_wait3A_122, %dma_wait3A_123] : memref<10240x64xbf16, #tpu.memory_space<hbm>> -> memref<128x64xbf16, #tpu.memory_space<hbm>>
      tpu.wait_dma2 semaphore(%arg16 : memref<!tpu.dma_semaphore, #tpu.memory_space<semaphore_mem>>) src(%dma_wait3A_124 : memref<128x64xbf16, #tpu.memory_space<hbm>>) dst(%dma_wait3A_121 : memref<128x64xbf16, #tpu.memory_space<vmem>>)
      %parallel_loop3A = arith.constant 0 : i32
      %parallel_loop3A_125 = arith.constant 128 : i32
      %parallel_loop3A_126 = arith.constant 1 : i32
      scf.for %parallel_loop3A_200 = %parallel_loop3A to %parallel_loop3A_125 step %parallel_loop3A_126  : i32 {
        %parallel_loop3A_201 = arith.constant 0 : i32
        %parallel_loop3A_202 = arith.index_cast %parallel_loop3A_201 : i32 to index
        %parallel_loop3A_203 = arith.index_cast %parallel_loop3A_200 : i32 to index
        %parallel_loop3A_204 = arith.constant 0 : index
        %parallel_loop3A_205 = tpu.vector_load %arg9[%parallel_loop3A_202, %parallel_loop3A_203, %parallel_loop3A_204] {strides = array<i32>} : memref<2x128x64xbf16, #tpu.memory_space<vmem>>, vector<32xbf16>,
        %parallel_loop3A_206 = tpu.unpack_subelements %parallel_loop3A_205, 0 {pack_format = #tpu.pack_format<interleaved>} : vector<32xbf16> -> vector<16xf32>
        %parallel_loop3A_207 = tpu.unpack_subelements %parallel_loop3A_205, 1 {pack_format = #tpu.pack_format<interleaved>} : vector<32xbf16> -> vector<16xf32>
        %parallel_loop3A_208 = arith.constant 0 : i32
        %parallel_loop3A_209 = arith.index_cast %parallel_loop3A_208 : i32 to index
        %parallel_loop3A_210 = arith.index_cast %parallel_loop3A_200 : i32 to index
        %parallel_loop3A_211 = arith.constant 0 : index
        %parallel_loop3A_212 = tpu.vector_load %arg10[%parallel_loop3A_209, %parallel_loop3A_210, %parallel_loop3A_211] {strides = array<i32>} : memref<2x128x64xbf16, #tpu.memory_space<vmem>>, vector<32xbf16>,
        %parallel_loop3A_213 = tpu.unpack_subelements %parallel_loop3A_212, 0 {pack_format = #tpu.pack_format<interleaved>} : vector<32xbf16> -> vector<16xf32>
        %parallel_loop3A_214 = tpu.unpack_subelements %parallel_loop3A_212, 1 {pack_format = #tpu.pack_format<interleaved>} : vector<32xbf16> -> vector<16xf32>
        %parallel_loop3A_215 = arith.addf %parallel_loop3A_213, %parallel_loop3A_206 : vector<16xf32>
        %parallel_loop3A_216 = arith.constant 0.000000e+00 : f32
        %parallel_loop3A_217 = vector.broadcast %parallel_loop3A_216 : f32 to vector<16xf32>
        %parallel_loop3A_218 = arith.maximumf %parallel_loop3A_215, %parallel_loop3A_217 : vector<16xf32>
        %parallel_loop3A_219 = arith.constant 0 : i32
        %parallel_loop3A_220 = arith.index_cast %parallel_loop3A_219 : i32 to index
        %parallel_loop3A_221 = arith.index_cast %parallel_loop3A_200 : i32 to index
        %parallel_loop3A_222 = arith.constant 0 : index
        %parallel_loop3A_223 = tpu.vector_load %arg11[%parallel_loop3A_220, %parallel_loop3A_221, %parallel_loop3A_222] {strides = array<i32>} : memref<2x128x80xf32, #tpu.memory_space<vmem>>, vector<16xf32>,
        tpu.vector_store %arg11[%parallel_loop3A_220, %parallel_loop3A_221, %parallel_loop3A_222], %parallel_loop3A_218 {strides = array<i32>} : memref<2x128x80xf32, #tpu.memory_space<vmem>>, vector<16xf32>,
        %parallel_loop3A_224 = arith.addf %parallel_loop3A_214, %parallel_loop3A_207 : vector<16xf32>
        %parallel_loop3A_225 = arith.constant 0.000000e+00 : f32
        %parallel_loop3A_226 = vector.broadcast %parallel_loop3A_225 : f32 to vector<16xf32>
        %parallel_loop3A_227 = arith.maximumf %parallel_loop3A_224, %parallel_loop3A_226 : vector<16xf32>
        %parallel_loop3A_228 = arith.constant 0 : i32
        %parallel_loop3A_229 = arith.index_cast %parallel_loop3A_228 : i32 to index
        %parallel_loop3A_230 = arith.index_cast %parallel_loop3A_200 : i32 to index
        %parallel_loop3A_231 = arith.constant 16 : index
        %parallel_loop3A_232 = tpu.vector_load %arg11[%parallel_loop3A_229, %parallel_loop3A_230, %parallel_loop3A_231] {strides = array<i32>} : memref<2x128x80xf32, #tpu.memory_space<vmem>>, vector<16xf32>,
        tpu.vector_store %arg11[%parallel_loop3A_229, %parallel_loop3A_230, %parallel_loop3A_231], %parallel_loop3A_227 {strides = array<i32>} : memref<2x128x80xf32, #tpu.memory_space<vmem>>, vector<16xf32>,
        %parallel_loop3A_233 = arith.constant 0 : i32
        %parallel_loop3A_234 = arith.index_cast %parallel_loop3A_233 : i32 to index
        %parallel_loop3A_235 = arith.index_cast %parallel_loop3A_200 : i32 to index
        %parallel_loop3A_236 = arith.constant 32 : index
        %parallel_loop3A_237 = tpu.vector_load %arg9[%parallel_loop3A_234, %parallel_loop3A_235, %parallel_loop3A_236] {strides = array<i32>} : memref<2x128x64xbf16, #tpu.memory_space<vmem>>, vector<32xbf16>,
        %parallel_loop3A_238 = tpu.unpack_subelements %parallel_loop3A_237, 0 {pack_format = #tpu.pack_format<interleaved>} : vector<32xbf16> -> vector<16xf32>
        %parallel_loop3A_239 = tpu.unpack_subelements %parallel_loop3A_237, 1 {pack_format = #tpu.pack_format<interleaved>} : vector<32xbf16> -> vector<16xf32>
        %parallel_loop3A_240 = arith.constant 0 : i32
        %parallel_loop3A_241 = arith.index_cast %parallel_loop3A_240 : i32 to index
        %parallel_loop3A_242 = arith.index_cast %parallel_loop3A_200 : i32 to index
        %parallel_loop3A_243 = arith.constant 32 : index
        %parallel_loop3A_244 = tpu.vector_load %arg10[%parallel_loop3A_241, %parallel_loop3A_242, %parallel_loop3A_243] {strides = array<i32>} : memref<2x128x64xbf16, #tpu.memory_space<vmem>>, vector<32xbf16>,
        %parallel_loop3A_245 = tpu.unpack_subelements %parallel_loop3A_244, 0 {pack_format = #tpu.pack_format<interleaved>} : vector<32xbf16> -> vector<16xf32>
        %parallel_loop3A_246 = tpu.unpack_subelements %parallel_loop3A_244, 1 {pack_format = #tpu.pack_format<interleaved>} : vector<32xbf16> -> vector<16xf32>
        %parallel_loop3A_247 = arith.addf %parallel_loop3A_245, %parallel_loop3A_238 : vector<16xf32>
        %parallel_loop3A_248 = arith.constant 0.000000e+00 : f32
        %parallel_loop3A_249 = vector.broadcast %parallel_loop3A_248 : f32 to vector<16xf32>
        %parallel_loop3A_250 = arith.maximumf %parallel_loop3A_247, %parallel_loop3A_249 : vector<16xf32>
        %parallel_loop3A_251 = arith.constant 0 : i32
        %parallel_loop3A_252 = arith.index_cast %parallel_loop3A_251 : i32 to index
        %parallel_loop3A_253 = arith.index_cast %parallel_loop3A_200 : i32 to index
        %parallel_loop3A_254 = arith.constant 32 : index
        %parallel_loop3A_255 = tpu.vector_load %arg11[%parallel_loop3A_252, %parallel_loop3A_253, %parallel_loop3A_254] {strides = array<i32>} : memref<2x128x80xf32, #tpu.memory_space<vmem>>, vector<16xf32>,
        tpu.vector_store %arg11[%parallel_loop3A_252, %parallel_loop3A_253, %parallel_loop3A_254], %parallel_loop3A_250 {strides = array<i32>} : memref<2x128x80xf32, #tpu.memory_space<vmem>>, vector<16xf32>,
        %parallel_loop3A_256 = arith.addf %parallel_loop3A_246, %parallel_loop3A_239 : vector<16xf32>
        %parallel_loop3A_257 = arith.constant 0.000000e+00 : f32
        %parallel_loop3A_258 = vector.broadcast %parallel_loop3A_257 : f32 to vector<16xf32>
        %parallel_loop3A_259 = arith.maximumf %parallel_loop3A_256, %parallel_loop3A_258 : vector<16xf32>
        %parallel_loop3A_260 = arith.constant 0 : i32
        %parallel_loop3A_261 = arith.index_cast %parallel_loop3A_260 : i32 to index
        %parallel_loop3A_262 = arith.index_cast %parallel_loop3A_200 : i32 to index
        %parallel_loop3A_263 = arith.constant 48 : index
        %parallel_loop3A_264 = tpu.vector_load %arg11[%parallel_loop3A_261, %parallel_loop3A_262, %parallel_loop3A_263] {strides = array<i32>} : memref<2x128x80xf32, #tpu.memory_space<vmem>>, vector<16xf32>,
        tpu.vector_store %arg11[%parallel_loop3A_261, %parallel_loop3A_262, %parallel_loop3A_263], %parallel_loop3A_259 {strides = array<i32>} : memref<2x128x80xf32, #tpu.memory_space<vmem>>, vector<16xf32>,
      } {sc.loop_unroll_factor = 4 : i64, sc.parallel_access}
      %ge3A = arith.constant 1 : i32
      %ge3A_127 = arith.cmpi sge, %add3A_90, %ge3A : i32
      %convert_element_type3A_128 = arith.extui %ge3A_127 : i1 to i32
      %cond3A_129 = arith.constant 0 : i32
      %cond3A_130 = arith.cmpi ne, %convert_element_type3A_128, %cond3A_129 : i32
      scf.if %cond3A_130 {
        %dma_wait3A_200 = arith.constant 0 : i32
        %dma_wait3A_201 = arith.constant 1 : i32
        %dma_wait3A_202 = arith.constant 0 : i32
        %dma_wait3A_203 = arith.constant 0 : i32
        %dma_wait3A_204 = tpu.memref_slice %arg11[%dma_wait3A_201, %dma_wait3A_202, %dma_wait3A_203] : memref<2x128x80xf32, #tpu.memory_space<vmem>> -> memref<1x128x80xf32, #tpu.memory_space<vmem>>
        %dma_wait3A_205 = tpu.memref_squeeze %dma_wait3A_204 : memref<1x128x80xf32, #tpu.memory_space<vmem>> -> memref<128x80xf32, #tpu.memory_space<vmem>>
        %dma_wait3A_206 = arith.constant 0 : i32
        %dma_wait3A_207 = arith.constant 0 : i32
        %dma_wait3A_208 = tpu.memref_slice %arg6[%dma_wait3A_200, %dma_wait3A_206, %dma_wait3A_207] : memref<2x10240x80xf32, #tpu.memory_space<hbm>> -> memref<1x128x80xf32, #tpu.memory_space<hbm>>
        %dma_wait3A_209 = tpu.memref_squeeze %dma_wait3A_208 : memref<1x128x80xf32, #tpu.memory_space<hbm>> -> memref<128x80xf32, #tpu.memory_space<hbm>>
        %dma_wait3A_210 = arith.constant 0 : i32
        %dma_wait3A_211 = arith.constant 0 : i32
        %dma_wait3A_212 = tpu.memref_slice %arg11[%dma_wait3A_201, %dma_wait3A_210, %dma_wait3A_211] : memref<2x128x80xf32, #tpu.memory_space<vmem>> -> memref<1x128x80xf32, #tpu.memory_space<vmem>>
        %dma_wait3A_213 = tpu.memref_squeeze %dma_wait3A_212 : memref<1x128x80xf32, #tpu.memory_space<vmem>> -> memref<128x80xf32, #tpu.memory_space<vmem>>
        %dma_wait3A_214 = arith.constant 0 : i32
        %dma_wait3A_215 = arith.constant 0 : i32
        %dma_wait3A_216 = tpu.memref_slice %arg6[%dma_wait3A_200, %dma_wait3A_214, %dma_wait3A_215] : memref<2x10240x80xf32, #tpu.memory_space<hbm>> -> memref<1x128x80xf32, #tpu.memory_space<hbm>>
        %dma_wait3A_217 = tpu.memref_squeeze %dma_wait3A_216 : memref<1x128x80xf32, #tpu.memory_space<hbm>> -> memref<128x80xf32, #tpu.memory_space<hbm>>
        tpu.wait_dma2 semaphore(%arg19 : memref<!tpu.dma_semaphore, #tpu.memory_space<semaphore_mem>>) src(%dma_wait3A_217 : memref<128x80xf32, #tpu.memory_space<hbm>>) dst(%dma_wait3A_213 : memref<128x80xf32, #tpu.memory_space<vmem>>)
      } else {
      }
      %dma_start3A_131 = arith.constant 0 : i32
      %dma_start3A_132 = arith.constant 0 : i32
      %dma_start3A_133 = arith.constant 0 : i32
      %dma_start3A_134 = tpu.memref_slice %arg11[%dma_start3A_131, %dma_start3A_132, %dma_start3A_133] : memref<2x128x80xf32, #tpu.memory_space<vmem>> -> memref<1x128x80xf32, #tpu.memory_space<vmem>>
      %dma_start3A_135 = tpu.memref_squeeze %dma_start3A_134 : memref<1x128x80xf32, #tpu.memory_space<vmem>> -> memref<128x80xf32, #tpu.memory_space<vmem>>
      %dma_start3A_136 = arith.constant 0 : i32
      %dma_start3A_137 = tpu.memref_slice %arg8[%add3A_90, %dma_start3A_136] : memref<80x128xi32, #tpu.memory_space<vmem>> -> memref<1x128xi32, #tpu.memory_space<vmem>>
      %dma_start3A_138 = tpu.memref_squeeze %dma_start3A_137 : memref<1x128xi32, #tpu.memory_space<vmem>> -> memref<128xi32, #tpu.memory_space<vmem>>
      %dma_start3A_139 = arith.constant 0 : i32
      %dma_start3A_140 = arith.constant 0 : i32
      %dma_start3A_141 = tpu.memref_slice %arg12[%dma_start3A_139, %dma_start3A_140] : memref<10240x80xf32, #tpu.memory_space<vmem_shared>> -> memref<10240x80xf32, #tpu.memory_space<vmem_shared>>
      tpu.enqueue_indirect_dma source(%dma_start3A_135 : memref<128x80xf32, #tpu.memory_space<vmem>>) target(%dma_start3A_141 : memref<10240x80xf32, #tpu.memory_space<vmem_shared>>) offsets(%dma_start3A_138 : memref<128xi32, #tpu.memory_space<vmem>>) semaphore(%arg18 : memref<!tpu.dma_semaphore, #tpu.memory_space<semaphore_mem>>) {add = true}
      %add3A_142 = arith.constant 1 : i32
      %add3A_143 = arith.addi %add3A_88, %add3A_142 : i32
      %add3A_144 = arith.constant 1 : i32
      %add3A_145 = arith.addi %add3A_143, %add3A_144 : i32
      %lt3A_146 = arith.constant 80 : i32
      %lt3A_147 = arith.cmpi slt, %add3A_145, %lt3A_146 : i32
      %convert_element_type3A_148 = arith.extui %lt3A_147 : i1 to i32
      %cond3A_149 = arith.constant 0 : i32
      %cond3A_150 = arith.cmpi ne, %convert_element_type3A_148, %cond3A_149 : i32
      scf.if %cond3A_150 {
        %mul3A_200 = arith.constant 80 : i32
        %mul3A_201 = arith.muli %add3A, %mul3A_200 : i32
        %add3A_202 = arith.addi %mul3A_201, %add3A_145 : i32
        %mul3A_203 = arith.constant 128 : i32
        %mul3A_204 = arith.muli %add3A_202, %mul3A_203 : i32
        %dma_start3A_205 = arith.constant 0 : i32
        %dma_start3A_206 = arith.constant 0 : i32
        %dma_start3A_207 = arith.constant 0 : i32
        %dma_start3A_208 = tpu.memref_slice %arg9[%dma_start3A_205, %dma_start3A_206, %dma_start3A_207] : memref<2x128x64xbf16, #tpu.memory_space<vmem>> -> memref<1x128x64xbf16, #tpu.memory_space<vmem>>
        %dma_start3A_209 = tpu.memref_squeeze %dma_start3A_208 : memref<1x128x64xbf16, #tpu.memory_space<vmem>> -> memref<128x64xbf16, #tpu.memory_space<vmem>>
        %dma_start3A_210 = arith.constant 0 : i32
        %dma_start3A_211 = tpu.memref_slice %arg3[%mul3A_204, %dma_start3A_210] : memref<327680x64xbf16, #tpu.memory_space<hbm>> -> memref<128x64xbf16, #tpu.memory_space<hbm>>
        %dma_start3A_212 = arith.constant 0 : i32
        %dma_start3A_213 = arith.constant 0 : i32
        %dma_start3A_214 = tpu.memref_slice %arg9[%dma_start3A_205, %dma_start3A_212, %dma_start3A_213] : memref<2x128x64xbf16, #tpu.memory_space<vmem>> -> memref<1x128x64xbf16, #tpu.memory_space<vmem>>
        %dma_start3A_215 = tpu.memref_squeeze %dma_start3A_214 : memref<1x128x64xbf16, #tpu.memory_space<vmem>> -> memref<128x64xbf16, #tpu.memory_space<vmem>>
        %dma_start3A_216 = arith.constant 0 : i32
        %dma_start3A_217 = tpu.memref_slice %arg3[%mul3A_204, %dma_start3A_216] : memref<327680x64xbf16, #tpu.memory_space<hbm>> -> memref<128x64xbf16, #tpu.memory_space<hbm>>
        tpu.enqueue_dma source(%dma_start3A_217 : memref<128x64xbf16, #tpu.memory_space<hbm>>) target(%dma_start3A_215 : memref<128x64xbf16, #tpu.memory_space<vmem>>) target_semaphore(%arg14 : memref<!tpu.dma_semaphore, #tpu.memory_space<semaphore_mem>>)
        %dma_start3A_218 = arith.constant 0 : i32
        %dma_start3A_219 = arith.constant 0 : i32
        %dma_start3A_220 = arith.constant 0 : i32
        %dma_start3A_221 = tpu.memref_slice %arg10[%dma_start3A_218, %dma_start3A_219, %dma_start3A_220] : memref<2x128x64xbf16, #tpu.memory_space<vmem>> -> memref<1x128x64xbf16, #tpu.memory_space<vmem>>
        %dma_start3A_222 = tpu.memref_squeeze %dma_start3A_221 : memref<1x128x64xbf16, #tpu.memory_space<vmem>> -> memref<128x64xbf16, #tpu.memory_space<vmem>>
        %dma_start3A_223 = arith.constant 0 : i32
        %dma_start3A_224 = tpu.memref_slice %arg7[%add3A_145, %dma_start3A_223] : memref<80x128xi32, #tpu.memory_space<vmem>> -> memref<1x128xi32, #tpu.memory_space<vmem>>
        %dma_start3A_225 = tpu.memref_squeeze %dma_start3A_224 : memref<1x128xi32, #tpu.memory_space<vmem>> -> memref<128xi32, #tpu.memory_space<vmem>>
        %dma_start3A_226 = arith.constant 0 : i32
        %dma_start3A_227 = arith.constant 0 : i32
        %dma_start3A_228 = tpu.memref_slice %arg13[%dma_start3A_226, %dma_start3A_227] : memref<10240x64xbf16, #tpu.memory_space<vmem_shared>> -> memref<10240x64xbf16, #tpu.memory_space<vmem_shared>>
        tpu.enqueue_indirect_dma source(%dma_start3A_228 : memref<10240x64xbf16, #tpu.memory_space<vmem_shared>>) target(%dma_start3A_222 : memref<128x64xbf16, #tpu.memory_space<vmem>>) offsets(%dma_start3A_225 : memref<128xi32, #tpu.memory_space<vmem>>) semaphore(%arg16 : memref<!tpu.dma_semaphore, #tpu.memory_space<semaphore_mem>>)
      } else {
      }
      %dma_wait3A_151 = arith.constant 1 : i32
      %dma_wait3A_152 = arith.constant 0 : i32
      %dma_wait3A_153 = arith.constant 0 : i32
      %dma_wait3A_154 = tpu.memref_slice %arg9[%dma_wait3A_151, %dma_wait3A_152, %dma_wait3A_153] : memref<2x128x64xbf16, #tpu.memory_space<vmem>> -> memref<1x128x64xbf16, #tpu.memory_space<vmem>>
      %dma_wait3A_155 = tpu.memref_squeeze %dma_wait3A_154 : memref<1x128x64xbf16, #tpu.memory_space<vmem>> -> memref<128x64xbf16, #tpu.memory_space<vmem>>
      %dma_wait3A_156 = arith.constant 0 : i32
      %dma_wait3A_157 = arith.constant 0 : i32
      %dma_wait3A_158 = tpu.memref_slice %arg3[%dma_wait3A_156, %dma_wait3A_157] : memref<327680x64xbf16, #tpu.memory_space<hbm>> -> memref<128x64xbf16, #tpu.memory_space<hbm>>
      %dma_wait3A_159 = arith.constant 0 : i32
      %dma_wait3A_160 = arith.constant 0 : i32
      %dma_wait3A_161 = tpu.memref_slice %arg9[%dma_wait3A_151, %dma_wait3A_159, %dma_wait3A_160] : memref<2x128x64xbf16, #tpu.memory_space<vmem>> -> memref<1x128x64xbf16, #tpu.memory_space<vmem>>
      %dma_wait3A_162 = tpu.memref_squeeze %dma_wait3A_161 : memref<1x128x64xbf16, #tpu.memory_space<vmem>> -> memref<128x64xbf16, #tpu.memory_space<vmem>>
      %dma_wait3A_163 = arith.constant 0 : i32
      %dma_wait3A_164 = arith.constant 0 : i32
      %dma_wait3A_165 = tpu.memref_slice %arg3[%dma_wait3A_163, %dma_wait3A_164] : memref<327680x64xbf16, #tpu.memory_space<hbm>> -> memref<128x64xbf16, #tpu.memory_space<hbm>>
      tpu.wait_dma2 semaphore(%arg15 : memref<!tpu.dma_semaphore, #tpu.memory_space<semaphore_mem>>) src(%dma_wait3A_165 : memref<128x64xbf16, #tpu.memory_space<hbm>>) dst(%dma_wait3A_162 : memref<128x64xbf16, #tpu.memory_space<vmem>>)
      %dma_wait3A_166 = arith.constant 1 : i32
      %dma_wait3A_167 = arith.constant 0 : i32
      %dma_wait3A_168 = arith.constant 0 : i32
      %dma_wait3A_169 = tpu.memref_slice %arg10[%dma_wait3A_166, %dma_wait3A_167, %dma_wait3A_168] : memref<2x128x64xbf16, #tpu.memory_space<vmem>> -> memref<1x128x64xbf16, #tpu.memory_space<vmem>>
      %dma_wait3A_170 = tpu.memref_squeeze %dma_wait3A_169 : memref<1x128x64xbf16, #tpu.memory_space<vmem>> -> memref<128x64xbf16, #tpu.memory_space<vmem>>
      %dma_wait3A_171 = arith.constant 0 : i32
      %dma_wait3A_172 = arith.constant 0 : i32
      %dma_wait3A_173 = tpu.memref_slice %arg2[%dma_wait3A_171, %dma_wait3A_172] : memref<10240x64xbf16, #tpu.memory_space<hbm>> -> memref<128x64xbf16, #tpu.memory_space<hbm>>
      %dma_wait3A_174 = arith.constant 0 : i32
      %dma_wait3A_175 = arith.constant 0 : i32
      %dma_wait3A_176 = tpu.memref_slice %arg10[%dma_wait3A_166, %dma_wait3A_174, %dma_wait3A_175] : memref<2x128x64xbf16, #tpu.memory_space<vmem>> -> memref<1x128x64xbf16, #tpu.memory_space<vmem>>
      %dma_wait3A_177 = tpu.memref_squeeze %dma_wait3A_176 : memref<1x128x64xbf16, #tpu.memory_space<vmem>> -> memref<128x64xbf16, #tpu.memory_space<vmem>>
      %dma_wait3A_178 = arith.constant 0 : i32
      %dma_wait3A_179 = arith.constant 0 : i32
      %dma_wait3A_180 = tpu.memref_slice %arg2[%dma_wait3A_178, %dma_wait3A_179] : memref<10240x64xbf16, #tpu.memory_space<hbm>> -> memref<128x64xbf16, #tpu.memory_space<hbm>>
      tpu.wait_dma2 semaphore(%arg17 : memref<!tpu.dma_semaphore, #tpu.memory_space<semaphore_mem>>) src(%dma_wait3A_180 : memref<128x64xbf16, #tpu.memory_space<hbm>>) dst(%dma_wait3A_177 : memref<128x64xbf16, #tpu.memory_space<vmem>>)
      %parallel_loop3A_181 = arith.constant 0 : i32
      %parallel_loop3A_182 = arith.constant 128 : i32
      %parallel_loop3A_183 = arith.constant 1 : i32
      scf.for %parallel_loop3A_200 = %parallel_loop3A_181 to %parallel_loop3A_182 step %parallel_loop3A_183  : i32 {
        %parallel_loop3A_201 = arith.constant 1 : i32
        %parallel_loop3A_202 = arith.index_cast %parallel_loop3A_201 : i32 to index
        %parallel_loop3A_203 = arith.index_cast %parallel_loop3A_200 : i32 to index
        %parallel_loop3A_204 = arith.constant 0 : index
        %parallel_loop3A_205 = tpu.vector_load %arg9[%parallel_loop3A_202, %parallel_loop3A_203, %parallel_loop3A_204] {strides = array<i32>} : memref<2x128x64xbf16, #tpu.memory_space<vmem>>, vector<32xbf16>,
        %parallel_loop3A_206 = tpu.unpack_subelements %parallel_loop3A_205, 0 {pack_format = #tpu.pack_format<interleaved>} : vector<32xbf16> -> vector<16xf32>
        %parallel_loop3A_207 = tpu.unpack_subelements %parallel_loop3A_205, 1 {pack_format = #tpu.pack_format<interleaved>} : vector<32xbf16> -> vector<16xf32>
        %parallel_loop3A_208 = arith.constant 1 : i32
        %parallel_loop3A_209 = arith.index_cast %parallel_loop3A_208 : i32 to index
        %parallel_loop3A_210 = arith.index_cast %parallel_loop3A_200 : i32 to index
        %parallel_loop3A_211 = arith.constant 0 : index
        %parallel_loop3A_212 = tpu.vector_load %arg10[%parallel_loop3A_209, %parallel_loop3A_210, %parallel_loop3A_211] {strides = array<i32>} : memref<2x128x64xbf16, #tpu.memory_space<vmem>>, vector<32xbf16>,
        %parallel_loop3A_213 = tpu.unpack_subelements %parallel_loop3A_212, 0 {pack_format = #tpu.pack_format<interleaved>} : vector<32xbf16> -> vector<16xf32>
        %parallel_loop3A_214 = tpu.unpack_subelements %parallel_loop3A_212, 1 {pack_format = #tpu.pack_format<interleaved>} : vector<32xbf16> -> vector<16xf32>
        %parallel_loop3A_215 = arith.addf %parallel_loop3A_213, %parallel_loop3A_206 : vector<16xf32>
        %parallel_loop3A_216 = arith.constant 0.000000e+00 : f32
        %parallel_loop3A_217 = vector.broadcast %parallel_loop3A_216 : f32 to vector<16xf32>
        %parallel_loop3A_218 = arith.maximumf %parallel_loop3A_215, %parallel_loop3A_217 : vector<16xf32>
        %parallel_loop3A_219 = arith.constant 1 : i32
        %parallel_loop3A_220 = arith.index_cast %parallel_loop3A_219 : i32 to index
        %parallel_loop3A_221 = arith.index_cast %parallel_loop3A_200 : i32 to index
        %parallel_loop3A_222 = arith.constant 0 : index
        %parallel_loop3A_223 = tpu.vector_load %arg11[%parallel_loop3A_220, %parallel_loop3A_221, %parallel_loop3A_222] {strides = array<i32>} : memref<2x128x80xf32, #tpu.memory_space<vmem>>, vector<16xf32>,
        tpu.vector_store %arg11[%parallel_loop3A_220, %parallel_loop3A_221, %parallel_loop3A_222], %parallel_loop3A_218 {strides = array<i32>} : memref<2x128x80xf32, #tpu.memory_space<vmem>>, vector<16xf32>,
        %parallel_loop3A_224 = arith.addf %parallel_loop3A_214, %parallel_loop3A_207 : vector<16xf32>
        %parallel_loop3A_225 = arith.constant 0.000000e+00 : f32
        %parallel_loop3A_226 = vector.broadcast %parallel_loop3A_225 : f32 to vector<16xf32>
        %parallel_loop3A_227 = arith.maximumf %parallel_loop3A_224, %parallel_loop3A_226 : vector<16xf32>
        %parallel_loop3A_228 = arith.constant 1 : i32
        %parallel_loop3A_229 = arith.index_cast %parallel_loop3A_228 : i32 to index
        %parallel_loop3A_230 = arith.index_cast %parallel_loop3A_200 : i32 to index
        %parallel_loop3A_231 = arith.constant 16 : index
        %parallel_loop3A_232 = tpu.vector_load %arg11[%parallel_loop3A_229, %parallel_loop3A_230, %parallel_loop3A_231] {strides = array<i32>} : memref<2x128x80xf32, #tpu.memory_space<vmem>>, vector<16xf32>,
        tpu.vector_store %arg11[%parallel_loop3A_229, %parallel_loop3A_230, %parallel_loop3A_231], %parallel_loop3A_227 {strides = array<i32>} : memref<2x128x80xf32, #tpu.memory_space<vmem>>, vector<16xf32>,
        %parallel_loop3A_233 = arith.constant 1 : i32
        %parallel_loop3A_234 = arith.index_cast %parallel_loop3A_233 : i32 to index
        %parallel_loop3A_235 = arith.index_cast %parallel_loop3A_200 : i32 to index
        %parallel_loop3A_236 = arith.constant 32 : index
        %parallel_loop3A_237 = tpu.vector_load %arg9[%parallel_loop3A_234, %parallel_loop3A_235, %parallel_loop3A_236] {strides = array<i32>} : memref<2x128x64xbf16, #tpu.memory_space<vmem>>, vector<32xbf16>,
        %parallel_loop3A_238 = tpu.unpack_subelements %parallel_loop3A_237, 0 {pack_format = #tpu.pack_format<interleaved>} : vector<32xbf16> -> vector<16xf32>
        %parallel_loop3A_239 = tpu.unpack_subelements %parallel_loop3A_237, 1 {pack_format = #tpu.pack_format<interleaved>} : vector<32xbf16> -> vector<16xf32>
        %parallel_loop3A_240 = arith.constant 1 : i32
        %parallel_loop3A_241 = arith.index_cast %parallel_loop3A_240 : i32 to index
        %parallel_loop3A_242 = arith.index_cast %parallel_loop3A_200 : i32 to index
        %parallel_loop3A_243 = arith.constant 32 : index
        %parallel_loop3A_244 = tpu.vector_load %arg10[%parallel_loop3A_241, %parallel_loop3A_242, %parallel_loop3A_243] {strides = array<i32>} : memref<2x128x64xbf16, #tpu.memory_space<vmem>>, vector<32xbf16>,
        %parallel_loop3A_245 = tpu.unpack_subelements %parallel_loop3A_244, 0 {pack_format = #tpu.pack_format<interleaved>} : vector<32xbf16> -> vector<16xf32>
        %parallel_loop3A_246 = tpu.unpack_subelements %parallel_loop3A_244, 1 {pack_format = #tpu.pack_format<interleaved>} : vector<32xbf16> -> vector<16xf32>
        %parallel_loop3A_247 = arith.addf %parallel_loop3A_245, %parallel_loop3A_238 : vector<16xf32>
        %parallel_loop3A_248 = arith.constant 0.000000e+00 : f32
        %parallel_loop3A_249 = vector.broadcast %parallel_loop3A_248 : f32 to vector<16xf32>
        %parallel_loop3A_250 = arith.maximumf %parallel_loop3A_247, %parallel_loop3A_249 : vector<16xf32>
        %parallel_loop3A_251 = arith.constant 1 : i32
        %parallel_loop3A_252 = arith.index_cast %parallel_loop3A_251 : i32 to index
        %parallel_loop3A_253 = arith.index_cast %parallel_loop3A_200 : i32 to index
        %parallel_loop3A_254 = arith.constant 32 : index
        %parallel_loop3A_255 = tpu.vector_load %arg11[%parallel_loop3A_252, %parallel_loop3A_253, %parallel_loop3A_254] {strides = array<i32>} : memref<2x128x80xf32, #tpu.memory_space<vmem>>, vector<16xf32>,
        tpu.vector_store %arg11[%parallel_loop3A_252, %parallel_loop3A_253, %parallel_loop3A_254], %parallel_loop3A_250 {strides = array<i32>} : memref<2x128x80xf32, #tpu.memory_space<vmem>>, vector<16xf32>,
        %parallel_loop3A_256 = arith.addf %parallel_loop3A_246, %parallel_loop3A_239 : vector<16xf32>
        %parallel_loop3A_257 = arith.constant 0.000000e+00 : f32
        %parallel_loop3A_258 = vector.broadcast %parallel_loop3A_257 : f32 to vector<16xf32>
        %parallel_loop3A_259 = arith.maximumf %parallel_loop3A_256, %parallel_loop3A_258 : vector<16xf32>
        %parallel_loop3A_260 = arith.constant 1 : i32
        %parallel_loop3A_261 = arith.index_cast %parallel_loop3A_260 : i32 to index
        %parallel_loop3A_262 = arith.index_cast %parallel_loop3A_200 : i32 to index
        %parallel_loop3A_263 = arith.constant 48 : index
        %parallel_loop3A_264 = tpu.vector_load %arg11[%parallel_loop3A_261, %parallel_loop3A_262, %parallel_loop3A_263] {strides = array<i32>} : memref<2x128x80xf32, #tpu.memory_space<vmem>>, vector<16xf32>,
        tpu.vector_store %arg11[%parallel_loop3A_261, %parallel_loop3A_262, %parallel_loop3A_263], %parallel_loop3A_259 {strides = array<i32>} : memref<2x128x80xf32, #tpu.memory_space<vmem>>, vector<16xf32>,
      } {sc.loop_unroll_factor = 4 : i64, sc.parallel_access}
      %ge3A_184 = arith.constant 1 : i32
      %ge3A_185 = arith.cmpi sge, %add3A_143, %ge3A_184 : i32
      %convert_element_type3A_186 = arith.extui %ge3A_185 : i1 to i32
      %cond3A_187 = arith.constant 0 : i32
      %cond3A_188 = arith.cmpi ne, %convert_element_type3A_186, %cond3A_187 : i32
      scf.if %cond3A_188 {
        %dma_wait3A_200 = arith.constant 0 : i32
        %dma_wait3A_201 = arith.constant 0 : i32
        %dma_wait3A_202 = arith.constant 0 : i32
        %dma_wait3A_203 = arith.constant 0 : i32
        %dma_wait3A_204 = tpu.memref_slice %arg11[%dma_wait3A_201, %dma_wait3A_202, %dma_wait3A_203] : memref<2x128x80xf32, #tpu.memory_space<vmem>> -> memref<1x128x80xf32, #tpu.memory_space<vmem>>
        %dma_wait3A_205 = tpu.memref_squeeze %dma_wait3A_204 : memref<1x128x80xf32, #tpu.memory_space<vmem>> -> memref<128x80xf32, #tpu.memory_space<vmem>>
        %dma_wait3A_206 = arith.constant 0 : i32
        %dma_wait3A_207 = arith.constant 0 : i32
        %dma_wait3A_208 = tpu.memref_slice %arg6[%dma_wait3A_200, %dma_wait3A_206, %dma_wait3A_207] : memref<2x10240x80xf32, #tpu.memory_space<hbm>> -> memref<1x128x80xf32, #tpu.memory_space<hbm>>
        %dma_wait3A_209 = tpu.memref_squeeze %dma_wait3A_208 : memref<1x128x80xf32, #tpu.memory_space<hbm>> -> memref<128x80xf32, #tpu.memory_space<hbm>>
        %dma_wait3A_210 = arith.constant 0 : i32
        %dma_wait3A_211 = arith.constant 0 : i32
        %dma_wait3A_212 = tpu.memref_slice %arg11[%dma_wait3A_201, %dma_wait3A_210, %dma_wait3A_211] : memref<2x128x80xf32, #tpu.memory_space<vmem>> -> memref<1x128x80xf32, #tpu.memory_space<vmem>>
        %dma_wait3A_213 = tpu.memref_squeeze %dma_wait3A_212 : memref<1x128x80xf32, #tpu.memory_space<vmem>> -> memref<128x80xf32, #tpu.memory_space<vmem>>
        %dma_wait3A_214 = arith.constant 0 : i32
        %dma_wait3A_215 = arith.constant 0 : i32
        %dma_wait3A_216 = tpu.memref_slice %arg6[%dma_wait3A_200, %dma_wait3A_214, %dma_wait3A_215] : memref<2x10240x80xf32, #tpu.memory_space<hbm>> -> memref<1x128x80xf32, #tpu.memory_space<hbm>>
        %dma_wait3A_217 = tpu.memref_squeeze %dma_wait3A_216 : memref<1x128x80xf32, #tpu.memory_space<hbm>> -> memref<128x80xf32, #tpu.memory_space<hbm>>
        tpu.wait_dma2 semaphore(%arg18 : memref<!tpu.dma_semaphore, #tpu.memory_space<semaphore_mem>>) src(%dma_wait3A_217 : memref<128x80xf32, #tpu.memory_space<hbm>>) dst(%dma_wait3A_213 : memref<128x80xf32, #tpu.memory_space<vmem>>)
      } else {
      }
      %dma_start3A_189 = arith.constant 1 : i32
      %dma_start3A_190 = arith.constant 0 : i32
      %dma_start3A_191 = arith.constant 0 : i32
      %dma_start3A_192 = tpu.memref_slice %arg11[%dma_start3A_189, %dma_start3A_190, %dma_start3A_191] : memref<2x128x80xf32, #tpu.memory_space<vmem>> -> memref<1x128x80xf32, #tpu.memory_space<vmem>>
      %dma_start3A_193 = tpu.memref_squeeze %dma_start3A_192 : memref<1x128x80xf32, #tpu.memory_space<vmem>> -> memref<128x80xf32, #tpu.memory_space<vmem>>
      %dma_start3A_194 = arith.constant 0 : i32
      %dma_start3A_195 = tpu.memref_slice %arg8[%add3A_143, %dma_start3A_194] : memref<80x128xi32, #tpu.memory_space<vmem>> -> memref<1x128xi32, #tpu.memory_space<vmem>>
      %dma_start3A_196 = tpu.memref_squeeze %dma_start3A_195 : memref<1x128xi32, #tpu.memory_space<vmem>> -> memref<128xi32, #tpu.memory_space<vmem>>
      %dma_start3A_197 = arith.constant 0 : i32
      %dma_start3A_198 = arith.constant 0 : i32
      %dma_start3A_199 = tpu.memref_slice %arg12[%dma_start3A_197, %dma_start3A_198] : memref<10240x80xf32, #tpu.memory_space<vmem_shared>> -> memref<10240x80xf32, #tpu.memory_space<vmem_shared>>
      tpu.enqueue_indirect_dma source(%dma_start3A_193 : memref<128x80xf32, #tpu.memory_space<vmem>>) target(%dma_start3A_199 : memref<10240x80xf32, #tpu.memory_space<vmem_shared>>) offsets(%dma_start3A_196 : memref<128xi32, #tpu.memory_space<vmem>>) semaphore(%arg19 : memref<!tpu.dma_semaphore, #tpu.memory_space<semaphore_mem>>) {add = true}
    }
    %scan3A_60 = arith.constant 40 : i32
    %dma_wait3A = arith.constant 0 : i32
    %dma_wait3A_61 = arith.constant 1 : i32
    %dma_wait3A_62 = arith.constant 0 : i32
    %dma_wait3A_63 = arith.constant 0 : i32
    %dma_wait3A_64 = tpu.memref_slice %arg11[%dma_wait3A_61, %dma_wait3A_62, %dma_wait3A_63] : memref<2x128x80xf32, #tpu.memory_space<vmem>> -> memref<1x128x80xf32, #tpu.memory_space<vmem>>
    %dma_wait3A_65 = tpu.memref_squeeze %dma_wait3A_64 : memref<1x128x80xf32, #tpu.memory_space<vmem>> -> memref<128x80xf32, #tpu.memory_space<vmem>>
    %dma_wait3A_66 = arith.constant 0 : i32
    %dma_wait3A_67 = arith.constant 0 : i32
    %dma_wait3A_68 = tpu.memref_slice %arg6[%dma_wait3A, %dma_wait3A_66, %dma_wait3A_67] : memref<2x10240x80xf32, #tpu.memory_space<hbm>> -> memref<1x128x80xf32, #tpu.memory_space<hbm>>
    %dma_wait3A_69 = tpu.memref_squeeze %dma_wait3A_68 : memref<1x128x80xf32, #tpu.memory_space<hbm>> -> memref<128x80xf32, #tpu.memory_space<hbm>>
    %dma_wait3A_70 = arith.constant 0 : i32
    %dma_wait3A_71 = arith.constant 0 : i32
    %dma_wait3A_72 = tpu.memref_slice %arg11[%dma_wait3A_61, %dma_wait3A_70, %dma_wait3A_71] : memref<2x128x80xf32, #tpu.memory_space<vmem>> -> memref<1x128x80xf32, #tpu.memory_space<vmem>>
    %dma_wait3A_73 = tpu.memref_squeeze %dma_wait3A_72 : memref<1x128x80xf32, #tpu.memory_space<vmem>> -> memref<128x80xf32, #tpu.memory_space<vmem>>
    %dma_wait3A_74 = arith.constant 0 : i32
    %dma_wait3A_75 = arith.constant 0 : i32
    %dma_wait3A_76 = tpu.memref_slice %arg6[%dma_wait3A, %dma_wait3A_74, %dma_wait3A_75] : memref<2x10240x80xf32, #tpu.memory_space<hbm>> -> memref<1x128x80xf32, #tpu.memory_space<hbm>>
    %dma_wait3A_77 = tpu.memref_squeeze %dma_wait3A_76 : memref<1x128x80xf32, #tpu.memory_space<hbm>> -> memref<128x80xf32, #tpu.memory_space<hbm>>
    tpu.wait_dma2 semaphore(%arg19 : memref<!tpu.dma_semaphore, #tpu.memory_space<semaphore_mem>>) src(%dma_wait3A_77 : memref<128x80xf32, #tpu.memory_space<hbm>>) dst(%dma_wait3A_73 : memref<128x80xf32, #tpu.memory_space<vmem>>)
    %barrier3A_78 = arith.constant 0 : index
    tpu.barrier barrier_id(%barrier3A_78)
    %scan3A_79 = arith.constant 0 : i32
    %scan3A_80 = arith.constant 5 : i32
    %scan3A_81 = arith.addi %scan3A_79, %scan3A_80 : i32
    %scan3A_82 = arith.constant 1 : i32
    scf.for %scan3A_84 = %scan3A_79 to %scan3A_81 step %scan3A_82  : i32 {
      %mul3A_85 = arith.constant 1 : i32
      %mul3A_86 = arith.muli %scan3A_84, %mul3A_85 : i32
      %add3A_87 = arith.constant 0 : i32
      %add3A_88 = arith.addi %add3A_87, %mul3A_86 : i32
      %mul3A_89 = arith.constant 5 : i32
      %mul3A_90 = arith.muli %arg1, %mul3A_89 : i32
      %add3A_91 = arith.addi %mul3A_90, %add3A_88 : i32
      %mul3A_92 = arith.constant 128 : i32
      %mul3A_93 = arith.muli %add3A_91, %mul3A_92 : i32
      %run_scoped3A = arith.constant 0 : i32
      "tpu.region"() ({
        %run_scoped3A_95 = tpu.sem_alloc : memref<!tpu.dma_semaphore, #tpu.memory_space<semaphore_mem>>
        %dma_start3A_96 = arith.constant 0 : i32
        %dma_start3A_97 = arith.constant 0 : i32
        %dma_start3A_98 = tpu.memref_slice %arg11[%run_scoped3A, %dma_start3A_96, %dma_start3A_97] : memref<2x128x80xf32, #tpu.memory_space<vmem>> -> memref<1x128x80xf32, #tpu.memory_space<vmem>>
        %dma_start3A_99 = tpu.memref_squeeze %dma_start3A_98 : memref<1x128x80xf32, #tpu.memory_space<vmem>> -> memref<128x80xf32, #tpu.memory_space<vmem>>
        %dma_start3A_100 = arith.constant 0 : i32
        %dma_start3A_101 = tpu.memref_slice %arg12[%mul3A_93, %dma_start3A_100] : memref<10240x80xf32, #tpu.memory_space<vmem_shared>> -> memref<128x80xf32, #tpu.memory_space<vmem_shared>>
        %dma_start3A_102 = arith.constant 0 : i32
        %dma_start3A_103 = arith.constant 0 : i32
        %dma_start3A_104 = tpu.memref_slice %arg11[%run_scoped3A, %dma_start3A_102, %dma_start3A_103] : memref<2x128x80xf32, #tpu.memory_space<vmem>> -> memref<1x128x80xf32, #tpu.memory_space<vmem>>
        %dma_start3A_105 = tpu.memref_squeeze %dma_start3A_104 : memref<1x128x80xf32, #tpu.memory_space<vmem>> -> memref<128x80xf32, #tpu.memory_space<vmem>>
        %dma_start3A_106 = arith.constant 0 : i32
        %dma_start3A_107 = tpu.memref_slice %arg12[%mul3A_93, %dma_start3A_106] : memref<10240x80xf32, #tpu.memory_space<vmem_shared>> -> memref<128x80xf32, #tpu.memory_space<vmem_shared>>
        tpu.enqueue_dma source(%dma_start3A_107 : memref<128x80xf32, #tpu.memory_space<vmem_shared>>) target(%dma_start3A_105 : memref<128x80xf32, #tpu.memory_space<vmem>>) target_semaphore(%run_scoped3A_95 : memref<!tpu.dma_semaphore, #tpu.memory_space<semaphore_mem>>)
        %dma_wait3A_108 = arith.constant 0 : i32
        %dma_wait3A_109 = arith.constant 0 : i32
        %dma_wait3A_110 = tpu.memref_slice %arg11[%run_scoped3A, %dma_wait3A_108, %dma_wait3A_109] : memref<2x128x80xf32, #tpu.memory_space<vmem>> -> memref<1x128x80xf32, #tpu.memory_space<vmem>>
        %dma_wait3A_111 = tpu.memref_squeeze %dma_wait3A_110 : memref<1x128x80xf32, #tpu.memory_space<vmem>> -> memref<128x80xf32, #tpu.memory_space<vmem>>
        %dma_wait3A_112 = arith.constant 0 : i32
        %dma_wait3A_113 = tpu.memref_slice %arg12[%mul3A_93, %dma_wait3A_112] : memref<10240x80xf32, #tpu.memory_space<vmem_shared>> -> memref<128x80xf32, #tpu.memory_space<vmem_shared>>
        %dma_wait3A_114 = arith.constant 0 : i32
        %dma_wait3A_115 = arith.constant 0 : i32
        %dma_wait3A_116 = tpu.memref_slice %arg11[%run_scoped3A, %dma_wait3A_114, %dma_wait3A_115] : memref<2x128x80xf32, #tpu.memory_space<vmem>> -> memref<1x128x80xf32, #tpu.memory_space<vmem>>
        %dma_wait3A_117 = tpu.memref_squeeze %dma_wait3A_116 : memref<1x128x80xf32, #tpu.memory_space<vmem>> -> memref<128x80xf32, #tpu.memory_space<vmem>>
        %dma_wait3A_118 = arith.constant 0 : i32
        %dma_wait3A_119 = tpu.memref_slice %arg12[%mul3A_93, %dma_wait3A_118] : memref<10240x80xf32, #tpu.memory_space<vmem_shared>> -> memref<128x80xf32, #tpu.memory_space<vmem_shared>>
        tpu.wait_dma2 semaphore(%run_scoped3A_95 : memref<!tpu.dma_semaphore, #tpu.memory_space<semaphore_mem>>) src(%dma_wait3A_119 : memref<128x80xf32, #tpu.memory_space<vmem_shared>>) dst(%dma_wait3A_117 : memref<128x80xf32, #tpu.memory_space<vmem>>)
        tpu.yield
      }) : () -> ()
      %run_scoped3A_94 = arith.constant 0 : i32
      "tpu.region"() ({
        %run_scoped3A_95 = tpu.sem_alloc : memref<!tpu.dma_semaphore, #tpu.memory_space<semaphore_mem>>
        %dma_start3A_96 = arith.constant 0 : i32
        %dma_start3A_97 = arith.constant 0 : i32
        %dma_start3A_98 = tpu.memref_slice %arg11[%run_scoped3A_94, %dma_start3A_96, %dma_start3A_97] : memref<2x128x80xf32, #tpu.memory_space<vmem>> -> memref<1x128x80xf32, #tpu.memory_space<vmem>>
        %dma_start3A_99 = tpu.memref_squeeze %dma_start3A_98 : memref<1x128x80xf32, #tpu.memory_space<vmem>> -> memref<128x80xf32, #tpu.memory_space<vmem>>
        %dma_start3A_100 = arith.constant 0 : i32
        %dma_start3A_101 = tpu.memref_slice %arg6[%arg0, %mul3A_93, %dma_start3A_100] : memref<2x10240x80xf32, #tpu.memory_space<hbm>> -> memref<1x128x80xf32, #tpu.memory_space<hbm>>
        %dma_start3A_102 = tpu.memref_squeeze %dma_start3A_101 : memref<1x128x80xf32, #tpu.memory_space<hbm>> -> memref<128x80xf32, #tpu.memory_space<hbm>>
        %dma_start3A_103 = arith.constant 0 : i32
        %dma_start3A_104 = tpu.memref_slice %arg6[%arg0, %mul3A_93, %dma_start3A_103] : memref<2x10240x80xf32, #tpu.memory_space<hbm>> -> memref<1x128x80xf32, #tpu.memory_space<hbm>>
        %dma_start3A_105 = tpu.memref_squeeze %dma_start3A_104 : memref<1x128x80xf32, #tpu.memory_space<hbm>> -> memref<128x80xf32, #tpu.memory_space<hbm>>
        %dma_start3A_106 = arith.constant 0 : i32
        %dma_start3A_107 = arith.constant 0 : i32
        %dma_start3A_108 = tpu.memref_slice %arg11[%run_scoped3A_94, %dma_start3A_106, %dma_start3A_107] : memref<2x128x80xf32, #tpu.memory_space<vmem>> -> memref<1x128x80xf32, #tpu.memory_space<vmem>>
        %dma_start3A_109 = tpu.memref_squeeze %dma_start3A_108 : memref<1x128x80xf32, #tpu.memory_space<vmem>> -> memref<128x80xf32, #tpu.memory_space<vmem>>
        tpu.enqueue_dma source(%dma_start3A_109 : memref<128x80xf32, #tpu.memory_space<vmem>>) target(%dma_start3A_105 : memref<128x80xf32, #tpu.memory_space<hbm>>) target_semaphore(%run_scoped3A_95 : memref<!tpu.dma_semaphore, #tpu.memory_space<semaphore_mem>>)
        %dma_wait3A_110 = arith.constant 0 : i32
        %dma_wait3A_111 = arith.constant 0 : i32
        %dma_wait3A_112 = tpu.memref_slice %arg11[%run_scoped3A_94, %dma_wait3A_110, %dma_wait3A_111] : memref<2x128x80xf32, #tpu.memory_space<vmem>> -> memref<1x128x80xf32, #tpu.memory_space<vmem>>
        %dma_wait3A_113 = tpu.memref_squeeze %dma_wait3A_112 : memref<1x128x80xf32, #tpu.memory_space<vmem>> -> memref<128x80xf32, #tpu.memory_space<vmem>>
        %dma_wait3A_114 = arith.constant 0 : i32
        %dma_wait3A_115 = tpu.memref_slice %arg6[%arg0, %mul3A_93, %dma_wait3A_114] : memref<2x10240x80xf32, #tpu.memory_space<hbm>> -> memref<1x128x80xf32, #tpu.memory_space<hbm>>
        %dma_wait3A_116 = tpu.memref_squeeze %dma_wait3A_115 : memref<1x128x80xf32, #tpu.memory_space<hbm>> -> memref<128x80xf32, #tpu.memory_space<hbm>>
        %dma_wait3A_117 = arith.constant 0 : i32
        %dma_wait3A_118 = tpu.memref_slice %arg6[%arg0, %mul3A_93, %dma_wait3A_117] : memref<2x10240x80xf32, #tpu.memory_space<hbm>> -> memref<1x128x80xf32, #tpu.memory_space<hbm>>
        %dma_wait3A_119 = tpu.memref_squeeze %dma_wait3A_118 : memref<1x128x80xf32, #tpu.memory_space<hbm>> -> memref<128x80xf32, #tpu.memory_space<hbm>>
        %dma_wait3A_120 = arith.constant 0 : i32
        %dma_wait3A_121 = arith.constant 0 : i32
        %dma_wait3A_122 = tpu.memref_slice %arg11[%run_scoped3A_94, %dma_wait3A_120, %dma_wait3A_121] : memref<2x128x80xf32, #tpu.memory_space<vmem>> -> memref<1x128x80xf32, #tpu.memory_space<vmem>>
        %dma_wait3A_123 = tpu.memref_squeeze %dma_wait3A_122 : memref<1x128x80xf32, #tpu.memory_space<vmem>> -> memref<128x80xf32, #tpu.memory_space<vmem>>
        tpu.wait_dma2 semaphore(%run_scoped3A_95 : memref<!tpu.dma_semaphore, #tpu.memory_space<semaphore_mem>>) src(%dma_wait3A_123 : memref<128x80xf32, #tpu.memory_space<vmem>>) dst(%dma_wait3A_119 : memref<128x80xf32, #tpu.memory_space<hbm>>)
        tpu.yield
      }) : () -> ()
    }
    %scan3A_83 = arith.constant 5 : i32
    return
  }
}

module attributes {stable_mosaic.version = 14 : i64} {
  func.func @_tp_body(%arg0: i32, %arg1: memref<512x128xf32, #tpu.memory_space<vmem>>, %arg2: memref<1x128xf32, #tpu.memory_space<vmem>>, %arg3: memref<1x128xf32, #tpu.memory_space<vmem>>, %arg4: memref<128x512xf32, #tpu.memory_space<vmem>>, %arg5: memref<1x512xf32, #tpu.memory_space<vmem>>, %arg6: memref<128x512xf32, #tpu.memory_space<vmem>>, %arg7: memref<1x512xf32, #tpu.memory_space<vmem>>, %arg8: memref<512x512xbf16, #tpu.memory_space<vmem>>, %arg9: memref<512x512xbf16, #tpu.memory_space<vmem>>) attributes {dimension_semantics = [#tpu.dimension_semantics<arbitrary>], iteration_bounds = array<i64: 80>, scalar_prefetch = 0 : i64, scratch_operands = 0 : i64, tpu.core_type = #tpu.core_type<tc>, window_params = [{transform_indices = @transform_0, window_bounds = array<i64: 512, 128>}, {pipeline_mode = #tpu.pipeline_mode<synchronous>, transform_indices = @transform_1, window_bounds = array<i64: 1, 128>}, {pipeline_mode = #tpu.pipeline_mode<synchronous>, transform_indices = @transform_2, window_bounds = array<i64: 1, 128>}, {pipeline_mode = #tpu.pipeline_mode<synchronous>, transform_indices = @transform_3, window_bounds = array<i64: 128, 512>}, {pipeline_mode = #tpu.pipeline_mode<synchronous>, transform_indices = @transform_4, window_bounds = array<i64: 1, 512>}, {pipeline_mode = #tpu.pipeline_mode<synchronous>, transform_indices = @transform_5, window_bounds = array<i64: 128, 512>}, {pipeline_mode = #tpu.pipeline_mode<synchronous>, transform_indices = @transform_6, window_bounds = array<i64: 1, 512>}, {transform_indices = @transform_7, window_bounds = array<i64: 512, 512>}, {transform_indices = @transform_8, window_bounds = array<i64: 512, 512>}]} {
    %get3A = arith.constant 0 : index
    %get3A_0 = arith.constant 0 : index
    %get3A_1 = vector.load %arg1[%get3A, %get3A_0] : memref<512x128xf32, #tpu.memory_space<vmem>>, vector<512x128xf32>
    %get3A_2 = arith.constant 0 : index
    %get3A_3 = arith.constant 0 : index
    %get3A_4 = vector.load %arg2[%get3A_2, %get3A_3] : memref<1x128xf32, #tpu.memory_space<vmem>>, vector<1x128xf32>
    %mul3A = vector.broadcast %get3A_4 : vector<1x128xf32> to vector<512x128xf32>
    %mul3A_5 = arith.mulf %get3A_1, %mul3A : vector<512x128xf32>
    %get3A_6 = arith.constant 0 : index
    %get3A_7 = arith.constant 0 : index
    %get3A_8 = vector.load %arg3[%get3A_6, %get3A_7] : memref<1x128xf32, #tpu.memory_space<vmem>>, vector<1x128xf32>
    %add3A = vector.broadcast %get3A_8 : vector<1x128xf32> to vector<512x128xf32>
    %add3A_9 = arith.addf %mul3A_5, %add3A : vector<512x128xf32>
    %cos3A = math.cos %add3A_9 : vector<512x128xf32>
    %get3A_10 = arith.constant 0 : index
    %get3A_11 = arith.constant 0 : index
    %get3A_12 = vector.load %arg4[%get3A_10, %get3A_11] : memref<128x512xf32, #tpu.memory_space<vmem>>, vector<128x512xf32>
    %dot_general3A = arith.constant dense<0.000000e+00> : vector<512x512xf32>
    %dot_general3A_13 = tpu.matmul %cos3A, %get3A_12, %dot_general3A {dimension_numbers = #tpu.dot_dimension_numbers<[1], [0], [0], [1], [0, 0, 1, 1], [], []>, transpose_lhs_hint = false} : vector<512x128xf32>, vector<128x512xf32>, vector<512x512xf32> -> vector<512x512xf32>
    %get3A_14 = arith.constant 0 : index
    %get3A_15 = arith.constant 0 : index
    %get3A_16 = vector.load %arg5[%get3A_14, %get3A_15] : memref<1x512xf32, #tpu.memory_space<vmem>>, vector<1x512xf32>
    %add3A_17 = vector.broadcast %get3A_16 : vector<1x512xf32> to vector<512x512xf32>
    %add3A_18 = arith.addf %dot_general3A_13, %add3A_17 : vector<512x512xf32>
    %convert_element_type3A = arith.truncf %add3A_18 : vector<512x512xf32> to vector<512x512xbf16>
    %swap3A = arith.constant 0 : index
    %swap3A_19 = arith.constant 0 : index
    %swap3A_20 = vector.load %arg8[%swap3A, %swap3A_19] : memref<512x512xbf16, #tpu.memory_space<vmem>>, vector<512x512xbf16>
    tpu.vector_store %arg8[%swap3A, %swap3A_19], %convert_element_type3A {strides = array<i32>} : memref<512x512xbf16, #tpu.memory_space<vmem>>, vector<512x512xbf16>,
    %get3A_21 = arith.constant 0 : index
    %get3A_22 = arith.constant 0 : index
    %get3A_23 = vector.load %arg6[%get3A_21, %get3A_22] : memref<128x512xf32, #tpu.memory_space<vmem>>, vector<128x512xf32>
    %dot_general3A_24 = arith.constant dense<0.000000e+00> : vector<512x512xf32>
    %dot_general3A_25 = tpu.matmul %cos3A, %get3A_23, %dot_general3A_24 {dimension_numbers = #tpu.dot_dimension_numbers<[1], [0], [0], [1], [0, 0, 1, 1], [], []>, transpose_lhs_hint = false} : vector<512x128xf32>, vector<128x512xf32>, vector<512x512xf32> -> vector<512x512xf32>
    %get3A_26 = arith.constant 0 : index
    %get3A_27 = arith.constant 0 : index
    %get3A_28 = vector.load %arg7[%get3A_26, %get3A_27] : memref<1x512xf32, #tpu.memory_space<vmem>>, vector<1x512xf32>
    %add3A_29 = vector.broadcast %get3A_28 : vector<1x512xf32> to vector<512x512xf32>
    %add3A_30 = arith.addf %dot_general3A_25, %add3A_29 : vector<512x512xf32>
    %convert_element_type3A_31 = arith.truncf %add3A_30 : vector<512x512xf32> to vector<512x512xbf16>
    %swap3A_32 = arith.constant 0 : index
    %swap3A_33 = arith.constant 0 : index
    %swap3A_34 = vector.load %arg9[%swap3A_32, %swap3A_33] : memref<512x512xbf16, #tpu.memory_space<vmem>>, vector<512x512xbf16>
    tpu.vector_store %arg9[%swap3A_32, %swap3A_33], %convert_element_type3A_31 {strides = array<i32>} : memref<512x512xbf16, #tpu.memory_space<vmem>>, vector<512x512xbf16>,
    return
  }
  func.func @transform_0(%arg0: i32) -> (i32, i32) {
    %c0_i32 = arith.constant 0 : i32
    %c0_i32_0 = arith.constant 0 : i32
    return %arg0, %c0_i32 : i32, i32
  }
  func.func @transform_1(%arg0: i32) -> (i32, i32) {
    %c0_i32 = arith.constant 0 : i32
    %c0_i32_0 = arith.constant 0 : i32
    %c0_i32_1 = arith.constant 0 : i32
    return %c0_i32, %c0_i32_0 : i32, i32
  }
  func.func @transform_2(%arg0: i32) -> (i32, i32) {
    %c0_i32 = arith.constant 0 : i32
    %c0_i32_0 = arith.constant 0 : i32
    %c0_i32_1 = arith.constant 0 : i32
    return %c0_i32, %c0_i32_0 : i32, i32
  }
  func.func @transform_3(%arg0: i32) -> (i32, i32) {
    %c0_i32 = arith.constant 0 : i32
    %c0_i32_0 = arith.constant 0 : i32
    %c0_i32_1 = arith.constant 0 : i32
    return %c0_i32, %c0_i32_0 : i32, i32
  }
  func.func @transform_4(%arg0: i32) -> (i32, i32) {
    %c0_i32 = arith.constant 0 : i32
    %c0_i32_0 = arith.constant 0 : i32
    %c0_i32_1 = arith.constant 0 : i32
    return %c0_i32, %c0_i32_0 : i32, i32
  }
  func.func @transform_5(%arg0: i32) -> (i32, i32) {
    %c0_i32 = arith.constant 0 : i32
    %c0_i32_0 = arith.constant 0 : i32
    %c0_i32_1 = arith.constant 0 : i32
    return %c0_i32, %c0_i32_0 : i32, i32
  }
  func.func @transform_6(%arg0: i32) -> (i32, i32) {
    %c0_i32 = arith.constant 0 : i32
    %c0_i32_0 = arith.constant 0 : i32
    %c0_i32_1 = arith.constant 0 : i32
    return %c0_i32, %c0_i32_0 : i32, i32
  }
  func.func @transform_7(%arg0: i32) -> (i32, i32) {
    %c0_i32 = arith.constant 0 : i32
    %c0_i32_0 = arith.constant 0 : i32
    return %arg0, %c0_i32 : i32, i32
  }
  func.func @transform_8(%arg0: i32) -> (i32, i32) {
    %c0_i32 = arith.constant 0 : i32
    %c0_i32_0 = arith.constant 0 : i32
    return %arg0, %c0_i32 : i32, i32
  }
}

module attributes {stable_mosaic.version = 14 : i64} {
  func.func @_mm_body(%arg0: memref<10240x128xf32, #tpu.memory_space<vmem>>, %arg1: memref<128x64xf32, #tpu.memory_space<vmem>>, %arg2: memref<10240x64xbf16, #tpu.memory_space<vmem>>) attributes {dimension_semantics = [], scalar_prefetch = 0 : i64, scratch_operands = 0 : i64, tpu.core_type = #tpu.core_type<tc>} {
    %get3A = arith.constant 0 : index
    %get3A_0 = arith.constant 0 : index
    %get3A_1 = vector.load %arg0[%get3A, %get3A_0] : memref<10240x128xf32, #tpu.memory_space<vmem>>, vector<10240x128xf32>
    %get3A_2 = arith.constant 0 : index
    %get3A_3 = arith.constant 0 : index
    %get3A_4 = vector.load %arg1[%get3A_2, %get3A_3] : memref<128x64xf32, #tpu.memory_space<vmem>>, vector<128x64xf32>
    %dot_general3A = arith.constant dense<0.000000e+00> : vector<10240x64xf32>
    %dot_general3A_5 = tpu.matmul %get3A_1, %get3A_4, %dot_general3A {dimension_numbers = #tpu.dot_dimension_numbers<[1], [0], [0], [1], [0, 0, 1, 1], [], []>, transpose_lhs_hint = false} : vector<10240x128xf32>, vector<128x64xf32>, vector<10240x64xf32> -> vector<10240x64xf32>
    %convert_element_type3A = arith.truncf %dot_general3A_5 : vector<10240x64xf32> to vector<10240x64xbf16>
    %swap3A = arith.constant 0 : index
    %swap3A_6 = arith.constant 0 : index
    %swap3A_7 = vector.load %arg2[%swap3A, %swap3A_6] : memref<10240x64xbf16, #tpu.memory_space<vmem>>, vector<10240x64xbf16>
    tpu.vector_store %arg2[%swap3A, %swap3A_6], %convert_element_type3A {strides = array<i32>} : memref<10240x64xbf16, #tpu.memory_space<vmem>>, vector<10240x64xbf16>,
    return
  }
}

module attributes {stable_mosaic.version = 14 : i64} {
  func.func @_mid_body(%arg0: memref<2x10240x80xf32, #tpu.memory_space<vmem>>, %arg1: memref<64x64xf32, #tpu.memory_space<vmem>>, %arg2: memref<10240x64xbf16, #tpu.memory_space<vmem>>, %arg3: memref<10240x1xf32, #tpu.memory_space<vmem>>) attributes {dimension_semantics = [], scalar_prefetch = 0 : i64, scratch_operands = 0 : i64, tpu.core_type = #tpu.core_type<tc>} {
    %get3A = arith.constant 0 : index
    %get3A_0 = arith.constant 0 : index
    %get3A_1 = arith.constant 0 : index
    %get3A_2 = vector.load %arg0[%get3A, %get3A_0, %get3A_1] : memref<2x10240x80xf32, #tpu.memory_space<vmem>>, vector<1x10240x80xf32>
    %get3A_3 = vector.shape_cast %get3A_2 : vector<1x10240x80xf32> to vector<10240x80xf32>
    %get3A_4 = arith.constant 1 : index
    %get3A_5 = arith.constant 0 : index
    %get3A_6 = arith.constant 0 : index
    %get3A_7 = vector.load %arg0[%get3A_4, %get3A_5, %get3A_6] : memref<2x10240x80xf32, #tpu.memory_space<vmem>>, vector<1x10240x80xf32>
    %get3A_8 = vector.shape_cast %get3A_7 : vector<1x10240x80xf32> to vector<10240x80xf32>
    %add3A = arith.addf %get3A_3, %get3A_8 : vector<10240x80xf32>
    %slice3A = vector.extract_strided_slice %add3A {offsets = [0, 64], sizes = [10240, 1], strides = [1, 1]} : vector<10240x80xf32> to vector<10240x1xf32>
    %max3A = arith.constant 1.000000e+00 : f32
    %max3A_9 = vector.broadcast %max3A : f32 to vector<10240x1xf32>
    %max3A_10 = arith.maximumf %slice3A, %max3A_9 : vector<10240x1xf32>
    %slice3A_11 = vector.extract_strided_slice %add3A {offsets = [0, 0], sizes = [10240, 64], strides = [1, 1]} : vector<10240x80xf32> to vector<10240x64xf32>
    %div3A = vector.broadcast %max3A_10 : vector<10240x1xf32> to vector<10240x64xf32>
    %div3A_12 = arith.divf %slice3A_11, %div3A : vector<10240x64xf32>
    %get3A_13 = arith.constant 0 : index
    %get3A_14 = arith.constant 0 : index
    %get3A_15 = vector.load %arg1[%get3A_13, %get3A_14] : memref<64x64xf32, #tpu.memory_space<vmem>>, vector<64x64xf32>
    %dot_general3A = arith.constant dense<0.000000e+00> : vector<10240x64xf32>
    %dot_general3A_16 = tpu.matmul %div3A_12, %get3A_15, %dot_general3A {dimension_numbers = #tpu.dot_dimension_numbers<[1], [0], [0], [1], [0, 0, 1, 1], [], []>, transpose_lhs_hint = false} : vector<10240x64xf32>, vector<64x64xf32>, vector<10240x64xf32> -> vector<10240x64xf32>
    %convert_element_type3A = arith.truncf %dot_general3A_16 : vector<10240x64xf32> to vector<10240x64xbf16>
    %swap3A = arith.constant 0 : index
    %swap3A_17 = arith.constant 0 : index
    %swap3A_18 = vector.load %arg2[%swap3A, %swap3A_17] : memref<10240x64xbf16, #tpu.memory_space<vmem>>, vector<10240x64xbf16>
    tpu.vector_store %arg2[%swap3A, %swap3A_17], %convert_element_type3A {strides = array<i32>} : memref<10240x64xbf16, #tpu.memory_space<vmem>>, vector<10240x64xbf16>,
    %swap3A_19 = arith.constant 0 : index
    %swap3A_20 = arith.constant 0 : index
    %swap3A_21 = vector.load %arg3[%swap3A_19, %swap3A_20] : memref<10240x1xf32, #tpu.memory_space<vmem>>, vector<10240x1xf32>
    tpu.vector_store %arg3[%swap3A_19, %swap3A_20], %max3A_10 {strides = array<i32>} : memref<10240x1xf32, #tpu.memory_space<vmem>>, vector<10240x1xf32>,
    return
  }
}

module attributes {stable_mosaic.version = 14 : i64} {
  func.func @_fin_body(%arg0: memref<2x10240x64xf32, #tpu.memory_space<vmem>>, %arg1: memref<10240x1xf32, #tpu.memory_space<vmem>>, %arg2: memref<64x128xf32, #tpu.memory_space<vmem>>, %arg3: memref<1x128xf32, #tpu.memory_space<vmem>>, %arg4: memref<10240x128xf32, #tpu.memory_space<vmem>>) attributes {dimension_semantics = [], scalar_prefetch = 0 : i64, scratch_operands = 0 : i64, tpu.core_type = #tpu.core_type<tc>} {
    %get3A = arith.constant 0 : index
    %get3A_0 = arith.constant 0 : index
    %get3A_1 = arith.constant 0 : index
    %get3A_2 = vector.load %arg0[%get3A, %get3A_0, %get3A_1] : memref<2x10240x64xf32, #tpu.memory_space<vmem>>, vector<1x10240x64xf32>
    %get3A_3 = vector.shape_cast %get3A_2 : vector<1x10240x64xf32> to vector<10240x64xf32>
    %get3A_4 = arith.constant 1 : index
    %get3A_5 = arith.constant 0 : index
    %get3A_6 = arith.constant 0 : index
    %get3A_7 = vector.load %arg0[%get3A_4, %get3A_5, %get3A_6] : memref<2x10240x64xf32, #tpu.memory_space<vmem>>, vector<1x10240x64xf32>
    %get3A_8 = vector.shape_cast %get3A_7 : vector<1x10240x64xf32> to vector<10240x64xf32>
    %add3A = arith.addf %get3A_3, %get3A_8 : vector<10240x64xf32>
    %get3A_9 = arith.constant 0 : index
    %get3A_10 = arith.constant 0 : index
    %get3A_11 = vector.load %arg1[%get3A_9, %get3A_10] : memref<10240x1xf32, #tpu.memory_space<vmem>>, vector<10240x1xf32>
    %div3A = vector.broadcast %get3A_11 : vector<10240x1xf32> to vector<10240x64xf32>
    %div3A_12 = arith.divf %add3A, %div3A : vector<10240x64xf32>
    %get3A_13 = arith.constant 0 : index
    %get3A_14 = arith.constant 0 : index
    %get3A_15 = vector.load %arg2[%get3A_13, %get3A_14] : memref<64x128xf32, #tpu.memory_space<vmem>>, vector<64x128xf32>
    %dot_general3A = arith.constant dense<0.000000e+00> : vector<10240x128xf32>
    %dot_general3A_16 = tpu.matmul %div3A_12, %get3A_15, %dot_general3A {dimension_numbers = #tpu.dot_dimension_numbers<[1], [0], [0], [1], [0, 0, 1, 1], [], []>, transpose_lhs_hint = false} : vector<10240x64xf32>, vector<64x128xf32>, vector<10240x128xf32> -> vector<10240x128xf32>
    %get3A_17 = arith.constant 0 : index
    %get3A_18 = arith.constant 0 : index
    %get3A_19 = vector.load %arg3[%get3A_17, %get3A_18] : memref<1x128xf32, #tpu.memory_space<vmem>>, vector<1x128xf32>
    %add3A_20 = vector.broadcast %get3A_19 : vector<1x128xf32> to vector<10240x128xf32>
    %add3A_21 = arith.addf %dot_general3A_16, %add3A_20 : vector<10240x128xf32>
    %swap3A = arith.constant 0 : index
    %swap3A_22 = arith.constant 0 : index
    %swap3A_23 = vector.load %arg4[%swap3A, %swap3A_22] : memref<10240x128xf32, #tpu.memory_space<vmem>>, vector<10240x128xf32>
    tpu.vector_store %arg4[%swap3A, %swap3A_22], %add3A_21 {strides = array<i32>} : memref<10240x128xf32, #tpu.memory_space<vmem>>, vector<10240x128xf32>,
    return
  }
}

</mosaic_0001>

<sc_bundles>
// kernel: kernel.11.cloned.1.call-start
scs
__scs_entry_jumppad:
0x0: {  	(pc) =	sbr.rel $0x88, $3  }
0x1: {  	(tag) =	ssettag $0x0;
	lr =	simm.s32 $0x1  }
0x2: {  	[smem:$0x3F96] =	sst lr;
	_ =	strace $0xD0000000  }
0x3: {  	_ = 	snop  }
0x4: {  	_ = 	snop  }
0x5: {  	_ = 	snop  }
0x6: {  	_ = 	snop  }
0x7: {  	_ = 	snop  }
__scs_overlays_trampoline_lowered:
0x8: {  	[smem:$0x3FA5] =	sst s0  }
0x9: {  	[smem:$0x3FA6] =	sst s1  }
0xa: {  	[smem:$0x3FA7] =	sst s2  }
0xb: {  	[smem:$0x3FA8] =	sst s3  }
0xc: {  	[smem:$0x3FA9] =	sst s4  }
0xd: {  	[smem:$0x3FAA] =	sst s5  }
0xe: {  	[smem:$0x3FAB] =	sst s6  }
0xf: {  	[smem:$0x3FAC] =	sst s7  }
0x10: {  	[smem:$0x3FAD] =	sst s8  }
0x11: {  	[smem:$0x3FAE] =	sst s9;
	s0 =	simm.s32 @!p0 $0x0  }
0x12: {  	s1 =	sld [smem:$0x3F94];
	s0 =	simm.s32 @p0 $0x1  }
0x13: {  	[smem:$0x3FAF] =	sst s0;
	s0 =	simm.s32 @!p1 $0x0  }
0x14: {  	s2 =	sld [smem:$0x3F93];
	s0 =	simm.s32 @p1 $0x1  }
0x15: {  	[smem:$0x3FB0] =	sst s0;
	s0 =	simm.s32 @!p2 $0x0  }
0x16: {  	s3 =	sld [smem:$0x3FDB];
	s0 =	simm.s32 @p2 $0x1  }
0x17: {  	s4 =	simm.s32 $0x1BF5;
	[smem:$0x3FB2] =	sst s0  }
0x18: {  	s0 =	sld [smem:$0x3F95];
	_ =	swait.ge [sflag:s4], $0x0  }
0x19: {  	s7 =	sld [smem:$0x3F96]  }
0x1a: {  	s8 =	sadd.s32 $0xFFFFE003, lr  }
0x1b: {  	s9 =	sadd.s32 $0xFFFFFEF7, lr;
	s5 =	simm.s32 $0xFFFFFFFF;
	p2 =	slt.u32 s8, $0xFFFFF086  }
0x1c: {  	p1 =	slt.u32 s9, $0xF7A;
	s5 =	simm.s32 @!p2 $0x0  }
0x1d: {  	s5 =	simm.s32 @p1 $0x1;
	p0 =	seq.s32 s7, s2  }
0x1e: {  	s7 =	smul.u32 @!p0 $0xF7A, s2;
	p2 =	seq.s32 @!p0 s5, $0x0  }
0x1f: {  	s9 =	smul.u32 $0xF7A, s1;
	s8 =	simm.s32 @!p0 $0x1BF5;
	p2 =	por !p2, p0  }
0x20: {  	[sflag:s8] =	ssyncset.s32 @!p0 $0xFFFFF086;
	s6 =	sadd.s32 @!p0 s3, s7;
	s7 =	simm.s32 @!p0 $0x108  }
0x21: {  	s3 =	sadd.s32 s3, s9;
	s6 =	sadd.s32 @!p0 $0x88, s6;
	s7 =	simm.s32 @p2 $0x1082  }
0x22: {  	[simem:s7], [sflag:s8] =	dma.local @!p0 [hbm:s6], $0xF7A  }
0x23: {  	s9 =	sor.u32 $0xD0000000, s2;
	s6 =	simm.s32 $0x108;
	_ =	swait.ge @!p0 [sflag:s8], $0x0  }
0x24: {  	s3 =	sadd.s32 $0x88, s3;
	s6 =	simm.s32 @!p1 $0x1082;
	[sflag:s4] =	ssyncset.s32 $0xFFFFF086  }
0x25: {  	[simem:s6], [sflag:s4] =	dma.local [hbm:s3], $0xF7A  }
0x26: {  	[smem:$0x3F96] =	sst s1;
	(tag) =	ssettag s2;
	_ =	strace s9  }
0x27: {  	s1 =	sld [smem:$0x3FA6]  }
0x28: {  	s2 =	sld [smem:$0x3FA7]  }
0x29: {  	s4 =	sld [smem:$0x3FA9]  }
0x2a: {  	p0 =	seq.s32 s5, $0x0;
	s5 =	sld [smem:$0x3FAA]  }
0x2b: {  	s6 =	sld [smem:$0x3FAB]  }
0x2c: {  	s7 =	sld [smem:$0x3FAC]  }
0x2d: {  	s3 =	simm.s32 $0x108;
	s8 =	sld [smem:$0x3FAD]  }
0x2e: {  	s3 =	simm.s32 @!p0 $0x1082;
	s9 =	sld [smem:$0x3FAE]  }
0x2f: {  	lr =	sadd.s32 s0, s3;
	s0 =	sld [smem:$0x3FA5]  }
0x30: {  	s3 =	sld [smem:$0x3FA8]  }
0x31: {  	[smem:$0x3FB1] =	sst s10  }
0x32: {  	s10 =	sld [smem:$0x3FAF];
	_ =	sdelay $0x3  }
0x33: {  	p0 =	seq.s32 s10, $0x1;
	s10 =	sld [smem:$0x3FB1];
	_ =	sdelay $0x3  }
0x34: {  	[smem:$0x3FB1] =	sst s10  }
0x35: {  	s10 =	sld [smem:$0x3FB0];
	_ =	sdelay $0x3  }
0x36: {  	p1 =	seq.s32 s10, $0x1;
	s10 =	sld [smem:$0x3FB1];
	_ =	sdelay $0x3  }
0x37: {  	[smem:$0x3FB1] =	sst s10  }
0x38: {  	s10 =	sld [smem:$0x3FB2]  }
0x39: {  	_ = 	snop;
	(pc) =	sbr.ind lr, $3  }
0x3a: {  	_ = 	snop  }
0x3b: {  	_ = 	snop  }
0x3c: {  	p2 =	seq.s32 s10, $0x1;
	s10 =	sld [smem:$0x3FB1]  }
0x3d: {  	_ =	shalt  }
0x3e: {  	_ =	shalt  }
0x3f: {  	_ =	shalt  }
0x40: {  	_ =	shalt  }
0x41: {  	_ =	shalt  }
0x42: {  	_ =	shalt  }
0x43: {  	_ =	shalt  }
0x44: {  	_ =	shalt  }
0x45: {  	_ =	shalt  }
0x46: {  	_ =	shalt  }
0x47: {  	_ =	shalt  }
0x48: {  	_ =	shalt  }
0x49: {  	_ =	shalt  }
0x4a: {  	_ =	shalt  }
0x4b: {  	_ =	shalt  }
0x4c: {  	_ =	shalt  }
0x4d: {  	_ =	shalt  }
0x4e: {  	_ =	shalt  }
0x4f: {  	_ =	shalt  }
0x50: {  	_ =	shalt  }
0x51: {  	_ =	shalt  }
0x52: {  	_ =	shalt  }
0x53: {  	_ =	shalt  }
0x54: {  	_ =	shalt  }
0x55: {  	_ =	shalt  }
0x56: {  	_ =	shalt  }
0x57: {  	_ =	shalt  }
0x58: {  	_ =	shalt  }
0x59: {  	_ =	shalt  }
0x5a: {  	_ =	shalt  }
0x5b: {  	_ =	shalt  }
0x5c: {  	_ =	shalt  }
0x5d: {  	_ =	shalt  }
0x5e: {  	_ =	shalt  }
0x5f: {  	_ =	shalt  }
0x60: {  	_ =	shalt  }
0x61: {  	_ =	shalt  }
0x62: {  	_ =	shalt  }
0x63: {  	_ =	shalt  }
0x64: {  	_ =	shalt  }
0x65: {  	_ =	shalt  }
0x66: {  	_ =	shalt  }
0x67: {  	_ =	shalt  }
0x68: {  	_ =	shalt  }
0x69: {  	_ =	shalt  }
0x6a: {  	_ =	shalt  }
0x6b: {  	_ =	shalt  }
0x6c: {  	_ =	shalt  }
0x6d: {  	_ =	shalt  }
0x6e: {  	_ =	shalt  }
0x6f: {  	_ =	shalt  }
0x70: {  	_ =	shalt  }
0x71: {  	_ =	shalt  }
0x72: {  	_ =	shalt  }
0x73: {  	_ =	shalt  }
0x74: {  	_ =	shalt  }
0x75: {  	_ =	shalt  }
0x76: {  	_ =	shalt  }
0x77: {  	_ =	shalt  }
0x78: {  	_ =	shalt  }
0x79: {  	_ =	shalt  }
0x7a: {  	_ =	shalt  }
0x7b: {  	_ =	shalt  }
0x7c: {  	_ =	shalt  }
0x7d: {  	_ =	shalt  }
0x7e: {  	_ =	shalt  }
0x7f: {  	_ =	shalt  }
0x80: {  	_ =	shalt  }
0x81: {  	_ =	shalt  }
0x82: {  	_ =	shalt  }
0x83: {  	_ =	shalt  }
0x84: {  	_ =	shalt  }
0x85: {  	_ =	shalt  }
0x86: {  	_ =	shalt  }
0x87: {  	_ =	shalt  }
.Lfunc_end0:
.L_simem_size_0:
called_computation.3_lowered:
.L_overlay_start_0:
0x88: {  	s2 =	sld [smem:$0x3FD9]  }
0x89: {  	s3 =	sld [smem:$0x3FFE];
	_ =	sdelay $0x1  }
0x8a: {  	s1 =	srdreg.scid  }
0x8b: {  	s0 =	sand.u32 $0x1, s1  }
0x8c: {  	s17 =	sshll.u32 s0, $0xA;
	s2 =	sadd.s32 s3, s2  }
0x8d: {  	s2 =	sadd.s32 s2, s17  }
0x8e: {  	[smem:$0x3FBD] =	sst s2  }
0x8f: {  	_ = 	snop  }
0x90: {  	s2 =	sld [smem:$0x3FD0];
	(tm) =	ssettm $0x1  }
0x91: {  	s18 =	sld [smem:$0x3FFB];
	_ =	sdelay $0x3  }
0x92: {  	_ =	strace s18  }
0x93: {  	s3 =	sld [smem:$0x3FFC];
	_ =	sdelay $0x3  }
0x94: {  	_ =	strace s3  }
0x95: {  	s3 =	sld [smem:$0x3FFD];
	_ =	sdelay $0x3  }
0x96: {  	_ =	strace s3  }
0x97: {  	_ =	strace $0x8FFFFFFF  }
0x98: {  	s19 =	sld [smem:$0x3FDB];
	_ =	sdelay $0x1  }
0x99: {  	s4 =	simm.s32 $_scs_section_size  }
0x9a: {  	s5 =	simm.s32 $_size__tile_overlayer_lowered;
	s6 =	simm.s32 $_tile_overlayer_lowered  }
0x9b: {  	s22 =	simm.s32 $0x1BFF;
	s21 =	sshll.u32 s6, $0x1;
	s3 =	sadd.s32 s4, s19  }
0x9c: {  	s7 =	simm.s32 $0x0;
	s20 =	sshll.u32 s5, $0x1;
	s5 =	sadd.s32 s21, s3  }
0x9d: {  	[timem:s7], [sflag:s22] =	dma.local [hbm:s5], s20  }
0x9e: {  	_ =	swait.ge [sflag:s22], s20  }
0x9f: {  	s4 =	ssub.s32 $0x0, s20;
	[sflag:s22] =	ssyncset.done $0x0  }
0xa0: {  	[sflag:s22] =	ssyncadd.s32 s4;
	_ =	sdelay $0x1  }
0xa1: {  	s23 =	simm.s32 $0x1B8B  }
0xa2: {  	_ =	swait.ge [sflag:s23], $0x1  }
0xa3: {  	[sflag:s23] =	ssyncset.done $0x0  }
0xa4: {  	s25 =	simm.s32 $0x1B8E;
	s24 =	sld [smem:$0x3FFE];
	[sflag:s23] =	ssyncadd.s32 $0xFFFFFFFF  }
0xa5: {  	s26 =	simm.s32 $execute0_lowered;
	[smem:$0x3FD2] =	sst s25  }
0xa6: {  	s5 =	sshll.u32 s26, $0x1;
	_ =	strace $0x8000004F;
	[dreg:$0x1] =	wrdreg $0xFFFFFFFF  }
0xa7: {  	s28 =	simm.s32 $_size_execute0_lowered;
	s3 =	sadd.s32 s3, s5;
	[dreg:$0x0] =	wrdreg $0x0  }
0xa8: {  	s5 =	sshll.u32 s28, $0x1;
	[dreg:$0x2] =	wrdreg s3  }
0xa9: {  	[dreg:$0x3] =	wrdreg s5  }
0xaa: {  	[dreg:$0x4] =	wrdreg $0xC0  }
0xab: {  	_ =	task [dreg:s7], $0x5FFFF  }
0xac: {  	[dreg:$0x1] =	wrdreg $0xFFFFFFFF  }
0xad: {  	[dreg:$0x0] =	wrdreg $0x60  }
0xae: {  	[dreg:$0x2] =	wrdreg s2  }
0xaf: {  	[dreg:$0x3] =	wrdreg s24  }
0xb0: {  	[dreg:$0x4] =	wrdreg $0xD0000  }
0xb1: {  	[dreg:$0x5] =	wrdreg $0x170000  }
0xb2: {  	[dreg:$0x6] =	wrdreg $0x9  }
0xb3: {  	_ =	task.clear_ibuf [dreg:s7], $0x7FFFF;
	_ =	strace $0x9000004F  }
0xb4: {  	s29 =	simm.s32 $0x9;
	_ =	strace $0x80000051  }
0xb5: {  	_ =	swait.ge [sflag:s29], $0x1  }
0xb6: {  	[sflag:s29] =	ssyncadd.s32 $0xFFFFFFFF  }
0xb7: {  	_ =	strace $0x90000051  }
0xb8: {  	_ =	sfence  }
0xb9: {  	s30 =	sld [smem:$0x0];
	_ =	sdelay $0x2  }
0xba: {  	s31 =	sshll.u32 s1, $0xD;
	s1 =	sshrl.u32 s1, $0x2  }
0xbb: {  	s3 =	sand.u32 $0x4000, s31;
	s1 =	sadd.s32 s1, s30  }
0xbc: {  	s0 =	sor.u32 s3, s0;
	s1 =	sshll.u32 s1, $0x11  }
0xbd: {  	s0 =	sor.u32 s1, s0  }
0xbe: {  	s0 =	sadd.s32 $0x8F2B, s0  }
0xbf: {  	[sflag:s0] =	ssyncadd.remote.s32 $0x1  }
0xc0: {  	_ =	sfence.sel $0xFFFF  }
0xc1: {  	[dreg:$0x0] =	wrdreg $0xFFFFFFFF;
	(pc) =	sbr.abs _section_cstart, $3  }
0xc2: {  	[dreg:$0x1] =	wrdreg $0xFFFFFFFF  }
0xc3: {  	_ =	task.clear_ibuf [dreg:s7], $0x2FFFF;
	_ =	strace $0x9FFFFFFF  }
0xc4: {  	(tm) =	ssettm $0x7FFFFFFF  }
0xc5: {  	_ =	shalt  }
tec
execute0_lowered:
.L_overlay_start_1:
0x0: {  	(tag) =	ssettag $0x1  }
0x1: {  	s1 =	rddreg [dreg:$0x0]  }
0x2: {  	s3 =	rddreg [dreg:$0x1]  }
0x3: {  	s0 =	rddreg [dreg:$0x2];
	s2 =	simm.s32 $0x0;
	s4 =	srdreg.scid  }
0x4: {  	s20 =	stileid.u32;
	[smem:$0x7FF] =	sst s2  }
0x5: {  	s4 =	sand.u32 $0x1, s4;
	s8 =	smul.u32 $0x5, s20;
	s9 =	sadd.s32 $0x3000, s3  }
0x6: {  	s13 =	smul.u32 $0xA00, s20;
	s5 =	sshll.u32 s4, $0x4;
	s6 =	ssub.s32 $0x2, s4  }
0x7: {  	s4 =	smul.u32 $0xA0000, s4;
	s5 =	sor.u32 s20, s5;
	s7 =	sshrl.u32 s6, $0x1  }
0x8: {  	s10 =	sadd.s32 $0x1, s8;
	s11 =	sadd.s32 $0x2, s8;
	s16 =	sadd.s32 $0x3, s8  }
0x9: {  	s8 =	sadd.s32 $0x4, s8;
	s13 =	sadd.s32 s1, s13;
	s6 =	ssub.s32 s6, s7  }
0xa: {  	s7 =	smul.u32 $0xA000, s20;
	s12 =	sshll.u32 s10, $0xD;
	s14 =	sshll.u32 s11, $0xD  }
0xb: {  	s17 =	sshll.u32 s16, $0xD;
	s18 =	sshll.u32 s8, $0xD;
	s15 =	sshll.u32 s10, $0x9  }
0xc: {  	s19 =	sshll.u32 s11, $0x9;
	[dreg:$0x5] =	wrdreg s13;
	s29 =	sshll.u32 s16, $0x9  }
0xd: {  	s30 =	sshll.u32 s8, $0x9;
	s25 =	sadd.s32 s1, s15;
	s26 =	sadd.s32 s1, s19  }
0xe: {  	s13 =	sadd.s32 s1, s29;
	s1 =	sadd.s32 s1, s30;
	s19 =	sadd.s32 s4, s12  }
0xf: {  	s21 =	sadd.s32 s4, s14;
	s29 =	smul.u32 $0xA000, s5;
	[dreg:$0x6] =	wrdreg s25  }
0x10: {  	s22 =	sadd.s32 s4, s17;
	s30 =	smul.u32 $0x28000, s20;
	[dreg:$0x7] =	wrdreg s26  }
0x11: {  	s20 =	smul.u32 $0x14000, s20;
	s28 =	sadd.s32 s18, s0;
	[dreg:$0x8] =	wrdreg s13  }
0x12: {  	s31 =	sadd.s32 s4, s7;
	[dreg:$0x9] =	wrdreg s1;
	s13 =	sshrl.u32 s21, $0x3  }
0x13: {  	s24 =	sshrl.u32 s22, $0x3;
	s25 =	sadd.s32 s4, s18;
	s26 =	smul.u32 $0x500, s5  }
0x14: {  	s15 =	sshrl.u32 s31, $0x3;
	s23 =	sadd.s32 s9, s13;
	s13 =	rddreg [dreg:$0x3]  }
0x15: {  	s21 =	sshll.u32 s10, $0xC;
	s1 =	sadd.s32 s9, s15;
	[dreg:$0xc] =	wrdreg s23  }
0x16: {  	s18 =	simm.s32 $0xB000;
	[dreg:$0xa] =	wrdreg s1;
	s1 =	sshrl.u32 s19, $0x3  }
0x17: {  	s4 =	sadd.s32 s26, s3;
	s15 =	sadd.s32 $0x3D7200, s3;
	s1 =	sadd.s32 s9, s1  }
0x18: {  	s26 =	sadd.s32 s17, s0;
	[dreg:$0xb] =	wrdreg s1;
	s1 =	sadd.s32 s9, s24  }
0x19: {  	s22 =	sadd.s32 s21, s13;
	[dreg:$0xd] =	wrdreg s1;
	s1 =	sshrl.u32 s25, $0x3  }
0x1a: {  	s23 =	sshll.u32 s11, $0xC;
	s3 =	simm.s32 $0x7;
	s1 =	sadd.s32 s9, s1  }
0x1b: {  	s11 =	simm.s32 $0x1;
	s31 =	sadd.s32 $0x3CD200, s4;
	[dreg:$0xe] =	wrdreg s1  }
0x1c: {  	s4 =	sadd.s32 $0x3C3200, s4;
	_ =	strace $0x80000050;
	[dreg:$0xf] =	wrdreg s31  }
0x1d: {  	s17 =	simm.s32 $0x5;
	s1 =	sadd.s32 s15, s29;
	[dreg:$0x10] =	wrdreg s4  }
0x1e: {  	s19 =	smul.u32 $0x50, s5;
	s5 =	sadd.s32 s7, s0;
	[dreg:$0x11] =	wrdreg s1  }
0x1f: {  	s21 =	simm.s32 $0x0;
	s9 =	smax.u32 s6, $0x1;
	[dreg:$0x12] =	wrdreg s5  }
0x20: {  	s7 =	sshrl.u32 s30, $0x2;
	s30 =	sshll.u32 s8, $0xC;
	[dreg:$0x13] =	wrdreg s9  }
0x21: {  	s8 =	simm.s32 $0x6000;
	s24 =	sadd.s32 s12, s0;
	[dreg:$0x1a] =	wrdreg s22  }
0x22: {  	s12 =	simm.s32 $0x3;
	s25 =	sadd.s32 s14, s0;
	[dreg:$0x15] =	wrdreg s24  }
0x23: {  	s14 =	simm.s32 $0x2;
	s6 =	simm.s32 $0x5000;
	[dreg:$0x16] =	wrdreg s25  }
0x24: {  	s29 =	sshll.u32 s16, $0xC;
	s16 =	simm.s32 $0x4;
	[dreg:$0x17] =	wrdreg s26  }
0x25: {  	s1 =	sadd.s32 s7, s0;
	s31 =	sadd.s32 s30, s13;
	[dreg:$0x18] =	wrdreg s28  }
0x26: {  	s4 =	simm.s32 $0x2800;
	[dreg:$0x14] =	wrdreg s1;
	s1 =	sshrl.u32 s20, $0x2  }
0x27: {  	s5 =	simm.s32 $0x7000;
	[dreg:$0x1d] =	wrdreg s31;
	s1 =	sadd.s32 s1, s13  }
0x28: {  	s7 =	simm.s32 $0x80;
	[dreg:$0x19] =	wrdreg s1;
	s1 =	sadd.s32 s23, s13  }
0x29: {  	s9 =	simm.s32 $0x8000;
	[dreg:$0x1b] =	wrdreg s1;
	s1 =	sadd.s32 s29, s13  }
0x2a: {  	v0 =	vimm.f32 $0.0e+00;
	s20 =	simm.s32 $0x6;
	[dreg:$0x1c] =	wrdreg s1;
	s1 =	simm.s32 $0x9000  }
.LBB2_1:
0x2b: {  	s22 =	simm.s32 $0x100;
	s10 =	simm.s32 $0x0  }
.LBB2_2:
0x2c: {  	p0 =	sne.s32 s22, $0x7F00;
	[tilespmem:s10+$0x9030] =	vst v0;
	s23 =	smov.u32 s22;
	s22 =	sadd.s32 $0x100, s22  }
.Ltmp0:
0x2d: {  	[tilespmem:s10+$0x9020] =	vst v0;
	(pc) =	sbr.rel @p0 .LBB2_2-.Ltmp0, $3  }
0x2e: {  	[tilespmem:s10+$0x9000] =	vst v0  }
0x2f: {  	[tilespmem:s10+$0x9010] =	vst v0;
	_ =	sdelay $0x1  }
0x30: {  	s10 =	sshra.s32 s23, $0x2  }
0x31: {  	[tilespmem:s10+$0x9030] =	vst v0  }
0x32: {  	[tilespmem:s10+$0x9020] =	vst v0  }
0x33: {  	[tilespmem:s10+$0x9000] =	vst v0  }
0x34: {  	[tilespmem:s10+$0x9010] =	vst v0;
	s23 =	rddreg [dreg:$0x14]  }
0x35: {  	[spmem:s23] =	stream.linear.scatter [tilespmem:s1], [sflag:$0x7], $0x2000, $0x38;
	[tilespmem:$0x1C000] =	vst v63  }
0x36: {  	_ =	swait.ge [sflag:s3], $0x2000  }
0x37: {  	[sflag:s3] =	ssyncset.done $0x0  }
0x38: {  	[sflag:s3] =	ssyncadd.s32 $0xFFFFE000  }
0x39: {  	[spmem:s24] =	stream.linear.scatter [tilespmem:s1], [sflag:$0x7], $0x2000, $0x38;
	[tilespmem:$0x1C000] =	vst v63  }
0x3a: {  	_ =	swait.ge [sflag:s3], $0x2000  }
0x3b: {  	[sflag:s3] =	ssyncset.done $0x0  }
0x3c: {  	[sflag:s3] =	ssyncadd.s32 $0xFFFFE000  }
0x3d: {  	[spmem:s25] =	stream.linear.scatter [tilespmem:s1], [sflag:$0x7], $0x2000, $0x38;
	[tilespmem:$0x1C000] =	vst v63  }
0x3e: {  	_ =	swait.ge [sflag:s3], $0x2000  }
0x3f: {  	[sflag:s3] =	ssyncset.done $0x0  }
0x40: {  	[sflag:s3] =	ssyncadd.s32 $0xFFFFE000  }
0x41: {  	[spmem:s26] =	stream.linear.scatter [tilespmem:s1], [sflag:$0x7], $0x2000, $0x38;
	[tilespmem:$0x1C000] =	vst v63  }
0x42: {  	_ =	swait.ge [sflag:s3], $0x2000  }
0x43: {  	[sflag:s3] =	ssyncset.done $0x0  }
0x44: {  	[sflag:s3] =	ssyncadd.s32 $0xFFFFE000  }
0x45: {  	[spmem:s28] =	stream.linear.scatter [tilespmem:s1], [sflag:$0x7], $0x2000, $0x38;
	[tilespmem:$0x1C000] =	vst v63  }
0x46: {  	_ =	swait.ge [sflag:s3], $0x2000  }
0x47: {  	[sflag:s3] =	ssyncset.done $0x0  }
0x48: {  	s22 =	simm.s32 $0x0;
	s26 =	rddreg [dreg:$0xf];
	[sflag:s3] =	ssyncadd.s32 $0xFFFFE000  }
0x49: {  	[tilespmem:s22], [sflag:$0x7] =	stream.linear.gather [hbm4b:s26+s22], $0x2800, $0x38;
	[tilespmem:$0x1C000] =	vst v63  }
0x4a: {  	_ =	swait.ge [sflag:s3], $0x2800  }
0x4b: {  	[sflag:s3] =	ssyncset.done $0x0  }
0x4c: {  	s28 =	rddreg [dreg:$0x10];
	[sflag:s3] =	ssyncadd.s32 $0xFFFFD800  }
0x4d: {  	[tilespmem:s4], [sflag:$0x7] =	stream.linear.gather [hbm4b:s28+s22], $0x2800, $0x38;
	[tilespmem:$0x1C000] =	vst v63  }
0x4e: {  	_ =	swait.ge [sflag:s3], $0x2800  }
0x4f: {  	[sflag:s3] =	ssyncset.done $0x0  }
0x50: {  	s29 =	rddreg [dreg:$0x5];
	[sflag:s3] =	ssyncadd.s32 $0xFFFFD800  }
0x51: {  	[tilespmem:s5], [sflag:$0x7] =	stream.linear.gather [hbm4b:s29+s22], $0x1000, $0x38;
	[tilespmem:$0x1C000] =	vst v63  }
0x52: {  	_ =	swait.ge [sflag:s3], $0x1000  }
0x53: {  	[sflag:s3] =	ssyncset.done $0x0  }
0x54: {  	s30 =	rddreg [dreg:$0x19];
	[sflag:s3] =	ssyncadd.s32 $0xFFFFF000  }
0x55: {  	[spmem:s30] =	stream.linear.scatter [tilespmem:s5], [sflag:$0x7], $0x1000, $0x38;
	[tilespmem:$0x1C000] =	vst v63  }
0x56: {  	_ =	swait.ge [sflag:s3], $0x1000  }
0x57: {  	[sflag:s3] =	ssyncset.done $0x0  }
0x58: {  	s31 =	rddreg [dreg:$0x6];
	[sflag:s3] =	ssyncadd.s32 $0xFFFFF000  }
0x59: {  	[tilespmem:s5], [sflag:$0x7] =	stream.linear.gather [hbm4b:s31+s22], $0x1000, $0x38;
	[tilespmem:$0x1C000] =	vst v63  }
0x5a: {  	_ =	swait.ge [sflag:s3], $0x1000  }
0x5b: {  	[sflag:s3] =	ssyncset.done $0x0  }
0x5c: {  	s23 =	rddreg [dreg:$0x1a];
	[sflag:s3] =	ssyncadd.s32 $0xFFFFF000  }
0x5d: {  	[spmem:s23] =	stream.linear.scatter [tilespmem:s5], [sflag:$0x7], $0x1000, $0x38;
	[tilespmem:$0x1C000] =	vst v63  }
0x5e: {  	_ =	swait.ge [sflag:s3], $0x1000  }
0x5f: {  	[sflag:s3] =	ssyncset.done $0x0  }
0x60: {  	s24 =	rddreg [dreg:$0x7];
	[sflag:s3] =	ssyncadd.s32 $0xFFFFF000  }
0x61: {  	[tilespmem:s5], [sflag:$0x7] =	stream.linear.gather [hbm4b:s24+s22], $0x1000, $0x38;
	[tilespmem:$0x1C000] =	vst v63  }
0x62: {  	_ =	swait.ge [sflag:s3], $0x1000  }
0x63: {  	[sflag:s3] =	ssyncset.done $0x0  }
0x64: {  	s25 =	rddreg [dreg:$0x1b];
	[sflag:s3] =	ssyncadd.s32 $0xFFFFF000  }
0x65: {  	[spmem:s25] =	stream.linear.scatter [tilespmem:s5], [sflag:$0x7], $0x1000, $0x38;
	[tilespmem:$0x1C000] =	vst v63  }
0x66: {  	_ =	swait.ge [sflag:s3], $0x1000  }
0x67: {  	[sflag:s3] =	ssyncset.done $0x0  }
0x68: {  	s26 =	rddreg [dreg:$0x8];
	[sflag:s3] =	ssyncadd.s32 $0xFFFFF000  }
0x69: {  	[tilespmem:s5], [sflag:$0x7] =	stream.linear.gather [hbm4b:s26+s22], $0x1000, $0x38;
	[tilespmem:$0x1C000] =	vst v63  }
0x6a: {  	_ =	swait.ge [sflag:s3], $0x1000  }
0x6b: {  	[sflag:s3] =	ssyncset.done $0x0  }
0x6c: {  	s28 =	rddreg [dreg:$0x1c];
	[sflag:s3] =	ssyncadd.s32 $0xFFFFF000  }
0x6d: {  	[spmem:s28] =	stream.linear.scatter [tilespmem:s5], [sflag:$0x7], $0x1000, $0x38;
	[tilespmem:$0x1C000] =	vst v63  }
0x6e: {  	_ =	swait.ge [sflag:s3], $0x1000  }
0x6f: {  	[sflag:s3] =	ssyncset.done $0x0  }
0x70: {  	s29 =	rddreg [dreg:$0x9];
	[sflag:s3] =	ssyncadd.s32 $0xFFFFF000  }
0x71: {  	[tilespmem:s5], [sflag:$0x7] =	stream.linear.gather [hbm4b:s29+s22], $0x1000, $0x38;
	[tilespmem:$0x1C000] =	vst v63  }
0x72: {  	_ =	swait.ge [sflag:s3], $0x1000  }
0x73: {  	[sflag:s3] =	ssyncset.done $0x0  }
0x74: {  	s30 =	rddreg [dreg:$0x1d];
	[sflag:s3] =	ssyncadd.s32 $0xFFFFF000  }
0x75: {  	[spmem:s30] =	stream.linear.scatter [tilespmem:s5], [sflag:$0x7], $0x1000, $0x38;
	[tilespmem:$0x1C000] =	vst v63  }
0x76: {  	_ =	swait.ge [sflag:s3], $0x1000  }
0x77: {  	[sflag:s3] =	ssyncset.done $0x0  }
0x78: {  	[sflag:s3] =	ssyncadd.s32 $0xFFFFF000  }
0x79: {  	[bflag:$0x0] =	sbarrier.arrive $0xFFFF  }
0x7a: {  	s31 =	rddreg [dreg:$0x11]  }
0x7b: {  	[tilespmem:s6], [sflag:$0x1] =	stream.linear.gather [hbm4b:s31+s22], $0x1000, $0x38;
	[tilespmem:$0x1C000] =	vst v63  }
0x7c: {  	_ = 	snop  }
0x7d: {  	[tilespmem:s5], [sflag:$0x3] =	stream.indirect.gather [spmem:s13], $0x20, s22, s7, $0xb8;
	[tilespmem:$0x1C000] =	vst v63  }
.LBB2_4:
0x7e: {  	s10 =	sshllo.u32 s22, $0x1  }
0x7f: {  	s23 =	sadd.s32 s19, s10  }
0x80: {  	s23 =	sshll.u32 s23, $0x9  }
0x81: {  	s23 =	sand.u32 $0xFFFFE00, s23  }
0x82: {  	s10 =	sshll.u32 s10, $0x9;
	s23 =	sadd.s32 s15, s23  }
0x83: {  	[tilespmem:s8], [sflag:$0x2] =	stream.linear.gather [hbm4b:s23+s2], $0x1000, $0x38;
	[tilespmem:$0x1C000] =	vst v63  }
0x84: {  	s28 =	sshrl.u32 s10, $0x2  }
0x85: {  	[tilespmem:s9], [sflag:$0x4] =	stream.indirect.gather [spmem:s13], $0x20, s28, s7, $0xb8;
	[tilespmem:$0x1C000] =	vst v63  }
0x86: {  	_ =	swait.ge [sflag:s11], $0x1000  }
0x87: {  	[sflag:s11] =	ssyncset.done $0x0  }
0x88: {  	[sflag:s11] =	ssyncadd.s32 $0xFFFFF000  }
0x89: {  	_ =	swait.ge [sflag:s12], $0x1000  }
0x8a: {  	[sflag:s12] =	ssyncset.done $0x0  }
0x8b: {  	s24 =	simm.s32 $0x5040;
	[sflag:s12] =	ssyncadd.s32 $0xFFFFF000  }
0x8c: {  	s26 =	simm.s32 $0x7040;
	v1 =	vld [tilespmem:s24+$0x20]  }
0x8d: {  	v2 =	vld [tilespmem:s26+$0x20]  }
0x8e: {  	s10 =	simm.s32 $0x70C0;
	v5 =	vld [tilespmem:s24+$0xFFFFFFE0]  }
0x8f: {  	v12 =	vld [tilespmem:s10+$0xFFFFFFC0]  }
0x90: {  	v3 =	vld [tilespmem:s26+$0xFFFFFFC0]  }
0x91: {  	s30 =	simm.s32 $0x50C0;
	v4 =	vld [tilespmem:s24+$0xFFFFFFC0]  }
0x92: {  	v14 =	vld [tilespmem:s30+$0xFFFFFFE0];
	v6 =	vunpack.i.l.bf16.f32 v1;
	v7 =	vunpack.i.l.bf16.f32 v2  }
0x93: {  	v8 =	vld [tilespmem:s26+$0xFFFFFFE0];
	v1 =	vunpack.i.u.bf16.f32 v1;
	v2 =	vunpack.i.u.bf16.f32 v2;
	v6 =	vadd.f32 v7, v6  }
0x94: {  	v9 =	vld [tilespmem:s26+$0x0];
	v10 =	vunpack.i.u.bf16.f32 v5;
	v57 =	vunpack.i.u.bf16.f32 v12;
	v1 =	vadd.f32 v2, v1  }
0x95: {  	s29 =	simm.s32 $0x9080;
	v15 =	vld [tilespmem:s30+$0xFFFFFFC0];
	v12 =	vunpack.i.l.bf16.f32 v12;
	v2 =	vunpack.i.u.bf16.f32 v3;
	v6 =	vmax.f32 v6, $0.0e+00  }
0x96: {  	v7 =	vld [tilespmem:s24+$0x0];
	v3 =	vunpack.i.l.bf16.f32 v3;
	v1 =	vmax.f32 v1, $0.0e+00;
	[tilespmem:s29+$0x40] =	vst v6;
	v6 =	vunpack.i.l.bf16.f32 v4  }
0x97: {  	v17 =	vunpack.i.u.bf16.f32 v14;
	[tilespmem:s29+$0x50] =	vst v1;
	v1 =	vunpack.i.u.bf16.f32 v4;
	v3 =	vadd.f32 v3, v6  }
0x98: {  	v4 =	vunpack.i.l.bf16.f32 v5;
	v5 =	vunpack.i.l.bf16.f32 v8;
	v6 =	vld [tilespmem:s24+$0x30];
	v1 =	vadd.f32 v2, v1  }
0x99: {  	v2 =	vunpack.i.u.bf16.f32 v8;
	v8 =	vld [tilespmem:s26+$0x30];
	v4 =	vadd.f32 v5, v4;
	v3 =	vmax.f32 v3, $0.0e+00  }
0x9a: {  	v18 =	vunpack.i.l.bf16.f32 v15;
	v2 =	vadd.f32 v2, v10;
	v1 =	vmax.f32 v1, $0.0e+00;
	[tilespmem:s29+$0xFFFFFF80] =	vst v3  }
0x9b: {  	v10 =	vld [tilespmem:s10+$0x20];
	v3 =	vmax.f32 v4, $0.0e+00;
	[tilespmem:s29+$0xFFFFFF90] =	vst v1;
	v1 =	vunpack.i.l.bf16.f32 v7;
	v4 =	vunpack.i.l.bf16.f32 v9  }
0x9c: {  	v2 =	vmax.f32 v2, $0.0e+00;
	v5 =	vld [tilespmem:s24+$0xFFFFFFD0];
	[tilespmem:s29+$0xFFFFFFC0] =	vst v3;
	v3 =	vunpack.i.u.bf16.f32 v7;
	v7 =	vunpack.i.u.bf16.f32 v9  }
0x9d: {  	v1 =	vadd.f32 v4, v1;
	v4 =	vld [tilespmem:s26+$0xFFFFFFD0];
	[tilespmem:s29+$0xFFFFFFD0] =	vst v2;
	v2 =	vadd.f32 v7, v3;
	v3 =	vunpack.i.u.bf16.f32 v6  }
0x9e: {  	v7 =	vunpack.i.u.bf16.f32 v8;
	v9 =	vld [tilespmem:s24+$0xFFFFFFF0];
	v6 =	vunpack.i.l.bf16.f32 v6;
	v8 =	vunpack.i.l.bf16.f32 v8  }
0x9f: {  	v58 =	vunpack.i.l.bf16.f32 v14;
	v15 =	vunpack.i.u.bf16.f32 v15;
	v6 =	vadd.f32 v8, v6;
	v8 =	vld [tilespmem:s30+$0x20]  }
0xa0: {  	v12 =	vadd.f32 v12, v18;
	v3 =	vadd.f32 v7, v3;
	v1 =	vmax.f32 v1, $0.0e+00  }
0xa1: {  	v7 =	vld [tilespmem:s26+$0xFFFFFFF0];
	v16 =	vunpack.i.l.bf16.f32 v10;
	v10 =	vunpack.i.u.bf16.f32 v10;
	v11 =	vunpack.i.u.bf16.f32 v5  }
0xa2: {  	v5 =	vunpack.i.l.bf16.f32 v5;
	v13 =	vunpack.i.u.bf16.f32 v4;
	v4 =	vunpack.i.l.bf16.f32 v4  }
0xa3: {  	v2 =	vmax.f32 v2, $0.0e+00;
	v3 =	vmax.f32 v3, $0.0e+00;
	v4 =	vadd.f32 v4, v5  }
0xa4: {  	[tilespmem:s29+$0x0] =	vst v1;
	v1 =	vld [tilespmem:s30+$0x0];
	v5 =	vunpack.i.u.bf16.f32 v9;
	v9 =	vunpack.i.l.bf16.f32 v9;
	v56 =	vunpack.i.l.bf16.f32 v8  }
0xa5: {  	[tilespmem:s29+$0x10] =	vst v2;
	v2 =	vld [tilespmem:s10+$0x0];
	v11 =	vadd.f32 v13, v11;
	v8 =	vunpack.i.u.bf16.f32 v8;
	v13 =	vadd.f32 v16, v56  }
0xa6: {  	v55 =	vunpack.i.u.bf16.f32 v7;
	v7 =	vunpack.i.l.bf16.f32 v7;
	v8 =	vadd.f32 v10, v8  }
0xa7: {  	s31 =	simm.s32 $0x9180;
	[tilespmem:s29+$0x70] =	vst v3;
	v7 =	vadd.f32 v7, v9;
	v9 =	vadd.f32 v55, v5;
	v5 =	vld [tilespmem:s10+$0xFFFFFFE0];
	v13 =	vmax.f32 v13, $0.0e+00  }
0xa8: {  	v15 =	vadd.f32 v57, v15;
	v6 =	vmax.f32 v6, $0.0e+00;
	v59 =	vld [tilespmem:s26+$0x10];
	v8 =	vmax.f32 v8, $0.0e+00;
	[tilespmem:s31+$0x40] =	vst v13  }
0xa9: {  	v4 =	vmax.f32 v4, $0.0e+00;
	v11 =	vmax.f32 v11, $0.0e+00;
	v10 =	vld [tilespmem:s24+$0x10];
	v3 =	vunpack.i.u.bf16.f32 v1;
	[tilespmem:s31+$0x50] =	vst v8  }
0xaa: {  	[tilespmem:s29+$0x60] =	vst v6;
	v1 =	vunpack.i.l.bf16.f32 v1;
	v6 =	vunpack.i.u.bf16.f32 v2;
	v2 =	vunpack.i.l.bf16.f32 v2;
	v60 =	vld [tilespmem:s30+$0x30]  }
0xab: {  	[tilespmem:s29+$0xFFFFFFB0] =	vst v11;
	v11 =	vmax.f32 v12, $0.0e+00;
	v1 =	vadd.f32 v2, v1;
	v2 =	vadd.f32 v6, v3;
	v61 =	vld [tilespmem:s10+$0x30]  }
0xac: {  	v3 =	vmax.f32 v15, $0.0e+00;
	v8 =	vunpack.i.u.bf16.f32 v5;
	v5 =	vunpack.i.l.bf16.f32 v5  }
0xad: {  	[tilespmem:s29+$0xFFFFFFA0] =	vst v4;
	v62 =	vunpack.i.u.bf16.f32 v59;
	v5 =	vadd.f32 v5, v58;
	v8 =	vadd.f32 v8, v17  }
0xae: {  	[tilespmem:s31+$0xFFFFFF80] =	vst v11;
	v14 =	vunpack.i.l.bf16.f32 v59;
	v11 =	vmax.f32 v2, $0.0e+00;
	v4 =	vunpack.i.u.bf16.f32 v10  }
0xaf: {  	[tilespmem:s31+$0xFFFFFF90] =	vst v3;
	v10 =	vunpack.i.l.bf16.f32 v10;
	v5 =	vmax.f32 v5, $0.0e+00;
	v6 =	vmax.f32 v8, $0.0e+00  }
0xb0: {  	v8 =	vmax.f32 v1, $0.0e+00;
	v1 =	vld [tilespmem:s30+$0xFFFFFFD0];
	[tilespmem:s31+$0xFFFFFFC0] =	vst v5;
	v3 =	vunpack.i.u.bf16.f32 v60;
	v5 =	vunpack.i.u.bf16.f32 v61  }
0xb1: {  	v2 =	vld [tilespmem:s10+$0xFFFFFFD0];
	[tilespmem:s31+$0xFFFFFFD0] =	vst v6;
	v6 =	vunpack.i.l.bf16.f32 v60;
	v13 =	vunpack.i.l.bf16.f32 v61;
	v63 =	vadd.f32 v5, v3  }
0xb2: {  	s25 =	simm.s32 $0x4;
	[tilespmem:s31+$0x0] =	vst v8;
	v8 =	vadd.f32 v62, v4;
	v3 =	vld [tilespmem:s30+$0xFFFFFFF0];
	v5 =	vmax.f32 v7, $0.0e+00;
	v7 =	vadd.f32 v14, v10  }
0xb3: {  	s23 =	sshll.u32 s22, $0x1;
	s26 =	simm.s32 $0x5140;
	s24 =	simm.s32 $0x70C0;
	v9 =	vmax.f32 v9, $0.0e+00;
	[tilespmem:s31+$0x10] =	vst v11;
	v4 =	vld [tilespmem:s10+$0xFFFFFFF0];
	v6 =	vadd.f32 v13, v6;
	v10 =	vmax.f32 v63, $0.0e+00  }
.LBB2_5:
0xb4: {  	v11 =	vld [tilespmem:s26+$0x20];
	[tilespmem:s31+$0x70] =	vst v10;
	s10 =	sadd.s32 $0x80, s10;
	v7 =	vmax.f32 v7, $0.0e+00;
	v8 =	vmax.f32 v8, $0.0e+00  }
0xb5: {  	v10 =	vld [tilespmem:s10+$0x20];
	v12 =	vunpack.i.u.bf16.f32 v1;
	v1 =	vunpack.i.l.bf16.f32 v1;
	v6 =	vmax.f32 v6, $0.0e+00;
	[tilespmem:s29+$0xFFFFFFE0] =	vst v5  }
0xb6: {  	v5 =	vld [tilespmem:s10+$0xFFFFFFC0];
	v13 =	vunpack.i.u.bf16.f32 v2;
	v2 =	vunpack.i.l.bf16.f32 v2;
	[tilespmem:s29+$0xFFFFFFF0] =	vst v9  }
0xb7: {  	s25 =	sadd.s32 $0x4, s25;
	v9 =	vld [tilespmem:s26+$0xFFFFFFE0];
	v1 =	vadd.f32 v2, v1;
	v2 =	vunpack.i.u.bf16.f32 v3;
	v3 =	vunpack.i.l.bf16.f32 v3;
	[tilespmem:s29+$0x20] =	vst v7  }
0xb8: {  	p0 =	slt.u32 s25, $0x7C;
	v12 =	vadd.f32 v13, v12;
	v7 =	vld [tilespmem:s10+$0xFFFFFFE0];
	v13 =	vunpack.i.u.bf16.f32 v4;
	v4 =	vunpack.i.l.bf16.f32 v4;
	[tilespmem:s29+$0x30] =	vst v8;
	s29 =	smov.u32 s31  }
0xb9: {  	v8 =	vld [tilespmem:s26+$0x0];
	v1 =	vmax.f32 v1, $0.0e+00;
	v4 =	vadd.f32 v4, v3;
	v13 =	vadd.f32 v13, v2;
	[tilespmem:s31+$0x60] =	vst v6  }
0xba: {  	v3 =	vunpack.i.l.bf16.f32 v11;
	v2 =	vld [tilespmem:s10+$0x0];
	v6 =	vunpack.i.l.bf16.f32 v10;
	[tilespmem:s31+$0xFFFFFFA0] =	vst v1;
	v1 =	vmax.f32 v12, $0.0e+00  }
0xbb: {  	v11 =	vunpack.i.u.bf16.f32 v11;
	v10 =	vunpack.i.u.bf16.f32 v10;
	v12 =	vld [tilespmem:s26+$0xFFFFFFC0];
	v3 =	vadd.f32 v6, v3;
	[tilespmem:s31+$0xFFFFFFB0] =	vst v1  }
0xbc: {  	v1 =	vunpack.i.u.bf16.f32 v5;
	v5 =	vunpack.i.l.bf16.f32 v5;
	v6 =	vadd.f32 v10, v11;
	v10 =	vld [tilespmem:s30+$0x10];
	s30 =	smov.u32 s26  }
0xbd: {  	s31 =	sadd.s32 $0x100, s31;
	v11 =	vunpack.i.u.bf16.f32 v9;
	v9 =	vunpack.i.l.bf16.f32 v9;
	v3 =	vmax.f32 v3, $0.0e+00;
	v14 =	vld [tilespmem:s24+$0x10];
	s24 =	smov.u32 s10  }
0xbe: {  	v15 =	vunpack.i.u.bf16.f32 v7;
	v7 =	vunpack.i.l.bf16.f32 v7;
	[tilespmem:s31+$0x40] =	vst v3;
	v3 =	vmax.f32 v6, $0.0e+00  }
0xbf: {  	v6 =	vunpack.i.u.bf16.f32 v8;
	v8 =	vunpack.i.l.bf16.f32 v8;
	v16 =	vunpack.i.u.bf16.f32 v2;
	[tilespmem:s31+$0x50] =	vst v3  }
0xc0: {  	v2 =	vunpack.i.l.bf16.f32 v2;
	v3 =	vunpack.i.u.bf16.f32 v12;
	v12 =	vunpack.i.l.bf16.f32 v12;
	v17 =	vld [tilespmem:s26+$0x30]  }
0xc1: {  	v5 =	vadd.f32 v5, v12;
	v1 =	vadd.f32 v1, v3;
	v3 =	vld [tilespmem:s10+$0x30];
	v12 =	vunpack.i.u.bf16.f32 v10  }
0xc2: {  	v7 =	vadd.f32 v7, v9;
	v9 =	vadd.f32 v15, v11;
	v10 =	vunpack.i.l.bf16.f32 v10  }
0xc3: {  	v2 =	vadd.f32 v2, v8;
	v6 =	vadd.f32 v16, v6;
	v5 =	vmax.f32 v5, $0.0e+00  }
0xc4: {  	v1 =	vmax.f32 v1, $0.0e+00;
	[tilespmem:s31+$0xFFFFFF80] =	vst v5;
	v5 =	vmax.f32 v7, $0.0e+00;
	v7 =	vmax.f32 v9, $0.0e+00  }
.Ltmp1:
0xc5: {  	v8 =	vmax.f32 v2, $0.0e+00;
	v6 =	vmax.f32 v6, $0.0e+00;
	v9 =	vunpack.i.u.bf16.f32 v14;
	[tilespmem:s31+$0xFFFFFF90] =	vst v1;
	(pc) =	sbr.rel @p0 .LBB2_5-.Ltmp1, $4  }
0xc6: {  	v14 =	vunpack.i.l.bf16.f32 v14;
	v1 =	vld [tilespmem:s26+$0xFFFFFFD0];
	[tilespmem:s31+$0xFFFFFFC0] =	vst v5;
	v5 =	vunpack.i.u.bf16.f32 v17;
	v11 =	vunpack.i.u.bf16.f32 v3  }
0xc7: {  	v15 =	vunpack.i.l.bf16.f32 v17;
	v16 =	vunpack.i.l.bf16.f32 v3;
	v2 =	vld [tilespmem:s10+$0xFFFFFFD0];
	[tilespmem:s31+$0xFFFFFFD0] =	vst v7;
	v11 =	vadd.f32 v11, v5  }
0xc8: {  	v5 =	vmax.f32 v4, $0.0e+00;
	v7 =	vadd.f32 v14, v10;
	v3 =	vld [tilespmem:s26+$0xFFFFFFF0];
	[tilespmem:s31+$0x0] =	vst v8;
	v8 =	vadd.f32 v9, v12  }
0xc9: {  	s26 =	sadd.s32 $0x80, s26;
	v9 =	vmax.f32 v13, $0.0e+00;
	v4 =	vld [tilespmem:s10+$0xFFFFFFF0];
	[tilespmem:s31+$0x10] =	vst v6;
	v6 =	vadd.f32 v16, v15;
	v10 =	vmax.f32 v11, $0.0e+00  }
0xca: {  	_ = 	snop  }
0xcb: {  	[tilespmem:s31+$0x70] =	vst v10;
	v12 =	vld [tilespmem:s30+$0x10];
	v54 =	vmax.f32 v7, $0.0e+00;
	v55 =	vmax.f32 v8, $0.0e+00  }
0xcc: {  	[tilespmem:s29+$0xFFFFFFE0] =	vst v5;
	v57 =	vld [tilespmem:s24+$0x10];
	v53 =	vunpack.i.l.bf16.f32 v1;
	v1 =	vunpack.i.u.bf16.f32 v1;
	v11 =	vunpack.i.l.bf16.f32 v2  }
0xcd: {  	[tilespmem:s29+$0xFFFFFFF0] =	vst v9;
	v6 =	vmax.f32 v6, $0.0e+00;
	v2 =	vunpack.i.u.bf16.f32 v2;
	v56 =	vadd.f32 v11, v53  }
0xce: {  	[tilespmem:s29+$0x20] =	vst v54;
	v58 =	vunpack.i.u.bf16.f32 v3;
	v3 =	vunpack.i.l.bf16.f32 v3;
	v1 =	vadd.f32 v2, v1  }
0xcf: {  	[tilespmem:s29+$0x30] =	vst v55;
	v2 =	vunpack.i.u.bf16.f32 v4;
	v59 =	vunpack.i.l.bf16.f32 v4;
	v60 =	vmax.f32 v56, $0.0e+00  }
0xd0: {  	[tilespmem:s31+$0x60] =	vst v6;
	v3 =	vadd.f32 v59, v3;
	v2 =	vadd.f32 v2, v58;
	v1 =	vmax.f32 v1, $0.0e+00  }
0xd1: {  	p0 =	sne.s32 s22, $0x0;
	v61 =	vunpack.i.u.bf16.f32 v12;
	v62 =	vunpack.i.l.bf16.f32 v12;
	v63 =	vunpack.i.l.bf16.f32 v57;
	[tilespmem:s31+$0xFFFFFFA0] =	vst v60  }
.Ltmp2:
0xd2: {  	[tilespmem:s31+$0xFFFFFFB0] =	vst v1;
	v1 =	vunpack.i.u.bf16.f32 v57;
	v5 =	vadd.f32 v63, v62;
	v3 =	vmax.f32 v3, $0.0e+00;
	(pc) =	sbr.rel @!p0 .LBB2_7-.Ltmp2, $4  }
0xd3: {  	v1 =	vadd.f32 v1, v61;
	v2 =	vmax.f32 v2, $0.0e+00;
	[tilespmem:s31+$0xFFFFFFE0] =	vst v3  }
0xd4: {  	v3 =	vmax.f32 v5, $0.0e+00;
	[tilespmem:s31+$0xFFFFFFF0] =	vst v2  }
0xd5: {  	v1 =	vmax.f32 v1, $0.0e+00;
	[tilespmem:s31+$0x20] =	vst v3  }
0xd6: {  	[tilespmem:s31+$0x30] =	vst v1  }
0xd7: {  	p0 =	seq.s32 s22, $0x27  }
.Ltmp3:
0xd8: {  	_ = 	snop;
	(pc) =	sbr.rel @p0 .LBB2_11-.Ltmp3, $4  }
0xd9: {  	_ =	swait.ge [sflag:s20], $0x2000;
	s10 =	sshll.u32 s22, $0x8  }
0xda: {  	[sflag:s20] =	ssyncset.done $0x0;
	s10 =	sand.u32 $0x3FFFFF00, s10  }
0xdb: {  	[sflag:s20] =	ssyncadd.s32 $0xFFFFE000;
	s10 =	sadd.s32 $0x2800, s10  }
0xdc: {  	[spmem:s0] =	stream.indirect.scatter.add.f32 [tilespmem:s1], [sflag:$0x5], $0x40, s10, s7, $0xb8;
	[tilespmem:$0x1C000] =	vst v63  }
.Ltmp4:
0xdd: {  	(pc) =	sbr.rel .LBB2_10-.Ltmp4, $2  }
0xde: {  	_ =	sdelay $0x2  }
0xdf: {  	s10 =	sadd.s32 $0x2, s23  }
.LBB2_7:
0xe0: {  	[spmem:s0] =	stream.indirect.scatter.add.f32 [tilespmem:s1], [sflag:$0x5], $0x40, s4, s7, $0xb8;
	[tilespmem:$0x1C000] =	vst v63  }
0xe1: {  	s10 =	simm.s32 $0x2  }
.LBB2_10:
0xe2: {  	s23 =	sadd.s32 s19, s10  }
0xe3: {  	s23 =	sshll.u32 s23, $0x9  }
0xe4: {  	s23 =	sand.u32 $0xFFFFC00, s23  }
0xe5: {  	s31 =	sshll.u32 s10, $0x7;
	s23 =	sadd.s32 s15, s23  }
0xe6: {  	[tilespmem:s6], [sflag:$0x1] =	stream.linear.gather [hbm4b:s23+s2], $0x1000, $0x38;
	[tilespmem:$0x1C000] =	vst v63  }
0xe7: {  	s10 =	sand.u32 $0x3FFFFF80, s31  }
0xe8: {  	[tilespmem:s5], [sflag:$0x3] =	stream.indirect.gather [spmem:s13], $0x20, s10, s7, $0xb8;
	[tilespmem:$0x1C000] =	vst v63  }
.LBB2_11:
0xe9: {  	_ =	swait.ge [sflag:s14], $0x1000  }
0xea: {  	[sflag:s14] =	ssyncset.done $0x0  }
0xeb: {  	[sflag:s14] =	ssyncadd.s32 $0xFFFFF000  }
0xec: {  	_ =	swait.ge [sflag:s16], $0x1000  }
0xed: {  	[sflag:s16] =	ssyncset.done $0x0  }
0xee: {  	s24 =	simm.s32 $0x6070;
	[sflag:s16] =	ssyncadd.s32 $0xFFFFF000  }
0xef: {  	s23 =	simm.s32 $0x8070;
	v1 =	vld [tilespmem:s24+$0xFFFFFFF0]  }
0xf0: {  	v2 =	vld [tilespmem:s23+$0xFFFFFFF0]  }
0xf1: {  	s10 =	simm.s32 $0x80F0;
	v5 =	vld [tilespmem:s24+$0xFFFFFFB0]  }
0xf2: {  	v12 =	vld [tilespmem:s10+$0xFFFFFF90]  }
0xf3: {  	v3 =	vld [tilespmem:s23+$0xFFFFFF90]  }
0xf4: {  	s30 =	simm.s32 $0x60F0;
	v4 =	vld [tilespmem:s24+$0xFFFFFF90]  }
0xf5: {  	v14 =	vld [tilespmem:s30+$0xFFFFFFB0];
	v6 =	vunpack.i.l.bf16.f32 v1;
	v7 =	vunpack.i.l.bf16.f32 v2  }
0xf6: {  	v8 =	vld [tilespmem:s23+$0xFFFFFFB0];
	v1 =	vunpack.i.u.bf16.f32 v1;
	v2 =	vunpack.i.u.bf16.f32 v2;
	v6 =	vadd.f32 v7, v6  }
0xf7: {  	v9 =	vld [tilespmem:s23+$0xFFFFFFD0];
	v10 =	vunpack.i.u.bf16.f32 v5;
	v57 =	vunpack.i.u.bf16.f32 v12;
	v1 =	vadd.f32 v2, v1  }
0xf8: {  	s29 =	simm.s32 $0xB0F0;
	v15 =	vld [tilespmem:s30+$0xFFFFFF90];
	v12 =	vunpack.i.l.bf16.f32 v12;
	v2 =	vunpack.i.u.bf16.f32 v3;
	v6 =	vmax.f32 v6, $0.0e+00  }
0xf9: {  	v7 =	vld [tilespmem:s24+$0xFFFFFFD0];
	v3 =	vunpack.i.l.bf16.f32 v3;
	v1 =	vmax.f32 v1, $0.0e+00;
	[tilespmem:s29+$0xFFFFFFD0] =	vst v6;
	v6 =	vunpack.i.l.bf16.f32 v4  }
0xfa: {  	v17 =	vunpack.i.u.bf16.f32 v14;
	[tilespmem:s29+$0xFFFFFFE0] =	vst v1;
	v1 =	vunpack.i.u.bf16.f32 v4;
	v3 =	vadd.f32 v3, v6  }
0xfb: {  	v4 =	vunpack.i.l.bf16.f32 v5;
	v5 =	vunpack.i.l.bf16.f32 v8;
	v6 =	vld [tilespmem:s24+$0x0];
	v1 =	vadd.f32 v2, v1  }
0xfc: {  	v2 =	vunpack.i.u.bf16.f32 v8;
	v8 =	vld [tilespmem:s23+$0x0];
	v4 =	vadd.f32 v5, v4;
	v3 =	vmax.f32 v3, $0.0e+00  }
0xfd: {  	v18 =	vunpack.i.l.bf16.f32 v15;
	v2 =	vadd.f32 v2, v10;
	v1 =	vmax.f32 v1, $0.0e+00;
	[tilespmem:s29+$0xFFFFFF10] =	vst v3  }
0xfe: {  	v10 =	vld [tilespmem:s10+$0xFFFFFFF0];
	v3 =	vmax.f32 v4, $0.0e+00;
	[tilespmem:s29+$0xFFFFFF20] =	vst v1;
	v1 =	vunpack.i.l.bf16.f32 v7;
	v4 =	vunpack.i.l.bf16.f32 v9  }
0xff: {  	v2 =	vmax.f32 v2, $0.0e+00;
	v5 =	vld [tilespmem:s24+$0xFFFFFFA0];
	[tilespmem:s29+$0xFFFFFF50] =	vst v3;
	v3 =	vunpack.i.u.bf16.f32 v7;
	v7 =	vunpack.i.u.bf16.f32 v9  }
0x100: {  	v1 =	vadd.f32 v4, v1;
	v4 =	vld [tilespmem:s23+$0xFFFFFFA0];
	[tilespmem:s29+$0xFFFFFF60] =	vst v2;
	v2 =	vadd.f32 v7, v3;
	v3 =	vunpack.i.u.bf16.f32 v6  }
0x101: {  	v7 =	vunpack.i.u.bf16.f32 v8;
	v9 =	vld [tilespmem:s24+$0xFFFFFFC0];
	v6 =	vunpack.i.l.bf16.f32 v6;
	v8 =	vunpack.i.l.bf16.f32 v8  }
0x102: {  	v58 =	vunpack.i.l.bf16.f32 v14;
	v15 =	vunpack.i.u.bf16.f32 v15;
	v6 =	vadd.f32 v8, v6;
	v8 =	vld [tilespmem:s30+$0xFFFFFFF0]  }
0x103: {  	v12 =	vadd.f32 v12, v18;
	v3 =	vadd.f32 v7, v3;
	v1 =	vmax.f32 v1, $0.0e+00  }
0x104: {  	v7 =	vld [tilespmem:s23+$0xFFFFFFC0];
	v16 =	vunpack.i.l.bf16.f32 v10;
	v10 =	vunpack.i.u.bf16.f32 v10;
	v11 =	vunpack.i.u.bf16.f32 v5  }
0x105: {  	v5 =	vunpack.i.l.bf16.f32 v5;
	v13 =	vunpack.i.u.bf16.f32 v4;
	v4 =	vunpack.i.l.bf16.f32 v4  }
0x106: {  	v2 =	vmax.f32 v2, $0.0e+00;
	v3 =	vmax.f32 v3, $0.0e+00;
	v4 =	vadd.f32 v4, v5  }
0x107: {  	[tilespmem:s29+$0xFFFFFF90] =	vst v1;
	v1 =	vld [tilespmem:s30+$0xFFFFFFD0];
	v5 =	vunpack.i.u.bf16.f32 v9;
	v9 =	vunpack.i.l.bf16.f32 v9;
	v56 =	vunpack.i.l.bf16.f32 v8  }
0x108: {  	[tilespmem:s29+$0xFFFFFFA0] =	vst v2;
	v2 =	vld [tilespmem:s10+$0xFFFFFFD0];
	v11 =	vadd.f32 v13, v11;
	v8 =	vunpack.i.u.bf16.f32 v8;
	v13 =	vadd.f32 v16, v56  }
0x109: {  	v55 =	vunpack.i.u.bf16.f32 v7;
	v7 =	vunpack.i.l.bf16.f32 v7;
	v8 =	vadd.f32 v10, v8  }
0x10a: {  	s31 =	simm.s32 $0xB1F0;
	[tilespmem:s29+$0x0] =	vst v3;
	v7 =	vadd.f32 v7, v9;
	v9 =	vadd.f32 v55, v5;
	v5 =	vld [tilespmem:s10+$0xFFFFFFB0];
	v13 =	vmax.f32 v13, $0.0e+00  }
0x10b: {  	v15 =	vadd.f32 v57, v15;
	v6 =	vmax.f32 v6, $0.0e+00;
	v59 =	vld [tilespmem:s23+$0xFFFFFFE0];
	v8 =	vmax.f32 v8, $0.0e+00;
	[tilespmem:s31+$0xFFFFFFD0] =	vst v13  }
0x10c: {  	v4 =	vmax.f32 v4, $0.0e+00;
	v11 =	vmax.f32 v11, $0.0e+00;
	v10 =	vld [tilespmem:s24+$0xFFFFFFE0];
	v3 =	vunpack.i.u.bf16.f32 v1;
	[tilespmem:s31+$0xFFFFFFE0] =	vst v8  }
0x10d: {  	[tilespmem:s29+$0xFFFFFFF0] =	vst v6;
	v1 =	vunpack.i.l.bf16.f32 v1;
	v6 =	vunpack.i.u.bf16.f32 v2;
	v2 =	vunpack.i.l.bf16.f32 v2;
	v60 =	vld [tilespmem:s30+$0x0]  }
0x10e: {  	[tilespmem:s29+$0xFFFFFF40] =	vst v11;
	v11 =	vmax.f32 v12, $0.0e+00;
	v1 =	vadd.f32 v2, v1;
	v2 =	vadd.f32 v6, v3;
	v61 =	vld [tilespmem:s10+$0x0]  }
0x10f: {  	v3 =	vmax.f32 v15, $0.0e+00;
	v8 =	vunpack.i.u.bf16.f32 v5;
	v5 =	vunpack.i.l.bf16.f32 v5  }
0x110: {  	[tilespmem:s29+$0xFFFFFF30] =	vst v4;
	v62 =	vunpack.i.u.bf16.f32 v59;
	v5 =	vadd.f32 v5, v58;
	v8 =	vadd.f32 v8, v17  }
0x111: {  	[tilespmem:s31+$0xFFFFFF10] =	vst v11;
	v14 =	vunpack.i.l.bf16.f32 v59;
	v11 =	vmax.f32 v2, $0.0e+00;
	v4 =	vunpack.i.u.bf16.f32 v10  }
0x112: {  	[tilespmem:s31+$0xFFFFFF20] =	vst v3;
	v10 =	vunpack.i.l.bf16.f32 v10;
	v5 =	vmax.f32 v5, $0.0e+00;
	v6 =	vmax.f32 v8, $0.0e+00  }
0x113: {  	v8 =	vmax.f32 v1, $0.0e+00;
	v1 =	vld [tilespmem:s30+$0xFFFFFFA0];
	[tilespmem:s31+$0xFFFFFF50] =	vst v5;
	v3 =	vunpack.i.u.bf16.f32 v60;
	v5 =	vunpack.i.u.bf16.f32 v61  }
0x114: {  	v2 =	vld [tilespmem:s10+$0xFFFFFFA0];
	[tilespmem:s31+$0xFFFFFF60] =	vst v6;
	v6 =	vunpack.i.l.bf16.f32 v60;
	v13 =	vunpack.i.l.bf16.f32 v61;
	v63 =	vadd.f32 v5, v3  }
0x115: {  	[tilespmem:s31+$0xFFFFFF90] =	vst v8;
	v8 =	vadd.f32 v62, v4;
	v3 =	vld [tilespmem:s30+$0xFFFFFFC0];
	v5 =	vmax.f32 v7, $0.0e+00;
	v7 =	vadd.f32 v14, v10  }
0x116: {  	s25 =	simm.s32 $0x6170;
	s23 =	simm.s32 $0x80F0;
	s24 =	simm.s32 $0x4;
	v9 =	vmax.f32 v9, $0.0e+00;
	[tilespmem:s31+$0xFFFFFFA0] =	vst v11;
	v4 =	vld [tilespmem:s10+$0xFFFFFFC0];
	v6 =	vadd.f32 v13, v6;
	v10 =	vmax.f32 v63, $0.0e+00  }
.LBB2_12:
0x117: {  	v11 =	vld [tilespmem:s25+$0xFFFFFFF0];
	[tilespmem:s31+$0x0] =	vst v10;
	s10 =	sadd.s32 $0x80, s10;
	v7 =	vmax.f32 v7, $0.0e+00;
	v8 =	vmax.f32 v8, $0.0e+00  }
0x118: {  	v10 =	vld [tilespmem:s10+$0xFFFFFFF0];
	v12 =	vunpack.i.u.bf16.f32 v1;
	v1 =	vunpack.i.l.bf16.f32 v1;
	v6 =	vmax.f32 v6, $0.0e+00;
	[tilespmem:s29+$0xFFFFFF70] =	vst v5  }
0x119: {  	v5 =	vld [tilespmem:s10+$0xFFFFFF90];
	v13 =	vunpack.i.u.bf16.f32 v2;
	v2 =	vunpack.i.l.bf16.f32 v2;
	[tilespmem:s29+$0xFFFFFF80] =	vst v9  }
0x11a: {  	s24 =	sadd.s32 $0x4, s24;
	v9 =	vld [tilespmem:s25+$0xFFFFFFB0];
	v1 =	vadd.f32 v2, v1;
	v2 =	vunpack.i.u.bf16.f32 v3;
	v3 =	vunpack.i.l.bf16.f32 v3;
	[tilespmem:s29+$0xFFFFFFB0] =	vst v7  }
0x11b: {  	p0 =	slt.u32 s24, $0x7C;
	v12 =	vadd.f32 v13, v12;
	v7 =	vld [tilespmem:s10+$0xFFFFFFB0];
	v13 =	vunpack.i.u.bf16.f32 v4;
	v4 =	vunpack.i.l.bf16.f32 v4;
	[tilespmem:s29+$0xFFFFFFC0] =	vst v8;
	s29 =	smov.u32 s31  }
0x11c: {  	v8 =	vld [tilespmem:s25+$0xFFFFFFD0];
	v1 =	vmax.f32 v1, $0.0e+00;
	v4 =	vadd.f32 v4, v3;
	v13 =	vadd.f32 v13, v2;
	[tilespmem:s31+$0xFFFFFFF0] =	vst v6  }
0x11d: {  	v3 =	vunpack.i.l.bf16.f32 v11;
	v2 =	vld [tilespmem:s10+$0xFFFFFFD0];
	v6 =	vunpack.i.l.bf16.f32 v10;
	[tilespmem:s31+$0xFFFFFF30] =	vst v1;
	v1 =	vmax.f32 v12, $0.0e+00  }
0x11e: {  	v11 =	vunpack.i.u.bf16.f32 v11;
	v10 =	vunpack.i.u.bf16.f32 v10;
	v12 =	vld [tilespmem:s25+$0xFFFFFF90];
	v3 =	vadd.f32 v6, v3;
	[tilespmem:s31+$0xFFFFFF40] =	vst v1  }
0x11f: {  	v1 =	vunpack.i.u.bf16.f32 v5;
	v5 =	vunpack.i.l.bf16.f32 v5;
	v6 =	vadd.f32 v10, v11;
	v10 =	vld [tilespmem:s30+$0xFFFFFFE0];
	s30 =	smov.u32 s25  }
0x120: {  	s31 =	sadd.s32 $0x100, s31;
	v11 =	vunpack.i.u.bf16.f32 v9;
	v9 =	vunpack.i.l.bf16.f32 v9;
	v3 =	vmax.f32 v3, $0.0e+00;
	v14 =	vld [tilespmem:s23+$0xFFFFFFE0];
	s23 =	smov.u32 s10  }
0x121: {  	v15 =	vunpack.i.u.bf16.f32 v7;
	v7 =	vunpack.i.l.bf16.f32 v7;
	[tilespmem:s31+$0xFFFFFFD0] =	vst v3;
	v3 =	vmax.f32 v6, $0.0e+00  }
0x122: {  	v6 =	vunpack.i.u.bf16.f32 v8;
	v8 =	vunpack.i.l.bf16.f32 v8;
	v16 =	vunpack.i.u.bf16.f32 v2;
	[tilespmem:s31+$0xFFFFFFE0] =	vst v3  }
0x123: {  	v2 =	vunpack.i.l.bf16.f32 v2;
	v3 =	vunpack.i.u.bf16.f32 v12;
	v12 =	vunpack.i.l.bf16.f32 v12;
	v17 =	vld [tilespmem:s25+$0x0]  }
0x124: {  	v5 =	vadd.f32 v5, v12;
	v1 =	vadd.f32 v1, v3;
	v3 =	vld [tilespmem:s10+$0x0];
	v12 =	vunpack.i.u.bf16.f32 v10  }
0x125: {  	v7 =	vadd.f32 v7, v9;
	v9 =	vadd.f32 v15, v11;
	v10 =	vunpack.i.l.bf16.f32 v10  }
0x126: {  	v2 =	vadd.f32 v2, v8;
	v6 =	vadd.f32 v16, v6;
	v5 =	vmax.f32 v5, $0.0e+00  }
0x127: {  	v1 =	vmax.f32 v1, $0.0e+00;
	[tilespmem:s31+$0xFFFFFF10] =	vst v5;
	v5 =	vmax.f32 v7, $0.0e+00;
	v7 =	vmax.f32 v9, $0.0e+00  }
.Ltmp5:
0x128: {  	v8 =	vmax.f32 v2, $0.0e+00;
	v6 =	vmax.f32 v6, $0.0e+00;
	v9 =	vunpack.i.u.bf16.f32 v14;
	[tilespmem:s31+$0xFFFFFF20] =	vst v1;
	(pc) =	sbr.rel @p0 .LBB2_12-.Ltmp5, $4  }
0x129: {  	v14 =	vunpack.i.l.bf16.f32 v14;
	v1 =	vld [tilespmem:s25+$0xFFFFFFA0];
	[tilespmem:s31+$0xFFFFFF50] =	vst v5;
	v5 =	vunpack.i.u.bf16.f32 v17;
	v11 =	vunpack.i.u.bf16.f32 v3  }
0x12a: {  	v15 =	vunpack.i.l.bf16.f32 v17;
	v16 =	vunpack.i.l.bf16.f32 v3;
	v2 =	vld [tilespmem:s10+$0xFFFFFFA0];
	[tilespmem:s31+$0xFFFFFF60] =	vst v7;
	v11 =	vadd.f32 v11, v5  }
0x12b: {  	v5 =	vmax.f32 v4, $0.0e+00;
	v7 =	vadd.f32 v14, v10;
	v3 =	vld [tilespmem:s25+$0xFFFFFFC0];
	[tilespmem:s31+$0xFFFFFF90] =	vst v8;
	v8 =	vadd.f32 v9, v12  }
0x12c: {  	s25 =	sadd.s32 $0x80, s25;
	v9 =	vmax.f32 v13, $0.0e+00;
	v4 =	vld [tilespmem:s10+$0xFFFFFFC0];
	[tilespmem:s31+$0xFFFFFFA0] =	vst v6;
	v6 =	vadd.f32 v16, v15;
	v10 =	vmax.f32 v11, $0.0e+00  }
0x12d: {  	_ = 	snop  }
0x12e: {  	[tilespmem:s31+$0x0] =	vst v10;
	v12 =	vld [tilespmem:s30+$0xFFFFFFE0];
	v54 =	vmax.f32 v7, $0.0e+00;
	v55 =	vmax.f32 v8, $0.0e+00  }
0x12f: {  	[tilespmem:s29+$0xFFFFFF70] =	vst v5;
	v57 =	vld [tilespmem:s23+$0xFFFFFFE0];
	v53 =	vunpack.i.l.bf16.f32 v1;
	v1 =	vunpack.i.u.bf16.f32 v1;
	v11 =	vunpack.i.l.bf16.f32 v2  }
0x130: {  	[tilespmem:s29+$0xFFFFFF80] =	vst v9;
	v6 =	vmax.f32 v6, $0.0e+00;
	v2 =	vunpack.i.u.bf16.f32 v2;
	v56 =	vadd.f32 v11, v53  }
0x131: {  	[tilespmem:s29+$0xFFFFFFB0] =	vst v54;
	v58 =	vunpack.i.u.bf16.f32 v3;
	v3 =	vunpack.i.l.bf16.f32 v3;
	v1 =	vadd.f32 v2, v1  }
0x132: {  	[tilespmem:s29+$0xFFFFFFC0] =	vst v55;
	v2 =	vunpack.i.u.bf16.f32 v4;
	v59 =	vunpack.i.l.bf16.f32 v4;
	v60 =	vmax.f32 v56, $0.0e+00  }
0x133: {  	[tilespmem:s31+$0xFFFFFFF0] =	vst v6;
	v3 =	vadd.f32 v59, v3;
	v2 =	vadd.f32 v2, v58;
	v1 =	vmax.f32 v1, $0.0e+00  }
0x134: {  	v61 =	vunpack.i.u.bf16.f32 v12;
	v62 =	vunpack.i.l.bf16.f32 v12;
	v63 =	vunpack.i.l.bf16.f32 v57;
	[tilespmem:s31+$0xFFFFFF30] =	vst v60  }
0x135: {  	[tilespmem:s31+$0xFFFFFF40] =	vst v1;
	v1 =	vunpack.i.u.bf16.f32 v57;
	v5 =	vadd.f32 v63, v62;
	v3 =	vmax.f32 v3, $0.0e+00  }
0x136: {  	v1 =	vadd.f32 v1, v61;
	v2 =	vmax.f32 v2, $0.0e+00;
	[tilespmem:s31+$0xFFFFFF70] =	vst v3  }
0x137: {  	s22 =	sadd.s32 $0x1, s22;
	v3 =	vmax.f32 v5, $0.0e+00;
	[tilespmem:s31+$0xFFFFFF80] =	vst v2  }
0x138: {  	p0 =	sne.s32 s22, $0x28;
	v1 =	vmax.f32 v1, $0.0e+00;
	[tilespmem:s31+$0xFFFFFFB0] =	vst v3  }
.Ltmp6:
0x139: {  	[tilespmem:s31+$0xFFFFFFC0] =	vst v1;
	(pc) =	sbr.rel @p0 .LBB2_4-.Ltmp6, $4  }
0x13a: {  	_ =	swait.ge [sflag:s17], $0x2000  }
0x13b: {  	[sflag:s17] =	ssyncset.done $0x0  }
0x13c: {  	s10 =	sadd.s32 $0x2800, s28;
	[sflag:s17] =	ssyncadd.s32 $0xFFFFE000  }
0x13d: {  	[spmem:s0] =	stream.indirect.scatter.add.f32 [tilespmem:s18], [sflag:$0x6], $0x40, s10, s7, $0xb8;
	[tilespmem:$0x1C000] =	vst v63  }
0x13e: {  	_ =	swait.ge [sflag:s20], $0x2000  }
0x13f: {  	[sflag:s20] =	ssyncset.done $0x0  }
0x140: {  	[sflag:s20] =	ssyncadd.s32 $0xFFFFE000  }
0x141: {  	[bflag:$0x0] =	sbarrier.arrive $0xFFFF  }
0x142: {  	s10 =	rddreg [dreg:$0x12]  }
0x143: {  	[tilespmem:s1], [sflag:$0x7] =	stream.linear.gather [spmem:s10], $0x2000, $0x38;
	[tilespmem:$0x1C000] =	vst v63  }
0x144: {  	_ =	swait.ge [sflag:s3], $0x2000  }
0x145: {  	[sflag:s3] =	ssyncset.done $0x0  }
0x146: {  	s24 =	rddreg [dreg:$0xa];
	[sflag:s3] =	ssyncadd.s32 $0xFFFFE000  }
0x147: {  	[hbm4b:s24+s2] =	stream.linear.scatter [tilespmem:s1], [sflag:$0x7], $0x2000, $0x38;
	[tilespmem:$0x1C000] =	vst v63  }
0x148: {  	_ =	swait.ge [sflag:s3], $0x2000  }
0x149: {  	[sflag:s3] =	ssyncset.done $0x0  }
0x14a: {  	s24 =	rddreg [dreg:$0x15];
	[sflag:s3] =	ssyncadd.s32 $0xFFFFE000  }
0x14b: {  	[tilespmem:s1], [sflag:$0x7] =	stream.linear.gather [spmem:s24], $0x2000, $0x38;
	[tilespmem:$0x1C000] =	vst v63  }
0x14c: {  	_ =	swait.ge [sflag:s3], $0x2000  }
0x14d: {  	[sflag:s3] =	ssyncset.done $0x0  }
0x14e: {  	s25 =	rddreg [dreg:$0xb];
	[sflag:s3] =	ssyncadd.s32 $0xFFFFE000  }
0x14f: {  	[hbm4b:s25+s2] =	stream.linear.scatter [tilespmem:s1], [sflag:$0x7], $0x2000, $0x38;
	[tilespmem:$0x1C000] =	vst v63  }
0x150: {  	_ =	swait.ge [sflag:s3], $0x2000  }
0x151: {  	[sflag:s3] =	ssyncset.done $0x0  }
0x152: {  	s25 =	rddreg [dreg:$0x16];
	[sflag:s3] =	ssyncadd.s32 $0xFFFFE000  }
0x153: {  	[tilespmem:s1], [sflag:$0x7] =	stream.linear.gather [spmem:s25], $0x2000, $0x38;
	[tilespmem:$0x1C000] =	vst v63  }
0x154: {  	_ =	swait.ge [sflag:s3], $0x2000  }
0x155: {  	[sflag:s3] =	ssyncset.done $0x0  }
0x156: {  	s26 =	rddreg [dreg:$0xc];
	[sflag:s3] =	ssyncadd.s32 $0xFFFFE000  }
0x157: {  	[hbm4b:s26+s2] =	stream.linear.scatter [tilespmem:s1], [sflag:$0x7], $0x2000, $0x38;
	[tilespmem:$0x1C000] =	vst v63  }
0x158: {  	_ =	swait.ge [sflag:s3], $0x2000  }
0x159: {  	[sflag:s3] =	ssyncset.done $0x0  }
0x15a: {  	s26 =	rddreg [dreg:$0x17];
	[sflag:s3] =	ssyncadd.s32 $0xFFFFE000  }
0x15b: {  	[tilespmem:s1], [sflag:$0x7] =	stream.linear.gather [spmem:s26], $0x2000, $0x38;
	[tilespmem:$0x1C000] =	vst v63  }
0x15c: {  	_ =	swait.ge [sflag:s3], $0x2000  }
0x15d: {  	[sflag:s3] =	ssyncset.done $0x0  }
0x15e: {  	s29 =	rddreg [dreg:$0xd];
	[sflag:s3] =	ssyncadd.s32 $0xFFFFE000  }
0x15f: {  	[hbm4b:s29+s2] =	stream.linear.scatter [tilespmem:s1], [sflag:$0x7], $0x2000, $0x38;
	[tilespmem:$0x1C000] =	vst v63  }
0x160: {  	_ =	swait.ge [sflag:s3], $0x2000  }
0x161: {  	[sflag:s3] =	ssyncset.done $0x0  }
0x162: {  	s28 =	rddreg [dreg:$0x18];
	[sflag:s3] =	ssyncadd.s32 $0xFFFFE000  }
0x163: {  	[tilespmem:s1], [sflag:$0x7] =	stream.linear.gather [spmem:s28], $0x2000, $0x38;
	[tilespmem:$0x1C000] =	vst v63  }
0x164: {  	_ =	swait.ge [sflag:s3], $0x2000  }
0x165: {  	[sflag:s3] =	ssyncset.done $0x0  }
0x166: {  	s30 =	rddreg [dreg:$0xe];
	[sflag:s3] =	ssyncadd.s32 $0xFFFFE000  }
0x167: {  	[hbm4b:s30+s2] =	stream.linear.scatter [tilespmem:s1], [sflag:$0x7], $0x2000, $0x38;
	[tilespmem:$0x1C000] =	vst v63  }
0x168: {  	_ =	swait.ge [sflag:s3], $0x2000  }
0x169: {  	s21 =	sadd.s32 $0x1, s21;
	s31 =	rddreg [dreg:$0x13]  }
0x16a: {  	p0 =	sne.s32 s21, s31  }
.Ltmp7:
0x16b: {  	_ = 	snop;
	(pc) =	sbr.rel @p0 .LBB2_1-.Ltmp7, $3  }
0x16c: {  	_ =	sdelay $0x1  }
0x16d: {  	[sflag:s3] =	ssyncset.done $0x0  }
0x16e: {  	[sflag:s3] =	ssyncadd.s32 $0xFFFFE000  }
0x16f: {  	_ =	sfence.sel $0x180000  }
0x170: {  	[bflag:$0x0] =	sbarrier.arrive $0xFFFF  }
0x171: {  	_ =	strace $0x90000050  }
0x172: {  	s0 =	stileid.u32;
	[bflag:$0x2] =	sbarrier.arrive $0xFFFF  }
0x173: {  	p0 =	sne.s32 s0, $0x0;
	s0 =	rddreg [dreg:$0x4]  }
0x174: {  	s0 =	sadd.s32 @!p0 $0x100000, s0  }
0x175: {  	[sflag:s0] =	ssyncadd.tile.s32 @!p0 $0x1;
	_ =	shalt  }
.Lfunc_end2:
_tile_overlayer_lowered:
.L_overlay_start_2:
0x176: {  	(tag) =	ssettag $0x2  }
0x177: {  	s0 =	rddreg [dreg:$0x0];
	s2 =	stileid.u32  }
0x178: {  	s1 =	rddreg [dreg:$0x1];
	p0 =	sne.s32 s2, $0x0  }
0x179: {  	s3 =	rddreg [dreg:$0x2];
	[bflag:$0x3] =	sbarrier.arrive $0xFFFF;
	s2 =	simm.s32 @!p0 $0x1C07  }
0x17a: {  	[timem:s3], [sflag:s2] =	dma.local @!p0 [hbm:s0], s1  }
0x17b: {  	s0 =	simm.s32 @!p0 $0x7  }
0x17c: {  	_ =	swait.ge @!p0 [sflag:s0], s1  }
0x17d: {  	s1 =	ssub.s32 @!p0 $0x0, s1;
	[sflag:s0] =	ssyncset.done @!p0 $0x0  }
0x17e: {  	[sflag:s0] =	ssyncadd.s32 @!p0 s1  }
0x17f: {  	[bflag:$0x3] =	sbarrier.arrive $0xFFFF  }
0x180: {  	_ =	shalt  }

// kernel: kernel.8.cloned.1.call-start
scs
__scs_entry_jumppad:
0x0: {  	(pc) =	sbr.rel $0x88, $3  }
0x1: {  	(tag) =	ssettag $0x0;
	lr =	simm.s32 $0x1  }
0x2: {  	[smem:$0x3F96] =	sst lr;
	_ =	strace $0xD0000000  }
0x3: {  	_ = 	snop  }
0x4: {  	_ = 	snop  }
0x5: {  	_ = 	snop  }
0x6: {  	_ = 	snop  }
0x7: {  	_ = 	snop  }
__scs_overlays_trampoline_lowered:
0x8: {  	[smem:$0x3FA5] =	sst s0  }
0x9: {  	[smem:$0x3FA6] =	sst s1  }
0xa: {  	[smem:$0x3FA7] =	sst s2  }
0xb: {  	[smem:$0x3FA8] =	sst s3  }
0xc: {  	[smem:$0x3FA9] =	sst s4  }
0xd: {  	[smem:$0x3FAA] =	sst s5  }
0xe: {  	[smem:$0x3FAB] =	sst s6  }
0xf: {  	[smem:$0x3FAC] =	sst s7  }
0x10: {  	[smem:$0x3FAD] =	sst s8  }
0x11: {  	[smem:$0x3FAE] =	sst s9;
	s0 =	simm.s32 @!p0 $0x0  }
0x12: {  	s1 =	sld [smem:$0x3F94];
	s0 =	simm.s32 @p0 $0x1  }
0x13: {  	[smem:$0x3FAF] =	sst s0;
	s0 =	simm.s32 @!p1 $0x0  }
0x14: {  	s2 =	sld [smem:$0x3F93];
	s0 =	simm.s32 @p1 $0x1  }
0x15: {  	[smem:$0x3FB0] =	sst s0;
	s0 =	simm.s32 @!p2 $0x0  }
0x16: {  	s3 =	sld [smem:$0x3FDB];
	s0 =	simm.s32 @p2 $0x1  }
0x17: {  	s4 =	simm.s32 $0x1BF5;
	[smem:$0x3FB2] =	sst s0  }
0x18: {  	s0 =	sld [smem:$0x3F95];
	_ =	swait.ge [sflag:s4], $0x0  }
0x19: {  	s7 =	sld [smem:$0x3F96]  }
0x1a: {  	s8 =	sadd.s32 $0xFFFFE003, lr  }
0x1b: {  	s9 =	sadd.s32 $0xFFFFFEF7, lr;
	s5 =	simm.s32 $0xFFFFFFFF;
	p2 =	slt.u32 s8, $0xFFFFF086  }
0x1c: {  	p1 =	slt.u32 s9, $0xF7A;
	s5 =	simm.s32 @!p2 $0x0  }
0x1d: {  	s5 =	simm.s32 @p1 $0x1;
	p0 =	seq.s32 s7, s2  }
0x1e: {  	s7 =	smul.u32 @!p0 $0xF7A, s2;
	p2 =	seq.s32 @!p0 s5, $0x0  }
0x1f: {  	s9 =	smul.u32 $0xF7A, s1;
	s8 =	simm.s32 @!p0 $0x1BF5;
	p2 =	por !p2, p0  }
0x20: {  	[sflag:s8] =	ssyncset.s32 @!p0 $0xFFFFF086;
	s6 =	sadd.s32 @!p0 s3, s7;
	s7 =	simm.s32 @!p0 $0x108  }
0x21: {  	s3 =	sadd.s32 s3, s9;
	s6 =	sadd.s32 @!p0 $0x88, s6;
	s7 =	simm.s32 @p2 $0x1082  }
0x22: {  	[simem:s7], [sflag:s8] =	dma.local @!p0 [hbm:s6], $0xF7A  }
0x23: {  	s9 =	sor.u32 $0xD0000000, s2;
	s6 =	simm.s32 $0x108;
	_ =	swait.ge @!p0 [sflag:s8], $0x0  }
0x24: {  	s3 =	sadd.s32 $0x88, s3;
	s6 =	simm.s32 @!p1 $0x1082;
	[sflag:s4] =	ssyncset.s32 $0xFFFFF086  }
0x25: {  	[simem:s6], [sflag:s4] =	dma.local [hbm:s3], $0xF7A  }
0x26: {  	[smem:$0x3F96] =	sst s1;
	(tag) =	ssettag s2;
	_ =	strace s9  }
0x27: {  	s1 =	sld [smem:$0x3FA6]  }
0x28: {  	s2 =	sld [smem:$0x3FA7]  }
0x29: {  	s4 =	sld [smem:$0x3FA9]  }
0x2a: {  	p0 =	seq.s32 s5, $0x0;
	s5 =	sld [smem:$0x3FAA]  }
0x2b: {  	s6 =	sld [smem:$0x3FAB]  }
0x2c: {  	s7 =	sld [smem:$0x3FAC]  }
0x2d: {  	s3 =	simm.s32 $0x108;
	s8 =	sld [smem:$0x3FAD]  }
0x2e: {  	s3 =	simm.s32 @!p0 $0x1082;
	s9 =	sld [smem:$0x3FAE]  }
0x2f: {  	lr =	sadd.s32 s0, s3;
	s0 =	sld [smem:$0x3FA5]  }
0x30: {  	s3 =	sld [smem:$0x3FA8]  }
0x31: {  	[smem:$0x3FB1] =	sst s10  }
0x32: {  	s10 =	sld [smem:$0x3FAF];
	_ =	sdelay $0x3  }
0x33: {  	p0 =	seq.s32 s10, $0x1;
	s10 =	sld [smem:$0x3FB1];
	_ =	sdelay $0x3  }
0x34: {  	[smem:$0x3FB1] =	sst s10  }
0x35: {  	s10 =	sld [smem:$0x3FB0];
	_ =	sdelay $0x3  }
0x36: {  	p1 =	seq.s32 s10, $0x1;
	s10 =	sld [smem:$0x3FB1];
	_ =	sdelay $0x3  }
0x37: {  	[smem:$0x3FB1] =	sst s10  }
0x38: {  	s10 =	sld [smem:$0x3FB2]  }
0x39: {  	_ = 	snop;
	(pc) =	sbr.ind lr, $3  }
0x3a: {  	_ = 	snop  }
0x3b: {  	_ = 	snop  }
0x3c: {  	p2 =	seq.s32 s10, $0x1;
	s10 =	sld [smem:$0x3FB1]  }
0x3d: {  	_ =	shalt  }
0x3e: {  	_ =	shalt  }
0x3f: {  	_ =	shalt  }
0x40: {  	_ =	shalt  }
0x41: {  	_ =	shalt  }
0x42: {  	_ =	shalt  }
0x43: {  	_ =	shalt  }
0x44: {  	_ =	shalt  }
0x45: {  	_ =	shalt  }
0x46: {  	_ =	shalt  }
0x47: {  	_ =	shalt  }
0x48: {  	_ =	shalt  }
0x49: {  	_ =	shalt  }
0x4a: {  	_ =	shalt  }
0x4b: {  	_ =	shalt  }
0x4c: {  	_ =	shalt  }
0x4d: {  	_ =	shalt  }
0x4e: {  	_ =	shalt  }
0x4f: {  	_ =	shalt  }
0x50: {  	_ =	shalt  }
0x51: {  	_ =	shalt  }
0x52: {  	_ =	shalt  }
0x53: {  	_ =	shalt  }
0x54: {  	_ =	shalt  }
0x55: {  	_ =	shalt  }
0x56: {  	_ =	shalt  }
0x57: {  	_ =	shalt  }
0x58: {  	_ =	shalt  }
0x59: {  	_ =	shalt  }
0x5a: {  	_ =	shalt  }
0x5b: {  	_ =	shalt  }
0x5c: {  	_ =	shalt  }
0x5d: {  	_ =	shalt  }
0x5e: {  	_ =	shalt  }
0x5f: {  	_ =	shalt  }
0x60: {  	_ =	shalt  }
0x61: {  	_ =	shalt  }
0x62: {  	_ =	shalt  }
0x63: {  	_ =	shalt  }
0x64: {  	_ =	shalt  }
0x65: {  	_ =	shalt  }
0x66: {  	_ =	shalt  }
0x67: {  	_ =	shalt  }
0x68: {  	_ =	shalt  }
0x69: {  	_ =	shalt  }
0x6a: {  	_ =	shalt  }
0x6b: {  	_ =	shalt  }
0x6c: {  	_ =	shalt  }
0x6d: {  	_ =	shalt  }
0x6e: {  	_ =	shalt  }
0x6f: {  	_ =	shalt  }
0x70: {  	_ =	shalt  }
0x71: {  	_ =	shalt  }
0x72: {  	_ =	shalt  }
0x73: {  	_ =	shalt  }
0x74: {  	_ =	shalt  }
0x75: {  	_ =	shalt  }
0x76: {  	_ =	shalt  }
0x77: {  	_ =	shalt  }
0x78: {  	_ =	shalt  }
0x79: {  	_ =	shalt  }
0x7a: {  	_ =	shalt  }
0x7b: {  	_ =	shalt  }
0x7c: {  	_ =	shalt  }
0x7d: {  	_ =	shalt  }
0x7e: {  	_ =	shalt  }
0x7f: {  	_ =	shalt  }
0x80: {  	_ =	shalt  }
0x81: {  	_ =	shalt  }
0x82: {  	_ =	shalt  }
0x83: {  	_ =	shalt  }
0x84: {  	_ =	shalt  }
0x85: {  	_ =	shalt  }
0x86: {  	_ =	shalt  }
0x87: {  	_ =	shalt  }
.Lfunc_end0:
.L_simem_size_0:
called_computation.2_lowered:
.L_overlay_start_0:
0x88: {  	s2 =	sld [smem:$0x3FD9]  }
0x89: {  	s3 =	sld [smem:$0x3FFE];
	_ =	sdelay $0x1  }
0x8a: {  	s1 =	srdreg.scid  }
0x8b: {  	s0 =	sand.u32 $0x1, s1  }
0x8c: {  	s17 =	sshll.u32 s0, $0xA;
	s2 =	sadd.s32 s3, s2  }
0x8d: {  	s2 =	sadd.s32 s2, s17  }
0x8e: {  	[smem:$0x3FBD] =	sst s2  }
0x8f: {  	_ = 	snop  }
0x90: {  	s2 =	sld [smem:$0x3FD0];
	(tm) =	ssettm $0x1  }
0x91: {  	s18 =	sld [smem:$0x3FFB];
	_ =	sdelay $0x3  }
0x92: {  	_ =	strace s18  }
0x93: {  	s3 =	sld [smem:$0x3FFC];
	_ =	sdelay $0x3  }
0x94: {  	_ =	strace s3  }
0x95: {  	s3 =	sld [smem:$0x3FFD];
	_ =	sdelay $0x3  }
0x96: {  	_ =	strace s3  }
0x97: {  	_ =	strace $0x8FFFFFFF  }
0x98: {  	s19 =	sld [smem:$0x3FDB];
	_ =	sdelay $0x1  }
0x99: {  	s4 =	simm.s32 $_scs_section_size  }
0x9a: {  	s5 =	simm.s32 $_size__tile_overlayer_lowered;
	s6 =	simm.s32 $_tile_overlayer_lowered  }
0x9b: {  	s22 =	simm.s32 $0x1BFF;
	s21 =	sshll.u32 s6, $0x1;
	s3 =	sadd.s32 s4, s19  }
0x9c: {  	s7 =	simm.s32 $0x0;
	s20 =	sshll.u32 s5, $0x1;
	s5 =	sadd.s32 s21, s3  }
0x9d: {  	[timem:s7], [sflag:s22] =	dma.local [hbm:s5], s20  }
0x9e: {  	_ =	swait.ge [sflag:s22], s20  }
0x9f: {  	s4 =	ssub.s32 $0x0, s20;
	[sflag:s22] =	ssyncset.done $0x0  }
0xa0: {  	[sflag:s22] =	ssyncadd.s32 s4;
	_ =	sdelay $0x1  }
0xa1: {  	s23 =	simm.s32 $0x1B8B  }
0xa2: {  	_ =	swait.ge [sflag:s23], $0x1  }
0xa3: {  	[sflag:s23] =	ssyncset.done $0x0  }
0xa4: {  	s25 =	simm.s32 $0x1B8E;
	s24 =	sld [smem:$0x3FFE];
	[sflag:s23] =	ssyncadd.s32 $0xFFFFFFFF  }
0xa5: {  	s26 =	simm.s32 $execute0_lowered;
	[smem:$0x3FD2] =	sst s25  }
0xa6: {  	s5 =	sshll.u32 s26, $0x1;
	_ =	strace $0x80000049;
	[dreg:$0x1] =	wrdreg $0xFFFFFFFF  }
0xa7: {  	s28 =	simm.s32 $_size_execute0_lowered;
	s3 =	sadd.s32 s3, s5;
	[dreg:$0x0] =	wrdreg $0x0  }
0xa8: {  	s5 =	sshll.u32 s28, $0x1;
	[dreg:$0x2] =	wrdreg s3  }
0xa9: {  	[dreg:$0x3] =	wrdreg s5  }
0xaa: {  	[dreg:$0x4] =	wrdreg $0xC0  }
0xab: {  	_ =	task [dreg:s7], $0x5FFFF  }
0xac: {  	[dreg:$0x1] =	wrdreg $0xFFFFFFFF  }
0xad: {  	[dreg:$0x0] =	wrdreg $0x60  }
0xae: {  	[dreg:$0x2] =	wrdreg s2  }
0xaf: {  	[dreg:$0x3] =	wrdreg s24  }
0xb0: {  	[dreg:$0x4] =	wrdreg $0xE0000  }
0xb1: {  	[dreg:$0x5] =	wrdreg $0x1A8000  }
0xb2: {  	[dreg:$0x6] =	wrdreg $0xA  }
0xb3: {  	_ =	task.clear_ibuf [dreg:s7], $0x7FFFF;
	_ =	strace $0x90000049  }
0xb4: {  	s29 =	simm.s32 $0xA;
	_ =	strace $0x8000004B  }
0xb5: {  	_ =	swait.ge [sflag:s29], $0x1  }
0xb6: {  	[sflag:s29] =	ssyncadd.s32 $0xFFFFFFFF  }
0xb7: {  	_ =	strace $0x9000004B  }
0xb8: {  	_ =	sfence  }
0xb9: {  	s30 =	sld [smem:$0x0];
	_ =	sdelay $0x2  }
0xba: {  	s31 =	sshll.u32 s1, $0xD;
	s1 =	sshrl.u32 s1, $0x2  }
0xbb: {  	s3 =	sand.u32 $0x4000, s31;
	s1 =	sadd.s32 s1, s30  }
0xbc: {  	s0 =	sor.u32 s3, s0;
	s1 =	sshll.u32 s1, $0x11  }
0xbd: {  	s0 =	sor.u32 s1, s0  }
0xbe: {  	s0 =	sadd.s32 $0x8F2B, s0  }
0xbf: {  	[sflag:s0] =	ssyncadd.remote.s32 $0x1  }
0xc0: {  	_ =	sfence.sel $0xFFFF  }
0xc1: {  	[dreg:$0x0] =	wrdreg $0xFFFFFFFF;
	(pc) =	sbr.abs _section_cstart, $3  }
0xc2: {  	[dreg:$0x1] =	wrdreg $0xFFFFFFFF  }
0xc3: {  	_ =	task.clear_ibuf [dreg:s7], $0x2FFFF;
	_ =	strace $0x9FFFFFFF  }
0xc4: {  	(tm) =	ssettm $0x7FFFFFFF  }
0xc5: {  	_ =	shalt  }
tec
execute0_lowered:
.L_overlay_start_1:
0x0: {  	(tag) =	ssettag $0x1  }
0x1: {  	s0 =	rddreg [dreg:$0x0]  }
0x2: {  	s1 =	rddreg [dreg:$0x1];
	s3 =	srdreg.scid  }
0x3: {  	s2 =	rddreg [dreg:$0x2];
	s21 =	stileid.u32;
	s4 =	simm.s32 $0x0  }
0x4: {  	s6 =	sand.u32 $0x1, s3;
	s3 =	rddreg [dreg:$0x3];
	s9 =	smul.u32 $0x5, s21  }
0x5: {  	[smem:$0x7FF] =	sst s4;
	s12 =	smul.u32 $0xC800, s21  }
0x6: {  	s13 =	smul.u32 $0xA00, s21;
	s5 =	sshll.u32 s6, $0x4;
	_ =	strace $0x8000004A  }
0x7: {  	s10 =	ssub.s32 $0x2, s6;
	s6 =	smul.u32 $0xC8000, s6;
	s7 =	sor.u32 s21, s5  }
0x8: {  	s5 =	sadd.s32 $0x283200, s1;
	s11 =	sshrl.u32 s10, $0x1;
	s14 =	sadd.s32 $0x2, s9  }
0x9: {  	s15 =	sadd.s32 $0x3, s9;
	s13 =	sadd.s32 s0, s13;
	s8 =	smul.u32 $0x500, s7  }
0xa: {  	s10 =	ssub.s32 s10, s11;
	s11 =	sadd.s32 $0x1, s9;
	s9 =	sadd.s32 $0x4, s9  }
0xb: {  	[dreg:$0x5] =	wrdreg s13;
	s16 =	sshll.u32 s14, $0x9;
	s26 =	sshll.u32 s15, $0x9  }
0xc: {  	s17 =	sadd.s32 s6, s12;
	s24 =	sshll.u32 s11, $0x9;
	s25 =	sadd.s32 s0, s16  }
0xd: {  	s28 =	sshll.u32 s9, $0x9;
	s18 =	smul.u32 $0x2800, s11;
	s29 =	sshrl.u32 s17, $0x3  }
0xe: {  	s17 =	sadd.s32 $0x7800, s12;
	s16 =	sadd.s32 $0xA000, s12;
	s8 =	sadd.s32 s8, s1  }
0xf: {  	s1 =	sadd.s32 $0x3200, s1;
	s13 =	sadd.s32 s0, s24;
	[dreg:$0x7] =	wrdreg s25  }
0x10: {  	s20 =	sadd.s32 s6, s17;
	s23 =	sadd.s32 s6, s16;
	s24 =	smul.u32 $0xA000, s7  }
0x11: {  	[dreg:$0x6] =	wrdreg s13;
	s13 =	sadd.s32 s0, s26;
	s0 =	sadd.s32 s0, s28  }
0x12: {  	s30 =	sadd.s32 s6, s18;
	s22 =	sshrl.u32 s20, $0x3;
	s20 =	smul.u32 $0x32000, s21  }
0x13: {  	s25 =	sadd.s32 $0x3C3200, s8;
	s26 =	smul.u32 $0xA000, s11;
	[dreg:$0x8] =	wrdreg s13  }
0x14: {  	[dreg:$0x9] =	wrdreg s0;
	s0 =	sadd.s32 s1, s29;
	s13 =	sadd.s32 $0x5000, s12  }
0x15: {  	[dreg:$0x10] =	wrdreg s25;
	s28 =	sadd.s32 s5, s24;
	s29 =	sadd.s32 s12, s2  }
0x16: {  	s24 =	sshll.u32 s15, $0xC;
	s15 =	simm.s32 $0x6000;
	[dreg:$0xa] =	wrdreg s0  }
0x17: {  	s0 =	sshrl.u32 s30, $0x3;
	s31 =	sadd.s32 s6, s13;
	[dreg:$0x11] =	wrdreg s28  }
0x18: {  	[dreg:$0x12] =	wrdreg s29;
	s30 =	smax.u32 s10, $0x1;
	s6 =	sadd.s32 $0x1E000, s20  }
0x19: {  	s10 =	sadd.s32 $0x28000, s20;
	s25 =	sadd.s32 s24, s3;
	s28 =	sadd.s32 s18, s2  }
0x1a: {  	s29 =	sadd.s32 s13, s2;
	s13 =	simm.s32 $0x5000;
	[dreg:$0x13] =	wrdreg s30  }
0x1b: {  	s18 =	simm.s32 $0x3;
	s24 =	simm.s32 $0x6;
	[dreg:$0x1c] =	wrdreg s25  }
0x1c: {  	s0 =	sadd.s32 s1, s0;
	s19 =	sshrl.u32 s31, $0x3;
	[dreg:$0x1e] =	wrdreg s28  }
0x1d: {  	s31 =	sshrl.u32 s20, $0x2;
	s12 =	sshrl.u32 s10, $0x2;
	[dreg:$0x1f] =	wrdreg s29  }
0x1e: {  	s30 =	sadd.s32 s17, s2;
	s10 =	simm.s32 $0x7;
	[dreg:$0xb] =	wrdreg s0  }
0x1f: {  	s17 =	simm.s32 $0x1;
	s0 =	sadd.s32 s1, s19;
	[smem:$0x7FC] =	sst s30  }
0x20: {  	s25 =	simm.s32 $0x0;
	s19 =	sadd.s32 $0x3CD200, s8;
	[dreg:$0xc] =	wrdreg s0  }
0x21: {  	s8 =	sshrl.u32 s6, $0x2;
	[dreg:$0xe] =	wrdreg s19;
	s19 =	smul.u32 $0x50, s7  }
0x22: {  	s0 =	sadd.s32 s1, s22;
	s7 =	smul.u32 $0x14000, s21;
	s22 =	sshll.u32 s11, $0xC  }
0x23: {  	s11 =	simm.s32 $0x2800;
	[dreg:$0xd] =	wrdreg s0;
	s0 =	sshrl.u32 s23, $0x3  }
0x24: {  	s23 =	sshll.u32 s14, $0xC;
	s14 =	simm.s32 $0x80;
	s0 =	sadd.s32 s1, s0  }
0x25: {  	s1 =	sadd.s32 s31, s2;
	s31 =	sadd.s32 s16, s2;
	[dreg:$0xf] =	wrdreg s0  }
0x26: {  	s0 =	sshrl.u32 s26, $0x2;
	[dreg:$0x14] =	wrdreg s1;
	s1 =	sadd.s32 $0x14000, s20  }
0x27: {  	s20 =	sshrl.u32 s7, $0x2;
	[smem:$0x7FD] =	sst s31;
	s0 =	sadd.s32 s0, s2  }
0x28: {  	s21 =	sadd.s32 s20, s3;
	[dreg:$0x15] =	wrdreg s0;
	s0 =	sshrl.u32 s1, $0x2  }
0x29: {  	s16 =	simm.s32 $0x8000;
	[dreg:$0x19] =	wrdreg s21;
	s0 =	sadd.s32 s0, s2  }
0x2a: {  	s26 =	sshll.u32 s9, $0xC;
	[dreg:$0x16] =	wrdreg s0;
	s0 =	sadd.s32 s8, s2  }
0x2b: {  	s9 =	simm.s32 $0x9000;
	[dreg:$0x17] =	wrdreg s0;
	s0 =	sadd.s32 s12, s2  }
0x2c: {  	s20 =	simm.s32 $0x2;
	[dreg:$0x18] =	wrdreg s0;
	s0 =	sadd.s32 s22, s3  }
0x2d: {  	s21 =	simm.s32 $0x4;
	[dreg:$0x1a] =	wrdreg s0;
	s0 =	sadd.s32 s23, s3  }
0x2e: {  	v0 =	vimm.f32 $0.0e+00;
	vm0 =	vcmask $0x300;
	s12 =	simm.s32 $0x7000;
	[dreg:$0x1b] =	wrdreg s0;
	s0 =	sadd.s32 s26, s3  }
0x2f: {  	v1 =	vsel vm0, $0x3F800000, v0;
	s22 =	simm.s32 $0x5;
	s23 =	simm.s32 $0xB800;
	[dreg:$0x1d] =	wrdreg s0  }
.LBB2_1:
0x30: {  	s1 =	simm.s32 $0x140;
	s0 =	simm.s32 $0x0  }
.LBB2_2:
0x31: {  	p0 =	sne.s32 s1, $0x9EC0;
	[tilespmem:s0+$0x9040] =	vst v0;
	s6 =	smov.u32 s1;
	s1 =	sadd.s32 $0x140, s1  }
.Ltmp0:
0x32: {  	[tilespmem:s0+$0x9030] =	vst v0;
	(pc) =	sbr.rel @p0 .LBB2_2-.Ltmp0, $4  }
0x33: {  	[tilespmem:s0+$0x9020] =	vst v0  }
0x34: {  	[tilespmem:s0+$0x9000] =	vst v0  }
0x35: {  	[tilespmem:s0+$0x9010] =	vst v0  }
0x36: {  	s0 =	sshra.s32 s6, $0x2  }
0x37: {  	[tilespmem:s0+$0x9040] =	vst v0  }
0x38: {  	[tilespmem:s0+$0x9030] =	vst v0  }
0x39: {  	[tilespmem:s0+$0x9020] =	vst v0  }
0x3a: {  	[tilespmem:s0+$0x9000] =	vst v0  }
0x3b: {  	[tilespmem:s0+$0x9010] =	vst v0;
	s6 =	rddreg [dreg:$0x14]  }
0x3c: {  	[spmem:s6] =	stream.linear.scatter [tilespmem:s9], [sflag:$0x7], $0x2800, $0x38;
	[tilespmem:$0x1F800] =	vst v63  }
0x3d: {  	_ =	swait.ge [sflag:s10], $0x2800  }
0x3e: {  	[sflag:s10] =	ssyncset.done $0x0  }
0x3f: {  	s7 =	rddreg [dreg:$0x15];
	[sflag:s10] =	ssyncadd.s32 $0xFFFFD800  }
0x40: {  	[spmem:s7] =	stream.linear.scatter [tilespmem:s9], [sflag:$0x7], $0x2800, $0x38;
	[tilespmem:$0x1F800] =	vst v63  }
0x41: {  	_ =	swait.ge [sflag:s10], $0x2800  }
0x42: {  	[sflag:s10] =	ssyncset.done $0x0  }
0x43: {  	s8 =	rddreg [dreg:$0x16];
	[sflag:s10] =	ssyncadd.s32 $0xFFFFD800  }
0x44: {  	[spmem:s8] =	stream.linear.scatter [tilespmem:s9], [sflag:$0x7], $0x2800, $0x38;
	[tilespmem:$0x1F800] =	vst v63  }
0x45: {  	_ =	swait.ge [sflag:s10], $0x2800  }
0x46: {  	[sflag:s10] =	ssyncset.done $0x0  }
0x47: {  	s26 =	rddreg [dreg:$0x17];
	[sflag:s10] =	ssyncadd.s32 $0xFFFFD800  }
0x48: {  	[spmem:s26] =	stream.linear.scatter [tilespmem:s9], [sflag:$0x7], $0x2800, $0x38;
	[tilespmem:$0x1F800] =	vst v63  }
0x49: {  	_ =	swait.ge [sflag:s10], $0x2800  }
0x4a: {  	[sflag:s10] =	ssyncset.done $0x0  }
0x4b: {  	s28 =	rddreg [dreg:$0x18];
	[sflag:s10] =	ssyncadd.s32 $0xFFFFD800  }
0x4c: {  	[spmem:s28] =	stream.linear.scatter [tilespmem:s9], [sflag:$0x7], $0x2800, $0x38;
	[tilespmem:$0x1F800] =	vst v63  }
0x4d: {  	_ =	swait.ge [sflag:s10], $0x2800  }
0x4e: {  	[sflag:s10] =	ssyncset.done $0x0  }
0x4f: {  	s0 =	simm.s32 $0x0;
	s1 =	rddreg [dreg:$0xe];
	[sflag:s10] =	ssyncadd.s32 $0xFFFFD800  }
0x50: {  	[tilespmem:s0], [sflag:$0x7] =	stream.linear.gather [hbm4b:s1+s0], $0x2800, $0x38;
	[tilespmem:$0x1F800] =	vst v63  }
0x51: {  	_ =	swait.ge [sflag:s10], $0x2800  }
0x52: {  	[sflag:s10] =	ssyncset.done $0x0  }
0x53: {  	s29 =	rddreg [dreg:$0x10];
	[sflag:s10] =	ssyncadd.s32 $0xFFFFD800  }
0x54: {  	[tilespmem:s11], [sflag:$0x7] =	stream.linear.gather [hbm4b:s29+s0], $0x2800, $0x38;
	[tilespmem:$0x1F800] =	vst v63  }
0x55: {  	_ =	swait.ge [sflag:s10], $0x2800  }
0x56: {  	[sflag:s10] =	ssyncset.done $0x0  }
0x57: {  	s30 =	rddreg [dreg:$0x5];
	[sflag:s10] =	ssyncadd.s32 $0xFFFFD800  }
0x58: {  	[tilespmem:s12], [sflag:$0x7] =	stream.linear.gather [hbm4b:s30+s0], $0x1000, $0x38;
	[tilespmem:$0x1F800] =	vst v63  }
0x59: {  	_ =	swait.ge [sflag:s10], $0x1000  }
0x5a: {  	[sflag:s10] =	ssyncset.done $0x0  }
0x5b: {  	s31 =	rddreg [dreg:$0x19];
	[sflag:s10] =	ssyncadd.s32 $0xFFFFF000  }
0x5c: {  	[spmem:s31] =	stream.linear.scatter [tilespmem:s12], [sflag:$0x7], $0x1000, $0x38;
	[tilespmem:$0x1F800] =	vst v63  }
0x5d: {  	_ =	swait.ge [sflag:s10], $0x1000  }
0x5e: {  	[sflag:s10] =	ssyncset.done $0x0  }
0x5f: {  	s6 =	rddreg [dreg:$0x6];
	[sflag:s10] =	ssyncadd.s32 $0xFFFFF000  }
0x60: {  	[tilespmem:s12], [sflag:$0x7] =	stream.linear.gather [hbm4b:s6+s0], $0x1000, $0x38;
	[tilespmem:$0x1F800] =	vst v63  }
0x61: {  	_ =	swait.ge [sflag:s10], $0x1000  }
0x62: {  	[sflag:s10] =	ssyncset.done $0x0  }
0x63: {  	s7 =	rddreg [dreg:$0x1a];
	[sflag:s10] =	ssyncadd.s32 $0xFFFFF000  }
0x64: {  	[spmem:s7] =	stream.linear.scatter [tilespmem:s12], [sflag:$0x7], $0x1000, $0x38;
	[tilespmem:$0x1F800] =	vst v63  }
0x65: {  	_ =	swait.ge [sflag:s10], $0x1000  }
0x66: {  	[sflag:s10] =	ssyncset.done $0x0  }
0x67: {  	s8 =	rddreg [dreg:$0x7];
	[sflag:s10] =	ssyncadd.s32 $0xFFFFF000  }
0x68: {  	[tilespmem:s12], [sflag:$0x7] =	stream.linear.gather [hbm4b:s8+s0], $0x1000, $0x38;
	[tilespmem:$0x1F800] =	vst v63  }
0x69: {  	_ =	swait.ge [sflag:s10], $0x1000  }
0x6a: {  	[sflag:s10] =	ssyncset.done $0x0  }
0x6b: {  	s26 =	rddreg [dreg:$0x1b];
	[sflag:s10] =	ssyncadd.s32 $0xFFFFF000  }
0x6c: {  	[spmem:s26] =	stream.linear.scatter [tilespmem:s12], [sflag:$0x7], $0x1000, $0x38;
	[tilespmem:$0x1F800] =	vst v63  }
0x6d: {  	_ =	swait.ge [sflag:s10], $0x1000  }
0x6e: {  	[sflag:s10] =	ssyncset.done $0x0  }
0x6f: {  	s28 =	rddreg [dreg:$0x8];
	[sflag:s10] =	ssyncadd.s32 $0xFFFFF000  }
0x70: {  	[tilespmem:s12], [sflag:$0x7] =	stream.linear.gather [hbm4b:s28+s0], $0x1000, $0x38;
	[tilespmem:$0x1F800] =	vst v63  }
0x71: {  	_ =	swait.ge [sflag:s10], $0x1000  }
0x72: {  	[sflag:s10] =	ssyncset.done $0x0  }
0x73: {  	s29 =	rddreg [dreg:$0x1c];
	[sflag:s10] =	ssyncadd.s32 $0xFFFFF000  }
0x74: {  	[spmem:s29] =	stream.linear.scatter [tilespmem:s12], [sflag:$0x7], $0x1000, $0x38;
	[tilespmem:$0x1F800] =	vst v63  }
0x75: {  	_ =	swait.ge [sflag:s10], $0x1000  }
0x76: {  	[sflag:s10] =	ssyncset.done $0x0  }
0x77: {  	s30 =	rddreg [dreg:$0x9];
	[sflag:s10] =	ssyncadd.s32 $0xFFFFF000  }
0x78: {  	[tilespmem:s12], [sflag:$0x7] =	stream.linear.gather [hbm4b:s30+s0], $0x1000, $0x38;
	[tilespmem:$0x1F800] =	vst v63  }
0x79: {  	_ =	swait.ge [sflag:s10], $0x1000  }
0x7a: {  	[sflag:s10] =	ssyncset.done $0x0  }
0x7b: {  	s31 =	rddreg [dreg:$0x1d];
	[sflag:s10] =	ssyncadd.s32 $0xFFFFF000  }
0x7c: {  	[spmem:s31] =	stream.linear.scatter [tilespmem:s12], [sflag:$0x7], $0x1000, $0x38;
	[tilespmem:$0x1F800] =	vst v63  }
0x7d: {  	_ =	swait.ge [sflag:s10], $0x1000  }
0x7e: {  	[sflag:s10] =	ssyncset.done $0x0  }
0x7f: {  	s1 =	simm.s32 $0x0;
	s0 =	simm.s32 $0x140;
	[sflag:s10] =	ssyncadd.s32 $0xFFFFF000  }
.LBB2_4:
0x80: {  	p0 =	sne.s32 s0, $0x9EC0;
	[tilespmem:s1+$0x9040] =	vst v1;
	s6 =	smov.u32 s0;
	s0 =	sadd.s32 $0x140, s0  }
.Ltmp1:
0x81: {  	[tilespmem:s1+$0xB840] =	vst v1;
	(pc) =	sbr.rel @p0 .LBB2_4-.Ltmp1, $2  }
0x82: {  	_ =	sdelay $0x2  }
0x83: {  	s1 =	sshra.s32 s6, $0x2  }
0x84: {  	[tilespmem:s1+$0x9040] =	vst v1  }
0x85: {  	[tilespmem:s1+$0xB840] =	vst v1  }
0x86: {  	[bflag:$0x0] =	sbarrier.arrive $0xFFFF  }
0x87: {  	s26 =	simm.s32 $0x0;
	s0 =	rddreg [dreg:$0x11]  }
0x88: {  	[tilespmem:s13], [sflag:$0x1] =	stream.linear.gather [hbm4b:s0+s26], $0x1000, $0x38;
	[tilespmem:$0x1F800] =	vst v63  }
0x89: {  	_ = 	snop  }
0x8a: {  	[tilespmem:s12], [sflag:$0x3] =	stream.indirect.gather [spmem:s3], $0x20, s26, s14, $0xb8;
	[tilespmem:$0x1F800] =	vst v63  }
.LBB2_6:
0x8b: {  	s0 =	sshllo.u32 s26, $0x1  }
0x8c: {  	s1 =	sadd.s32 s19, s0  }
0x8d: {  	s1 =	sshll.u32 s1, $0x9  }
0x8e: {  	s1 =	sand.u32 $0xFFFFE00, s1  }
0x8f: {  	s0 =	sshll.u32 s0, $0x9;
	s1 =	sadd.s32 s5, s1  }
0x90: {  	[tilespmem:s15], [sflag:$0x2] =	stream.linear.gather [hbm4b:s1+s4], $0x1000, $0x38;
	[tilespmem:$0x1F800] =	vst v63  }
0x91: {  	s28 =	sshrl.u32 s0, $0x2  }
0x92: {  	[tilespmem:s16], [sflag:$0x4] =	stream.indirect.gather [spmem:s3], $0x20, s28, s14, $0xb8;
	[tilespmem:$0x1F800] =	vst v63  }
0x93: {  	_ =	swait.ge [sflag:s17], $0x1000  }
0x94: {  	[sflag:s17] =	ssyncset.done $0x0  }
0x95: {  	[sflag:s17] =	ssyncadd.s32 $0xFFFFF000  }
0x96: {  	_ =	swait.ge [sflag:s18], $0x1000  }
0x97: {  	[sflag:s18] =	ssyncset.done $0x0  }
0x98: {  	s6 =	simm.s32 $0x5040;
	[sflag:s18] =	ssyncadd.s32 $0xFFFFF000  }
0x99: {  	s8 =	simm.s32 $0x7040;
	v2 =	vld [tilespmem:s6+$0x20]  }
0x9a: {  	v3 =	vld [tilespmem:s8+$0x20]  }
0x9b: {  	s0 =	simm.s32 $0x70C0;
	v6 =	vld [tilespmem:s6+$0xFFFFFFE0]  }
0x9c: {  	v13 =	vld [tilespmem:s0+$0xFFFFFFC0]  }
0x9d: {  	v4 =	vld [tilespmem:s8+$0xFFFFFFC0]  }
0x9e: {  	s30 =	simm.s32 $0x50C0;
	v5 =	vld [tilespmem:s6+$0xFFFFFFC0]  }
0x9f: {  	v15 =	vld [tilespmem:s30+$0xFFFFFFE0];
	v7 =	vunpack.i.l.bf16.f32 v2;
	v8 =	vunpack.i.l.bf16.f32 v3  }
0xa0: {  	v9 =	vld [tilespmem:s8+$0xFFFFFFE0];
	v2 =	vunpack.i.u.bf16.f32 v2;
	v3 =	vunpack.i.u.bf16.f32 v3;
	v7 =	vadd.f32 v8, v7  }
0xa1: {  	v10 =	vld [tilespmem:s8+$0x0];
	v11 =	vunpack.i.u.bf16.f32 v6;
	v55 =	vunpack.i.u.bf16.f32 v13;
	v2 =	vadd.f32 v3, v2  }
0xa2: {  	s29 =	simm.s32 $0x90A0;
	v16 =	vld [tilespmem:s30+$0xFFFFFFC0];
	v13 =	vunpack.i.l.bf16.f32 v13;
	v3 =	vunpack.i.u.bf16.f32 v4;
	v7 =	vmax.f32 v7, $0.0e+00  }
0xa3: {  	v8 =	vld [tilespmem:s6+$0x0];
	v4 =	vunpack.i.l.bf16.f32 v4;
	v2 =	vmax.f32 v2, $0.0e+00;
	[tilespmem:s29+$0x50] =	vst v7;
	v7 =	vunpack.i.l.bf16.f32 v5  }
0xa4: {  	v18 =	vunpack.i.u.bf16.f32 v15;
	[tilespmem:s29+$0x60] =	vst v2;
	v2 =	vunpack.i.u.bf16.f32 v5;
	v4 =	vadd.f32 v4, v7  }
0xa5: {  	v5 =	vunpack.i.l.bf16.f32 v6;
	v6 =	vunpack.i.l.bf16.f32 v9;
	v7 =	vld [tilespmem:s6+$0x30];
	v2 =	vadd.f32 v3, v2  }
0xa6: {  	v3 =	vunpack.i.u.bf16.f32 v9;
	v9 =	vld [tilespmem:s8+$0x30];
	v5 =	vadd.f32 v6, v5;
	v4 =	vmax.f32 v4, $0.0e+00  }
0xa7: {  	v19 =	vunpack.i.l.bf16.f32 v16;
	v3 =	vadd.f32 v3, v11;
	v2 =	vmax.f32 v2, $0.0e+00;
	[tilespmem:s29+$0xFFFFFF60] =	vst v4  }
0xa8: {  	v11 =	vld [tilespmem:s0+$0x20];
	v4 =	vmax.f32 v5, $0.0e+00;
	[tilespmem:s29+$0xFFFFFF70] =	vst v2;
	v2 =	vunpack.i.l.bf16.f32 v8;
	v5 =	vunpack.i.l.bf16.f32 v10  }
0xa9: {  	v3 =	vmax.f32 v3, $0.0e+00;
	v6 =	vld [tilespmem:s6+$0xFFFFFFD0];
	[tilespmem:s29+$0xFFFFFFB0] =	vst v4;
	v4 =	vunpack.i.u.bf16.f32 v8;
	v8 =	vunpack.i.u.bf16.f32 v10  }
0xaa: {  	v2 =	vadd.f32 v5, v2;
	v5 =	vld [tilespmem:s8+$0xFFFFFFD0];
	[tilespmem:s29+$0xFFFFFFC0] =	vst v3;
	v3 =	vadd.f32 v8, v4;
	v4 =	vunpack.i.u.bf16.f32 v7  }
0xab: {  	v8 =	vunpack.i.u.bf16.f32 v9;
	v10 =	vld [tilespmem:s6+$0xFFFFFFF0];
	v7 =	vunpack.i.l.bf16.f32 v7;
	v9 =	vunpack.i.l.bf16.f32 v9  }
0xac: {  	v56 =	vunpack.i.l.bf16.f32 v15;
	v16 =	vunpack.i.u.bf16.f32 v16;
	v7 =	vadd.f32 v9, v7;
	v9 =	vld [tilespmem:s30+$0x20]  }
0xad: {  	v13 =	vadd.f32 v13, v19;
	v4 =	vadd.f32 v8, v4;
	v2 =	vmax.f32 v2, $0.0e+00  }
0xae: {  	v8 =	vld [tilespmem:s8+$0xFFFFFFF0];
	v17 =	vunpack.i.l.bf16.f32 v11;
	v11 =	vunpack.i.u.bf16.f32 v11;
	v12 =	vunpack.i.u.bf16.f32 v6  }
0xaf: {  	v6 =	vunpack.i.l.bf16.f32 v6;
	v14 =	vunpack.i.u.bf16.f32 v5;
	v5 =	vunpack.i.l.bf16.f32 v5  }
0xb0: {  	v3 =	vmax.f32 v3, $0.0e+00;
	v4 =	vmax.f32 v4, $0.0e+00;
	v5 =	vadd.f32 v5, v6  }
0xb1: {  	[tilespmem:s29+$0x0] =	vst v2;
	v2 =	vld [tilespmem:s30+$0x0];
	v6 =	vunpack.i.u.bf16.f32 v10;
	v10 =	vunpack.i.l.bf16.f32 v10;
	v54 =	vunpack.i.l.bf16.f32 v9  }
0xb2: {  	[tilespmem:s29+$0x10] =	vst v3;
	v3 =	vld [tilespmem:s0+$0x0];
	v12 =	vadd.f32 v14, v12;
	v9 =	vunpack.i.u.bf16.f32 v9;
	v14 =	vadd.f32 v17, v54  }
0xb3: {  	v53 =	vunpack.i.u.bf16.f32 v8;
	v8 =	vunpack.i.l.bf16.f32 v8;
	v9 =	vadd.f32 v11, v9  }
0xb4: {  	s31 =	simm.s32 $0x91E0;
	[tilespmem:s29+$0x80] =	vst v4;
	v8 =	vadd.f32 v8, v10;
	v10 =	vadd.f32 v53, v6;
	v6 =	vld [tilespmem:s0+$0xFFFFFFE0];
	v14 =	vmax.f32 v14, $0.0e+00  }
0xb5: {  	v16 =	vadd.f32 v55, v16;
	v60 =	vmax.f32 v13, $0.0e+00;
	v57 =	vld [tilespmem:s8+$0x10];
	v9 =	vmax.f32 v9, $0.0e+00;
	[tilespmem:s31+$0x50] =	vst v14  }
0xb6: {  	v7 =	vmax.f32 v7, $0.0e+00;
	v5 =	vmax.f32 v5, $0.0e+00;
	v11 =	vld [tilespmem:s6+$0x10];
	v4 =	vunpack.i.u.bf16.f32 v2;
	[tilespmem:s31+$0x60] =	vst v9  }
0xb7: {  	[tilespmem:s29+$0x70] =	vst v7;
	v2 =	vunpack.i.l.bf16.f32 v2;
	v7 =	vunpack.i.u.bf16.f32 v3;
	v3 =	vunpack.i.l.bf16.f32 v3;
	v58 =	vld [tilespmem:s30+$0x30]  }
0xb8: {  	v12 =	vmax.f32 v12, $0.0e+00;
	v2 =	vadd.f32 v3, v2;
	v3 =	vadd.f32 v7, v4;
	v59 =	vld [tilespmem:s0+$0x30]  }
0xb9: {  	[tilespmem:s31+$0xFFFFFF60] =	vst v60;
	v4 =	vmax.f32 v16, $0.0e+00;
	v9 =	vunpack.i.u.bf16.f32 v6;
	v6 =	vunpack.i.l.bf16.f32 v6  }
0xba: {  	[tilespmem:s29+$0xFFFFFF80] =	vst v5;
	v62 =	vunpack.i.u.bf16.f32 v57;
	v6 =	vadd.f32 v6, v56;
	v9 =	vadd.f32 v9, v18  }
0xbb: {  	[tilespmem:s29+$0xFFFFFF90] =	vst v12;
	v15 =	vunpack.i.l.bf16.f32 v57;
	v61 =	vmax.f32 v3, $0.0e+00;
	v5 =	vunpack.i.u.bf16.f32 v11  }
0xbc: {  	[tilespmem:s31+$0xFFFFFF70] =	vst v4;
	v11 =	vunpack.i.l.bf16.f32 v11;
	v6 =	vmax.f32 v6, $0.0e+00;
	v7 =	vmax.f32 v9, $0.0e+00  }
0xbd: {  	v9 =	vmax.f32 v2, $0.0e+00;
	v2 =	vld [tilespmem:s30+$0xFFFFFFD0];
	[tilespmem:s31+$0xFFFFFFB0] =	vst v6;
	v4 =	vunpack.i.u.bf16.f32 v58;
	v6 =	vunpack.i.u.bf16.f32 v59  }
0xbe: {  	v3 =	vld [tilespmem:s0+$0xFFFFFFD0];
	[tilespmem:s31+$0xFFFFFFC0] =	vst v7;
	v7 =	vunpack.i.l.bf16.f32 v58;
	v14 =	vunpack.i.l.bf16.f32 v59;
	v63 =	vadd.f32 v6, v4  }
0xbf: {  	s7 =	simm.s32 $0x4;
	[tilespmem:s31+$0x0] =	vst v9;
	v9 =	vadd.f32 v62, v5;
	v4 =	vld [tilespmem:s30+$0xFFFFFFF0];
	v6 =	vmax.f32 v8, $0.0e+00;
	v8 =	vadd.f32 v15, v11  }
0xc0: {  	s1 =	sshll.u32 s26, $0x1;
	s8 =	simm.s32 $0x5140;
	s6 =	simm.s32 $0x70C0;
	v10 =	vmax.f32 v10, $0.0e+00;
	[tilespmem:s31+$0x10] =	vst v61;
	v5 =	vld [tilespmem:s0+$0xFFFFFFF0];
	v7 =	vadd.f32 v14, v7;
	v11 =	vmax.f32 v63, $0.0e+00  }
.LBB2_7:
0xc1: {  	v12 =	vld [tilespmem:s8+$0x20];
	[tilespmem:s31+$0x80] =	vst v11;
	s0 =	sadd.s32 $0x80, s0;
	v8 =	vmax.f32 v8, $0.0e+00;
	v9 =	vmax.f32 v9, $0.0e+00  }
0xc2: {  	v11 =	vld [tilespmem:s0+$0x20];
	v13 =	vunpack.i.u.bf16.f32 v2;
	v2 =	vunpack.i.l.bf16.f32 v2;
	v7 =	vmax.f32 v7, $0.0e+00;
	[tilespmem:s29+$0xFFFFFFD0] =	vst v6  }
0xc3: {  	v6 =	vld [tilespmem:s0+$0xFFFFFFC0];
	v14 =	vunpack.i.u.bf16.f32 v3;
	v3 =	vunpack.i.l.bf16.f32 v3;
	[tilespmem:s29+$0xFFFFFFE0] =	vst v10  }
0xc4: {  	s7 =	sadd.s32 $0x4, s7;
	v10 =	vld [tilespmem:s8+$0xFFFFFFE0];
	v2 =	vadd.f32 v3, v2;
	v3 =	vunpack.i.u.bf16.f32 v4;
	v4 =	vunpack.i.l.bf16.f32 v4;
	[tilespmem:s29+$0x20] =	vst v8  }
0xc5: {  	p0 =	slt.u32 s7, $0x7C;
	v13 =	vadd.f32 v14, v13;
	v8 =	vld [tilespmem:s0+$0xFFFFFFE0];
	v14 =	vunpack.i.u.bf16.f32 v5;
	v5 =	vunpack.i.l.bf16.f32 v5;
	[tilespmem:s29+$0x30] =	vst v9;
	s29 =	smov.u32 s31  }
0xc6: {  	v9 =	vld [tilespmem:s8+$0x0];
	v2 =	vmax.f32 v2, $0.0e+00;
	v5 =	vadd.f32 v5, v4;
	v14 =	vadd.f32 v14, v3;
	[tilespmem:s31+$0x70] =	vst v7  }
0xc7: {  	v4 =	vunpack.i.l.bf16.f32 v12;
	v3 =	vld [tilespmem:s0+$0x0];
	v7 =	vunpack.i.l.bf16.f32 v11;
	[tilespmem:s31+$0xFFFFFF80] =	vst v2;
	v2 =	vmax.f32 v13, $0.0e+00  }
0xc8: {  	v12 =	vunpack.i.u.bf16.f32 v12;
	v11 =	vunpack.i.u.bf16.f32 v11;
	v13 =	vld [tilespmem:s8+$0xFFFFFFC0];
	v4 =	vadd.f32 v7, v4;
	[tilespmem:s31+$0xFFFFFF90] =	vst v2  }
0xc9: {  	v2 =	vunpack.i.u.bf16.f32 v6;
	v6 =	vunpack.i.l.bf16.f32 v6;
	v7 =	vadd.f32 v11, v12;
	v11 =	vld [tilespmem:s30+$0x10];
	s30 =	smov.u32 s8  }
0xca: {  	s31 =	sadd.s32 $0x140, s31;
	v12 =	vunpack.i.u.bf16.f32 v10;
	v10 =	vunpack.i.l.bf16.f32 v10;
	v4 =	vmax.f32 v4, $0.0e+00;
	v15 =	vld [tilespmem:s6+$0x10];
	s6 =	smov.u32 s0  }
0xcb: {  	v16 =	vunpack.i.u.bf16.f32 v8;
	v8 =	vunpack.i.l.bf16.f32 v8;
	[tilespmem:s31+$0x50] =	vst v4;
	v4 =	vmax.f32 v7, $0.0e+00  }
0xcc: {  	v7 =	vunpack.i.u.bf16.f32 v9;
	v9 =	vunpack.i.l.bf16.f32 v9;
	v17 =	vunpack.i.u.bf16.f32 v3;
	[tilespmem:s31+$0x60] =	vst v4  }
0xcd: {  	v3 =	vunpack.i.l.bf16.f32 v3;
	v4 =	vunpack.i.u.bf16.f32 v13;
	v13 =	vunpack.i.l.bf16.f32 v13;
	v18 =	vld [tilespmem:s8+$0x30]  }
0xce: {  	v6 =	vadd.f32 v6, v13;
	v2 =	vadd.f32 v2, v4;
	v4 =	vld [tilespmem:s0+$0x30];
	v13 =	vunpack.i.u.bf16.f32 v11  }
0xcf: {  	v8 =	vadd.f32 v8, v10;
	v10 =	vadd.f32 v16, v12;
	v11 =	vunpack.i.l.bf16.f32 v11  }
0xd0: {  	v3 =	vadd.f32 v3, v9;
	v7 =	vadd.f32 v17, v7;
	v6 =	vmax.f32 v6, $0.0e+00  }
0xd1: {  	v2 =	vmax.f32 v2, $0.0e+00;
	[tilespmem:s31+$0xFFFFFF60] =	vst v6;
	v6 =	vmax.f32 v8, $0.0e+00;
	v8 =	vmax.f32 v10, $0.0e+00  }
.Ltmp2:
0xd2: {  	v9 =	vmax.f32 v3, $0.0e+00;
	v7 =	vmax.f32 v7, $0.0e+00;
	v10 =	vunpack.i.u.bf16.f32 v15;
	[tilespmem:s31+$0xFFFFFF70] =	vst v2;
	(pc) =	sbr.rel @p0 .LBB2_7-.Ltmp2, $4  }
0xd3: {  	v15 =	vunpack.i.l.bf16.f32 v15;
	v2 =	vld [tilespmem:s8+$0xFFFFFFD0];
	[tilespmem:s31+$0xFFFFFFB0] =	vst v6;
	v6 =	vunpack.i.u.bf16.f32 v18;
	v12 =	vunpack.i.u.bf16.f32 v4  }
0xd4: {  	v16 =	vunpack.i.l.bf16.f32 v18;
	v17 =	vunpack.i.l.bf16.f32 v4;
	v3 =	vld [tilespmem:s0+$0xFFFFFFD0];
	[tilespmem:s31+$0xFFFFFFC0] =	vst v8;
	v12 =	vadd.f32 v12, v6  }
0xd5: {  	v6 =	vmax.f32 v5, $0.0e+00;
	v8 =	vadd.f32 v15, v11;
	v4 =	vld [tilespmem:s8+$0xFFFFFFF0];
	[tilespmem:s31+$0x0] =	vst v9;
	v9 =	vadd.f32 v10, v13  }
0xd6: {  	s8 =	sadd.s32 $0x80, s8;
	v10 =	vmax.f32 v14, $0.0e+00;
	v5 =	vld [tilespmem:s0+$0xFFFFFFF0];
	[tilespmem:s31+$0x10] =	vst v7;
	v7 =	vadd.f32 v17, v16;
	v11 =	vmax.f32 v12, $0.0e+00  }
0xd7: {  	_ = 	snop  }
0xd8: {  	[tilespmem:s31+$0x80] =	vst v11;
	v13 =	vld [tilespmem:s30+$0x10];
	v52 =	vmax.f32 v8, $0.0e+00;
	v53 =	vmax.f32 v9, $0.0e+00  }
0xd9: {  	[tilespmem:s29+$0xFFFFFFD0] =	vst v6;
	v55 =	vld [tilespmem:s6+$0x10];
	v51 =	vunpack.i.l.bf16.f32 v2;
	v2 =	vunpack.i.u.bf16.f32 v2;
	v12 =	vunpack.i.l.bf16.f32 v3  }
0xda: {  	[tilespmem:s29+$0xFFFFFFE0] =	vst v10;
	v7 =	vmax.f32 v7, $0.0e+00;
	v3 =	vunpack.i.u.bf16.f32 v3;
	v54 =	vadd.f32 v12, v51  }
0xdb: {  	[tilespmem:s29+$0x20] =	vst v52;
	v56 =	vunpack.i.u.bf16.f32 v4;
	v57 =	vunpack.i.l.bf16.f32 v4;
	v2 =	vadd.f32 v3, v2  }
0xdc: {  	[tilespmem:s29+$0x30] =	vst v53;
	v3 =	vunpack.i.u.bf16.f32 v5;
	v58 =	vunpack.i.l.bf16.f32 v5;
	v59 =	vmax.f32 v54, $0.0e+00  }
0xdd: {  	[tilespmem:s31+$0x70] =	vst v7;
	v4 =	vadd.f32 v58, v57;
	v3 =	vadd.f32 v3, v56;
	v2 =	vmax.f32 v2, $0.0e+00  }
0xde: {  	p0 =	sne.s32 s26, $0x0;
	v60 =	vunpack.i.u.bf16.f32 v13;
	v61 =	vunpack.i.l.bf16.f32 v13;
	v62 =	vunpack.i.l.bf16.f32 v55;
	[tilespmem:s31+$0xFFFFFF80] =	vst v59  }
.Ltmp3:
0xdf: {  	[tilespmem:s31+$0xFFFFFF90] =	vst v2;
	v2 =	vunpack.i.u.bf16.f32 v55;
	v6 =	vadd.f32 v62, v61;
	v4 =	vmax.f32 v4, $0.0e+00;
	(pc) =	sbr.rel @!p0 .LBB2_9-.Ltmp3, $4  }
0xe0: {  	v2 =	vadd.f32 v2, v60;
	v3 =	vmax.f32 v3, $0.0e+00;
	[tilespmem:s31+$0xFFFFFFD0] =	vst v4  }
0xe1: {  	v63 =	vmax.f32 v6, $0.0e+00;
	[tilespmem:s31+$0xFFFFFFE0] =	vst v3  }
0xe2: {  	v2 =	vmax.f32 v2, $0.0e+00;
	[tilespmem:s31+$0x20] =	vst v63  }
0xe3: {  	[tilespmem:s31+$0x30] =	vst v2  }
0xe4: {  	p0 =	seq.s32 s26, $0x27  }
.Ltmp4:
0xe5: {  	_ = 	snop;
	(pc) =	sbr.rel @p0 .LBB2_13-.Ltmp4, $4  }
0xe6: {  	_ =	swait.ge [sflag:s24], $0x2800;
	s0 =	sshll.u32 s26, $0x8  }
0xe7: {  	[sflag:s24] =	ssyncset.done $0x0;
	s0 =	sand.u32 $0x3FFFFF00, s0  }
0xe8: {  	[sflag:s24] =	ssyncadd.s32 $0xFFFFD800;
	s0 =	sadd.s32 $0x2800, s0  }
0xe9: {  	[spmem:s2] =	stream.indirect.scatter.add.f32 [tilespmem:s9], [sflag:$0x5], $0x50, s0, s14, $0xb8;
	[tilespmem:$0x1F800] =	vst v63  }
.Ltmp5:
0xea: {  	(pc) =	sbr.rel .LBB2_12-.Ltmp5, $2  }
0xeb: {  	_ =	sdelay $0x2  }
0xec: {  	s0 =	sadd.s32 $0x2, s1  }
.LBB2_9:
0xed: {  	[spmem:s2] =	stream.indirect.scatter.add.f32 [tilespmem:s9], [sflag:$0x5], $0x50, s11, s14, $0xb8;
	[tilespmem:$0x1F800] =	vst v63  }
0xee: {  	s0 =	simm.s32 $0x2  }
.LBB2_12:
0xef: {  	s1 =	sadd.s32 s19, s0  }
0xf0: {  	s1 =	sshll.u32 s1, $0x9  }
0xf1: {  	s1 =	sand.u32 $0xFFFFC00, s1  }
0xf2: {  	s31 =	sshll.u32 s0, $0x7;
	s1 =	sadd.s32 s5, s1  }
0xf3: {  	[tilespmem:s13], [sflag:$0x1] =	stream.linear.gather [hbm4b:s1+s4], $0x1000, $0x38;
	[tilespmem:$0x1F800] =	vst v63  }
0xf4: {  	s0 =	sand.u32 $0x3FFFFF80, s31  }
0xf5: {  	[tilespmem:s12], [sflag:$0x3] =	stream.indirect.gather [spmem:s3], $0x20, s0, s14, $0xb8;
	[tilespmem:$0x1F800] =	vst v63  }
.LBB2_13:
0xf6: {  	_ =	swait.ge [sflag:s20], $0x1000  }
0xf7: {  	[sflag:s20] =	ssyncset.done $0x0  }
0xf8: {  	[sflag:s20] =	ssyncadd.s32 $0xFFFFF000  }
0xf9: {  	_ =	swait.ge [sflag:s21], $0x1000  }
0xfa: {  	[sflag:s21] =	ssyncset.done $0x0  }
0xfb: {  	s6 =	simm.s32 $0x6070;
	[sflag:s21] =	ssyncadd.s32 $0xFFFFF000  }
0xfc: {  	s1 =	simm.s32 $0x8070;
	v2 =	vld [tilespmem:s6+$0xFFFFFFF0]  }
0xfd: {  	v3 =	vld [tilespmem:s1+$0xFFFFFFF0]  }
0xfe: {  	s0 =	simm.s32 $0x80F0;
	v6 =	vld [tilespmem:s6+$0xFFFFFFB0]  }
0xff: {  	v13 =	vld [tilespmem:s0+$0xFFFFFF90]  }
0x100: {  	v4 =	vld [tilespmem:s1+$0xFFFFFF90]  }
0x101: {  	s30 =	simm.s32 $0x60F0;
	v5 =	vld [tilespmem:s6+$0xFFFFFF90]  }
0x102: {  	v15 =	vld [tilespmem:s30+$0xFFFFFFB0];
	v7 =	vunpack.i.l.bf16.f32 v2;
	v8 =	vunpack.i.l.bf16.f32 v3  }
0x103: {  	v9 =	vld [tilespmem:s1+$0xFFFFFFB0];
	v2 =	vunpack.i.u.bf16.f32 v2;
	v3 =	vunpack.i.u.bf16.f32 v3;
	v7 =	vadd.f32 v8, v7  }
0x104: {  	v10 =	vld [tilespmem:s1+$0xFFFFFFD0];
	v11 =	vunpack.i.u.bf16.f32 v6;
	v55 =	vunpack.i.u.bf16.f32 v13;
	v2 =	vadd.f32 v3, v2  }
0x105: {  	s29 =	simm.s32 $0xB920;
	v16 =	vld [tilespmem:s30+$0xFFFFFF90];
	v13 =	vunpack.i.l.bf16.f32 v13;
	v3 =	vunpack.i.u.bf16.f32 v4;
	v7 =	vmax.f32 v7, $0.0e+00  }
0x106: {  	v8 =	vld [tilespmem:s6+$0xFFFFFFD0];
	v4 =	vunpack.i.l.bf16.f32 v4;
	v2 =	vmax.f32 v2, $0.0e+00;
	[tilespmem:s29+$0xFFFFFFD0] =	vst v7;
	v7 =	vunpack.i.l.bf16.f32 v5  }
0x107: {  	v18 =	vunpack.i.u.bf16.f32 v15;
	[tilespmem:s29+$0xFFFFFFE0] =	vst v2;
	v2 =	vunpack.i.u.bf16.f32 v5;
	v4 =	vadd.f32 v4, v7  }
0x108: {  	v5 =	vunpack.i.l.bf16.f32 v6;
	v6 =	vunpack.i.l.bf16.f32 v9;
	v7 =	vld [tilespmem:s6+$0x0];
	v2 =	vadd.f32 v3, v2  }
0x109: {  	v3 =	vunpack.i.u.bf16.f32 v9;
	v9 =	vld [tilespmem:s1+$0x0];
	v5 =	vadd.f32 v6, v5;
	v4 =	vmax.f32 v4, $0.0e+00  }
0x10a: {  	v19 =	vunpack.i.l.bf16.f32 v16;
	v3 =	vadd.f32 v3, v11;
	v2 =	vmax.f32 v2, $0.0e+00;
	[tilespmem:s29+$0xFFFFFEE0] =	vst v4  }
0x10b: {  	v11 =	vld [tilespmem:s0+$0xFFFFFFF0];
	v4 =	vmax.f32 v5, $0.0e+00;
	[tilespmem:s29+$0xFFFFFEF0] =	vst v2;
	v2 =	vunpack.i.l.bf16.f32 v8;
	v5 =	vunpack.i.l.bf16.f32 v10  }
0x10c: {  	v3 =	vmax.f32 v3, $0.0e+00;
	v6 =	vld [tilespmem:s6+$0xFFFFFFA0];
	[tilespmem:s29+$0xFFFFFF30] =	vst v4;
	v4 =	vunpack.i.u.bf16.f32 v8;
	v8 =	vunpack.i.u.bf16.f32 v10  }
0x10d: {  	v2 =	vadd.f32 v5, v2;
	v5 =	vld [tilespmem:s1+$0xFFFFFFA0];
	[tilespmem:s29+$0xFFFFFF40] =	vst v3;
	v3 =	vadd.f32 v8, v4;
	v4 =	vunpack.i.u.bf16.f32 v7  }
0x10e: {  	v8 =	vunpack.i.u.bf16.f32 v9;
	v10 =	vld [tilespmem:s6+$0xFFFFFFC0];
	v7 =	vunpack.i.l.bf16.f32 v7;
	v9 =	vunpack.i.l.bf16.f32 v9  }
0x10f: {  	v56 =	vunpack.i.l.bf16.f32 v15;
	v16 =	vunpack.i.u.bf16.f32 v16;
	v7 =	vadd.f32 v9, v7;
	v9 =	vld [tilespmem:s30+$0xFFFFFFF0]  }
0x110: {  	v13 =	vadd.f32 v13, v19;
	v4 =	vadd.f32 v8, v4;
	v2 =	vmax.f32 v2, $0.0e+00  }
0x111: {  	v8 =	vld [tilespmem:s1+$0xFFFFFFC0];
	v17 =	vunpack.i.l.bf16.f32 v11;
	v11 =	vunpack.i.u.bf16.f32 v11;
	v12 =	vunpack.i.u.bf16.f32 v6  }
0x112: {  	v6 =	vunpack.i.l.bf16.f32 v6;
	v14 =	vunpack.i.u.bf16.f32 v5;
	v5 =	vunpack.i.l.bf16.f32 v5  }
0x113: {  	v3 =	vmax.f32 v3, $0.0e+00;
	v4 =	vmax.f32 v4, $0.0e+00;
	v5 =	vadd.f32 v5, v6  }
0x114: {  	[tilespmem:s29+$0xFFFFFF80] =	vst v2;
	v2 =	vld [tilespmem:s30+$0xFFFFFFD0];
	v6 =	vunpack.i.u.bf16.f32 v10;
	v10 =	vunpack.i.l.bf16.f32 v10;
	v54 =	vunpack.i.l.bf16.f32 v9  }
0x115: {  	[tilespmem:s29+$0xFFFFFF90] =	vst v3;
	v3 =	vld [tilespmem:s0+$0xFFFFFFD0];
	v12 =	vadd.f32 v14, v12;
	v9 =	vunpack.i.u.bf16.f32 v9;
	v14 =	vadd.f32 v17, v54  }
0x116: {  	v53 =	vunpack.i.u.bf16.f32 v8;
	v8 =	vunpack.i.l.bf16.f32 v8;
	v9 =	vadd.f32 v11, v9  }
0x117: {  	s31 =	simm.s32 $0xBA60;
	[tilespmem:s29+$0x0] =	vst v4;
	v8 =	vadd.f32 v8, v10;
	v10 =	vadd.f32 v53, v6;
	v6 =	vld [tilespmem:s0+$0xFFFFFFB0];
	v14 =	vmax.f32 v14, $0.0e+00  }
0x118: {  	v16 =	vadd.f32 v55, v16;
	v60 =	vmax.f32 v13, $0.0e+00;
	v57 =	vld [tilespmem:s1+$0xFFFFFFE0];
	v9 =	vmax.f32 v9, $0.0e+00;
	[tilespmem:s31+$0xFFFFFFD0] =	vst v14  }
0x119: {  	v7 =	vmax.f32 v7, $0.0e+00;
	v5 =	vmax.f32 v5, $0.0e+00;
	v11 =	vld [tilespmem:s6+$0xFFFFFFE0];
	v4 =	vunpack.i.u.bf16.f32 v2;
	[tilespmem:s31+$0xFFFFFFE0] =	vst v9  }
0x11a: {  	[tilespmem:s29+$0xFFFFFFF0] =	vst v7;
	v2 =	vunpack.i.l.bf16.f32 v2;
	v7 =	vunpack.i.u.bf16.f32 v3;
	v3 =	vunpack.i.l.bf16.f32 v3;
	v58 =	vld [tilespmem:s30+$0x0]  }
0x11b: {  	v12 =	vmax.f32 v12, $0.0e+00;
	v2 =	vadd.f32 v3, v2;
	v3 =	vadd.f32 v7, v4;
	v59 =	vld [tilespmem:s0+$0x0]  }
0x11c: {  	[tilespmem:s31+$0xFFFFFEE0] =	vst v60;
	v4 =	vmax.f32 v16, $0.0e+00;
	v9 =	vunpack.i.u.bf16.f32 v6;
	v6 =	vunpack.i.l.bf16.f32 v6  }
0x11d: {  	[tilespmem:s29+$0xFFFFFF00] =	vst v5;
	v62 =	vunpack.i.u.bf16.f32 v57;
	v6 =	vadd.f32 v6, v56;
	v9 =	vadd.f32 v9, v18  }
0x11e: {  	[tilespmem:s29+$0xFFFFFF10] =	vst v12;
	v15 =	vunpack.i.l.bf16.f32 v57;
	v61 =	vmax.f32 v3, $0.0e+00;
	v5 =	vunpack.i.u.bf16.f32 v11  }
0x11f: {  	[tilespmem:s31+$0xFFFFFEF0] =	vst v4;
	v11 =	vunpack.i.l.bf16.f32 v11;
	v6 =	vmax.f32 v6, $0.0e+00;
	v7 =	vmax.f32 v9, $0.0e+00  }
0x120: {  	v9 =	vmax.f32 v2, $0.0e+00;
	v2 =	vld [tilespmem:s30+$0xFFFFFFA0];
	[tilespmem:s31+$0xFFFFFF30] =	vst v6;
	v4 =	vunpack.i.u.bf16.f32 v58;
	v6 =	vunpack.i.u.bf16.f32 v59  }
0x121: {  	v3 =	vld [tilespmem:s0+$0xFFFFFFA0];
	[tilespmem:s31+$0xFFFFFF40] =	vst v7;
	v7 =	vunpack.i.l.bf16.f32 v58;
	v14 =	vunpack.i.l.bf16.f32 v59;
	v63 =	vadd.f32 v6, v4  }
0x122: {  	[tilespmem:s31+$0xFFFFFF80] =	vst v9;
	v9 =	vadd.f32 v62, v5;
	v4 =	vld [tilespmem:s30+$0xFFFFFFC0];
	v6 =	vmax.f32 v8, $0.0e+00;
	v8 =	vadd.f32 v15, v11  }
0x123: {  	s7 =	simm.s32 $0x6170;
	s1 =	simm.s32 $0x80F0;
	s6 =	simm.s32 $0x4;
	v10 =	vmax.f32 v10, $0.0e+00;
	[tilespmem:s31+$0xFFFFFF90] =	vst v61;
	v5 =	vld [tilespmem:s0+$0xFFFFFFC0];
	v7 =	vadd.f32 v14, v7;
	v11 =	vmax.f32 v63, $0.0e+00  }
.LBB2_14:
0x124: {  	v12 =	vld [tilespmem:s7+$0xFFFFFFF0];
	[tilespmem:s31+$0x0] =	vst v11;
	s0 =	sadd.s32 $0x80, s0;
	v8 =	vmax.f32 v8, $0.0e+00;
	v9 =	vmax.f32 v9, $0.0e+00  }
0x125: {  	v11 =	vld [tilespmem:s0+$0xFFFFFFF0];
	v13 =	vunpack.i.u.bf16.f32 v2;
	v2 =	vunpack.i.l.bf16.f32 v2;
	v7 =	vmax.f32 v7, $0.0e+00;
	[tilespmem:s29+$0xFFFFFF50] =	vst v6  }
0x126: {  	v6 =	vld [tilespmem:s0+$0xFFFFFF90];
	v14 =	vunpack.i.u.bf16.f32 v3;
	v3 =	vunpack.i.l.bf16.f32 v3;
	[tilespmem:s29+$0xFFFFFF60] =	vst v10  }
0x127: {  	s6 =	sadd.s32 $0x4, s6;
	v10 =	vld [tilespmem:s7+$0xFFFFFFB0];
	v2 =	vadd.f32 v3, v2;
	v3 =	vunpack.i.u.bf16.f32 v4;
	v4 =	vunpack.i.l.bf16.f32 v4;
	[tilespmem:s29+$0xFFFFFFA0] =	vst v8  }
0x128: {  	p0 =	slt.u32 s6, $0x7C;
	v13 =	vadd.f32 v14, v13;
	v8 =	vld [tilespmem:s0+$0xFFFFFFB0];
	v14 =	vunpack.i.u.bf16.f32 v5;
	v5 =	vunpack.i.l.bf16.f32 v5;
	[tilespmem:s29+$0xFFFFFFB0] =	vst v9;
	s29 =	smov.u32 s31  }
0x129: {  	v9 =	vld [tilespmem:s7+$0xFFFFFFD0];
	v2 =	vmax.f32 v2, $0.0e+00;
	v5 =	vadd.f32 v5, v4;
	v14 =	vadd.f32 v14, v3;
	[tilespmem:s31+$0xFFFFFFF0] =	vst v7  }
0x12a: {  	v4 =	vunpack.i.l.bf16.f32 v12;
	v3 =	vld [tilespmem:s0+$0xFFFFFFD0];
	v7 =	vunpack.i.l.bf16.f32 v11;
	[tilespmem:s31+$0xFFFFFF00] =	vst v2;
	v2 =	vmax.f32 v13, $0.0e+00  }
0x12b: {  	v12 =	vunpack.i.u.bf16.f32 v12;
	v11 =	vunpack.i.u.bf16.f32 v11;
	v13 =	vld [tilespmem:s7+$0xFFFFFF90];
	v4 =	vadd.f32 v7, v4;
	[tilespmem:s31+$0xFFFFFF10] =	vst v2  }
0x12c: {  	v2 =	vunpack.i.u.bf16.f32 v6;
	v6 =	vunpack.i.l.bf16.f32 v6;
	v7 =	vadd.f32 v11, v12;
	v11 =	vld [tilespmem:s30+$0xFFFFFFE0];
	s30 =	smov.u32 s7  }
0x12d: {  	s31 =	sadd.s32 $0x140, s31;
	v12 =	vunpack.i.u.bf16.f32 v10;
	v10 =	vunpack.i.l.bf16.f32 v10;
	v4 =	vmax.f32 v4, $0.0e+00;
	v15 =	vld [tilespmem:s1+$0xFFFFFFE0];
	s1 =	smov.u32 s0  }
0x12e: {  	v16 =	vunpack.i.u.bf16.f32 v8;
	v8 =	vunpack.i.l.bf16.f32 v8;
	[tilespmem:s31+$0xFFFFFFD0] =	vst v4;
	v4 =	vmax.f32 v7, $0.0e+00  }
0x12f: {  	v7 =	vunpack.i.u.bf16.f32 v9;
	v9 =	vunpack.i.l.bf16.f32 v9;
	v17 =	vunpack.i.u.bf16.f32 v3;
	[tilespmem:s31+$0xFFFFFFE0] =	vst v4  }
0x130: {  	v3 =	vunpack.i.l.bf16.f32 v3;
	v4 =	vunpack.i.u.bf16.f32 v13;
	v13 =	vunpack.i.l.bf16.f32 v13;
	v18 =	vld [tilespmem:s7+$0x0]  }
0x131: {  	v6 =	vadd.f32 v6, v13;
	v2 =	vadd.f32 v2, v4;
	v4 =	vld [tilespmem:s0+$0x0];
	v13 =	vunpack.i.u.bf16.f32 v11  }
0x132: {  	v8 =	vadd.f32 v8, v10;
	v10 =	vadd.f32 v16, v12;
	v11 =	vunpack.i.l.bf16.f32 v11  }
0x133: {  	v3 =	vadd.f32 v3, v9;
	v7 =	vadd.f32 v17, v7;
	v6 =	vmax.f32 v6, $0.0e+00  }
0x134: {  	v2 =	vmax.f32 v2, $0.0e+00;
	[tilespmem:s31+$0xFFFFFEE0] =	vst v6;
	v6 =	vmax.f32 v8, $0.0e+00;
	v8 =	vmax.f32 v10, $0.0e+00  }
.Ltmp6:
0x135: {  	v9 =	vmax.f32 v3, $0.0e+00;
	v7 =	vmax.f32 v7, $0.0e+00;
	v10 =	vunpack.i.u.bf16.f32 v15;
	[tilespmem:s31+$0xFFFFFEF0] =	vst v2;
	(pc) =	sbr.rel @p0 .LBB2_14-.Ltmp6, $4  }
0x136: {  	v15 =	vunpack.i.l.bf16.f32 v15;
	v2 =	vld [tilespmem:s7+$0xFFFFFFA0];
	[tilespmem:s31+$0xFFFFFF30] =	vst v6;
	v6 =	vunpack.i.u.bf16.f32 v18;
	v12 =	vunpack.i.u.bf16.f32 v4  }
0x137: {  	v16 =	vunpack.i.l.bf16.f32 v18;
	v17 =	vunpack.i.l.bf16.f32 v4;
	v3 =	vld [tilespmem:s0+$0xFFFFFFA0];
	[tilespmem:s31+$0xFFFFFF40] =	vst v8;
	v12 =	vadd.f32 v12, v6  }
0x138: {  	v6 =	vmax.f32 v5, $0.0e+00;
	v8 =	vadd.f32 v15, v11;
	v4 =	vld [tilespmem:s7+$0xFFFFFFC0];
	[tilespmem:s31+$0xFFFFFF80] =	vst v9;
	v9 =	vadd.f32 v10, v13  }
0x139: {  	s7 =	sadd.s32 $0x80, s7;
	v10 =	vmax.f32 v14, $0.0e+00;
	v5 =	vld [tilespmem:s0+$0xFFFFFFC0];
	[tilespmem:s31+$0xFFFFFF90] =	vst v7;
	v7 =	vadd.f32 v17, v16;
	v11 =	vmax.f32 v12, $0.0e+00  }
0x13a: {  	_ = 	snop  }
0x13b: {  	[tilespmem:s31+$0x0] =	vst v11;
	v13 =	vld [tilespmem:s30+$0xFFFFFFE0];
	v52 =	vmax.f32 v8, $0.0e+00;
	v53 =	vmax.f32 v9, $0.0e+00  }
0x13c: {  	[tilespmem:s29+$0xFFFFFF50] =	vst v6;
	v55 =	vld [tilespmem:s1+$0xFFFFFFE0];
	v51 =	vunpack.i.l.bf16.f32 v2;
	v2 =	vunpack.i.u.bf16.f32 v2;
	v12 =	vunpack.i.l.bf16.f32 v3  }
0x13d: {  	[tilespmem:s29+$0xFFFFFF60] =	vst v10;
	v7 =	vmax.f32 v7, $0.0e+00;
	v3 =	vunpack.i.u.bf16.f32 v3;
	v54 =	vadd.f32 v12, v51  }
0x13e: {  	[tilespmem:s29+$0xFFFFFFA0] =	vst v52;
	v56 =	vunpack.i.u.bf16.f32 v4;
	v57 =	vunpack.i.l.bf16.f32 v4;
	v2 =	vadd.f32 v3, v2  }
0x13f: {  	[tilespmem:s29+$0xFFFFFFB0] =	vst v53;
	v3 =	vunpack.i.u.bf16.f32 v5;
	v58 =	vunpack.i.l.bf16.f32 v5;
	v59 =	vmax.f32 v54, $0.0e+00  }
0x140: {  	[tilespmem:s31+$0xFFFFFFF0] =	vst v7;
	v4 =	vadd.f32 v58, v57;
	v3 =	vadd.f32 v3, v56;
	v2 =	vmax.f32 v2, $0.0e+00  }
0x141: {  	v60 =	vunpack.i.u.bf16.f32 v13;
	v61 =	vunpack.i.l.bf16.f32 v13;
	v62 =	vunpack.i.l.bf16.f32 v55;
	[tilespmem:s31+$0xFFFFFF00] =	vst v59  }
0x142: {  	[tilespmem:s31+$0xFFFFFF10] =	vst v2;
	v2 =	vunpack.i.u.bf16.f32 v55;
	v6 =	vadd.f32 v62, v61;
	v4 =	vmax.f32 v4, $0.0e+00  }
0x143: {  	v2 =	vadd.f32 v2, v60;
	v3 =	vmax.f32 v3, $0.0e+00;
	[tilespmem:s31+$0xFFFFFF50] =	vst v4  }
0x144: {  	s26 =	sadd.s32 $0x1, s26;
	v63 =	vmax.f32 v6, $0.0e+00;
	[tilespmem:s31+$0xFFFFFF60] =	vst v3  }
0x145: {  	p0 =	sne.s32 s26, $0x28;
	v2 =	vmax.f32 v2, $0.0e+00;
	[tilespmem:s31+$0xFFFFFFA0] =	vst v63  }
.Ltmp7:
0x146: {  	[tilespmem:s31+$0xFFFFFFB0] =	vst v2;
	(pc) =	sbr.rel @p0 .LBB2_6-.Ltmp7, $4  }
0x147: {  	_ =	swait.ge [sflag:s22], $0x2800  }
0x148: {  	[sflag:s22] =	ssyncset.done $0x0  }
0x149: {  	s0 =	sadd.s32 $0x2800, s28;
	[sflag:s22] =	ssyncadd.s32 $0xFFFFD800  }
0x14a: {  	[spmem:s2] =	stream.indirect.scatter.add.f32 [tilespmem:s23], [sflag:$0x6], $0x50, s0, s14, $0xb8;
	[tilespmem:$0x1F800] =	vst v63  }
0x14b: {  	_ =	swait.ge [sflag:s24], $0x2800  }
0x14c: {  	[sflag:s24] =	ssyncset.done $0x0  }
0x14d: {  	[sflag:s24] =	ssyncadd.s32 $0xFFFFD800  }
0x14e: {  	[bflag:$0x0] =	sbarrier.arrive $0xFFFF  }
0x14f: {  	s0 =	rddreg [dreg:$0x12]  }
0x150: {  	[tilespmem:s9], [sflag:$0x7] =	stream.linear.gather [spmem:s0], $0x2800, $0x38;
	[tilespmem:$0x1F800] =	vst v63  }
0x151: {  	_ =	swait.ge [sflag:s10], $0x2800  }
0x152: {  	[sflag:s10] =	ssyncset.done $0x0  }
0x153: {  	s31 =	rddreg [dreg:$0xa];
	[sflag:s10] =	ssyncadd.s32 $0xFFFFD800  }
0x154: {  	[hbm4b:s31+s4] =	stream.linear.scatter [tilespmem:s9], [sflag:$0x7], $0x2800, $0x38;
	[tilespmem:$0x1F800] =	vst v63  }
0x155: {  	_ =	swait.ge [sflag:s10], $0x2800  }
0x156: {  	[sflag:s10] =	ssyncset.done $0x0  }
0x157: {  	s1 =	rddreg [dreg:$0x1e];
	[sflag:s10] =	ssyncadd.s32 $0xFFFFD800  }
0x158: {  	[tilespmem:s9], [sflag:$0x7] =	stream.linear.gather [spmem:s1], $0x2800, $0x38;
	[tilespmem:$0x1F800] =	vst v63  }
0x159: {  	_ =	swait.ge [sflag:s10], $0x2800  }
0x15a: {  	[sflag:s10] =	ssyncset.done $0x0  }
0x15b: {  	s6 =	rddreg [dreg:$0xb];
	[sflag:s10] =	ssyncadd.s32 $0xFFFFD800  }
0x15c: {  	[hbm4b:s6+s4] =	stream.linear.scatter [tilespmem:s9], [sflag:$0x7], $0x2800, $0x38;
	[tilespmem:$0x1F800] =	vst v63  }
0x15d: {  	_ =	swait.ge [sflag:s10], $0x2800  }
0x15e: {  	[sflag:s10] =	ssyncset.done $0x0  }
0x15f: {  	s7 =	rddreg [dreg:$0x1f];
	[sflag:s10] =	ssyncadd.s32 $0xFFFFD800  }
0x160: {  	[tilespmem:s9], [sflag:$0x7] =	stream.linear.gather [spmem:s7], $0x2800, $0x38;
	[tilespmem:$0x1F800] =	vst v63  }
0x161: {  	_ =	swait.ge [sflag:s10], $0x2800  }
0x162: {  	[sflag:s10] =	ssyncset.done $0x0  }
0x163: {  	s8 =	rddreg [dreg:$0xc];
	[sflag:s10] =	ssyncadd.s32 $0xFFFFD800  }
0x164: {  	[hbm4b:s8+s4] =	stream.linear.scatter [tilespmem:s9], [sflag:$0x7], $0x2800, $0x38;
	[tilespmem:$0x1F800] =	vst v63  }
0x165: {  	_ =	swait.ge [sflag:s10], $0x2800  }
0x166: {  	s26 =	sld [smem:$0x7FC]  }
0x167: {  	[sflag:s10] =	ssyncset.done $0x0  }
0x168: {  	[sflag:s10] =	ssyncadd.s32 $0xFFFFD800  }
0x169: {  	[tilespmem:s9], [sflag:$0x7] =	stream.linear.gather [spmem:s26], $0x2800, $0x38;
	[tilespmem:$0x1F800] =	vst v63  }
0x16a: {  	_ =	swait.ge [sflag:s10], $0x2800  }
0x16b: {  	[sflag:s10] =	ssyncset.done $0x0  }
0x16c: {  	s28 =	rddreg [dreg:$0xd];
	[sflag:s10] =	ssyncadd.s32 $0xFFFFD800  }
0x16d: {  	[hbm4b:s28+s4] =	stream.linear.scatter [tilespmem:s9], [sflag:$0x7], $0x2800, $0x38;
	[tilespmem:$0x1F800] =	vst v63  }
0x16e: {  	_ =	swait.ge [sflag:s10], $0x2800  }
0x16f: {  	s29 =	sld [smem:$0x7FD]  }
0x170: {  	[sflag:s10] =	ssyncset.done $0x0  }
0x171: {  	[sflag:s10] =	ssyncadd.s32 $0xFFFFD800  }
0x172: {  	[tilespmem:s9], [sflag:$0x7] =	stream.linear.gather [spmem:s29], $0x2800, $0x38;
	[tilespmem:$0x1F800] =	vst v63  }
0x173: {  	_ =	swait.ge [sflag:s10], $0x2800  }
0x174: {  	[sflag:s10] =	ssyncset.done $0x0  }
0x175: {  	s30 =	rddreg [dreg:$0xf];
	[sflag:s10] =	ssyncadd.s32 $0xFFFFD800  }
0x176: {  	[hbm4b:s30+s4] =	stream.linear.scatter [tilespmem:s9], [sflag:$0x7], $0x2800, $0x38;
	[tilespmem:$0x1F800] =	vst v63  }
0x177: {  	_ =	swait.ge [sflag:s10], $0x2800  }
0x178: {  	s25 =	sadd.s32 $0x1, s25;
	s31 =	rddreg [dreg:$0x13]  }
0x179: {  	p0 =	sne.s32 s25, s31  }
.Ltmp8:
0x17a: {  	_ = 	snop;
	(pc) =	sbr.rel @p0 .LBB2_1-.Ltmp8, $3  }
0x17b: {  	_ =	sdelay $0x1  }
0x17c: {  	[sflag:s10] =	ssyncset.done $0x0  }
0x17d: {  	[sflag:s10] =	ssyncadd.s32 $0xFFFFD800  }
0x17e: {  	_ =	sfence.sel $0x180000  }
0x17f: {  	[bflag:$0x0] =	sbarrier.arrive $0xFFFF  }
0x180: {  	_ =	strace $0x9000004A  }
0x181: {  	s0 =	stileid.u32;
	[bflag:$0x2] =	sbarrier.arrive $0xFFFF  }
0x182: {  	p0 =	sne.s32 s0, $0x0;
	s0 =	rddreg [dreg:$0x4]  }
0x183: {  	s0 =	sadd.s32 @!p0 $0x100000, s0  }
0x184: {  	[sflag:s0] =	ssyncadd.tile.s32 @!p0 $0x1;
	_ =	shalt  }
.Lfunc_end2:
_tile_overlayer_lowered:
.L_overlay_start_2:
0x185: {  	(tag) =	ssettag $0x2  }
0x186: {  	s0 =	rddreg [dreg:$0x0];
	s2 =	stileid.u32  }
0x187: {  	s1 =	rddreg [dreg:$0x1];
	p0 =	sne.s32 s2, $0x0  }
0x188: {  	s3 =	rddreg [dreg:$0x2];
	[bflag:$0x3] =	sbarrier.arrive $0xFFFF;
	s2 =	simm.s32 @!p0 $0x1C07  }
0x189: {  	[timem:s3], [sflag:s2] =	dma.local @!p0 [hbm:s0], s1  }
0x18a: {  	s0 =	simm.s32 @!p0 $0x7  }
0x18b: {  	_ =	swait.ge @!p0 [sflag:s0], s1  }
0x18c: {  	s1 =	ssub.s32 @!p0 $0x0, s1;
	[sflag:s0] =	ssyncset.done @!p0 $0x0  }
0x18d: {  	[sflag:s0] =	ssyncadd.s32 @!p0 s1  }
0x18e: {  	[bflag:$0x3] =	sbarrier.arrive $0xFFFF  }
0x18f: {  	_ =	shalt  }

// kernel: sparse-core-data-format-call.1.cloned.1.call-start
scs
called_computation.1_lowered:
.L_overlay_start_0:
0x0: {  	s1 =	sld [smem:$0x3FD9]  }
0x1: {  	s2 =	sld [smem:$0x3FFE];
	_ =	sdelay $0x1  }
0x2: {  	s3 =	srdreg.scid  }
0x3: {  	s0 =	sand.u32 $0x1, s3  }
0x4: {  	s17 =	sshll.u32 s0, $0xA;
	s1 =	sadd.s32 s2, s1  }
0x5: {  	s1 =	sadd.s32 s1, s17  }
0x6: {  	[smem:$0x3FBD] =	sst s1  }
0x7: {  	_ = 	snop  }
0x8: {  	(tm) =	ssettm $0x1  }
0x9: {  	s18 =	sld [smem:$0x3FFB];
	_ =	sdelay $0x3  }
0xa: {  	_ =	strace s18  }
0xb: {  	s1 =	sld [smem:$0x3FFC];
	_ =	sdelay $0x3  }
0xc: {  	_ =	strace s1  }
0xd: {  	s1 =	sld [smem:$0x3FFD];
	_ =	sdelay $0x3  }
0xe: {  	_ =	strace s1  }
0xf: {  	_ =	strace $0x8FFFFFFF  }
0x10: {  	s19 =	sld [smem:$0x3FDB];
	_ =	sdelay $0x1  }
0x11: {  	s20 =	simm.s32 $_scs_section_size  }
0x12: {  	s4 =	simm.s32 $_size__tile_overlayer_lowered;
	s5 =	simm.s32 $_tile_overlayer_lowered  }
0x13: {  	s23 =	simm.s32 $0x1BFF;
	s22 =	sshll.u32 s5, $0x1;
	s1 =	sadd.s32 s20, s19  }
0x14: {  	s6 =	simm.s32 $0x0;
	s21 =	sshll.u32 s4, $0x1;
	s4 =	sadd.s32 s22, s1  }
0x15: {  	[timem:s6], [sflag:s23] =	dma.local [hbm:s4], s21  }
0x16: {  	_ =	swait.ge [sflag:s23], s21  }
0x17: {  	s2 =	ssub.s32 $0x0, s21;
	[sflag:s23] =	ssyncset.done $0x0  }
0x18: {  	[sflag:s23] =	ssyncadd.s32 s2;
	_ =	sdelay $0x1  }
0x19: {  	s24 =	simm.s32 $0x1B8B  }
0x1a: {  	_ =	swait.ge [sflag:s24], $0x1  }
0x1b: {  	[sflag:s24] =	ssyncset.done $0x0  }
0x1c: {  	s26 =	simm.s32 $0x1B8E;
	s25 =	sld [smem:$0x3FFE];
	[sflag:s24] =	ssyncadd.s32 $0xFFFFFFFF  }
0x1d: {  	s27 =	simm.s32 $execute0_lowered;
	[smem:$0x3FD2] =	sst s26  }
0x1e: {  	s4 =	sshll.u32 s27, $0x1;
	_ =	strace $0x80000046;
	[dreg:$0x1] =	wrdreg $0xFFFFFFFF  }
0x1f: {  	s28 =	simm.s32 $_size_execute0_lowered;
	s1 =	sadd.s32 s1, s4;
	[dreg:$0x0] =	wrdreg $0x0  }
0x20: {  	s4 =	sshll.u32 s28, $0x1;
	[dreg:$0x2] =	wrdreg s1  }
0x21: {  	[dreg:$0x3] =	wrdreg s4  }
0x22: {  	[dreg:$0x4] =	wrdreg $0xC0  }
0x23: {  	_ =	task [dreg:s6], $0x5FFFF  }
0x24: {  	[dreg:$0x1] =	wrdreg $0xFFFFFFFF  }
0x25: {  	[dreg:$0x0] =	wrdreg $0x60  }
0x26: {  	[dreg:$0x2] =	wrdreg s25  }
0x27: {  	[dreg:$0x3] =	wrdreg $0x9  }
0x28: {  	_ =	task.clear_ibuf [dreg:s6], $0x4FFFF;
	_ =	strace $0x90000046  }
0x29: {  	s29 =	simm.s32 $0x9;
	_ =	strace $0x80000048  }
0x2a: {  	_ =	swait.ge [sflag:s29], $0x1  }
0x2b: {  	[sflag:s29] =	ssyncadd.s32 $0xFFFFFFFF  }
0x2c: {  	_ =	strace $0x90000048  }
0x2d: {  	_ =	sfence  }
0x2e: {  	s30 =	sld [smem:$0x0];
	_ =	sdelay $0x2  }
0x2f: {  	s31 =	sshll.u32 s3, $0xD;
	s3 =	sshrl.u32 s3, $0x2  }
0x30: {  	s2 =	sand.u32 $0x4000, s31;
	s1 =	sadd.s32 s3, s30  }
0x31: {  	s0 =	sor.u32 s2, s0;
	s1 =	sshll.u32 s1, $0x11  }
0x32: {  	s0 =	sor.u32 s1, s0  }
0x33: {  	s0 =	sadd.s32 $0x8F2B, s0  }
0x34: {  	[sflag:s0] =	ssyncadd.remote.s32 $0x1  }
0x35: {  	_ =	sfence.sel $0xFFFF  }
0x36: {  	[dreg:$0x0] =	wrdreg $0xFFFFFFFF;
	(pc) =	sbr.abs _section_cstart, $3  }
0x37: {  	[dreg:$0x1] =	wrdreg $0xFFFFFFFF  }
0x38: {  	_ =	task.clear_ibuf [dreg:s6], $0x2FFFF;
	_ =	strace $0x9FFFFFFF  }
0x39: {  	(tm) =	ssettm $0x7FFFFFFF  }
tec
execute0_lowered:
.L_overlay_start_1:
0x0: {  	(tag) =	ssettag $0x1  }
0x1: {  	s0 =	srdreg.scid  }
0x2: {  	s1 =	sshll.u32 s0, $0x4  }
0x3: {  	s4 =	rddreg [dreg:$0x0];
	s0 =	stileid.u32;
	s1 =	sand.u32 $0x10, s1  }
0x4: {  	s7 =	simm.s32 $0x1;
	s8 =	simm.s32 $0x2;
	s1 =	sor.u32 s0, s1  }
0x5: {  	s9 =	simm.s32 $0x0;
	s12 =	simm.s32 $0x0;
	s2 =	sshll.u32 s1, $0x4  }
0x6: {  	s11 =	simm.s32 $0x0;
	s3 =	sadd.s32 $0x3200, s4;
	s6 =	ssub.s32 $0x2800, s2  }
.Ltmp0:
0x7: {  	s4 =	sadd.s32 $0x283200, s4;
	s5 =	sand.u32 $0x1F0, s6;
	(pc) =	sbr.rel .LBB1_1-.Ltmp0, $4  }
0x8: {  	s1 =	rddreg [dreg:$0x1];
	_ =	strace $0x80000047;
	p0 =	sne.s32 s5, $0x0  }
0x9: {  	s6 =	sshrl.u32 s6, $0x9;
	s5 =	simm.s32 $0x1;
	s7 =	simm.s32 @!p0 $0x0  }
0xa: {  	s10 =	smov.u32 s2;
	[sflag:s5] =	ssyncpa.u1 $0x0;
	s6 =	sadd.s32 s7, s6  }
0xb: {  	[sflag:s8] =	ssyncpa.u1 $0x0;
	s8 =	simm.s32 $0x0;
	s7 =	sadd.s32 $0x1, s6  }
.LBB1_7:
0xc: {  	s14 =	sadd.s32 $0x200, s10  }
0xd: {  	p1 =	sgt.s32 s14, $0x27FF  }
0xe: {  	s14 =	smov.u32 @p1 s2;
	p1 =	sne.s32 s11, s7  }
.Ltmp1:
0xf: {  	p0 =	slt.u32 s11, $0x2;
	(pc) =	sbr.rel @!p1 .LBB1_8-.Ltmp1, $4  }
0x10: {  	s13 =	simm.s32 @!p0 $0x2  }
0x11: {  	s15 =	sadd.s32 $0x1, s11;
	_ =	swait.ge @!p0 [sflag:s13], $0x4000  }
0x12: {  	s12 =	smov.u32 s10;
	s9 =	sadd.s32 $0x8000, s9;
	[sflag:s13] =	ssyncset.done @!p0 $0x0  }
0x13: {  	s11 =	smov.u32 s15;
	s10 =	smov.u32 s14;
	[sflag:s13] =	ssyncadd.s32 @!p0 $0xFFFFC000  }
.LBB1_1:
0x14: {  	p0 =	sge.u32 s11, s6  }
0x15: {  	s13 =	sxor.u32 @!p0 $0xFFFFFFFF, s11  }
0x16: {  	s31 =	sadd.s32 $0xFFFFFFFF, s11;
	s14 =	sshll.u32 @!p0 s10, $0x7;
	s13 =	sshll.u32 @!p0 s13, $0xE  }
0x17: {  	s15 =	simm.s32 @!p0 $0x0;
	s14 =	sadd.s32 @!p0 s3, s14;
	s13 =	sand.u32 @!p0 $0x4000, s13  }
0x18: {  	[tilespmem:s13], [sflag:$0x1] =	stream.linear.gather @!p0 [hbm4b:s14+s15], $0x4000, $0x38;
	[tilespmem:$0x10000] =	vst v63  }
0x19: {  	p0 =	sge.u32 s31, s6  }
.Ltmp2:
0x1a: {  	_ = 	snop;
	(pc) =	sbr.rel @p0 .LBB1_7-.Ltmp2, $1  }
0x1b: {  	_ =	sdelay $0x3  }
0x1c: {  	s13 =	sshrl.u32 s9, $0x1;
	_ =	swait.ge [sflag:s5], $0x4000  }
0x1d: {  	s15 =	sshll.u32 s11, $0xE;
	s16 =	simm.s32 $0x0;
	s14 =	sand.u32 $0x4000, s13  }
0x1e: {  	[sflag:s5] =	ssyncset.done $0x0;
	s15 =	sand.u32 $0x4000, s15;
	s13 =	sor.u32 $0x200, s14  }
0x1f: {  	s14 =	sor.u32 $0x8080, s14;
	[sflag:s5] =	ssyncadd.s32 $0xFFFFC000;
	s15 =	sor.u32 $0x8000, s15  }
.LBB1_3:
0x20: {  	v0 =	vld [tilespmem:s13+$0xFFFFFE70]  }
0x21: {  	v1 =	vld [tilespmem:s13+$0x70]  }
0x22: {  	v2 =	vld [tilespmem:s13+$0x0]  }
0x23: {  	v3 =	vld [tilespmem:s13+$0xFFFFFE10]  }
0x24: {  	v4 =	vld [tilespmem:s13+$0x10]  }
0x25: {  	v5 =	vld [tilespmem:s13+$0xFFFFFE20]  }
0x26: {  	v7 =	vld [tilespmem:s13+$0x20]  }
0x27: {  	v11 =	vld [tilespmem:s13+$0x30];
	v6 =	vunpack.i.l.s16.s32 v0;
	v8 =	vunpack.i.u.s16.s32 v0;
	v9 =	vunpack.i.u.s16.s32 v1  }
0x28: {  	v10 =	vunpack.i.l.s16.s32 v1;
	v0 =	vunpack.i.u.s16.s32 v2;
	v1 =	vunpack.i.l.s16.s32 v2;
	v2 =	vld [tilespmem:s13+$0xFFFFFE30]  }
0x29: {  	v8 =	vpack.i.b32.b16 v9, v8;
	v9 =	vunpack.i.u.s16.s32 v3;
	v3 =	vunpack.i.l.s16.s32 v3  }
0x2a: {  	v12 =	vld [tilespmem:s13+$0xFFFFFE40];
	v6 =	vpack.i.b32.b16 v10, v6;
	[tilespmem:s14+$0x70] =	vst v8;
	v8 =	vunpack.i.u.s16.s32 v4;
	v4 =	vunpack.i.l.s16.s32 v4  }
0x2b: {  	v13 =	vld [tilespmem:s13+$0x40];
	v10 =	vunpack.i.u.s16.s32 v5;
	v5 =	vunpack.i.l.s16.s32 v5;
	[tilespmem:s14+$0xFFFFFFF0] =	vst v6;
	v3 =	vpack.i.b32.b16 v4, v3  }
0x2c: {  	v6 =	vunpack.i.l.s16.s32 v7;
	v4 =	vld [tilespmem:s13+$0xFFFFFE50];
	[tilespmem:s14+$0xFFFFFF90] =	vst v3;
	v3 =	vpack.i.b32.b16 v8, v9;
	v8 =	vunpack.i.u.s16.s32 v7  }
0x2d: {  	v7 =	vunpack.i.l.s16.s32 v11;
	[tilespmem:s14+$0x10] =	vst v3;
	v3 =	vpack.i.b32.b16 v6, v5;
	v9 =	vunpack.i.u.s16.s32 v2;
	v6 =	vld [tilespmem:s13+$0x50]  }
0x2e: {  	v5 =	vunpack.i.l.s16.s32 v2;
	v2 =	vld [tilespmem:s13+$0xFFFFFE60];
	[tilespmem:s14+$0xFFFFFFA0] =	vst v3;
	v3 =	vpack.i.b32.b16 v8, v10;
	v10 =	vunpack.i.u.s16.s32 v11  }
0x2f: {  	s19 =	simm.s32 $0x0;
	v11 =	vpack.i.b32.b16 v7, v5;
	v7 =	vunpack.i.u.s16.s32 v12;
	v8 =	vunpack.i.l.s16.s32 v12;
	[tilespmem:s14+$0x20] =	vst v3;
	v3 =	vld [tilespmem:s13+$0x60]  }
0x30: {  	s20 =	sadd.s32 $0x80, s13;
	s18 =	smov.u32 s14;
	s17 =	smov.u32 s14;
	v5 =	vld [tilespmem:s13+$0xFFFFFE00];
	[tilespmem:s14+$0xFFFFFFB0] =	vst v11;
	v10 =	vpack.i.b32.b16 v10, v9;
	v9 =	vunpack.i.u.s16.s32 v13;
	v11 =	vunpack.i.l.s16.s32 v13  }
.LBB1_4:
0x31: {  	v12 =	vld [tilespmem:s20+$0xFFFFFE70];
	[tilespmem:s18+$0x30] =	vst v10;
	v8 =	vpack.i.b32.b16 v11, v8;
	v10 =	vunpack.i.u.s16.s32 v4;
	v4 =	vunpack.i.l.s16.s32 v4  }
0x32: {  	s19 =	sadd.s32 $0x2, s19;
	v7 =	vpack.i.b32.b16 v9, v7;
	v11 =	vld [tilespmem:s20+$0x70];
	[tilespmem:s18+$0xFFFFFFC0] =	vst v8;
	v8 =	vunpack.i.u.s16.s32 v6;
	v6 =	vunpack.i.l.s16.s32 v6  }
0x33: {  	p0 =	slt.u32 s19, $0x6;
	v9 =	vld [tilespmem:s20+$0x0];
	[tilespmem:s18+$0x40] =	vst v7;
	v4 =	vpack.i.b32.b16 v6, v4;
	v6 =	vunpack.i.u.s16.s32 v2;
	v2 =	vunpack.i.l.s16.s32 v2  }
0x34: {  	v7 =	vld [tilespmem:s20+$0xFFFFFE10];
	[tilespmem:s18+$0xFFFFFFD0] =	vst v4;
	v4 =	vpack.i.b32.b16 v8, v10;
	v8 =	vunpack.i.u.s16.s32 v3;
	v3 =	vunpack.i.l.s16.s32 v3  }
0x35: {  	v10 =	vld [tilespmem:s20+$0x10];
	v13 =	vunpack.i.u.s16.s32 v5;
	v5 =	vunpack.i.l.s16.s32 v5;
	[tilespmem:s18+$0x50] =	vst v4;
	v2 =	vpack.i.b32.b16 v3, v2  }
0x36: {  	v3 =	vld [tilespmem:s20+$0xFFFFFE20];
	v4 =	vunpack.i.l.s16.s32 v12;
	v1 =	vpack.i.b32.b16 v1, v5;
	v5 =	vpack.i.b32.b16 v0, v13;
	[tilespmem:s18+$0xFFFFFFE0] =	vst v2  }
0x37: {  	v12 =	vunpack.i.u.s16.s32 v12;
	v2 =	vld [tilespmem:s20+$0x20];
	v13 =	vunpack.i.u.s16.s32 v11;
	v11 =	vunpack.i.l.s16.s32 v11;
	[tilespmem:s18+$0xFFFFFF80] =	vst v1  }
0x38: {  	s18 =	sadd.s32 $0x100, s18;
	v0 =	vunpack.i.u.s16.s32 v9;
	v1 =	vunpack.i.l.s16.s32 v9;
	v9 =	vld [tilespmem:s20+$0xFFFFFE30];
	v12 =	vpack.i.b32.b16 v13, v12;
	[tilespmem:s17+$0x0] =	vst v5  }
0x39: {  	v6 =	vpack.i.b32.b16 v8, v6;
	v5 =	vunpack.i.u.s16.s32 v7;
	v7 =	vunpack.i.l.s16.s32 v7;
	v13 =	vld [tilespmem:s20+$0x30];
	[tilespmem:s18+$0x70] =	vst v12  }
0x3a: {  	v4 =	vpack.i.b32.b16 v11, v4;
	v8 =	vunpack.i.u.s16.s32 v10;
	v10 =	vunpack.i.l.s16.s32 v10;
	v12 =	vld [tilespmem:s20+$0xFFFFFE40];
	[tilespmem:s17+$0x60] =	vst v6;
	s17 =	smov.u32 s18  }
0x3b: {  	v6 =	vpack.i.b32.b16 v10, v7;
	v7 =	vunpack.i.u.s16.s32 v3;
	v3 =	vunpack.i.l.s16.s32 v3;
	v11 =	vld [tilespmem:s20+$0x40];
	[tilespmem:s18+$0xFFFFFFF0] =	vst v4  }
.Ltmp3:
0x3c: {  	v5 =	vpack.i.b32.b16 v8, v5;
	[tilespmem:s18+$0xFFFFFF90] =	vst v6;
	v8 =	vunpack.i.u.s16.s32 v2;
	v2 =	vunpack.i.l.s16.s32 v2;
	v4 =	vld [tilespmem:s20+$0xFFFFFE50];
	(pc) =	sbr.rel @p0 .LBB1_4-.Ltmp3, $4  }
0x3d: {  	[tilespmem:s18+$0x10] =	vst v5;
	v2 =	vpack.i.b32.b16 v2, v3;
	v10 =	vunpack.i.u.s16.s32 v9;
	v3 =	vunpack.i.l.s16.s32 v9;
	v6 =	vld [tilespmem:s20+$0x50]  }
0x3e: {  	v5 =	vpack.i.b32.b16 v8, v7;
	[tilespmem:s18+$0xFFFFFFA0] =	vst v2;
	v9 =	vunpack.i.u.s16.s32 v13;
	v7 =	vunpack.i.l.s16.s32 v13;
	v2 =	vld [tilespmem:s20+$0xFFFFFE60]  }
0x3f: {  	[tilespmem:s18+$0x20] =	vst v5;
	v13 =	vpack.i.b32.b16 v7, v3;
	v7 =	vunpack.i.u.s16.s32 v12;
	v8 =	vunpack.i.l.s16.s32 v12;
	v3 =	vld [tilespmem:s20+$0x60]  }
0x40: {  	v10 =	vpack.i.b32.b16 v9, v10;
	v5 =	vld [tilespmem:s20+$0xFFFFFE00];
	[tilespmem:s18+$0xFFFFFFB0] =	vst v13;
	v9 =	vunpack.i.u.s16.s32 v11;
	v11 =	vunpack.i.l.s16.s32 v11;
	s20 =	sadd.s32 $0x80, s20  }
0x41: {  	[tilespmem:s18+$0x30] =	vst v10;
	v8 =	vpack.i.b32.b16 v11, v8  }
0x42: {  	v51 =	vunpack.i.l.s16.s32 v4;
	v7 =	vpack.i.b32.b16 v9, v7;
	[tilespmem:s18+$0xFFFFFFC0] =	vst v8;
	v52 =	vunpack.i.l.s16.s32 v6  }
0x43: {  	v53 =	vunpack.i.u.s16.s32 v4;
	s16 =	sadd.s32 $0x1, s16;
	v54 =	vunpack.i.u.s16.s32 v6;
	[tilespmem:s18+$0x40] =	vst v7;
	v55 =	vpack.i.b32.b16 v52, v51  }
0x44: {  	p0 =	sne.s32 s16, $0x10;
	v56 =	vunpack.i.l.s16.s32 v2;
	v4 =	vpack.i.b32.b16 v54, v53;
	[tilespmem:s18+$0xFFFFFFD0] =	vst v55;
	v57 =	vunpack.i.l.s16.s32 v3  }
.Ltmp4:
0x45: {  	[tilespmem:s18+$0x50] =	vst v4;
	v58 =	vunpack.i.l.s16.s32 v5;
	v59 =	vpack.i.b32.b16 v57, v56;
	(pc) =	sbr.rel @p0 .LBB1_3-.Ltmp4, $4  }
0x46: {  	v61 =	vunpack.i.u.s16.s32 v2;
	v62 =	vunpack.i.u.s16.s32 v3;
	v1 =	vpack.i.b32.b16 v1, v58;
	[tilespmem:s18+$0xFFFFFFE0] =	vst v59  }
0x47: {  	v60 =	vunpack.i.u.s16.s32 v5;
	v63 =	vpack.i.b32.b16 v62, v61;
	[tilespmem:s18+$0xFFFFFF80] =	vst v1  }
0x48: {  	v0 =	vpack.i.b32.b16 v0, v60;
	[tilespmem:s17+$0x60] =	vst v63  }
0x49: {  	s13 =	sadd.s32 $0x400, s13;
	s14 =	sadd.s32 $0x400, s14;
	[tilespmem:s17+$0x0] =	vst v0  }
.Ltmp5:
0x4a: {  	(pc) =	sbr.rel .LBB1_7-.Ltmp5, $4  }
0x4b: {  	_ = 	snop  }
0x4c: {  	s12 =	sshll.u32 s12, $0x7  }
0x4d: {  	s12 =	sadd.s32 s4, s12  }
0x4e: {  	[hbm4b:s12+s8] =	stream.linear.scatter [tilespmem:s15], [sflag:$0x2], $0x4000, $0x38;
	[tilespmem:$0x10000] =	vst v63  }
.LBB1_8:
0x4f: {  	_ =	sfence.sel $0x180000  }
0x50: {  	s2 =	simm.s32 $0x1;
	[bflag:$0x0] =	sbarrier.arrive $0xFFFF  }
0x51: {  	s31 =	simm.s32 $0x2;
	[sflag:s2] =	ssyncpa.u1 $0x1  }
0x52: {  	[sflag:s31] =	ssyncpa.u1 $0x1  }
0x53: {  	p0 =	sne.s32 s0, $0x0;
	_ =	strace $0x90000047  }
0x54: {  	s0 =	sadd.s32 @!p0 $0x100000, s1;
	[bflag:$0x2] =	sbarrier.arrive $0xFFFF  }
0x55: {  	[sflag:s0] =	ssyncadd.tile.s32 @!p0 $0x1;
	_ =	shalt  }
.Lfunc_end1:
_tile_overlayer_lowered:
.L_overlay_start_2:
0x56: {  	(tag) =	ssettag $0x2  }
0x57: {  	s0 =	rddreg [dreg:$0x0];
	s2 =	stileid.u32  }
0x58: {  	s1 =	rddreg [dreg:$0x1];
	p0 =	sne.s32 s2, $0x0  }
0x59: {  	s3 =	rddreg [dreg:$0x2];
	[bflag:$0x3] =	sbarrier.arrive $0xFFFF;
	s2 =	simm.s32 @!p0 $0x1C01  }
0x5a: {  	[timem:s3], [sflag:s2] =	dma.local @!p0 [hbm:s0], s1  }
0x5b: {  	s0 =	simm.s32 @!p0 $0x1  }
0x5c: {  	_ =	swait.ge @!p0 [sflag:s0], s1  }
0x5d: {  	s1 =	ssub.s32 @!p0 $0x0, s1;
	[sflag:s0] =	ssyncset.done @!p0 $0x0  }
0x5e: {  	[sflag:s0] =	ssyncadd.s32 @!p0 s1  }
0x5f: {  	[bflag:$0x3] =	sbarrier.arrive $0xFFFF  }
0x60: {  	_ =	shalt  }

// kernel: sparse-core-data-format-call.cloned.1.call-start
scs
called_computation_lowered:
.L_overlay_start_0:
0x0: {  	s2 =	sld [smem:$0x3FD9]  }
0x1: {  	s3 =	sld [smem:$0x3FFE];
	_ =	sdelay $0x1  }
0x2: {  	s1 =	srdreg.scid  }
0x3: {  	s0 =	sand.u32 $0x1, s1  }
0x4: {  	s18 =	sshll.u32 s0, $0xA;
	s2 =	sadd.s32 s3, s2  }
0x5: {  	s2 =	sadd.s32 s2, s18  }
0x6: {  	[smem:$0x3FBD] =	sst s2  }
0x7: {  	_ = 	snop  }
0x8: {  	(tm) =	ssettm $0x1  }
0x9: {  	s19 =	sld [smem:$0x3FFB];
	_ =	sdelay $0x3  }
0xa: {  	_ =	strace s19  }
0xb: {  	s2 =	sld [smem:$0x3FFC];
	_ =	sdelay $0x3  }
0xc: {  	_ =	strace s2  }
0xd: {  	s2 =	sld [smem:$0x3FFD];
	_ =	sdelay $0x3  }
0xe: {  	_ =	strace s2  }
0xf: {  	_ =	strace $0x8FFFFFFF  }
0x10: {  	s20 =	sld [smem:$0x3FDB];
	_ =	sdelay $0x1  }
0x11: {  	s21 =	simm.s32 $_scs_section_size  }
0x12: {  	s4 =	simm.s32 $_size__tile_overlayer_lowered;
	s5 =	simm.s32 $_tile_overlayer_lowered  }
0x13: {  	s6 =	simm.s32 $0x1BFF;
	s22 =	sshll.u32 s5, $0x1;
	s3 =	sadd.s32 s21, s20  }
0x14: {  	s23 =	simm.s32 $0x0;
	s4 =	sshll.u32 s4, $0x1;
	s5 =	sadd.s32 s22, s3  }
0x15: {  	[timem:s23], [sflag:s6] =	dma.local [hbm:s5], s4  }
0x16: {  	_ =	swait.ge [sflag:s6], s4  }
0x17: {  	s4 =	ssub.s32 $0x0, s4;
	[sflag:s6] =	ssyncset.done $0x0  }
0x18: {  	[sflag:s6] =	ssyncadd.s32 s4;
	_ =	sdelay $0x1  }
0x19: {  	s24 =	simm.s32 $0x1B8B  }
0x1a: {  	_ =	swait.ge [sflag:s24], $0x1  }
0x1b: {  	[sflag:s24] =	ssyncset.done $0x0  }
0x1c: {  	[sflag:s24] =	ssyncadd.s32 $0xFFFFFFFF  }
0x1d: {  	s4 =	sld [smem:$0x0]  }
0x1e: {  	s5 =	sand.u32 $0xFFFFFFFE, s1  }
0x1f: {  	p0 =	sne.s32 s1, s5  }
0x20: {  	s5 =	sshll.u32 @p0 s5, $0xE  }
0x21: {  	s5 =	sadd.s32 @p0 $0x11B8D, s5;
	s6 =	sshll.u32 @p0 s4, $0x11  }
0x22: {  	s5 =	sor.u32 @p0 s6, s5  }
0x23: {  	[sflag:s5] =	ssyncadd.remote.s32 @p0 $0x1;
	_ =	sdelay $0x1  }
0x24: {  	s5 =	simm.s32 @p0 $0x1B8D  }
0x25: {  	_ =	swait.eq @p0 [sflag:s5], $0x1  }
0x26: {  	[sflag:s5] =	ssyncadd.s32 @p0 $0xFFFFFFFF  }
0x27: {  	s6 =	sshll.u32 @!p0 s1, $0xE  }
0x28: {  	s6 =	sor.u32 @!p0 $0x4000, s6;
	s5 =	simm.s32 @!p0 $0x1B8D  }
0x29: {  	s4 =	sshll.u32 @!p0 s4, $0x11;
	s6 =	sadd.s32 @!p0 $0x11B8D, s6;
	_ =	swait.eq @!p0 [sflag:s5], $0x1  }
0x2a: {  	s4 =	sor.u32 @!p0 s4, s6;
	[sflag:s5] =	ssyncadd.s32 @!p0 $0xFFFFFFFF  }
0x2b: {  	s26 =	simm.s32 $0x1B8E;
	s25 =	sld [smem:$0x3FFE];
	[sflag:s4] =	ssyncadd.remote.s32 @!p0 $0x1  }
0x2c: {  	s27 =	simm.s32 $execute0_lowered;
	[smem:$0x3FD2] =	sst s26  }
0x2d: {  	s5 =	sshll.u32 s27, $0x1;
	_ =	strace $0x8000004C;
	[dreg:$0x1] =	wrdreg $0xFFFFFFFF  }
0x2e: {  	s28 =	simm.s32 $_size_execute0_lowered;
	s3 =	sadd.s32 s3, s5;
	[dreg:$0x0] =	wrdreg $0x0  }
0x2f: {  	s5 =	sshll.u32 s28, $0x1;
	[dreg:$0x2] =	wrdreg s3  }
0x30: {  	[dreg:$0x3] =	wrdreg s5  }
0x31: {  	[dreg:$0x4] =	wrdreg $0xC0  }
0x32: {  	_ =	task [dreg:s23], $0x5FFFF  }
0x33: {  	[dreg:$0x1] =	wrdreg $0xFFFFFFFF  }
0x34: {  	[dreg:$0x0] =	wrdreg $0x60  }
0x35: {  	[dreg:$0x2] =	wrdreg s25  }
0x36: {  	[dreg:$0x3] =	wrdreg $0x9  }
0x37: {  	_ =	task.clear_ibuf [dreg:s23], $0x4FFFF;
	_ =	strace $0x9000004C  }
0x38: {  	s29 =	simm.s32 $0x9;
	_ =	strace $0x8000004E  }
0x39: {  	_ =	swait.ge [sflag:s29], $0x1  }
0x3a: {  	[sflag:s29] =	ssyncadd.s32 $0xFFFFFFFF  }
0x3b: {  	_ =	strace $0x9000004E  }
0x3c: {  	_ =	sfence  }
0x3d: {  	s30 =	sld [smem:$0x0];
	_ =	sdelay $0x2  }
0x3e: {  	s31 =	sshll.u32 s1, $0xD;
	s1 =	sshrl.u32 s1, $0x2  }
0x3f: {  	s4 =	sand.u32 $0x4000, s31;
	s1 =	sadd.s32 s1, s30  }
0x40: {  	s0 =	sor.u32 s4, s0;
	s1 =	sshll.u32 s1, $0x11  }
0x41: {  	s0 =	sor.u32 s1, s0  }
0x42: {  	s0 =	sadd.s32 $0x8F2B, s0  }
0x43: {  	[sflag:s0] =	ssyncadd.remote.s32 $0x1  }
0x44: {  	_ =	sfence.sel $0xFFFF  }
0x45: {  	[dreg:$0x0] =	wrdreg $0xFFFFFFFF;
	(pc) =	sbr.abs _section_cstart, $3  }
0x46: {  	[dreg:$0x1] =	wrdreg $0xFFFFFFFF  }
0x47: {  	_ =	task.clear_ibuf [dreg:s23], $0x2FFFF;
	_ =	strace $0x9FFFFFFF  }
0x48: {  	(tm) =	ssettm $0x7FFFFFFF  }
0x49: {  	_ =	shalt  }
tec
execute0_lowered:
.L_overlay_start_1:
0x0: {  	(tag) =	ssettag $0x1  }
0x1: {  	s0 =	srdreg.scid  }
0x2: {  	s1 =	sshll.u32 s0, $0x4  }
0x3: {  	s4 =	rddreg [dreg:$0x0];
	s0 =	stileid.u32;
	s1 =	sand.u32 $0x10, s1  }
0x4: {  	s7 =	simm.s32 $0x1;
	s8 =	simm.s32 $0x2;
	s1 =	sor.u32 s0, s1  }
0x5: {  	s9 =	simm.s32 $0x0;
	s12 =	simm.s32 $0x0;
	s2 =	sshll.u32 s1, $0x4  }
0x6: {  	s11 =	simm.s32 $0x0;
	s3 =	sadd.s32 $0x35200, s4;
	s6 =	ssub.s32 $0x2800, s2  }
.Ltmp0:
0x7: {  	s4 =	sadd.s32 $0x3D7200, s4;
	s5 =	sand.u32 $0x1F0, s6;
	(pc) =	sbr.rel .LBB1_1-.Ltmp0, $4  }
0x8: {  	s1 =	rddreg [dreg:$0x1];
	_ =	strace $0x8000004D;
	p0 =	sne.s32 s5, $0x0  }
0x9: {  	s6 =	sshrl.u32 s6, $0x9;
	s5 =	simm.s32 $0x1;
	s7 =	simm.s32 @!p0 $0x0  }
0xa: {  	s10 =	smov.u32 s2;
	[sflag:s5] =	ssyncpa.u1 $0x0;
	s6 =	sadd.s32 s7, s6  }
0xb: {  	[sflag:s8] =	ssyncpa.u1 $0x0;
	s8 =	simm.s32 $0x0;
	s7 =	sadd.s32 $0x1, s6  }
.LBB1_7:
0xc: {  	s14 =	sadd.s32 $0x200, s10  }
0xd: {  	p1 =	sgt.s32 s14, $0x27FF  }
0xe: {  	s14 =	smov.u32 @p1 s2;
	p1 =	sne.s32 s11, s7  }
.Ltmp1:
0xf: {  	p0 =	slt.u32 s11, $0x2;
	(pc) =	sbr.rel @!p1 .LBB1_8-.Ltmp1, $4  }
0x10: {  	s13 =	simm.s32 @!p0 $0x2  }
0x11: {  	s15 =	sadd.s32 $0x1, s11;
	_ =	swait.ge @!p0 [sflag:s13], $0x4000  }
0x12: {  	s12 =	smov.u32 s10;
	s9 =	sadd.s32 $0x8000, s9;
	[sflag:s13] =	ssyncset.done @!p0 $0x0  }
0x13: {  	s11 =	smov.u32 s15;
	s10 =	smov.u32 s14;
	[sflag:s13] =	ssyncadd.s32 @!p0 $0xFFFFC000  }
.LBB1_1:
0x14: {  	p0 =	sge.u32 s11, s6  }
0x15: {  	s13 =	sxor.u32 @!p0 $0xFFFFFFFF, s11  }
0x16: {  	s31 =	sadd.s32 $0xFFFFFFFF, s11;
	s14 =	sshll.u32 @!p0 s10, $0x7;
	s13 =	sshll.u32 @!p0 s13, $0xE  }
0x17: {  	s15 =	simm.s32 @!p0 $0x0;
	s14 =	sadd.s32 @!p0 s3, s14;
	s13 =	sand.u32 @!p0 $0x4000, s13  }
0x18: {  	[tilespmem:s13], [sflag:$0x1] =	stream.linear.gather @!p0 [hbm4b:s14+s15], $0x4000, $0x38;
	[tilespmem:$0x10000] =	vst v63  }
0x19: {  	p0 =	sge.u32 s31, s6  }
.Ltmp2:
0x1a: {  	_ = 	snop;
	(pc) =	sbr.rel @p0 .LBB1_7-.Ltmp2, $1  }
0x1b: {  	_ =	sdelay $0x3  }
0x1c: {  	s13 =	sshrl.u32 s9, $0x1;
	_ =	swait.ge [sflag:s5], $0x4000  }
0x1d: {  	s15 =	sshll.u32 s11, $0xE;
	s16 =	simm.s32 $0x0;
	s14 =	sand.u32 $0x4000, s13  }
0x1e: {  	[sflag:s5] =	ssyncset.done $0x0;
	s15 =	sand.u32 $0x4000, s15;
	s13 =	sor.u32 $0x200, s14  }
0x1f: {  	s14 =	sor.u32 $0x8080, s14;
	[sflag:s5] =	ssyncadd.s32 $0xFFFFC000;
	s15 =	sor.u32 $0x8000, s15  }
.LBB1_3:
0x20: {  	v0 =	vld [tilespmem:s13+$0xFFFFFE70]  }
0x21: {  	v1 =	vld [tilespmem:s13+$0x70]  }
0x22: {  	v2 =	vld [tilespmem:s13+$0x0]  }
0x23: {  	v3 =	vld [tilespmem:s13+$0xFFFFFE10]  }
0x24: {  	v4 =	vld [tilespmem:s13+$0x10]  }
0x25: {  	v5 =	vld [tilespmem:s13+$0xFFFFFE20]  }
0x26: {  	v7 =	vld [tilespmem:s13+$0x20]  }
0x27: {  	v11 =	vld [tilespmem:s13+$0x30];
	v6 =	vunpack.i.l.s16.s32 v0;
	v8 =	vunpack.i.u.s16.s32 v0;
	v9 =	vunpack.i.u.s16.s32 v1  }
0x28: {  	v10 =	vunpack.i.l.s16.s32 v1;
	v0 =	vunpack.i.u.s16.s32 v2;
	v1 =	vunpack.i.l.s16.s32 v2;
	v2 =	vld [tilespmem:s13+$0xFFFFFE30]  }
0x29: {  	v8 =	vpack.i.b32.b16 v9, v8;
	v9 =	vunpack.i.u.s16.s32 v3;
	v3 =	vunpack.i.l.s16.s32 v3  }
0x2a: {  	v12 =	vld [tilespmem:s13+$0xFFFFFE40];
	v6 =	vpack.i.b32.b16 v10, v6;
	[tilespmem:s14+$0x70] =	vst v8;
	v8 =	vunpack.i.u.s16.s32 v4;
	v4 =	vunpack.i.l.s16.s32 v4  }
0x2b: {  	v13 =	vld [tilespmem:s13+$0x40];
	v10 =	vunpack.i.u.s16.s32 v5;
	v5 =	vunpack.i.l.s16.s32 v5;
	[tilespmem:s14+$0xFFFFFFF0] =	vst v6;
	v3 =	vpack.i.b32.b16 v4, v3  }
0x2c: {  	v6 =	vunpack.i.l.s16.s32 v7;
	v4 =	vld [tilespmem:s13+$0xFFFFFE50];
	[tilespmem:s14+$0xFFFFFF90] =	vst v3;
	v3 =	vpack.i.b32.b16 v8, v9;
	v8 =	vunpack.i.u.s16.s32 v7  }
0x2d: {  	v7 =	vunpack.i.l.s16.s32 v11;
	[tilespmem:s14+$0x10] =	vst v3;
	v3 =	vpack.i.b32.b16 v6, v5;
	v9 =	vunpack.i.u.s16.s32 v2;
	v6 =	vld [tilespmem:s13+$0x50]  }
0x2e: {  	v5 =	vunpack.i.l.s16.s32 v2;
	v2 =	vld [tilespmem:s13+$0xFFFFFE60];
	[tilespmem:s14+$0xFFFFFFA0] =	vst v3;
	v3 =	vpack.i.b32.b16 v8, v10;
	v10 =	vunpack.i.u.s16.s32 v11  }
0x2f: {  	s19 =	simm.s32 $0x0;
	v11 =	vpack.i.b32.b16 v7, v5;
	v7 =	vunpack.i.u.s16.s32 v12;
	v8 =	vunpack.i.l.s16.s32 v12;
	[tilespmem:s14+$0x20] =	vst v3;
	v3 =	vld [tilespmem:s13+$0x60]  }
0x30: {  	s20 =	sadd.s32 $0x80, s13;
	s18 =	smov.u32 s14;
	s17 =	smov.u32 s14;
	v5 =	vld [tilespmem:s13+$0xFFFFFE00];
	[tilespmem:s14+$0xFFFFFFB0] =	vst v11;
	v10 =	vpack.i.b32.b16 v10, v9;
	v9 =	vunpack.i.u.s16.s32 v13;
	v11 =	vunpack.i.l.s16.s32 v13  }
.LBB1_4:
0x31: {  	v12 =	vld [tilespmem:s20+$0xFFFFFE70];
	[tilespmem:s18+$0x30] =	vst v10;
	v8 =	vpack.i.b32.b16 v11, v8;
	v10 =	vunpack.i.u.s16.s32 v4;
	v4 =	vunpack.i.l.s16.s32 v4  }
0x32: {  	s19 =	sadd.s32 $0x2, s19;
	v7 =	vpack.i.b32.b16 v9, v7;
	v11 =	vld [tilespmem:s20+$0x70];
	[tilespmem:s18+$0xFFFFFFC0] =	vst v8;
	v8 =	vunpack.i.u.s16.s32 v6;
	v6 =	vunpack.i.l.s16.s32 v6  }
0x33: {  	p0 =	slt.u32 s19, $0x6;
	v9 =	vld [tilespmem:s20+$0x0];
	[tilespmem:s18+$0x40] =	vst v7;
	v4 =	vpack.i.b32.b16 v6, v4;
	v6 =	vunpack.i.u.s16.s32 v2;
	v2 =	vunpack.i.l.s16.s32 v2  }
0x34: {  	v7 =	vld [tilespmem:s20+$0xFFFFFE10];
	[tilespmem:s18+$0xFFFFFFD0] =	vst v4;
	v4 =	vpack.i.b32.b16 v8, v10;
	v8 =	vunpack.i.u.s16.s32 v3;
	v3 =	vunpack.i.l.s16.s32 v3  }
0x35: {  	v10 =	vld [tilespmem:s20+$0x10];
	v13 =	vunpack.i.u.s16.s32 v5;
	v5 =	vunpack.i.l.s16.s32 v5;
	[tilespmem:s18+$0x50] =	vst v4;
	v2 =	vpack.i.b32.b16 v3, v2  }
0x36: {  	v3 =	vld [tilespmem:s20+$0xFFFFFE20];
	v4 =	vunpack.i.l.s16.s32 v12;
	v1 =	vpack.i.b32.b16 v1, v5;
	v5 =	vpack.i.b32.b16 v0, v13;
	[tilespmem:s18+$0xFFFFFFE0] =	vst v2  }
0x37: {  	v12 =	vunpack.i.u.s16.s32 v12;
	v2 =	vld [tilespmem:s20+$0x20];
	v13 =	vunpack.i.u.s16.s32 v11;
	v11 =	vunpack.i.l.s16.s32 v11;
	[tilespmem:s18+$0xFFFFFF80] =	vst v1  }
0x38: {  	s18 =	sadd.s32 $0x100, s18;
	v0 =	vunpack.i.u.s16.s32 v9;
	v1 =	vunpack.i.l.s16.s32 v9;
	v9 =	vld [tilespmem:s20+$0xFFFFFE30];
	v12 =	vpack.i.b32.b16 v13, v12;
	[tilespmem:s17+$0x0] =	vst v5  }
0x39: {  	v6 =	vpack.i.b32.b16 v8, v6;
	v5 =	vunpack.i.u.s16.s32 v7;
	v7 =	vunpack.i.l.s16.s32 v7;
	v13 =	vld [tilespmem:s20+$0x30];
	[tilespmem:s18+$0x70] =	vst v12  }
0x3a: {  	v4 =	vpack.i.b32.b16 v11, v4;
	v8 =	vunpack.i.u.s16.s32 v10;
	v10 =	vunpack.i.l.s16.s32 v10;
	v12 =	vld [tilespmem:s20+$0xFFFFFE40];
	[tilespmem:s17+$0x60] =	vst v6;
	s17 =	smov.u32 s18  }
0x3b: {  	v6 =	vpack.i.b32.b16 v10, v7;
	v7 =	vunpack.i.u.s16.s32 v3;
	v3 =	vunpack.i.l.s16.s32 v3;
	v11 =	vld [tilespmem:s20+$0x40];
	[tilespmem:s18+$0xFFFFFFF0] =	vst v4  }
.Ltmp3:
0x3c: {  	v5 =	vpack.i.b32.b16 v8, v5;
	[tilespmem:s18+$0xFFFFFF90] =	vst v6;
	v8 =	vunpack.i.u.s16.s32 v2;
	v2 =	vunpack.i.l.s16.s32 v2;
	v4 =	vld [tilespmem:s20+$0xFFFFFE50];
	(pc) =	sbr.rel @p0 .LBB1_4-.Ltmp3, $4  }
0x3d: {  	[tilespmem:s18+$0x10] =	vst v5;
	v2 =	vpack.i.b32.b16 v2, v3;
	v10 =	vunpack.i.u.s16.s32 v9;
	v3 =	vunpack.i.l.s16.s32 v9;
	v6 =	vld [tilespmem:s20+$0x50]  }
0x3e: {  	v5 =	vpack.i.b32.b16 v8, v7;
	[tilespmem:s18+$0xFFFFFFA0] =	vst v2;
	v9 =	vunpack.i.u.s16.s32 v13;
	v7 =	vunpack.i.l.s16.s32 v13;
	v2 =	vld [tilespmem:s20+$0xFFFFFE60]  }
0x3f: {  	[tilespmem:s18+$0x20] =	vst v5;
	v13 =	vpack.i.b32.b16 v7, v3;
	v7 =	vunpack.i.u.s16.s32 v12;
	v8 =	vunpack.i.l.s16.s32 v12;
	v3 =	vld [tilespmem:s20+$0x60]  }
0x40: {  	v10 =	vpack.i.b32.b16 v9, v10;
	v5 =	vld [tilespmem:s20+$0xFFFFFE00];
	[tilespmem:s18+$0xFFFFFFB0] =	vst v13;
	v9 =	vunpack.i.u.s16.s32 v11;
	v11 =	vunpack.i.l.s16.s32 v11;
	s20 =	sadd.s32 $0x80, s20  }
0x41: {  	[tilespmem:s18+$0x30] =	vst v10;
	v8 =	vpack.i.b32.b16 v11, v8  }
0x42: {  	v51 =	vunpack.i.l.s16.s32 v4;
	v7 =	vpack.i.b32.b16 v9, v7;
	[tilespmem:s18+$0xFFFFFFC0] =	vst v8;
	v52 =	vunpack.i.l.s16.s32 v6  }
0x43: {  	v53 =	vunpack.i.u.s16.s32 v4;
	s16 =	sadd.s32 $0x1, s16;
	v54 =	vunpack.i.u.s16.s32 v6;
	[tilespmem:s18+$0x40] =	vst v7;
	v55 =	vpack.i.b32.b16 v52, v51  }
0x44: {  	p0 =	sne.s32 s16, $0x10;
	v56 =	vunpack.i.l.s16.s32 v2;
	v4 =	vpack.i.b32.b16 v54, v53;
	[tilespmem:s18+$0xFFFFFFD0] =	vst v55;
	v57 =	vunpack.i.l.s16.s32 v3  }
.Ltmp4:
0x45: {  	[tilespmem:s18+$0x50] =	vst v4;
	v58 =	vunpack.i.l.s16.s32 v5;
	v59 =	vpack.i.b32.b16 v57, v56;
	(pc) =	sbr.rel @p0 .LBB1_3-.Ltmp4, $4  }
0x46: {  	v61 =	vunpack.i.u.s16.s32 v2;
	v62 =	vunpack.i.u.s16.s32 v3;
	v1 =	vpack.i.b32.b16 v1, v58;
	[tilespmem:s18+$0xFFFFFFE0] =	vst v59  }
0x47: {  	v60 =	vunpack.i.u.s16.s32 v5;
	v63 =	vpack.i.b32.b16 v62, v61;
	[tilespmem:s18+$0xFFFFFF80] =	vst v1  }
0x48: {  	v0 =	vpack.i.b32.b16 v0, v60;
	[tilespmem:s17+$0x60] =	vst v63  }
0x49: {  	s13 =	sadd.s32 $0x400, s13;
	s14 =	sadd.s32 $0x400, s14;
	[tilespmem:s17+$0x0] =	vst v0  }
.Ltmp5:
0x4a: {  	(pc) =	sbr.rel .LBB1_7-.Ltmp5, $4  }
0x4b: {  	_ = 	snop  }
0x4c: {  	s12 =	sshll.u32 s12, $0x7  }
0x4d: {  	s12 =	sadd.s32 s4, s12  }
0x4e: {  	[hbm4b:s12+s8] =	stream.linear.scatter [tilespmem:s15], [sflag:$0x2], $0x4000, $0x38;
	[tilespmem:$0x10000] =	vst v63  }
.LBB1_8:
0x4f: {  	_ =	sfence.sel $0x180000  }
0x50: {  	s2 =	simm.s32 $0x1;
	[bflag:$0x0] =	sbarrier.arrive $0xFFFF  }
0x51: {  	s31 =	simm.s32 $0x2;
	[sflag:s2] =	ssyncpa.u1 $0x1  }
0x52: {  	[sflag:s31] =	ssyncpa.u1 $0x1  }
0x53: {  	p0 =	sne.s32 s0, $0x0;
	_ =	strace $0x9000004D  }
0x54: {  	s0 =	sadd.s32 @!p0 $0x100000, s1;
	[bflag:$0x2] =	sbarrier.arrive $0xFFFF  }
0x55: {  	[sflag:s0] =	ssyncadd.tile.s32 @!p0 $0x1;
	_ =	shalt  }
.Lfunc_end1:
_tile_overlayer_lowered:
.L_overlay_start_2:
0x56: {  	(tag) =	ssettag $0x2  }
0x57: {  	s0 =	rddreg [dreg:$0x0];
	s2 =	stileid.u32  }
0x58: {  	s1 =	rddreg [dreg:$0x1];
	p0 =	sne.s32 s2, $0x0  }
0x59: {  	s3 =	rddreg [dreg:$0x2];
	[bflag:$0x3] =	sbarrier.arrive $0xFFFF;
	s2 =	simm.s32 @!p0 $0x1C01  }
0x5a: {  	[timem:s3], [sflag:s2] =	dma.local @!p0 [hbm:s0], s1  }
0x5b: {  	s0 =	simm.s32 @!p0 $0x1  }
0x5c: {  	_ =	swait.ge @!p0 [sflag:s0], s1  }
0x5d: {  	s1 =	ssub.s32 @!p0 $0x0, s1;
	[sflag:s0] =	ssyncset.done @!p0 $0x0  }
0x5e: {  	[sflag:s0] =	ssyncadd.s32 @!p0 s1  }
0x5f: {  	[bflag:$0x3] =	sbarrier.arrive $0xFFFF  }
0x60: {  	_ =	shalt  }

</sc_bundles>
